<compile_context>
chip_gen: v7x
topology: tpu7x:2x2x1
jax: 0.10.2.dev20260603
libtpu: 0.0.44.dev20260713+nightly
codegen_flags: <defaults>
</compile_context>

<pallas_src>
import functools
import math

import jax
import jax.numpy as jnp
from jax import lax
from jax.experimental import pallas as pl
from jax.experimental.pallas import tpu as pltpu
from jax.experimental.pallas import tpu_sc as plsc

N = 10000
NPAD = 10112
E = 320000
D = 128
CH = 80
NCHUNK = E // CH
NW = 32
CPT = (NCHUNK + NW - 1) // NW
ROWS_PER_TILE = NPAD // 16
_INV_SQRT_D = 1.0 / math.sqrt(D)


def _edge_body(q_hbm, k_hbm, v_hbm, src_hbm, dst_hbm,
               acc_out, den_out,
               srci, dsti, qd, kk, exb,
               accs, dens,
               sq, sk):
    cid = lax.axis_index("c")
    sid = lax.axis_index("s")
    wid = sid * 2 + cid
    z16 = jnp.zeros((16,), jnp.float32)

    def _z(i, c):
        exb[i] = z16
        for j in range(8):
            qd[i, pl.ds(16 * j, 16)] = z16
        return c
    lax.fori_loop(0, CH, _z, 0)
    r0 = sid * ROWS_PER_TILE
    for i in range(ROWS_PER_TILE // CH):
        pltpu.sync_copy(qd, accs.at[pl.ds(r0 + i * CH, CH)])
        pltpu.sync_copy(exb, dens.at[pl.ds(r0 + i * CH, CH)])
    _tail = ROWS_PER_TILE % CH
    _tb = r0 + (ROWS_PER_TILE // CH) * CH
    if _tail:
        pltpu.sync_copy(qd.at[pl.ds(0, _tail)], accs.at[pl.ds(_tb, _tail)])
        pltpu.sync_copy(exb.at[pl.ds(0, _tail)], dens.at[pl.ds(_tb, _tail)])
    plsc.subcore_barrier()
    for i in range(ROWS_PER_TILE // CH):
        pltpu.sync_copy(qd, acc_out.at[cid, pl.ds(r0 + i * CH, CH)])
        pltpu.sync_copy(exb, den_out.at[cid, pl.ds(r0 + i * CH, CH)])
    if _tail:
        pltpu.sync_copy(qd.at[pl.ds(0, _tail)], acc_out.at[cid, pl.ds(_tb, _tail)])
        pltpu.sync_copy(exb.at[pl.ds(0, _tail)], den_out.at[cid, pl.ds(_tb, _tail)])

    inv = jnp.float32(_INV_SQRT_D)

    def _chunk(it, c):
        chunk = it * NW + wid

        @pl.when(chunk < NCHUNK)
        def _():
            base = chunk * CH
            pltpu.sync_copy(dst_hbm.at[pl.ds(base, CH)], dsti)
            pltpu.sync_copy(src_hbm.at[pl.ds(base, CH)], srci)
            cq = pltpu.async_copy(q_hbm.at[dsti], qd, sq)
            ck = pltpu.async_copy(k_hbm.at[srci], kk, sk)
            cq.wait()
            ck.wait()

            def _edge(e, c2):
                a = qd[e, pl.ds(0, 16)] * kk[e, pl.ds(0, 16)]
                for j in range(1, 8):
                    a = a + qd[e, pl.ds(16 * j, 16)] * kk[e, pl.ds(16 * j, 16)]
                s = jnp.sum(a) * inv
                exb[e] = jnp.exp(jnp.broadcast_to(s, (16,)))
                return c2
            lax.fori_loop(0, CH, _edge, 0)

            cv = pltpu.async_copy(v_hbm.at[srci], qd, sq)
            cv.wait()

            def _scale(e, c2):
                ev = exb[e]
                for j in range(8):
                    sl = pl.ds(16 * j, 16)
                    qd[e, sl] = qd[e, sl] * ev
                return c2
            lax.fori_loop(0, CH, _scale, 0)

            pltpu.sync_copy(qd, accs.at[dsti], add=True)
            pltpu.sync_copy(exb, dens.at[dsti], add=True)
        return c
    lax.fori_loop(0, CPT, _chunk, 0)

    plsc.subcore_barrier()
    pltpu.sync_copy(accs.at[pl.ds(r0, ROWS_PER_TILE)],
                    acc_out.at[cid, pl.ds(r0, ROWS_PER_TILE)])
    pltpu.sync_copy(dens.at[pl.ds(r0, ROWS_PER_TILE)],
                    den_out.at[cid, pl.ds(r0, ROWS_PER_TILE)])


_edge_call = pl.kernel(
    _edge_body,
    out_type=[
        jax.ShapeDtypeStruct((2, NPAD, D), jnp.float32),
        jax.ShapeDtypeStruct((2, NPAD, 16), jnp.float32),
    ],
    mesh=plsc.VectorSubcoreMesh(core_axis_name="c", subcore_axis_name="s"),
    compiler_params=pltpu.CompilerParams(needs_layout_passes=False,
                                         use_tc_tiling_on_sc=False),
    scratch_types=[
        pltpu.VMEM((CH,), jnp.int32),
        pltpu.VMEM((CH,), jnp.int32),
        pltpu.VMEM((CH, D), jnp.float32),
        pltpu.VMEM((CH, D), jnp.float32),
        pltpu.VMEM((CH, 16), jnp.float32),
        pltpu.VMEM_SHARED((NPAD, D), jnp.float32),
        pltpu.VMEM_SHARED((NPAD, 16), jnp.float32),
        pltpu.SemaphoreType.DMA,
        pltpu.SemaphoreType.DMA,
    ],
)


def _mm(a, w):
    return lax.dot_general(a, w, (((1,), (1,)), ((), ())),
                           preferred_element_type=jnp.float32)


def _proj3_body(x_ref, qw, qb, kw, kb, vw, vb, q_o, k_o, v_o):
    xv = x_ref[...]
    q_o[...] = _mm(xv, qw[...]) + qb[...]
    k_o[...] = _mm(xv, kw[...]) + kb[...]
    v_o[...] = _mm(xv, vw[...]) + vb[...]


_proj3 = pl.pallas_call(
    _proj3_body,
    out_shape=[jax.ShapeDtypeStruct((N, D), jnp.float32)] * 3,
)


def _combine(acc_r, den_r, skip):
    acc = acc_r[0, :N, :] + acc_r[1, :N, :]
    den = den_r[0, :N, 0:1] + den_r[1, :N, 0:1]
    return acc / (den + 1e-16) + skip


def _bn_relu(h, g, b):
    r = jnp.maximum(h, 0.0)
    mu = jnp.mean(r, axis=0, keepdims=True)
    var = jnp.mean((r - mu) ** 2, axis=0, keepdims=True)
    return (r - mu) * lax.rsqrt(var + 1e-5) * g + b


def _mid_body(acc_r, den_r, x_ref, sw, sb, g1, b1,
              qw2, qb2, kw2, kb2, vw2, vb2,
              h_o, q_o, k_o, v_o):
    h = _combine(acc_r, den_r, _mm(x_ref[...], sw[...]) + sb[...])
    hn = _bn_relu(h, g1[...], b1[...])
    h_o[...] = hn
    q_o[...] = _mm(hn, qw2[...]) + qb2[...]
    k_o[...] = _mm(hn, kw2[...]) + kb2[...]
    v_o[...] = _mm(hn, vw2[...]) + vb2[...]


_mid = pl.pallas_call(
    _mid_body,
    out_shape=[jax.ShapeDtypeStruct((N, D), jnp.float32)] * 4,
)


def _fin_body(acc_r, den_r, h_ref, sw, sb, g2, b2, batch_ref, pw, pb,
              out_o, h2n_ref, pooled_ref):
    h = _combine(acc_r, den_r, _mm(h_ref[...], sw[...]) + sb[...])
    h2n_ref[...] = _bn_relu(h, g2[...], b2[...])

    def _g(g, c):
        m = jnp.max(jnp.where(batch_ref[...] == g, h2n_ref[...], -jnp.inf),
                    axis=0, keepdims=True)
        pooled_ref[pl.ds(g, 1), :] = m
        return c
    lax.fori_loop(0, 64, _g, 0)
    pooled = pooled_ref[...]
    pooled = jnp.where(jnp.isfinite(pooled), pooled, 0.0)
    out_o[...] = jnp.sum(pooled * pw[...], axis=1, keepdims=True) + pb[...]


_fin = pl.pallas_call(
    _fin_body,
    out_shape=jax.ShapeDtypeStruct((64, 1), jnp.float32),
    scratch_shapes=[
        pltpu.VMEM((N, D), jnp.float32),
        pltpu.VMEM((64, D), jnp.float32),
    ],
)


def kernel(x, edge_index, batch,
           c1_qw, c1_qb, c1_kw, c1_kb, c1_vw, c1_vb, c1_sw, c1_sb,
           c2_qw, c2_qb, c2_kw, c2_kb, c2_vw, c2_vb, c2_sw, c2_sb,
           bn1_g, bn1_b, bn2_g, bn2_b, pw, pb):
    src = edge_index[0]
    dst = edge_index[1]
    b2d = batch.reshape(N, 1)
    row = lambda a: a.reshape(1, -1)

    q1, k1, v1 = _proj3(x, c1_qw, row(c1_qb), c1_kw, row(c1_kb),
                        c1_vw, row(c1_vb))
    acc1, den1 = _edge_call(q1, k1, v1, src, dst)
    h1n, q2, k2, v2 = _mid(acc1, den1, x, c1_sw, row(c1_sb),
                           row(bn1_g), row(bn1_b),
                           c2_qw, row(c2_qb), c2_kw, row(c2_kb),
                           c2_vw, row(c2_vb))
    acc2, den2 = _edge_call(q2, k2, v2, src, dst)
    return _fin(acc2, den2, h1n, c2_sw, row(c2_sb),
                row(bn2_g), row(bn2_b), b2d, pw, row(pb))

# --- scband reference (transcript-rebuilt; emitter-appended) ---
"""Pipeline reference for scband-transformer-linear-regression-model-66907000537716 (READ-ONLY COPY).

The authoritative reference and input builder live on the scoring server;
editing this copy changes nothing except your own understanding.
"""

import jax, jax.numpy as jnp
import numpy as np

N = 10000
E = 320000
D_IN = 128
D_HID = 128
D_EMB = 128
D_OUT = 1
NUM_GRAPHS = 64


def _lin_params(key, out_dim, in_dim):
    k1, k2 = jax.random.split(key)
    bound = 1.0 / np.sqrt(in_dim)
    w = jax.random.uniform(k1, (out_dim, in_dim), minval=-bound, maxval=bound, dtype=jnp.float32)
    b = jax.random.uniform(k2, (out_dim,), minval=-bound, maxval=bound, dtype=jnp.float32)
    return w, b


def setup_inputs(seed: int = 0):
    key = jax.random.key(seed)
    ks = jax.random.split(key, 14)
    x = jax.random.normal(ks[0], (N, D_IN), dtype=jnp.float32)
    edge_index = jax.random.randint(ks[1], (2, E), 0, N, dtype=jnp.int32)
    batch = jnp.sort(jax.random.randint(ks[2], (N,), 0, NUM_GRAPHS, dtype=jnp.int32))
    c1_qw, c1_qb = _lin_params(ks[3], D_HID, D_IN)
    c1_kw, c1_kb = _lin_params(ks[4], D_HID, D_IN)
    c1_vw, c1_vb = _lin_params(ks[5], D_HID, D_IN)
    c1_sw, c1_sb = _lin_params(ks[6], D_HID, D_IN)
    c2_qw, c2_qb = _lin_params(ks[7], D_EMB, D_HID)
    c2_kw, c2_kb = _lin_params(ks[8], D_EMB, D_HID)
    c2_vw, c2_vb = _lin_params(ks[9], D_EMB, D_HID)
    c2_sw, c2_sb = _lin_params(ks[10], D_EMB, D_HID)
    bn1_g = jnp.ones((D_HID,), dtype=jnp.float32)
    bn1_b = jnp.zeros((D_HID,), dtype=jnp.float32)
    bn2_g = jnp.ones((D_EMB,), dtype=jnp.float32)
    bn2_b = jnp.zeros((D_EMB,), dtype=jnp.float32)
    pw, pb = _lin_params(ks[11], D_OUT, D_EMB)
    return {"x": x, "edge_index": edge_index, "batch": batch,
            "c1_qw": c1_qw, "c1_qb": c1_qb, "c1_kw": c1_kw, "c1_kb": c1_kb,
            "c1_vw": c1_vw, "c1_vb": c1_vb, "c1_sw": c1_sw, "c1_sb": c1_sb,
            "c2_qw": c2_qw, "c2_qb": c2_qb, "c2_kw": c2_kw, "c2_kb": c2_kb,
            "c2_vw": c2_vw, "c2_vb": c2_vb, "c2_sw": c2_sw, "c2_sb": c2_sb,
            "bn1_g": bn1_g, "bn1_b": bn1_b, "bn2_g": bn2_g, "bn2_b": bn2_b,
            "pw": pw, "pb": pb}


def _tconv(x, edge_index, qw, qb, kw, kb, vw, vb, sw, sb):
    # PyG TransformerConv, heads=1, concat=True, beta=False, root_weight=True
    src = edge_index[0]
    dst = edge_index[1]
    q = x @ qw.T + qb
    k = x @ kw.T + kb
    v = x @ vw.T + vb
    C = q.shape[-1]
    n = x.shape[0]
    alpha = jnp.sum(q[dst] * k[src], axis=-1) / np.sqrt(C).astype(np.float32)
    amax = jax.ops.segment_max(alpha, dst, num_segments=n)
    amax = jnp.where(jnp.isfinite(amax), amax, 0.0)
    ex = jnp.exp(alpha - amax[dst])
    denom = jax.ops.segment_sum(ex, dst, num_segments=n)
    att = ex / (denom[dst] + 1e-16)
    out = jax.ops.segment_sum(v[src] * att[:, None], dst, num_segments=n)
    return out + (x @ sw.T + sb)


def _bn(x, g, b):
    # BatchNorm1d in training mode (batch statistics)
    mu = jnp.mean(x, axis=0)
    var = jnp.var(x, axis=0)
    return (x - mu) / jnp.sqrt(var + 1e-5) * g + b


def reference(x, edge_index, batch,
              c1_qw, c1_qb, c1_kw, c1_kb, c1_vw, c1_vb, c1_sw, c1_sb,
              c2_qw, c2_qb, c2_kw, c2_kb, c2_vw, c2_vb, c2_sw, c2_sb,
              bn1_g, bn1_b, bn2_g, bn2_b, pw, pb):
    h = _tconv(x, edge_index, c1_qw, c1_qb, c1_kw, c1_kb, c1_vw, c1_vb, c1_sw, c1_sb)
    h = _bn(jax.nn.relu(h), bn1_g, bn1_b)
    h = _tconv(h, edge_index, c2_qw, c2_qb, c2_kw, c2_kb, c2_vw, c2_vb, c2_sw, c2_sb)
    h = _bn(jax.nn.relu(h), bn2_g, bn2_b)
    pooled = jax.ops.segment_max(h, batch, num_segments=NUM_GRAPHS)
    pooled = jnp.where(jnp.isfinite(pooled), pooled, 0.0)
    return pooled @ pw.T + pb

if __name__ == "__main__":
    import jax
    _d = setup_inputs()
    print(jax.jit(kernel)(*tuple(_d.values())))

</pallas_src>

<mosaic_0001>
#map = affine_map<(d0, d1) -> (0, 0)>
#map1 = affine_map<(d0, d1) -> (0)>
#map2 = affine_map<(d0, d1) -> (0, 0, 0)>
module attributes {stable_mosaic.version = 14 : i64} {
  func.func @_edge_body(%arg0: i32, %arg1: i32, %arg2: memref<10000x128xf32, #tpu.memory_space<hbm>>, %arg3: memref<10000x128xf32, #tpu.memory_space<hbm>>, %arg4: memref<10000x128xf32, #tpu.memory_space<hbm>>, %arg5: memref<320000xi32, #tpu.memory_space<hbm>>, %arg6: memref<320000xi32, #tpu.memory_space<hbm>>, %arg7: memref<2x10112x128xf32, #tpu.memory_space<hbm>>, %arg8: memref<2x10112x16xf32, #tpu.memory_space<hbm>>, %arg9: memref<80xi32, #tpu.memory_space<vmem>>, %arg10: memref<80xi32, #tpu.memory_space<vmem>>, %arg11: memref<80x128xf32, #tpu.memory_space<vmem>>, %arg12: memref<80x128xf32, #tpu.memory_space<vmem>>, %arg13: memref<80x16xf32, #tpu.memory_space<vmem>>, %arg14: memref<10112x128xf32, #tpu.memory_space<vmem_shared>>, %arg15: memref<10112x16xf32, #tpu.memory_space<vmem_shared>>, %arg16: memref<!tpu.dma_semaphore, #tpu.memory_space<semaphore_mem>>, %arg17: memref<!tpu.dma_semaphore, #tpu.memory_space<semaphore_mem>>) attributes {dimension_semantics = [#tpu.dimension_semantics<core_parallel>, #tpu.dimension_semantics<subcore_parallel>], iteration_bounds = array<i64: 2, 16>, scalar_prefetch = 0 : i64, scratch_operands = 9 : i64, tpu.core_type = #tpu.core_type<sc_vector_subcore>, window_params = [{transform_indices = #map}, {transform_indices = #map}, {transform_indices = #map}, {transform_indices = #map1}, {transform_indices = #map1}, {transform_indices = #map2}, {transform_indices = #map2}]} {
    %mul3A = arith.constant 2 : i32
    %mul3A_0 = arith.muli %arg1, %mul3A : i32
    %add3A = arith.addi %mul3A_0, %arg0 : i32
    %broadcast_in_dim3A = arith.constant 0.000000e+00 : f32
    %broadcast_in_dim3A_1 = vector.broadcast %broadcast_in_dim3A : f32 to vector<16xf32>
    %scan3A = arith.constant 0 : i32
    %scan3A_2 = arith.constant 0 : i32
    %scan3A_3 = arith.constant 80 : i32
    %scan3A_4 = arith.addi %scan3A_2, %scan3A_3 : i32
    %scan3A_5 = arith.constant 1 : i32
    scf.for %scan3A_75 = %scan3A_2 to %scan3A_4 step %scan3A_5  : i32 {
      %swap3A = arith.index_cast %scan3A_75 : i32 to index
      %swap3A_76 = arith.constant 0 : index
      %swap3A_77 = tpu.vector_load %arg13[%swap3A, %swap3A_76] {strides = array<i32>} : memref<80x16xf32, #tpu.memory_space<vmem>>, vector<16xf32>,
      tpu.vector_store %arg13[%swap3A, %swap3A_76], %broadcast_in_dim3A_1 {strides = array<i32>} : memref<80x16xf32, #tpu.memory_space<vmem>>, vector<16xf32>,
      %swap3A_78 = arith.index_cast %scan3A_75 : i32 to index
      %swap3A_79 = arith.constant 0 : index
      %swap3A_80 = tpu.vector_load %arg11[%swap3A_78, %swap3A_79] {strides = array<i32>} : memref<80x128xf32, #tpu.memory_space<vmem>>, vector<16xf32>,
      tpu.vector_store %arg11[%swap3A_78, %swap3A_79], %broadcast_in_dim3A_1 {strides = array<i32>} : memref<80x128xf32, #tpu.memory_space<vmem>>, vector<16xf32>,
      %swap3A_81 = arith.index_cast %scan3A_75 : i32 to index
      %swap3A_82 = arith.constant 16 : index
      %swap3A_83 = tpu.vector_load %arg11[%swap3A_81, %swap3A_82] {strides = array<i32>} : memref<80x128xf32, #tpu.memory_space<vmem>>, vector<16xf32>,
      tpu.vector_store %arg11[%swap3A_81, %swap3A_82], %broadcast_in_dim3A_1 {strides = array<i32>} : memref<80x128xf32, #tpu.memory_space<vmem>>, vector<16xf32>,
      %swap3A_84 = arith.index_cast %scan3A_75 : i32 to index
      %swap3A_85 = arith.constant 32 : index
      %swap3A_86 = tpu.vector_load %arg11[%swap3A_84, %swap3A_85] {strides = array<i32>} : memref<80x128xf32, #tpu.memory_space<vmem>>, vector<16xf32>,
      tpu.vector_store %arg11[%swap3A_84, %swap3A_85], %broadcast_in_dim3A_1 {strides = array<i32>} : memref<80x128xf32, #tpu.memory_space<vmem>>, vector<16xf32>,
      %swap3A_87 = arith.index_cast %scan3A_75 : i32 to index
      %swap3A_88 = arith.constant 48 : index
      %swap3A_89 = tpu.vector_load %arg11[%swap3A_87, %swap3A_88] {strides = array<i32>} : memref<80x128xf32, #tpu.memory_space<vmem>>, vector<16xf32>,
      tpu.vector_store %arg11[%swap3A_87, %swap3A_88], %broadcast_in_dim3A_1 {strides = array<i32>} : memref<80x128xf32, #tpu.memory_space<vmem>>, vector<16xf32>,
      %swap3A_90 = arith.index_cast %scan3A_75 : i32 to index
      %swap3A_91 = arith.constant 64 : index
      %swap3A_92 = tpu.vector_load %arg11[%swap3A_90, %swap3A_91] {strides = array<i32>} : memref<80x128xf32, #tpu.memory_space<vmem>>, vector<16xf32>,
      tpu.vector_store %arg11[%swap3A_90, %swap3A_91], %broadcast_in_dim3A_1 {strides = array<i32>} : memref<80x128xf32, #tpu.memory_space<vmem>>, vector<16xf32>,
      %swap3A_93 = arith.index_cast %scan3A_75 : i32 to index
      %swap3A_94 = arith.constant 80 : index
      %swap3A_95 = tpu.vector_load %arg11[%swap3A_93, %swap3A_94] {strides = array<i32>} : memref<80x128xf32, #tpu.memory_space<vmem>>, vector<16xf32>,
      tpu.vector_store %arg11[%swap3A_93, %swap3A_94], %broadcast_in_dim3A_1 {strides = array<i32>} : memref<80x128xf32, #tpu.memory_space<vmem>>, vector<16xf32>,
      %swap3A_96 = arith.index_cast %scan3A_75 : i32 to index
      %swap3A_97 = arith.constant 96 : index
      %swap3A_98 = tpu.vector_load %arg11[%swap3A_96, %swap3A_97] {strides = array<i32>} : memref<80x128xf32, #tpu.memory_space<vmem>>, vector<16xf32>,
      tpu.vector_store %arg11[%swap3A_96, %swap3A_97], %broadcast_in_dim3A_1 {strides = array<i32>} : memref<80x128xf32, #tpu.memory_space<vmem>>, vector<16xf32>,
      %swap3A_99 = arith.index_cast %scan3A_75 : i32 to index
      %swap3A_100 = arith.constant 112 : index
      %swap3A_101 = tpu.vector_load %arg11[%swap3A_99, %swap3A_100] {strides = array<i32>} : memref<80x128xf32, #tpu.memory_space<vmem>>, vector<16xf32>,
      tpu.vector_store %arg11[%swap3A_99, %swap3A_100], %broadcast_in_dim3A_1 {strides = array<i32>} : memref<80x128xf32, #tpu.memory_space<vmem>>, vector<16xf32>,
    }
    %scan3A_6 = arith.constant 80 : i32
    %mul3A_7 = arith.constant 632 : i32
    %mul3A_8 = arith.muli %arg1, %mul3A_7 : i32
    %add3A_9 = arith.constant 0 : i32
    %add3A_10 = arith.addi %mul3A_8, %add3A_9 : i32
    "tpu.region"() ({
      %run_scoped3A = tpu.sem_alloc : memref<!tpu.dma_semaphore, #tpu.memory_space<semaphore_mem>>
      %dma_start3A = arith.constant 0 : i32
      %dma_start3A_75 = tpu.memref_slice %arg14[%add3A_10, %dma_start3A] : memref<10112x128xf32, #tpu.memory_space<vmem_shared>> -> memref<80x128xf32, #tpu.memory_space<vmem_shared>>
      %dma_start3A_76 = arith.constant 0 : i32
      %dma_start3A_77 = tpu.memref_slice %arg14[%add3A_10, %dma_start3A_76] : memref<10112x128xf32, #tpu.memory_space<vmem_shared>> -> memref<80x128xf32, #tpu.memory_space<vmem_shared>>
      tpu.enqueue_dma source(%arg11 : memref<80x128xf32, #tpu.memory_space<vmem>>) target(%dma_start3A_77 : memref<80x128xf32, #tpu.memory_space<vmem_shared>>) target_semaphore(%run_scoped3A : memref<!tpu.dma_semaphore, #tpu.memory_space<semaphore_mem>>)
      %dma_wait3A = arith.constant 0 : i32
      %dma_wait3A_78 = tpu.memref_slice %arg14[%add3A_10, %dma_wait3A] : memref<10112x128xf32, #tpu.memory_space<vmem_shared>> -> memref<80x128xf32, #tpu.memory_space<vmem_shared>>
      %dma_wait3A_79 = arith.constant 0 : i32
      %dma_wait3A_80 = tpu.memref_slice %arg14[%add3A_10, %dma_wait3A_79] : memref<10112x128xf32, #tpu.memory_space<vmem_shared>> -> memref<80x128xf32, #tpu.memory_space<vmem_shared>>
      tpu.wait_dma2 semaphore(%run_scoped3A : memref<!tpu.dma_semaphore, #tpu.memory_space<semaphore_mem>>) src(%arg11 : memref<80x128xf32, #tpu.memory_space<vmem>>) dst(%dma_wait3A_80 : memref<80x128xf32, #tpu.memory_space<vmem_shared>>)
      tpu.yield
    }) : () -> ()
    %add3A_11 = arith.constant 0 : i32
    %add3A_12 = arith.addi %mul3A_8, %add3A_11 : i32
    "tpu.region"() ({
      %run_scoped3A = tpu.sem_alloc : memref<!tpu.dma_semaphore, #tpu.memory_space<semaphore_mem>>
      %dma_start3A = arith.constant 0 : i32
      %dma_start3A_75 = tpu.memref_slice %arg15[%add3A_12, %dma_start3A] : memref<10112x16xf32, #tpu.memory_space<vmem_shared>> -> memref<80x16xf32, #tpu.memory_space<vmem_shared>>
      %dma_start3A_76 = arith.constant 0 : i32
      %dma_start3A_77 = tpu.memref_slice %arg15[%add3A_12, %dma_start3A_76] : memref<10112x16xf32, #tpu.memory_space<vmem_shared>> -> memref<80x16xf32, #tpu.memory_space<vmem_shared>>
      tpu.enqueue_dma source(%arg13 : memref<80x16xf32, #tpu.memory_space<vmem>>) target(%dma_start3A_77 : memref<80x16xf32, #tpu.memory_space<vmem_shared>>) target_semaphore(%run_scoped3A : memref<!tpu.dma_semaphore, #tpu.memory_space<semaphore_mem>>)
      %dma_wait3A = arith.constant 0 : i32
      %dma_wait3A_78 = tpu.memref_slice %arg15[%add3A_12, %dma_wait3A] : memref<10112x16xf32, #tpu.memory_space<vmem_shared>> -> memref<80x16xf32, #tpu.memory_space<vmem_shared>>
      %dma_wait3A_79 = arith.constant 0 : i32
      %dma_wait3A_80 = tpu.memref_slice %arg15[%add3A_12, %dma_wait3A_79] : memref<10112x16xf32, #tpu.memory_space<vmem_shared>> -> memref<80x16xf32, #tpu.memory_space<vmem_shared>>
      tpu.wait_dma2 semaphore(%run_scoped3A : memref<!tpu.dma_semaphore, #tpu.memory_space<semaphore_mem>>) src(%arg13 : memref<80x16xf32, #tpu.memory_space<vmem>>) dst(%dma_wait3A_80 : memref<80x16xf32, #tpu.memory_space<vmem_shared>>)
      tpu.yield
    }) : () -> ()
    %add3A_13 = arith.constant 80 : i32
    %add3A_14 = arith.addi %mul3A_8, %add3A_13 : i32
    "tpu.region"() ({
      %run_scoped3A = tpu.sem_alloc : memref<!tpu.dma_semaphore, #tpu.memory_space<semaphore_mem>>
      %dma_start3A = arith.constant 0 : i32
      %dma_start3A_75 = tpu.memref_slice %arg14[%add3A_14, %dma_start3A] : memref<10112x128xf32, #tpu.memory_space<vmem_shared>> -> memref<80x128xf32, #tpu.memory_space<vmem_shared>>
      %dma_start3A_76 = arith.constant 0 : i32
      %dma_start3A_77 = tpu.memref_slice %arg14[%add3A_14, %dma_start3A_76] : memref<10112x128xf32, #tpu.memory_space<vmem_shared>> -> memref<80x128xf32, #tpu.memory_space<vmem_shared>>
      tpu.enqueue_dma source(%arg11 : memref<80x128xf32, #tpu.memory_space<vmem>>) target(%dma_start3A_77 : memref<80x128xf32, #tpu.memory_space<vmem_shared>>) target_semaphore(%run_scoped3A : memref<!tpu.dma_semaphore, #tpu.memory_space<semaphore_mem>>)
      %dma_wait3A = arith.constant 0 : i32
      %dma_wait3A_78 = tpu.memref_slice %arg14[%add3A_14, %dma_wait3A] : memref<10112x128xf32, #tpu.memory_space<vmem_shared>> -> memref<80x128xf32, #tpu.memory_space<vmem_shared>>
      %dma_wait3A_79 = arith.constant 0 : i32
      %dma_wait3A_80 = tpu.memref_slice %arg14[%add3A_14, %dma_wait3A_79] : memref<10112x128xf32, #tpu.memory_space<vmem_shared>> -> memref<80x128xf32, #tpu.memory_space<vmem_shared>>
      tpu.wait_dma2 semaphore(%run_scoped3A : memref<!tpu.dma_semaphore, #tpu.memory_space<semaphore_mem>>) src(%arg11 : memref<80x128xf32, #tpu.memory_space<vmem>>) dst(%dma_wait3A_80 : memref<80x128xf32, #tpu.memory_space<vmem_shared>>)
      tpu.yield
    }) : () -> ()
    %add3A_15 = arith.constant 80 : i32
    %add3A_16 = arith.addi %mul3A_8, %add3A_15 : i32
    "tpu.region"() ({
      %run_scoped3A = tpu.sem_alloc : memref<!tpu.dma_semaphore, #tpu.memory_space<semaphore_mem>>
      %dma_start3A = arith.constant 0 : i32
      %dma_start3A_75 = tpu.memref_slice %arg15[%add3A_16, %dma_start3A] : memref<10112x16xf32, #tpu.memory_space<vmem_shared>> -> memref<80x16xf32, #tpu.memory_space<vmem_shared>>
      %dma_start3A_76 = arith.constant 0 : i32
      %dma_start3A_77 = tpu.memref_slice %arg15[%add3A_16, %dma_start3A_76] : memref<10112x16xf32, #tpu.memory_space<vmem_shared>> -> memref<80x16xf32, #tpu.memory_space<vmem_shared>>
      tpu.enqueue_dma source(%arg13 : memref<80x16xf32, #tpu.memory_space<vmem>>) target(%dma_start3A_77 : memref<80x16xf32, #tpu.memory_space<vmem_shared>>) target_semaphore(%run_scoped3A : memref<!tpu.dma_semaphore, #tpu.memory_space<semaphore_mem>>)
      %dma_wait3A = arith.constant 0 : i32
      %dma_wait3A_78 = tpu.memref_slice %arg15[%add3A_16, %dma_wait3A] : memref<10112x16xf32, #tpu.memory_space<vmem_shared>> -> memref<80x16xf32, #tpu.memory_space<vmem_shared>>
      %dma_wait3A_79 = arith.constant 0 : i32
      %dma_wait3A_80 = tpu.memref_slice %arg15[%add3A_16, %dma_wait3A_79] : memref<10112x16xf32, #tpu.memory_space<vmem_shared>> -> memref<80x16xf32, #tpu.memory_space<vmem_shared>>
      tpu.wait_dma2 semaphore(%run_scoped3A : memref<!tpu.dma_semaphore, #tpu.memory_space<semaphore_mem>>) src(%arg13 : memref<80x16xf32, #tpu.memory_space<vmem>>) dst(%dma_wait3A_80 : memref<80x16xf32, #tpu.memory_space<vmem_shared>>)
      tpu.yield
    }) : () -> ()
    %add3A_17 = arith.constant 160 : i32
    %add3A_18 = arith.addi %mul3A_8, %add3A_17 : i32
    "tpu.region"() ({
      %run_scoped3A = tpu.sem_alloc : memref<!tpu.dma_semaphore, #tpu.memory_space<semaphore_mem>>
      %dma_start3A = arith.constant 0 : i32
      %dma_start3A_75 = tpu.memref_slice %arg14[%add3A_18, %dma_start3A] : memref<10112x128xf32, #tpu.memory_space<vmem_shared>> -> memref<80x128xf32, #tpu.memory_space<vmem_shared>>
      %dma_start3A_76 = arith.constant 0 : i32
      %dma_start3A_77 = tpu.memref_slice %arg14[%add3A_18, %dma_start3A_76] : memref<10112x128xf32, #tpu.memory_space<vmem_shared>> -> memref<80x128xf32, #tpu.memory_space<vmem_shared>>
      tpu.enqueue_dma source(%arg11 : memref<80x128xf32, #tpu.memory_space<vmem>>) target(%dma_start3A_77 : memref<80x128xf32, #tpu.memory_space<vmem_shared>>) target_semaphore(%run_scoped3A : memref<!tpu.dma_semaphore, #tpu.memory_space<semaphore_mem>>)
      %dma_wait3A = arith.constant 0 : i32
      %dma_wait3A_78 = tpu.memref_slice %arg14[%add3A_18, %dma_wait3A] : memref<10112x128xf32, #tpu.memory_space<vmem_shared>> -> memref<80x128xf32, #tpu.memory_space<vmem_shared>>
      %dma_wait3A_79 = arith.constant 0 : i32
      %dma_wait3A_80 = tpu.memref_slice %arg14[%add3A_18, %dma_wait3A_79] : memref<10112x128xf32, #tpu.memory_space<vmem_shared>> -> memref<80x128xf32, #tpu.memory_space<vmem_shared>>
      tpu.wait_dma2 semaphore(%run_scoped3A : memref<!tpu.dma_semaphore, #tpu.memory_space<semaphore_mem>>) src(%arg11 : memref<80x128xf32, #tpu.memory_space<vmem>>) dst(%dma_wait3A_80 : memref<80x128xf32, #tpu.memory_space<vmem_shared>>)
      tpu.yield
    }) : () -> ()
    %add3A_19 = arith.constant 160 : i32
    %add3A_20 = arith.addi %mul3A_8, %add3A_19 : i32
    "tpu.region"() ({
      %run_scoped3A = tpu.sem_alloc : memref<!tpu.dma_semaphore, #tpu.memory_space<semaphore_mem>>
      %dma_start3A = arith.constant 0 : i32
      %dma_start3A_75 = tpu.memref_slice %arg15[%add3A_20, %dma_start3A] : memref<10112x16xf32, #tpu.memory_space<vmem_shared>> -> memref<80x16xf32, #tpu.memory_space<vmem_shared>>
      %dma_start3A_76 = arith.constant 0 : i32
      %dma_start3A_77 = tpu.memref_slice %arg15[%add3A_20, %dma_start3A_76] : memref<10112x16xf32, #tpu.memory_space<vmem_shared>> -> memref<80x16xf32, #tpu.memory_space<vmem_shared>>
      tpu.enqueue_dma source(%arg13 : memref<80x16xf32, #tpu.memory_space<vmem>>) target(%dma_start3A_77 : memref<80x16xf32, #tpu.memory_space<vmem_shared>>) target_semaphore(%run_scoped3A : memref<!tpu.dma_semaphore, #tpu.memory_space<semaphore_mem>>)
      %dma_wait3A = arith.constant 0 : i32
      %dma_wait3A_78 = tpu.memref_slice %arg15[%add3A_20, %dma_wait3A] : memref<10112x16xf32, #tpu.memory_space<vmem_shared>> -> memref<80x16xf32, #tpu.memory_space<vmem_shared>>
      %dma_wait3A_79 = arith.constant 0 : i32
      %dma_wait3A_80 = tpu.memref_slice %arg15[%add3A_20, %dma_wait3A_79] : memref<10112x16xf32, #tpu.memory_space<vmem_shared>> -> memref<80x16xf32, #tpu.memory_space<vmem_shared>>
      tpu.wait_dma2 semaphore(%run_scoped3A : memref<!tpu.dma_semaphore, #tpu.memory_space<semaphore_mem>>) src(%arg13 : memref<80x16xf32, #tpu.memory_space<vmem>>) dst(%dma_wait3A_80 : memref<80x16xf32, #tpu.memory_space<vmem_shared>>)
      tpu.yield
    }) : () -> ()
    %add3A_21 = arith.constant 240 : i32
    %add3A_22 = arith.addi %mul3A_8, %add3A_21 : i32
    "tpu.region"() ({
      %run_scoped3A = tpu.sem_alloc : memref<!tpu.dma_semaphore, #tpu.memory_space<semaphore_mem>>
      %dma_start3A = arith.constant 0 : i32
      %dma_start3A_75 = tpu.memref_slice %arg14[%add3A_22, %dma_start3A] : memref<10112x128xf32, #tpu.memory_space<vmem_shared>> -> memref<80x128xf32, #tpu.memory_space<vmem_shared>>
      %dma_start3A_76 = arith.constant 0 : i32
      %dma_start3A_77 = tpu.memref_slice %arg14[%add3A_22, %dma_start3A_76] : memref<10112x128xf32, #tpu.memory_space<vmem_shared>> -> memref<80x128xf32, #tpu.memory_space<vmem_shared>>
      tpu.enqueue_dma source(%arg11 : memref<80x128xf32, #tpu.memory_space<vmem>>) target(%dma_start3A_77 : memref<80x128xf32, #tpu.memory_space<vmem_shared>>) target_semaphore(%run_scoped3A : memref<!tpu.dma_semaphore, #tpu.memory_space<semaphore_mem>>)
      %dma_wait3A = arith.constant 0 : i32
      %dma_wait3A_78 = tpu.memref_slice %arg14[%add3A_22, %dma_wait3A] : memref<10112x128xf32, #tpu.memory_space<vmem_shared>> -> memref<80x128xf32, #tpu.memory_space<vmem_shared>>
      %dma_wait3A_79 = arith.constant 0 : i32
      %dma_wait3A_80 = tpu.memref_slice %arg14[%add3A_22, %dma_wait3A_79] : memref<10112x128xf32, #tpu.memory_space<vmem_shared>> -> memref<80x128xf32, #tpu.memory_space<vmem_shared>>
      tpu.wait_dma2 semaphore(%run_scoped3A : memref<!tpu.dma_semaphore, #tpu.memory_space<semaphore_mem>>) src(%arg11 : memref<80x128xf32, #tpu.memory_space<vmem>>) dst(%dma_wait3A_80 : memref<80x128xf32, #tpu.memory_space<vmem_shared>>)
      tpu.yield
    }) : () -> ()
    %add3A_23 = arith.constant 240 : i32
    %add3A_24 = arith.addi %mul3A_8, %add3A_23 : i32
    "tpu.region"() ({
      %run_scoped3A = tpu.sem_alloc : memref<!tpu.dma_semaphore, #tpu.memory_space<semaphore_mem>>
      %dma_start3A = arith.constant 0 : i32
      %dma_start3A_75 = tpu.memref_slice %arg15[%add3A_24, %dma_start3A] : memref<10112x16xf32, #tpu.memory_space<vmem_shared>> -> memref<80x16xf32, #tpu.memory_space<vmem_shared>>
      %dma_start3A_76 = arith.constant 0 : i32
      %dma_start3A_77 = tpu.memref_slice %arg15[%add3A_24, %dma_start3A_76] : memref<10112x16xf32, #tpu.memory_space<vmem_shared>> -> memref<80x16xf32, #tpu.memory_space<vmem_shared>>
      tpu.enqueue_dma source(%arg13 : memref<80x16xf32, #tpu.memory_space<vmem>>) target(%dma_start3A_77 : memref<80x16xf32, #tpu.memory_space<vmem_shared>>) target_semaphore(%run_scoped3A : memref<!tpu.dma_semaphore, #tpu.memory_space<semaphore_mem>>)
      %dma_wait3A = arith.constant 0 : i32
      %dma_wait3A_78 = tpu.memref_slice %arg15[%add3A_24, %dma_wait3A] : memref<10112x16xf32, #tpu.memory_space<vmem_shared>> -> memref<80x16xf32, #tpu.memory_space<vmem_shared>>
      %dma_wait3A_79 = arith.constant 0 : i32
      %dma_wait3A_80 = tpu.memref_slice %arg15[%add3A_24, %dma_wait3A_79] : memref<10112x16xf32, #tpu.memory_space<vmem_shared>> -> memref<80x16xf32, #tpu.memory_space<vmem_shared>>
      tpu.wait_dma2 semaphore(%run_scoped3A : memref<!tpu.dma_semaphore, #tpu.memory_space<semaphore_mem>>) src(%arg13 : memref<80x16xf32, #tpu.memory_space<vmem>>) dst(%dma_wait3A_80 : memref<80x16xf32, #tpu.memory_space<vmem_shared>>)
      tpu.yield
    }) : () -> ()
    %add3A_25 = arith.constant 320 : i32
    %add3A_26 = arith.addi %mul3A_8, %add3A_25 : i32
    "tpu.region"() ({
      %run_scoped3A = tpu.sem_alloc : memref<!tpu.dma_semaphore, #tpu.memory_space<semaphore_mem>>
      %dma_start3A = arith.constant 0 : i32
      %dma_start3A_75 = tpu.memref_slice %arg14[%add3A_26, %dma_start3A] : memref<10112x128xf32, #tpu.memory_space<vmem_shared>> -> memref<80x128xf32, #tpu.memory_space<vmem_shared>>
      %dma_start3A_76 = arith.constant 0 : i32
      %dma_start3A_77 = tpu.memref_slice %arg14[%add3A_26, %dma_start3A_76] : memref<10112x128xf32, #tpu.memory_space<vmem_shared>> -> memref<80x128xf32, #tpu.memory_space<vmem_shared>>
      tpu.enqueue_dma source(%arg11 : memref<80x128xf32, #tpu.memory_space<vmem>>) target(%dma_start3A_77 : memref<80x128xf32, #tpu.memory_space<vmem_shared>>) target_semaphore(%run_scoped3A : memref<!tpu.dma_semaphore, #tpu.memory_space<semaphore_mem>>)
      %dma_wait3A = arith.constant 0 : i32
      %dma_wait3A_78 = tpu.memref_slice %arg14[%add3A_26, %dma_wait3A] : memref<10112x128xf32, #tpu.memory_space<vmem_shared>> -> memref<80x128xf32, #tpu.memory_space<vmem_shared>>
      %dma_wait3A_79 = arith.constant 0 : i32
      %dma_wait3A_80 = tpu.memref_slice %arg14[%add3A_26, %dma_wait3A_79] : memref<10112x128xf32, #tpu.memory_space<vmem_shared>> -> memref<80x128xf32, #tpu.memory_space<vmem_shared>>
      tpu.wait_dma2 semaphore(%run_scoped3A : memref<!tpu.dma_semaphore, #tpu.memory_space<semaphore_mem>>) src(%arg11 : memref<80x128xf32, #tpu.memory_space<vmem>>) dst(%dma_wait3A_80 : memref<80x128xf32, #tpu.memory_space<vmem_shared>>)
      tpu.yield
    }) : () -> ()
    %add3A_27 = arith.constant 320 : i32
    %add3A_28 = arith.addi %mul3A_8, %add3A_27 : i32
    "tpu.region"() ({
      %run_scoped3A = tpu.sem_alloc : memref<!tpu.dma_semaphore, #tpu.memory_space<semaphore_mem>>
      %dma_start3A = arith.constant 0 : i32
      %dma_start3A_75 = tpu.memref_slice %arg15[%add3A_28, %dma_start3A] : memref<10112x16xf32, #tpu.memory_space<vmem_shared>> -> memref<80x16xf32, #tpu.memory_space<vmem_shared>>
      %dma_start3A_76 = arith.constant 0 : i32
      %dma_start3A_77 = tpu.memref_slice %arg15[%add3A_28, %dma_start3A_76] : memref<10112x16xf32, #tpu.memory_space<vmem_shared>> -> memref<80x16xf32, #tpu.memory_space<vmem_shared>>
      tpu.enqueue_dma source(%arg13 : memref<80x16xf32, #tpu.memory_space<vmem>>) target(%dma_start3A_77 : memref<80x16xf32, #tpu.memory_space<vmem_shared>>) target_semaphore(%run_scoped3A : memref<!tpu.dma_semaphore, #tpu.memory_space<semaphore_mem>>)
      %dma_wait3A = arith.constant 0 : i32
      %dma_wait3A_78 = tpu.memref_slice %arg15[%add3A_28, %dma_wait3A] : memref<10112x16xf32, #tpu.memory_space<vmem_shared>> -> memref<80x16xf32, #tpu.memory_space<vmem_shared>>
      %dma_wait3A_79 = arith.constant 0 : i32
      %dma_wait3A_80 = tpu.memref_slice %arg15[%add3A_28, %dma_wait3A_79] : memref<10112x16xf32, #tpu.memory_space<vmem_shared>> -> memref<80x16xf32, #tpu.memory_space<vmem_shared>>
      tpu.wait_dma2 semaphore(%run_scoped3A : memref<!tpu.dma_semaphore, #tpu.memory_space<semaphore_mem>>) src(%arg13 : memref<80x16xf32, #tpu.memory_space<vmem>>) dst(%dma_wait3A_80 : memref<80x16xf32, #tpu.memory_space<vmem_shared>>)
      tpu.yield
    }) : () -> ()
    %add3A_29 = arith.constant 400 : i32
    %add3A_30 = arith.addi %mul3A_8, %add3A_29 : i32
    "tpu.region"() ({
      %run_scoped3A = tpu.sem_alloc : memref<!tpu.dma_semaphore, #tpu.memory_space<semaphore_mem>>
      %dma_start3A = arith.constant 0 : i32
      %dma_start3A_75 = tpu.memref_slice %arg14[%add3A_30, %dma_start3A] : memref<10112x128xf32, #tpu.memory_space<vmem_shared>> -> memref<80x128xf32, #tpu.memory_space<vmem_shared>>
      %dma_start3A_76 = arith.constant 0 : i32
      %dma_start3A_77 = tpu.memref_slice %arg14[%add3A_30, %dma_start3A_76] : memref<10112x128xf32, #tpu.memory_space<vmem_shared>> -> memref<80x128xf32, #tpu.memory_space<vmem_shared>>
      tpu.enqueue_dma source(%arg11 : memref<80x128xf32, #tpu.memory_space<vmem>>) target(%dma_start3A_77 : memref<80x128xf32, #tpu.memory_space<vmem_shared>>) target_semaphore(%run_scoped3A : memref<!tpu.dma_semaphore, #tpu.memory_space<semaphore_mem>>)
      %dma_wait3A = arith.constant 0 : i32
      %dma_wait3A_78 = tpu.memref_slice %arg14[%add3A_30, %dma_wait3A] : memref<10112x128xf32, #tpu.memory_space<vmem_shared>> -> memref<80x128xf32, #tpu.memory_space<vmem_shared>>
      %dma_wait3A_79 = arith.constant 0 : i32
      %dma_wait3A_80 = tpu.memref_slice %arg14[%add3A_30, %dma_wait3A_79] : memref<10112x128xf32, #tpu.memory_space<vmem_shared>> -> memref<80x128xf32, #tpu.memory_space<vmem_shared>>
      tpu.wait_dma2 semaphore(%run_scoped3A : memref<!tpu.dma_semaphore, #tpu.memory_space<semaphore_mem>>) src(%arg11 : memref<80x128xf32, #tpu.memory_space<vmem>>) dst(%dma_wait3A_80 : memref<80x128xf32, #tpu.memory_space<vmem_shared>>)
      tpu.yield
    }) : () -> ()
    %add3A_31 = arith.constant 400 : i32
    %add3A_32 = arith.addi %mul3A_8, %add3A_31 : i32
    "tpu.region"() ({
      %run_scoped3A = tpu.sem_alloc : memref<!tpu.dma_semaphore, #tpu.memory_space<semaphore_mem>>
      %dma_start3A = arith.constant 0 : i32
      %dma_start3A_75 = tpu.memref_slice %arg15[%add3A_32, %dma_start3A] : memref<10112x16xf32, #tpu.memory_space<vmem_shared>> -> memref<80x16xf32, #tpu.memory_space<vmem_shared>>
      %dma_start3A_76 = arith.constant 0 : i32
      %dma_start3A_77 = tpu.memref_slice %arg15[%add3A_32, %dma_start3A_76] : memref<10112x16xf32, #tpu.memory_space<vmem_shared>> -> memref<80x16xf32, #tpu.memory_space<vmem_shared>>
      tpu.enqueue_dma source(%arg13 : memref<80x16xf32, #tpu.memory_space<vmem>>) target(%dma_start3A_77 : memref<80x16xf32, #tpu.memory_space<vmem_shared>>) target_semaphore(%run_scoped3A : memref<!tpu.dma_semaphore, #tpu.memory_space<semaphore_mem>>)
      %dma_wait3A = arith.constant 0 : i32
      %dma_wait3A_78 = tpu.memref_slice %arg15[%add3A_32, %dma_wait3A] : memref<10112x16xf32, #tpu.memory_space<vmem_shared>> -> memref<80x16xf32, #tpu.memory_space<vmem_shared>>
      %dma_wait3A_79 = arith.constant 0 : i32
      %dma_wait3A_80 = tpu.memref_slice %arg15[%add3A_32, %dma_wait3A_79] : memref<10112x16xf32, #tpu.memory_space<vmem_shared>> -> memref<80x16xf32, #tpu.memory_space<vmem_shared>>
      tpu.wait_dma2 semaphore(%run_scoped3A : memref<!tpu.dma_semaphore, #tpu.memory_space<semaphore_mem>>) src(%arg13 : memref<80x16xf32, #tpu.memory_space<vmem>>) dst(%dma_wait3A_80 : memref<80x16xf32, #tpu.memory_space<vmem_shared>>)
      tpu.yield
    }) : () -> ()
    %add3A_33 = arith.constant 480 : i32
    %add3A_34 = arith.addi %mul3A_8, %add3A_33 : i32
    "tpu.region"() ({
      %run_scoped3A = tpu.sem_alloc : memref<!tpu.dma_semaphore, #tpu.memory_space<semaphore_mem>>
      %dma_start3A = arith.constant 0 : i32
      %dma_start3A_75 = tpu.memref_slice %arg14[%add3A_34, %dma_start3A] : memref<10112x128xf32, #tpu.memory_space<vmem_shared>> -> memref<80x128xf32, #tpu.memory_space<vmem_shared>>
      %dma_start3A_76 = arith.constant 0 : i32
      %dma_start3A_77 = tpu.memref_slice %arg14[%add3A_34, %dma_start3A_76] : memref<10112x128xf32, #tpu.memory_space<vmem_shared>> -> memref<80x128xf32, #tpu.memory_space<vmem_shared>>
      tpu.enqueue_dma source(%arg11 : memref<80x128xf32, #tpu.memory_space<vmem>>) target(%dma_start3A_77 : memref<80x128xf32, #tpu.memory_space<vmem_shared>>) target_semaphore(%run_scoped3A : memref<!tpu.dma_semaphore, #tpu.memory_space<semaphore_mem>>)
      %dma_wait3A = arith.constant 0 : i32
      %dma_wait3A_78 = tpu.memref_slice %arg14[%add3A_34, %dma_wait3A] : memref<10112x128xf32, #tpu.memory_space<vmem_shared>> -> memref<80x128xf32, #tpu.memory_space<vmem_shared>>
      %dma_wait3A_79 = arith.constant 0 : i32
      %dma_wait3A_80 = tpu.memref_slice %arg14[%add3A_34, %dma_wait3A_79] : memref<10112x128xf32, #tpu.memory_space<vmem_shared>> -> memref<80x128xf32, #tpu.memory_space<vmem_shared>>
      tpu.wait_dma2 semaphore(%run_scoped3A : memref<!tpu.dma_semaphore, #tpu.memory_space<semaphore_mem>>) src(%arg11 : memref<80x128xf32, #tpu.memory_space<vmem>>) dst(%dma_wait3A_80 : memref<80x128xf32, #tpu.memory_space<vmem_shared>>)
      tpu.yield
    }) : () -> ()
    %add3A_35 = arith.constant 480 : i32
    %add3A_36 = arith.addi %mul3A_8, %add3A_35 : i32
    "tpu.region"() ({
      %run_scoped3A = tpu.sem_alloc : memref<!tpu.dma_semaphore, #tpu.memory_space<semaphore_mem>>
      %dma_start3A = arith.constant 0 : i32
      %dma_start3A_75 = tpu.memref_slice %arg15[%add3A_36, %dma_start3A] : memref<10112x16xf32, #tpu.memory_space<vmem_shared>> -> memref<80x16xf32, #tpu.memory_space<vmem_shared>>
      %dma_start3A_76 = arith.constant 0 : i32
      %dma_start3A_77 = tpu.memref_slice %arg15[%add3A_36, %dma_start3A_76] : memref<10112x16xf32, #tpu.memory_space<vmem_shared>> -> memref<80x16xf32, #tpu.memory_space<vmem_shared>>
      tpu.enqueue_dma source(%arg13 : memref<80x16xf32, #tpu.memory_space<vmem>>) target(%dma_start3A_77 : memref<80x16xf32, #tpu.memory_space<vmem_shared>>) target_semaphore(%run_scoped3A : memref<!tpu.dma_semaphore, #tpu.memory_space<semaphore_mem>>)
      %dma_wait3A = arith.constant 0 : i32
      %dma_wait3A_78 = tpu.memref_slice %arg15[%add3A_36, %dma_wait3A] : memref<10112x16xf32, #tpu.memory_space<vmem_shared>> -> memref<80x16xf32, #tpu.memory_space<vmem_shared>>
      %dma_wait3A_79 = arith.constant 0 : i32
      %dma_wait3A_80 = tpu.memref_slice %arg15[%add3A_36, %dma_wait3A_79] : memref<10112x16xf32, #tpu.memory_space<vmem_shared>> -> memref<80x16xf32, #tpu.memory_space<vmem_shared>>
      tpu.wait_dma2 semaphore(%run_scoped3A : memref<!tpu.dma_semaphore, #tpu.memory_space<semaphore_mem>>) src(%arg13 : memref<80x16xf32, #tpu.memory_space<vmem>>) dst(%dma_wait3A_80 : memref<80x16xf32, #tpu.memory_space<vmem_shared>>)
      tpu.yield
    }) : () -> ()
    %add3A_37 = arith.constant 560 : i32
    %add3A_38 = arith.addi %mul3A_8, %add3A_37 : i32
    "tpu.region"() ({
      %run_scoped3A = tpu.sem_alloc : memref<!tpu.dma_semaphore, #tpu.memory_space<semaphore_mem>>
      %dma_start3A = arith.constant 0 : i32
      %dma_start3A_75 = arith.constant 0 : i32
      %dma_start3A_76 = tpu.memref_slice %arg11[%dma_start3A, %dma_start3A_75] : memref<80x128xf32, #tpu.memory_space<vmem>> -> memref<72x128xf32, #tpu.memory_space<vmem>>
      %dma_start3A_77 = arith.constant 0 : i32
      %dma_start3A_78 = tpu.memref_slice %arg14[%add3A_38, %dma_start3A_77] : memref<10112x128xf32, #tpu.memory_space<vmem_shared>> -> memref<72x128xf32, #tpu.memory_space<vmem_shared>>
      %dma_start3A_79 = arith.constant 0 : i32
      %dma_start3A_80 = tpu.memref_slice %arg14[%add3A_38, %dma_start3A_79] : memref<10112x128xf32, #tpu.memory_space<vmem_shared>> -> memref<72x128xf32, #tpu.memory_space<vmem_shared>>
      %dma_start3A_81 = arith.constant 0 : i32
      %dma_start3A_82 = arith.constant 0 : i32
      %dma_start3A_83 = tpu.memref_slice %arg11[%dma_start3A_81, %dma_start3A_82] : memref<80x128xf32, #tpu.memory_space<vmem>> -> memref<72x128xf32, #tpu.memory_space<vmem>>
      tpu.enqueue_dma source(%dma_start3A_83 : memref<72x128xf32, #tpu.memory_space<vmem>>) target(%dma_start3A_80 : memref<72x128xf32, #tpu.memory_space<vmem_shared>>) target_semaphore(%run_scoped3A : memref<!tpu.dma_semaphore, #tpu.memory_space<semaphore_mem>>)
      %dma_wait3A = arith.constant 0 : i32
      %dma_wait3A_84 = arith.constant 0 : i32
      %dma_wait3A_85 = tpu.memref_slice %arg11[%dma_wait3A, %dma_wait3A_84] : memref<80x128xf32, #tpu.memory_space<vmem>> -> memref<72x128xf32, #tpu.memory_space<vmem>>
      %dma_wait3A_86 = arith.constant 0 : i32
      %dma_wait3A_87 = tpu.memref_slice %arg14[%add3A_38, %dma_wait3A_86] : memref<10112x128xf32, #tpu.memory_space<vmem_shared>> -> memref<72x128xf32, #tpu.memory_space<vmem_shared>>
      %dma_wait3A_88 = arith.constant 0 : i32
      %dma_wait3A_89 = tpu.memref_slice %arg14[%add3A_38, %dma_wait3A_88] : memref<10112x128xf32, #tpu.memory_space<vmem_shared>> -> memref<72x128xf32, #tpu.memory_space<vmem_shared>>
      %dma_wait3A_90 = arith.constant 0 : i32
      %dma_wait3A_91 = arith.constant 0 : i32
      %dma_wait3A_92 = tpu.memref_slice %arg11[%dma_wait3A_90, %dma_wait3A_91] : memref<80x128xf32, #tpu.memory_space<vmem>> -> memref<72x128xf32, #tpu.memory_space<vmem>>
      tpu.wait_dma2 semaphore(%run_scoped3A : memref<!tpu.dma_semaphore, #tpu.memory_space<semaphore_mem>>) src(%dma_wait3A_92 : memref<72x128xf32, #tpu.memory_space<vmem>>) dst(%dma_wait3A_89 : memref<72x128xf32, #tpu.memory_space<vmem_shared>>)
      tpu.yield
    }) : () -> ()
    "tpu.region"() ({
      %run_scoped3A = tpu.sem_alloc : memref<!tpu.dma_semaphore, #tpu.memory_space<semaphore_mem>>
      %dma_start3A = arith.constant 0 : i32
      %dma_start3A_75 = arith.constant 0 : i32
      %dma_start3A_76 = tpu.memref_slice %arg13[%dma_start3A, %dma_start3A_75] : memref<80x16xf32, #tpu.memory_space<vmem>> -> memref<72x16xf32, #tpu.memory_space<vmem>>
      %dma_start3A_77 = arith.constant 0 : i32
      %dma_start3A_78 = tpu.memref_slice %arg15[%add3A_38, %dma_start3A_77] : memref<10112x16xf32, #tpu.memory_space<vmem_shared>> -> memref<72x16xf32, #tpu.memory_space<vmem_shared>>
      %dma_start3A_79 = arith.constant 0 : i32
      %dma_start3A_80 = tpu.memref_slice %arg15[%add3A_38, %dma_start3A_79] : memref<10112x16xf32, #tpu.memory_space<vmem_shared>> -> memref<72x16xf32, #tpu.memory_space<vmem_shared>>
      %dma_start3A_81 = arith.constant 0 : i32
      %dma_start3A_82 = arith.constant 0 : i32
      %dma_start3A_83 = tpu.memref_slice %arg13[%dma_start3A_81, %dma_start3A_82] : memref<80x16xf32, #tpu.memory_space<vmem>> -> memref<72x16xf32, #tpu.memory_space<vmem>>
      tpu.enqueue_dma source(%dma_start3A_83 : memref<72x16xf32, #tpu.memory_space<vmem>>) target(%dma_start3A_80 : memref<72x16xf32, #tpu.memory_space<vmem_shared>>) target_semaphore(%run_scoped3A : memref<!tpu.dma_semaphore, #tpu.memory_space<semaphore_mem>>)
      %dma_wait3A = arith.constant 0 : i32
      %dma_wait3A_84 = arith.constant 0 : i32
      %dma_wait3A_85 = tpu.memref_slice %arg13[%dma_wait3A, %dma_wait3A_84] : memref<80x16xf32, #tpu.memory_space<vmem>> -> memref<72x16xf32, #tpu.memory_space<vmem>>
      %dma_wait3A_86 = arith.constant 0 : i32
      %dma_wait3A_87 = tpu.memref_slice %arg15[%add3A_38, %dma_wait3A_86] : memref<10112x16xf32, #tpu.memory_space<vmem_shared>> -> memref<72x16xf32, #tpu.memory_space<vmem_shared>>
      %dma_wait3A_88 = arith.constant 0 : i32
      %dma_wait3A_89 = tpu.memref_slice %arg15[%add3A_38, %dma_wait3A_88] : memref<10112x16xf32, #tpu.memory_space<vmem_shared>> -> memref<72x16xf32, #tpu.memory_space<vmem_shared>>
      %dma_wait3A_90 = arith.constant 0 : i32
      %dma_wait3A_91 = arith.constant 0 : i32
      %dma_wait3A_92 = tpu.memref_slice %arg13[%dma_wait3A_90, %dma_wait3A_91] : memref<80x16xf32, #tpu.memory_space<vmem>> -> memref<72x16xf32, #tpu.memory_space<vmem>>
      tpu.wait_dma2 semaphore(%run_scoped3A : memref<!tpu.dma_semaphore, #tpu.memory_space<semaphore_mem>>) src(%dma_wait3A_92 : memref<72x16xf32, #tpu.memory_space<vmem>>) dst(%dma_wait3A_89 : memref<72x16xf32, #tpu.memory_space<vmem_shared>>)
      tpu.yield
    }) : () -> ()
    %barrier3A = arith.constant 0 : index
    tpu.barrier barrier_id(%barrier3A)
    %add3A_39 = arith.constant 0 : i32
    %add3A_40 = arith.addi %mul3A_8, %add3A_39 : i32
    "tpu.region"() ({
      %run_scoped3A = tpu.sem_alloc : memref<!tpu.dma_semaphore, #tpu.memory_space<semaphore_mem>>
      %dma_start3A = arith.constant 0 : i32
      %dma_start3A_75 = tpu.memref_slice %arg7[%arg0, %add3A_40, %dma_start3A] : memref<2x10112x128xf32, #tpu.memory_space<hbm>> -> memref<1x80x128xf32, #tpu.memory_space<hbm>>
      %dma_start3A_76 = tpu.memref_squeeze %dma_start3A_75 : memref<1x80x128xf32, #tpu.memory_space<hbm>> -> memref<80x128xf32, #tpu.memory_space<hbm>>
      %dma_start3A_77 = arith.constant 0 : i32
      %dma_start3A_78 = tpu.memref_slice %arg7[%arg0, %add3A_40, %dma_start3A_77] : memref<2x10112x128xf32, #tpu.memory_space<hbm>> -> memref<1x80x128xf32, #tpu.memory_space<hbm>>
      %dma_start3A_79 = tpu.memref_squeeze %dma_start3A_78 : memref<1x80x128xf32, #tpu.memory_space<hbm>> -> memref<80x128xf32, #tpu.memory_space<hbm>>
      tpu.enqueue_dma source(%arg11 : memref<80x128xf32, #tpu.memory_space<vmem>>) target(%dma_start3A_79 : memref<80x128xf32, #tpu.memory_space<hbm>>) target_semaphore(%run_scoped3A : memref<!tpu.dma_semaphore, #tpu.memory_space<semaphore_mem>>)
      %dma_wait3A = arith.constant 0 : i32
      %dma_wait3A_80 = tpu.memref_slice %arg7[%arg0, %add3A_40, %dma_wait3A] : memref<2x10112x128xf32, #tpu.memory_space<hbm>> -> memref<1x80x128xf32, #tpu.memory_space<hbm>>
      %dma_wait3A_81 = tpu.memref_squeeze %dma_wait3A_80 : memref<1x80x128xf32, #tpu.memory_space<hbm>> -> memref<80x128xf32, #tpu.memory_space<hbm>>
      %dma_wait3A_82 = arith.constant 0 : i32
      %dma_wait3A_83 = tpu.memref_slice %arg7[%arg0, %add3A_40, %dma_wait3A_82] : memref<2x10112x128xf32, #tpu.memory_space<hbm>> -> memref<1x80x128xf32, #tpu.memory_space<hbm>>
      %dma_wait3A_84 = tpu.memref_squeeze %dma_wait3A_83 : memref<1x80x128xf32, #tpu.memory_space<hbm>> -> memref<80x128xf32, #tpu.memory_space<hbm>>
      tpu.wait_dma2 semaphore(%run_scoped3A : memref<!tpu.dma_semaphore, #tpu.memory_space<semaphore_mem>>) src(%arg11 : memref<80x128xf32, #tpu.memory_space<vmem>>) dst(%dma_wait3A_84 : memref<80x128xf32, #tpu.memory_space<hbm>>)
      tpu.yield
    }) : () -> ()
    %add3A_41 = arith.constant 0 : i32
    %add3A_42 = arith.addi %mul3A_8, %add3A_41 : i32
    "tpu.region"() ({
      %run_scoped3A = tpu.sem_alloc : memref<!tpu.dma_semaphore, #tpu.memory_space<semaphore_mem>>
      %dma_start3A = arith.constant 0 : i32
      %dma_start3A_75 = tpu.memref_slice %arg8[%arg0, %add3A_42, %dma_start3A] : memref<2x10112x16xf32, #tpu.memory_space<hbm>> -> memref<1x80x16xf32, #tpu.memory_space<hbm>>
      %dma_start3A_76 = tpu.memref_squeeze %dma_start3A_75 : memref<1x80x16xf32, #tpu.memory_space<hbm>> -> memref<80x16xf32, #tpu.memory_space<hbm>>
      %dma_start3A_77 = arith.constant 0 : i32
      %dma_start3A_78 = tpu.memref_slice %arg8[%arg0, %add3A_42, %dma_start3A_77] : memref<2x10112x16xf32, #tpu.memory_space<hbm>> -> memref<1x80x16xf32, #tpu.memory_space<hbm>>
      %dma_start3A_79 = tpu.memref_squeeze %dma_start3A_78 : memref<1x80x16xf32, #tpu.memory_space<hbm>> -> memref<80x16xf32, #tpu.memory_space<hbm>>
      tpu.enqueue_dma source(%arg13 : memref<80x16xf32, #tpu.memory_space<vmem>>) target(%dma_start3A_79 : memref<80x16xf32, #tpu.memory_space<hbm>>) target_semaphore(%run_scoped3A : memref<!tpu.dma_semaphore, #tpu.memory_space<semaphore_mem>>)
      %dma_wait3A = arith.constant 0 : i32
      %dma_wait3A_80 = tpu.memref_slice %arg8[%arg0, %add3A_42, %dma_wait3A] : memref<2x10112x16xf32, #tpu.memory_space<hbm>> -> memref<1x80x16xf32, #tpu.memory_space<hbm>>
      %dma_wait3A_81 = tpu.memref_squeeze %dma_wait3A_80 : memref<1x80x16xf32, #tpu.memory_space<hbm>> -> memref<80x16xf32, #tpu.memory_space<hbm>>
      %dma_wait3A_82 = arith.constant 0 : i32
      %dma_wait3A_83 = tpu.memref_slice %arg8[%arg0, %add3A_42, %dma_wait3A_82] : memref<2x10112x16xf32, #tpu.memory_space<hbm>> -> memref<1x80x16xf32, #tpu.memory_space<hbm>>
      %dma_wait3A_84 = tpu.memref_squeeze %dma_wait3A_83 : memref<1x80x16xf32, #tpu.memory_space<hbm>> -> memref<80x16xf32, #tpu.memory_space<hbm>>
      tpu.wait_dma2 semaphore(%run_scoped3A : memref<!tpu.dma_semaphore, #tpu.memory_space<semaphore_mem>>) src(%arg13 : memref<80x16xf32, #tpu.memory_space<vmem>>) dst(%dma_wait3A_84 : memref<80x16xf32, #tpu.memory_space<hbm>>)
      tpu.yield
    }) : () -> ()
    %add3A_43 = arith.constant 80 : i32
    %add3A_44 = arith.addi %mul3A_8, %add3A_43 : i32
    "tpu.region"() ({
      %run_scoped3A = tpu.sem_alloc : memref<!tpu.dma_semaphore, #tpu.memory_space<semaphore_mem>>
      %dma_start3A = arith.constant 0 : i32
      %dma_start3A_75 = tpu.memref_slice %arg7[%arg0, %add3A_44, %dma_start3A] : memref<2x10112x128xf32, #tpu.memory_space<hbm>> -> memref<1x80x128xf32, #tpu.memory_space<hbm>>
      %dma_start3A_76 = tpu.memref_squeeze %dma_start3A_75 : memref<1x80x128xf32, #tpu.memory_space<hbm>> -> memref<80x128xf32, #tpu.memory_space<hbm>>
      %dma_start3A_77 = arith.constant 0 : i32
      %dma_start3A_78 = tpu.memref_slice %arg7[%arg0, %add3A_44, %dma_start3A_77] : memref<2x10112x128xf32, #tpu.memory_space<hbm>> -> memref<1x80x128xf32, #tpu.memory_space<hbm>>
      %dma_start3A_79 = tpu.memref_squeeze %dma_start3A_78 : memref<1x80x128xf32, #tpu.memory_space<hbm>> -> memref<80x128xf32, #tpu.memory_space<hbm>>
      tpu.enqueue_dma source(%arg11 : memref<80x128xf32, #tpu.memory_space<vmem>>) target(%dma_start3A_79 : memref<80x128xf32, #tpu.memory_space<hbm>>) target_semaphore(%run_scoped3A : memref<!tpu.dma_semaphore, #tpu.memory_space<semaphore_mem>>)
      %dma_wait3A = arith.constant 0 : i32
      %dma_wait3A_80 = tpu.memref_slice %arg7[%arg0, %add3A_44, %dma_wait3A] : memref<2x10112x128xf32, #tpu.memory_space<hbm>> -> memref<1x80x128xf32, #tpu.memory_space<hbm>>
      %dma_wait3A_81 = tpu.memref_squeeze %dma_wait3A_80 : memref<1x80x128xf32, #tpu.memory_space<hbm>> -> memref<80x128xf32, #tpu.memory_space<hbm>>
      %dma_wait3A_82 = arith.constant 0 : i32
      %dma_wait3A_83 = tpu.memref_slice %arg7[%arg0, %add3A_44, %dma_wait3A_82] : memref<2x10112x128xf32, #tpu.memory_space<hbm>> -> memref<1x80x128xf32, #tpu.memory_space<hbm>>
      %dma_wait3A_84 = tpu.memref_squeeze %dma_wait3A_83 : memref<1x80x128xf32, #tpu.memory_space<hbm>> -> memref<80x128xf32, #tpu.memory_space<hbm>>
      tpu.wait_dma2 semaphore(%run_scoped3A : memref<!tpu.dma_semaphore, #tpu.memory_space<semaphore_mem>>) src(%arg11 : memref<80x128xf32, #tpu.memory_space<vmem>>) dst(%dma_wait3A_84 : memref<80x128xf32, #tpu.memory_space<hbm>>)
      tpu.yield
    }) : () -> ()
    %add3A_45 = arith.constant 80 : i32
    %add3A_46 = arith.addi %mul3A_8, %add3A_45 : i32
    "tpu.region"() ({
      %run_scoped3A = tpu.sem_alloc : memref<!tpu.dma_semaphore, #tpu.memory_space<semaphore_mem>>
      %dma_start3A = arith.constant 0 : i32
      %dma_start3A_75 = tpu.memref_slice %arg8[%arg0, %add3A_46, %dma_start3A] : memref<2x10112x16xf32, #tpu.memory_space<hbm>> -> memref<1x80x16xf32, #tpu.memory_space<hbm>>
      %dma_start3A_76 = tpu.memref_squeeze %dma_start3A_75 : memref<1x80x16xf32, #tpu.memory_space<hbm>> -> memref<80x16xf32, #tpu.memory_space<hbm>>
      %dma_start3A_77 = arith.constant 0 : i32
      %dma_start3A_78 = tpu.memref_slice %arg8[%arg0, %add3A_46, %dma_start3A_77] : memref<2x10112x16xf32, #tpu.memory_space<hbm>> -> memref<1x80x16xf32, #tpu.memory_space<hbm>>
      %dma_start3A_79 = tpu.memref_squeeze %dma_start3A_78 : memref<1x80x16xf32, #tpu.memory_space<hbm>> -> memref<80x16xf32, #tpu.memory_space<hbm>>
      tpu.enqueue_dma source(%arg13 : memref<80x16xf32, #tpu.memory_space<vmem>>) target(%dma_start3A_79 : memref<80x16xf32, #tpu.memory_space<hbm>>) target_semaphore(%run_scoped3A : memref<!tpu.dma_semaphore, #tpu.memory_space<semaphore_mem>>)
      %dma_wait3A = arith.constant 0 : i32
      %dma_wait3A_80 = tpu.memref_slice %arg8[%arg0, %add3A_46, %dma_wait3A] : memref<2x10112x16xf32, #tpu.memory_space<hbm>> -> memref<1x80x16xf32, #tpu.memory_space<hbm>>
      %dma_wait3A_81 = tpu.memref_squeeze %dma_wait3A_80 : memref<1x80x16xf32, #tpu.memory_space<hbm>> -> memref<80x16xf32, #tpu.memory_space<hbm>>
      %dma_wait3A_82 = arith.constant 0 : i32
      %dma_wait3A_83 = tpu.memref_slice %arg8[%arg0, %add3A_46, %dma_wait3A_82] : memref<2x10112x16xf32, #tpu.memory_space<hbm>> -> memref<1x80x16xf32, #tpu.memory_space<hbm>>
      %dma_wait3A_84 = tpu.memref_squeeze %dma_wait3A_83 : memref<1x80x16xf32, #tpu.memory_space<hbm>> -> memref<80x16xf32, #tpu.memory_space<hbm>>
      tpu.wait_dma2 semaphore(%run_scoped3A : memref<!tpu.dma_semaphore, #tpu.memory_space<semaphore_mem>>) src(%arg13 : memref<80x16xf32, #tpu.memory_space<vmem>>) dst(%dma_wait3A_84 : memref<80x16xf32, #tpu.memory_space<hbm>>)
      tpu.yield
    }) : () -> ()
    %add3A_47 = arith.constant 160 : i32
    %add3A_48 = arith.addi %mul3A_8, %add3A_47 : i32
    "tpu.region"() ({
      %run_scoped3A = tpu.sem_alloc : memref<!tpu.dma_semaphore, #tpu.memory_space<semaphore_mem>>
      %dma_start3A = arith.constant 0 : i32
      %dma_start3A_75 = tpu.memref_slice %arg7[%arg0, %add3A_48, %dma_start3A] : memref<2x10112x128xf32, #tpu.memory_space<hbm>> -> memref<1x80x128xf32, #tpu.memory_space<hbm>>
      %dma_start3A_76 = tpu.memref_squeeze %dma_start3A_75 : memref<1x80x128xf32, #tpu.memory_space<hbm>> -> memref<80x128xf32, #tpu.memory_space<hbm>>
      %dma_start3A_77 = arith.constant 0 : i32
      %dma_start3A_78 = tpu.memref_slice %arg7[%arg0, %add3A_48, %dma_start3A_77] : memref<2x10112x128xf32, #tpu.memory_space<hbm>> -> memref<1x80x128xf32, #tpu.memory_space<hbm>>
      %dma_start3A_79 = tpu.memref_squeeze %dma_start3A_78 : memref<1x80x128xf32, #tpu.memory_space<hbm>> -> memref<80x128xf32, #tpu.memory_space<hbm>>
      tpu.enqueue_dma source(%arg11 : memref<80x128xf32, #tpu.memory_space<vmem>>) target(%dma_start3A_79 : memref<80x128xf32, #tpu.memory_space<hbm>>) target_semaphore(%run_scoped3A : memref<!tpu.dma_semaphore, #tpu.memory_space<semaphore_mem>>)
      %dma_wait3A = arith.constant 0 : i32
      %dma_wait3A_80 = tpu.memref_slice %arg7[%arg0, %add3A_48, %dma_wait3A] : memref<2x10112x128xf32, #tpu.memory_space<hbm>> -> memref<1x80x128xf32, #tpu.memory_space<hbm>>
      %dma_wait3A_81 = tpu.memref_squeeze %dma_wait3A_80 : memref<1x80x128xf32, #tpu.memory_space<hbm>> -> memref<80x128xf32, #tpu.memory_space<hbm>>
      %dma_wait3A_82 = arith.constant 0 : i32
      %dma_wait3A_83 = tpu.memref_slice %arg7[%arg0, %add3A_48, %dma_wait3A_82] : memref<2x10112x128xf32, #tpu.memory_space<hbm>> -> memref<1x80x128xf32, #tpu.memory_space<hbm>>
      %dma_wait3A_84 = tpu.memref_squeeze %dma_wait3A_83 : memref<1x80x128xf32, #tpu.memory_space<hbm>> -> memref<80x128xf32, #tpu.memory_space<hbm>>
      tpu.wait_dma2 semaphore(%run_scoped3A : memref<!tpu.dma_semaphore, #tpu.memory_space<semaphore_mem>>) src(%arg11 : memref<80x128xf32, #tpu.memory_space<vmem>>) dst(%dma_wait3A_84 : memref<80x128xf32, #tpu.memory_space<hbm>>)
      tpu.yield
    }) : () -> ()
    %add3A_49 = arith.constant 160 : i32
    %add3A_50 = arith.addi %mul3A_8, %add3A_49 : i32
    "tpu.region"() ({
      %run_scoped3A = tpu.sem_alloc : memref<!tpu.dma_semaphore, #tpu.memory_space<semaphore_mem>>
      %dma_start3A = arith.constant 0 : i32
      %dma_start3A_75 = tpu.memref_slice %arg8[%arg0, %add3A_50, %dma_start3A] : memref<2x10112x16xf32, #tpu.memory_space<hbm>> -> memref<1x80x16xf32, #tpu.memory_space<hbm>>
      %dma_start3A_76 = tpu.memref_squeeze %dma_start3A_75 : memref<1x80x16xf32, #tpu.memory_space<hbm>> -> memref<80x16xf32, #tpu.memory_space<hbm>>
      %dma_start3A_77 = arith.constant 0 : i32
      %dma_start3A_78 = tpu.memref_slice %arg8[%arg0, %add3A_50, %dma_start3A_77] : memref<2x10112x16xf32, #tpu.memory_space<hbm>> -> memref<1x80x16xf32, #tpu.memory_space<hbm>>
      %dma_start3A_79 = tpu.memref_squeeze %dma_start3A_78 : memref<1x80x16xf32, #tpu.memory_space<hbm>> -> memref<80x16xf32, #tpu.memory_space<hbm>>
      tpu.enqueue_dma source(%arg13 : memref<80x16xf32, #tpu.memory_space<vmem>>) target(%dma_start3A_79 : memref<80x16xf32, #tpu.memory_space<hbm>>) target_semaphore(%run_scoped3A : memref<!tpu.dma_semaphore, #tpu.memory_space<semaphore_mem>>)
      %dma_wait3A = arith.constant 0 : i32
      %dma_wait3A_80 = tpu.memref_slice %arg8[%arg0, %add3A_50, %dma_wait3A] : memref<2x10112x16xf32, #tpu.memory_space<hbm>> -> memref<1x80x16xf32, #tpu.memory_space<hbm>>
      %dma_wait3A_81 = tpu.memref_squeeze %dma_wait3A_80 : memref<1x80x16xf32, #tpu.memory_space<hbm>> -> memref<80x16xf32, #tpu.memory_space<hbm>>
      %dma_wait3A_82 = arith.constant 0 : i32
      %dma_wait3A_83 = tpu.memref_slice %arg8[%arg0, %add3A_50, %dma_wait3A_82] : memref<2x10112x16xf32, #tpu.memory_space<hbm>> -> memref<1x80x16xf32, #tpu.memory_space<hbm>>
      %dma_wait3A_84 = tpu.memref_squeeze %dma_wait3A_83 : memref<1x80x16xf32, #tpu.memory_space<hbm>> -> memref<80x16xf32, #tpu.memory_space<hbm>>
      tpu.wait_dma2 semaphore(%run_scoped3A : memref<!tpu.dma_semaphore, #tpu.memory_space<semaphore_mem>>) src(%arg13 : memref<80x16xf32, #tpu.memory_space<vmem>>) dst(%dma_wait3A_84 : memref<80x16xf32, #tpu.memory_space<hbm>>)
      tpu.yield
    }) : () -> ()
    %add3A_51 = arith.constant 240 : i32
    %add3A_52 = arith.addi %mul3A_8, %add3A_51 : i32
    "tpu.region"() ({
      %run_scoped3A = tpu.sem_alloc : memref<!tpu.dma_semaphore, #tpu.memory_space<semaphore_mem>>
      %dma_start3A = arith.constant 0 : i32
      %dma_start3A_75 = tpu.memref_slice %arg7[%arg0, %add3A_52, %dma_start3A] : memref<2x10112x128xf32, #tpu.memory_space<hbm>> -> memref<1x80x128xf32, #tpu.memory_space<hbm>>
      %dma_start3A_76 = tpu.memref_squeeze %dma_start3A_75 : memref<1x80x128xf32, #tpu.memory_space<hbm>> -> memref<80x128xf32, #tpu.memory_space<hbm>>
      %dma_start3A_77 = arith.constant 0 : i32
      %dma_start3A_78 = tpu.memref_slice %arg7[%arg0, %add3A_52, %dma_start3A_77] : memref<2x10112x128xf32, #tpu.memory_space<hbm>> -> memref<1x80x128xf32, #tpu.memory_space<hbm>>
      %dma_start3A_79 = tpu.memref_squeeze %dma_start3A_78 : memref<1x80x128xf32, #tpu.memory_space<hbm>> -> memref<80x128xf32, #tpu.memory_space<hbm>>
      tpu.enqueue_dma source(%arg11 : memref<80x128xf32, #tpu.memory_space<vmem>>) target(%dma_start3A_79 : memref<80x128xf32, #tpu.memory_space<hbm>>) target_semaphore(%run_scoped3A : memref<!tpu.dma_semaphore, #tpu.memory_space<semaphore_mem>>)
      %dma_wait3A = arith.constant 0 : i32
      %dma_wait3A_80 = tpu.memref_slice %arg7[%arg0, %add3A_52, %dma_wait3A] : memref<2x10112x128xf32, #tpu.memory_space<hbm>> -> memref<1x80x128xf32, #tpu.memory_space<hbm>>
      %dma_wait3A_81 = tpu.memref_squeeze %dma_wait3A_80 : memref<1x80x128xf32, #tpu.memory_space<hbm>> -> memref<80x128xf32, #tpu.memory_space<hbm>>
      %dma_wait3A_82 = arith.constant 0 : i32
      %dma_wait3A_83 = tpu.memref_slice %arg7[%arg0, %add3A_52, %dma_wait3A_82] : memref<2x10112x128xf32, #tpu.memory_space<hbm>> -> memref<1x80x128xf32, #tpu.memory_space<hbm>>
      %dma_wait3A_84 = tpu.memref_squeeze %dma_wait3A_83 : memref<1x80x128xf32, #tpu.memory_space<hbm>> -> memref<80x128xf32, #tpu.memory_space<hbm>>
      tpu.wait_dma2 semaphore(%run_scoped3A : memref<!tpu.dma_semaphore, #tpu.memory_space<semaphore_mem>>) src(%arg11 : memref<80x128xf32, #tpu.memory_space<vmem>>) dst(%dma_wait3A_84 : memref<80x128xf32, #tpu.memory_space<hbm>>)
      tpu.yield
    }) : () -> ()
    %add3A_53 = arith.constant 240 : i32
    %add3A_54 = arith.addi %mul3A_8, %add3A_53 : i32
    "tpu.region"() ({
      %run_scoped3A = tpu.sem_alloc : memref<!tpu.dma_semaphore, #tpu.memory_space<semaphore_mem>>
      %dma_start3A = arith.constant 0 : i32
      %dma_start3A_75 = tpu.memref_slice %arg8[%arg0, %add3A_54, %dma_start3A] : memref<2x10112x16xf32, #tpu.memory_space<hbm>> -> memref<1x80x16xf32, #tpu.memory_space<hbm>>
      %dma_start3A_76 = tpu.memref_squeeze %dma_start3A_75 : memref<1x80x16xf32, #tpu.memory_space<hbm>> -> memref<80x16xf32, #tpu.memory_space<hbm>>
      %dma_start3A_77 = arith.constant 0 : i32
      %dma_start3A_78 = tpu.memref_slice %arg8[%arg0, %add3A_54, %dma_start3A_77] : memref<2x10112x16xf32, #tpu.memory_space<hbm>> -> memref<1x80x16xf32, #tpu.memory_space<hbm>>
      %dma_start3A_79 = tpu.memref_squeeze %dma_start3A_78 : memref<1x80x16xf32, #tpu.memory_space<hbm>> -> memref<80x16xf32, #tpu.memory_space<hbm>>
      tpu.enqueue_dma source(%arg13 : memref<80x16xf32, #tpu.memory_space<vmem>>) target(%dma_start3A_79 : memref<80x16xf32, #tpu.memory_space<hbm>>) target_semaphore(%run_scoped3A : memref<!tpu.dma_semaphore, #tpu.memory_space<semaphore_mem>>)
      %dma_wait3A = arith.constant 0 : i32
      %dma_wait3A_80 = tpu.memref_slice %arg8[%arg0, %add3A_54, %dma_wait3A] : memref<2x10112x16xf32, #tpu.memory_space<hbm>> -> memref<1x80x16xf32, #tpu.memory_space<hbm>>
      %dma_wait3A_81 = tpu.memref_squeeze %dma_wait3A_80 : memref<1x80x16xf32, #tpu.memory_space<hbm>> -> memref<80x16xf32, #tpu.memory_space<hbm>>
      %dma_wait3A_82 = arith.constant 0 : i32
      %dma_wait3A_83 = tpu.memref_slice %arg8[%arg0, %add3A_54, %dma_wait3A_82] : memref<2x10112x16xf32, #tpu.memory_space<hbm>> -> memref<1x80x16xf32, #tpu.memory_space<hbm>>
      %dma_wait3A_84 = tpu.memref_squeeze %dma_wait3A_83 : memref<1x80x16xf32, #tpu.memory_space<hbm>> -> memref<80x16xf32, #tpu.memory_space<hbm>>
      tpu.wait_dma2 semaphore(%run_scoped3A : memref<!tpu.dma_semaphore, #tpu.memory_space<semaphore_mem>>) src(%arg13 : memref<80x16xf32, #tpu.memory_space<vmem>>) dst(%dma_wait3A_84 : memref<80x16xf32, #tpu.memory_space<hbm>>)
      tpu.yield
    }) : () -> ()
    %add3A_55 = arith.constant 320 : i32
    %add3A_56 = arith.addi %mul3A_8, %add3A_55 : i32
    "tpu.region"() ({
      %run_scoped3A = tpu.sem_alloc : memref<!tpu.dma_semaphore, #tpu.memory_space<semaphore_mem>>
      %dma_start3A = arith.constant 0 : i32
      %dma_start3A_75 = tpu.memref_slice %arg7[%arg0, %add3A_56, %dma_start3A] : memref<2x10112x128xf32, #tpu.memory_space<hbm>> -> memref<1x80x128xf32, #tpu.memory_space<hbm>>
      %dma_start3A_76 = tpu.memref_squeeze %dma_start3A_75 : memref<1x80x128xf32, #tpu.memory_space<hbm>> -> memref<80x128xf32, #tpu.memory_space<hbm>>
      %dma_start3A_77 = arith.constant 0 : i32
      %dma_start3A_78 = tpu.memref_slice %arg7[%arg0, %add3A_56, %dma_start3A_77] : memref<2x10112x128xf32, #tpu.memory_space<hbm>> -> memref<1x80x128xf32, #tpu.memory_space<hbm>>
      %dma_start3A_79 = tpu.memref_squeeze %dma_start3A_78 : memref<1x80x128xf32, #tpu.memory_space<hbm>> -> memref<80x128xf32, #tpu.memory_space<hbm>>
      tpu.enqueue_dma source(%arg11 : memref<80x128xf32, #tpu.memory_space<vmem>>) target(%dma_start3A_79 : memref<80x128xf32, #tpu.memory_space<hbm>>) target_semaphore(%run_scoped3A : memref<!tpu.dma_semaphore, #tpu.memory_space<semaphore_mem>>)
      %dma_wait3A = arith.constant 0 : i32
      %dma_wait3A_80 = tpu.memref_slice %arg7[%arg0, %add3A_56, %dma_wait3A] : memref<2x10112x128xf32, #tpu.memory_space<hbm>> -> memref<1x80x128xf32, #tpu.memory_space<hbm>>
      %dma_wait3A_81 = tpu.memref_squeeze %dma_wait3A_80 : memref<1x80x128xf32, #tpu.memory_space<hbm>> -> memref<80x128xf32, #tpu.memory_space<hbm>>
      %dma_wait3A_82 = arith.constant 0 : i32
      %dma_wait3A_83 = tpu.memref_slice %arg7[%arg0, %add3A_56, %dma_wait3A_82] : memref<2x10112x128xf32, #tpu.memory_space<hbm>> -> memref<1x80x128xf32, #tpu.memory_space<hbm>>
      %dma_wait3A_84 = tpu.memref_squeeze %dma_wait3A_83 : memref<1x80x128xf32, #tpu.memory_space<hbm>> -> memref<80x128xf32, #tpu.memory_space<hbm>>
      tpu.wait_dma2 semaphore(%run_scoped3A : memref<!tpu.dma_semaphore, #tpu.memory_space<semaphore_mem>>) src(%arg11 : memref<80x128xf32, #tpu.memory_space<vmem>>) dst(%dma_wait3A_84 : memref<80x128xf32, #tpu.memory_space<hbm>>)
      tpu.yield
    }) : () -> ()
    %add3A_57 = arith.constant 320 : i32
    %add3A_58 = arith.addi %mul3A_8, %add3A_57 : i32
    "tpu.region"() ({
      %run_scoped3A = tpu.sem_alloc : memref<!tpu.dma_semaphore, #tpu.memory_space<semaphore_mem>>
      %dma_start3A = arith.constant 0 : i32
      %dma_start3A_75 = tpu.memref_slice %arg8[%arg0, %add3A_58, %dma_start3A] : memref<2x10112x16xf32, #tpu.memory_space<hbm>> -> memref<1x80x16xf32, #tpu.memory_space<hbm>>
      %dma_start3A_76 = tpu.memref_squeeze %dma_start3A_75 : memref<1x80x16xf32, #tpu.memory_space<hbm>> -> memref<80x16xf32, #tpu.memory_space<hbm>>
      %dma_start3A_77 = arith.constant 0 : i32
      %dma_start3A_78 = tpu.memref_slice %arg8[%arg0, %add3A_58, %dma_start3A_77] : memref<2x10112x16xf32, #tpu.memory_space<hbm>> -> memref<1x80x16xf32, #tpu.memory_space<hbm>>
      %dma_start3A_79 = tpu.memref_squeeze %dma_start3A_78 : memref<1x80x16xf32, #tpu.memory_space<hbm>> -> memref<80x16xf32, #tpu.memory_space<hbm>>
      tpu.enqueue_dma source(%arg13 : memref<80x16xf32, #tpu.memory_space<vmem>>) target(%dma_start3A_79 : memref<80x16xf32, #tpu.memory_space<hbm>>) target_semaphore(%run_scoped3A : memref<!tpu.dma_semaphore, #tpu.memory_space<semaphore_mem>>)
      %dma_wait3A = arith.constant 0 : i32
      %dma_wait3A_80 = tpu.memref_slice %arg8[%arg0, %add3A_58, %dma_wait3A] : memref<2x10112x16xf32, #tpu.memory_space<hbm>> -> memref<1x80x16xf32, #tpu.memory_space<hbm>>
      %dma_wait3A_81 = tpu.memref_squeeze %dma_wait3A_80 : memref<1x80x16xf32, #tpu.memory_space<hbm>> -> memref<80x16xf32, #tpu.memory_space<hbm>>
      %dma_wait3A_82 = arith.constant 0 : i32
      %dma_wait3A_83 = tpu.memref_slice %arg8[%arg0, %add3A_58, %dma_wait3A_82] : memref<2x10112x16xf32, #tpu.memory_space<hbm>> -> memref<1x80x16xf32, #tpu.memory_space<hbm>>
      %dma_wait3A_84 = tpu.memref_squeeze %dma_wait3A_83 : memref<1x80x16xf32, #tpu.memory_space<hbm>> -> memref<80x16xf32, #tpu.memory_space<hbm>>
      tpu.wait_dma2 semaphore(%run_scoped3A : memref<!tpu.dma_semaphore, #tpu.memory_space<semaphore_mem>>) src(%arg13 : memref<80x16xf32, #tpu.memory_space<vmem>>) dst(%dma_wait3A_84 : memref<80x16xf32, #tpu.memory_space<hbm>>)
      tpu.yield
    }) : () -> ()
    %add3A_59 = arith.constant 400 : i32
    %add3A_60 = arith.addi %mul3A_8, %add3A_59 : i32
    "tpu.region"() ({
      %run_scoped3A = tpu.sem_alloc : memref<!tpu.dma_semaphore, #tpu.memory_space<semaphore_mem>>
      %dma_start3A = arith.constant 0 : i32
      %dma_start3A_75 = tpu.memref_slice %arg7[%arg0, %add3A_60, %dma_start3A] : memref<2x10112x128xf32, #tpu.memory_space<hbm>> -> memref<1x80x128xf32, #tpu.memory_space<hbm>>
      %dma_start3A_76 = tpu.memref_squeeze %dma_start3A_75 : memref<1x80x128xf32, #tpu.memory_space<hbm>> -> memref<80x128xf32, #tpu.memory_space<hbm>>
      %dma_start3A_77 = arith.constant 0 : i32
      %dma_start3A_78 = tpu.memref_slice %arg7[%arg0, %add3A_60, %dma_start3A_77] : memref<2x10112x128xf32, #tpu.memory_space<hbm>> -> memref<1x80x128xf32, #tpu.memory_space<hbm>>
      %dma_start3A_79 = tpu.memref_squeeze %dma_start3A_78 : memref<1x80x128xf32, #tpu.memory_space<hbm>> -> memref<80x128xf32, #tpu.memory_space<hbm>>
      tpu.enqueue_dma source(%arg11 : memref<80x128xf32, #tpu.memory_space<vmem>>) target(%dma_start3A_79 : memref<80x128xf32, #tpu.memory_space<hbm>>) target_semaphore(%run_scoped3A : memref<!tpu.dma_semaphore, #tpu.memory_space<semaphore_mem>>)
      %dma_wait3A = arith.constant 0 : i32
      %dma_wait3A_80 = tpu.memref_slice %arg7[%arg0, %add3A_60, %dma_wait3A] : memref<2x10112x128xf32, #tpu.memory_space<hbm>> -> memref<1x80x128xf32, #tpu.memory_space<hbm>>
      %dma_wait3A_81 = tpu.memref_squeeze %dma_wait3A_80 : memref<1x80x128xf32, #tpu.memory_space<hbm>> -> memref<80x128xf32, #tpu.memory_space<hbm>>
      %dma_wait3A_82 = arith.constant 0 : i32
      %dma_wait3A_83 = tpu.memref_slice %arg7[%arg0, %add3A_60, %dma_wait3A_82] : memref<2x10112x128xf32, #tpu.memory_space<hbm>> -> memref<1x80x128xf32, #tpu.memory_space<hbm>>
      %dma_wait3A_84 = tpu.memref_squeeze %dma_wait3A_83 : memref<1x80x128xf32, #tpu.memory_space<hbm>> -> memref<80x128xf32, #tpu.memory_space<hbm>>
      tpu.wait_dma2 semaphore(%run_scoped3A : memref<!tpu.dma_semaphore, #tpu.memory_space<semaphore_mem>>) src(%arg11 : memref<80x128xf32, #tpu.memory_space<vmem>>) dst(%dma_wait3A_84 : memref<80x128xf32, #tpu.memory_space<hbm>>)
      tpu.yield
    }) : () -> ()
    %add3A_61 = arith.constant 400 : i32
    %add3A_62 = arith.addi %mul3A_8, %add3A_61 : i32
    "tpu.region"() ({
      %run_scoped3A = tpu.sem_alloc : memref<!tpu.dma_semaphore, #tpu.memory_space<semaphore_mem>>
      %dma_start3A = arith.constant 0 : i32
      %dma_start3A_75 = tpu.memref_slice %arg8[%arg0, %add3A_62, %dma_start3A] : memref<2x10112x16xf32, #tpu.memory_space<hbm>> -> memref<1x80x16xf32, #tpu.memory_space<hbm>>
      %dma_start3A_76 = tpu.memref_squeeze %dma_start3A_75 : memref<1x80x16xf32, #tpu.memory_space<hbm>> -> memref<80x16xf32, #tpu.memory_space<hbm>>
      %dma_start3A_77 = arith.constant 0 : i32
      %dma_start3A_78 = tpu.memref_slice %arg8[%arg0, %add3A_62, %dma_start3A_77] : memref<2x10112x16xf32, #tpu.memory_space<hbm>> -> memref<1x80x16xf32, #tpu.memory_space<hbm>>
      %dma_start3A_79 = tpu.memref_squeeze %dma_start3A_78 : memref<1x80x16xf32, #tpu.memory_space<hbm>> -> memref<80x16xf32, #tpu.memory_space<hbm>>
      tpu.enqueue_dma source(%arg13 : memref<80x16xf32, #tpu.memory_space<vmem>>) target(%dma_start3A_79 : memref<80x16xf32, #tpu.memory_space<hbm>>) target_semaphore(%run_scoped3A : memref<!tpu.dma_semaphore, #tpu.memory_space<semaphore_mem>>)
      %dma_wait3A = arith.constant 0 : i32
      %dma_wait3A_80 = tpu.memref_slice %arg8[%arg0, %add3A_62, %dma_wait3A] : memref<2x10112x16xf32, #tpu.memory_space<hbm>> -> memref<1x80x16xf32, #tpu.memory_space<hbm>>
      %dma_wait3A_81 = tpu.memref_squeeze %dma_wait3A_80 : memref<1x80x16xf32, #tpu.memory_space<hbm>> -> memref<80x16xf32, #tpu.memory_space<hbm>>
      %dma_wait3A_82 = arith.constant 0 : i32
      %dma_wait3A_83 = tpu.memref_slice %arg8[%arg0, %add3A_62, %dma_wait3A_82] : memref<2x10112x16xf32, #tpu.memory_space<hbm>> -> memref<1x80x16xf32, #tpu.memory_space<hbm>>
      %dma_wait3A_84 = tpu.memref_squeeze %dma_wait3A_83 : memref<1x80x16xf32, #tpu.memory_space<hbm>> -> memref<80x16xf32, #tpu.memory_space<hbm>>
      tpu.wait_dma2 semaphore(%run_scoped3A : memref<!tpu.dma_semaphore, #tpu.memory_space<semaphore_mem>>) src(%arg13 : memref<80x16xf32, #tpu.memory_space<vmem>>) dst(%dma_wait3A_84 : memref<80x16xf32, #tpu.memory_space<hbm>>)
      tpu.yield
    }) : () -> ()
    %add3A_63 = arith.constant 480 : i32
    %add3A_64 = arith.addi %mul3A_8, %add3A_63 : i32
    "tpu.region"() ({
      %run_scoped3A = tpu.sem_alloc : memref<!tpu.dma_semaphore, #tpu.memory_space<semaphore_mem>>
      %dma_start3A = arith.constant 0 : i32
      %dma_start3A_75 = tpu.memref_slice %arg7[%arg0, %add3A_64, %dma_start3A] : memref<2x10112x128xf32, #tpu.memory_space<hbm>> -> memref<1x80x128xf32, #tpu.memory_space<hbm>>
      %dma_start3A_76 = tpu.memref_squeeze %dma_start3A_75 : memref<1x80x128xf32, #tpu.memory_space<hbm>> -> memref<80x128xf32, #tpu.memory_space<hbm>>
      %dma_start3A_77 = arith.constant 0 : i32
      %dma_start3A_78 = tpu.memref_slice %arg7[%arg0, %add3A_64, %dma_start3A_77] : memref<2x10112x128xf32, #tpu.memory_space<hbm>> -> memref<1x80x128xf32, #tpu.memory_space<hbm>>
      %dma_start3A_79 = tpu.memref_squeeze %dma_start3A_78 : memref<1x80x128xf32, #tpu.memory_space<hbm>> -> memref<80x128xf32, #tpu.memory_space<hbm>>
      tpu.enqueue_dma source(%arg11 : memref<80x128xf32, #tpu.memory_space<vmem>>) target(%dma_start3A_79 : memref<80x128xf32, #tpu.memory_space<hbm>>) target_semaphore(%run_scoped3A : memref<!tpu.dma_semaphore, #tpu.memory_space<semaphore_mem>>)
      %dma_wait3A = arith.constant 0 : i32
      %dma_wait3A_80 = tpu.memref_slice %arg7[%arg0, %add3A_64, %dma_wait3A] : memref<2x10112x128xf32, #tpu.memory_space<hbm>> -> memref<1x80x128xf32, #tpu.memory_space<hbm>>
      %dma_wait3A_81 = tpu.memref_squeeze %dma_wait3A_80 : memref<1x80x128xf32, #tpu.memory_space<hbm>> -> memref<80x128xf32, #tpu.memory_space<hbm>>
      %dma_wait3A_82 = arith.constant 0 : i32
      %dma_wait3A_83 = tpu.memref_slice %arg7[%arg0, %add3A_64, %dma_wait3A_82] : memref<2x10112x128xf32, #tpu.memory_space<hbm>> -> memref<1x80x128xf32, #tpu.memory_space<hbm>>
      %dma_wait3A_84 = tpu.memref_squeeze %dma_wait3A_83 : memref<1x80x128xf32, #tpu.memory_space<hbm>> -> memref<80x128xf32, #tpu.memory_space<hbm>>
      tpu.wait_dma2 semaphore(%run_scoped3A : memref<!tpu.dma_semaphore, #tpu.memory_space<semaphore_mem>>) src(%arg11 : memref<80x128xf32, #tpu.memory_space<vmem>>) dst(%dma_wait3A_84 : memref<80x128xf32, #tpu.memory_space<hbm>>)
      tpu.yield
    }) : () -> ()
    %add3A_65 = arith.constant 480 : i32
    %add3A_66 = arith.addi %mul3A_8, %add3A_65 : i32
    "tpu.region"() ({
      %run_scoped3A = tpu.sem_alloc : memref<!tpu.dma_semaphore, #tpu.memory_space<semaphore_mem>>
      %dma_start3A = arith.constant 0 : i32
      %dma_start3A_75 = tpu.memref_slice %arg8[%arg0, %add3A_66, %dma_start3A] : memref<2x10112x16xf32, #tpu.memory_space<hbm>> -> memref<1x80x16xf32, #tpu.memory_space<hbm>>
      %dma_start3A_76 = tpu.memref_squeeze %dma_start3A_75 : memref<1x80x16xf32, #tpu.memory_space<hbm>> -> memref<80x16xf32, #tpu.memory_space<hbm>>
      %dma_start3A_77 = arith.constant 0 : i32
      %dma_start3A_78 = tpu.memref_slice %arg8[%arg0, %add3A_66, %dma_start3A_77] : memref<2x10112x16xf32, #tpu.memory_space<hbm>> -> memref<1x80x16xf32, #tpu.memory_space<hbm>>
      %dma_start3A_79 = tpu.memref_squeeze %dma_start3A_78 : memref<1x80x16xf32, #tpu.memory_space<hbm>> -> memref<80x16xf32, #tpu.memory_space<hbm>>
      tpu.enqueue_dma source(%arg13 : memref<80x16xf32, #tpu.memory_space<vmem>>) target(%dma_start3A_79 : memref<80x16xf32, #tpu.memory_space<hbm>>) target_semaphore(%run_scoped3A : memref<!tpu.dma_semaphore, #tpu.memory_space<semaphore_mem>>)
      %dma_wait3A = arith.constant 0 : i32
      %dma_wait3A_80 = tpu.memref_slice %arg8[%arg0, %add3A_66, %dma_wait3A] : memref<2x10112x16xf32, #tpu.memory_space<hbm>> -> memref<1x80x16xf32, #tpu.memory_space<hbm>>
      %dma_wait3A_81 = tpu.memref_squeeze %dma_wait3A_80 : memref<1x80x16xf32, #tpu.memory_space<hbm>> -> memref<80x16xf32, #tpu.memory_space<hbm>>
      %dma_wait3A_82 = arith.constant 0 : i32
      %dma_wait3A_83 = tpu.memref_slice %arg8[%arg0, %add3A_66, %dma_wait3A_82] : memref<2x10112x16xf32, #tpu.memory_space<hbm>> -> memref<1x80x16xf32, #tpu.memory_space<hbm>>
      %dma_wait3A_84 = tpu.memref_squeeze %dma_wait3A_83 : memref<1x80x16xf32, #tpu.memory_space<hbm>> -> memref<80x16xf32, #tpu.memory_space<hbm>>
      tpu.wait_dma2 semaphore(%run_scoped3A : memref<!tpu.dma_semaphore, #tpu.memory_space<semaphore_mem>>) src(%arg13 : memref<80x16xf32, #tpu.memory_space<vmem>>) dst(%dma_wait3A_84 : memref<80x16xf32, #tpu.memory_space<hbm>>)
      tpu.yield
    }) : () -> ()
    "tpu.region"() ({
      %run_scoped3A = tpu.sem_alloc : memref<!tpu.dma_semaphore, #tpu.memory_space<semaphore_mem>>
      %dma_start3A = arith.constant 0 : i32
      %dma_start3A_75 = arith.constant 0 : i32
      %dma_start3A_76 = tpu.memref_slice %arg11[%dma_start3A, %dma_start3A_75] : memref<80x128xf32, #tpu.memory_space<vmem>> -> memref<72x128xf32, #tpu.memory_space<vmem>>
      %dma_start3A_77 = arith.constant 0 : i32
      %dma_start3A_78 = tpu.memref_slice %arg7[%arg0, %add3A_38, %dma_start3A_77] : memref<2x10112x128xf32, #tpu.memory_space<hbm>> -> memref<1x72x128xf32, #tpu.memory_space<hbm>>
      %dma_start3A_79 = tpu.memref_squeeze %dma_start3A_78 : memref<1x72x128xf32, #tpu.memory_space<hbm>> -> memref<72x128xf32, #tpu.memory_space<hbm>>
      %dma_start3A_80 = arith.constant 0 : i32
      %dma_start3A_81 = tpu.memref_slice %arg7[%arg0, %add3A_38, %dma_start3A_80] : memref<2x10112x128xf32, #tpu.memory_space<hbm>> -> memref<1x72x128xf32, #tpu.memory_space<hbm>>
      %dma_start3A_82 = tpu.memref_squeeze %dma_start3A_81 : memref<1x72x128xf32, #tpu.memory_space<hbm>> -> memref<72x128xf32, #tpu.memory_space<hbm>>
      %dma_start3A_83 = arith.constant 0 : i32
      %dma_start3A_84 = arith.constant 0 : i32
      %dma_start3A_85 = tpu.memref_slice %arg11[%dma_start3A_83, %dma_start3A_84] : memref<80x128xf32, #tpu.memory_space<vmem>> -> memref<72x128xf32, #tpu.memory_space<vmem>>
      tpu.enqueue_dma source(%dma_start3A_85 : memref<72x128xf32, #tpu.memory_space<vmem>>) target(%dma_start3A_82 : memref<72x128xf32, #tpu.memory_space<hbm>>) target_semaphore(%run_scoped3A : memref<!tpu.dma_semaphore, #tpu.memory_space<semaphore_mem>>)
      %dma_wait3A = arith.constant 0 : i32
      %dma_wait3A_86 = arith.constant 0 : i32
      %dma_wait3A_87 = tpu.memref_slice %arg11[%dma_wait3A, %dma_wait3A_86] : memref<80x128xf32, #tpu.memory_space<vmem>> -> memref<72x128xf32, #tpu.memory_space<vmem>>
      %dma_wait3A_88 = arith.constant 0 : i32
      %dma_wait3A_89 = tpu.memref_slice %arg7[%arg0, %add3A_38, %dma_wait3A_88] : memref<2x10112x128xf32, #tpu.memory_space<hbm>> -> memref<1x72x128xf32, #tpu.memory_space<hbm>>
      %dma_wait3A_90 = tpu.memref_squeeze %dma_wait3A_89 : memref<1x72x128xf32, #tpu.memory_space<hbm>> -> memref<72x128xf32, #tpu.memory_space<hbm>>
      %dma_wait3A_91 = arith.constant 0 : i32
      %dma_wait3A_92 = tpu.memref_slice %arg7[%arg0, %add3A_38, %dma_wait3A_91] : memref<2x10112x128xf32, #tpu.memory_space<hbm>> -> memref<1x72x128xf32, #tpu.memory_space<hbm>>
      %dma_wait3A_93 = tpu.memref_squeeze %dma_wait3A_92 : memref<1x72x128xf32, #tpu.memory_space<hbm>> -> memref<72x128xf32, #tpu.memory_space<hbm>>
      %dma_wait3A_94 = arith.constant 0 : i32
      %dma_wait3A_95 = arith.constant 0 : i32
      %dma_wait3A_96 = tpu.memref_slice %arg11[%dma_wait3A_94, %dma_wait3A_95] : memref<80x128xf32, #tpu.memory_space<vmem>> -> memref<72x128xf32, #tpu.memory_space<vmem>>
      tpu.wait_dma2 semaphore(%run_scoped3A : memref<!tpu.dma_semaphore, #tpu.memory_space<semaphore_mem>>) src(%dma_wait3A_96 : memref<72x128xf32, #tpu.memory_space<vmem>>) dst(%dma_wait3A_93 : memref<72x128xf32, #tpu.memory_space<hbm>>)
      tpu.yield
    }) : () -> ()
    "tpu.region"() ({
      %run_scoped3A = tpu.sem_alloc : memref<!tpu.dma_semaphore, #tpu.memory_space<semaphore_mem>>
      %dma_start3A = arith.constant 0 : i32
      %dma_start3A_75 = arith.constant 0 : i32
      %dma_start3A_76 = tpu.memref_slice %arg13[%dma_start3A, %dma_start3A_75] : memref<80x16xf32, #tpu.memory_space<vmem>> -> memref<72x16xf32, #tpu.memory_space<vmem>>
      %dma_start3A_77 = arith.constant 0 : i32
      %dma_start3A_78 = tpu.memref_slice %arg8[%arg0, %add3A_38, %dma_start3A_77] : memref<2x10112x16xf32, #tpu.memory_space<hbm>> -> memref<1x72x16xf32, #tpu.memory_space<hbm>>
      %dma_start3A_79 = tpu.memref_squeeze %dma_start3A_78 : memref<1x72x16xf32, #tpu.memory_space<hbm>> -> memref<72x16xf32, #tpu.memory_space<hbm>>
      %dma_start3A_80 = arith.constant 0 : i32
      %dma_start3A_81 = tpu.memref_slice %arg8[%arg0, %add3A_38, %dma_start3A_80] : memref<2x10112x16xf32, #tpu.memory_space<hbm>> -> memref<1x72x16xf32, #tpu.memory_space<hbm>>
      %dma_start3A_82 = tpu.memref_squeeze %dma_start3A_81 : memref<1x72x16xf32, #tpu.memory_space<hbm>> -> memref<72x16xf32, #tpu.memory_space<hbm>>
      %dma_start3A_83 = arith.constant 0 : i32
      %dma_start3A_84 = arith.constant 0 : i32
      %dma_start3A_85 = tpu.memref_slice %arg13[%dma_start3A_83, %dma_start3A_84] : memref<80x16xf32, #tpu.memory_space<vmem>> -> memref<72x16xf32, #tpu.memory_space<vmem>>
      tpu.enqueue_dma source(%dma_start3A_85 : memref<72x16xf32, #tpu.memory_space<vmem>>) target(%dma_start3A_82 : memref<72x16xf32, #tpu.memory_space<hbm>>) target_semaphore(%run_scoped3A : memref<!tpu.dma_semaphore, #tpu.memory_space<semaphore_mem>>)
      %dma_wait3A = arith.constant 0 : i32
      %dma_wait3A_86 = arith.constant 0 : i32
      %dma_wait3A_87 = tpu.memref_slice %arg13[%dma_wait3A, %dma_wait3A_86] : memref<80x16xf32, #tpu.memory_space<vmem>> -> memref<72x16xf32, #tpu.memory_space<vmem>>
      %dma_wait3A_88 = arith.constant 0 : i32
      %dma_wait3A_89 = tpu.memref_slice %arg8[%arg0, %add3A_38, %dma_wait3A_88] : memref<2x10112x16xf32, #tpu.memory_space<hbm>> -> memref<1x72x16xf32, #tpu.memory_space<hbm>>
      %dma_wait3A_90 = tpu.memref_squeeze %dma_wait3A_89 : memref<1x72x16xf32, #tpu.memory_space<hbm>> -> memref<72x16xf32, #tpu.memory_space<hbm>>
      %dma_wait3A_91 = arith.constant 0 : i32
      %dma_wait3A_92 = tpu.memref_slice %arg8[%arg0, %add3A_38, %dma_wait3A_91] : memref<2x10112x16xf32, #tpu.memory_space<hbm>> -> memref<1x72x16xf32, #tpu.memory_space<hbm>>
      %dma_wait3A_93 = tpu.memref_squeeze %dma_wait3A_92 : memref<1x72x16xf32, #tpu.memory_space<hbm>> -> memref<72x16xf32, #tpu.memory_space<hbm>>
      %dma_wait3A_94 = arith.constant 0 : i32
      %dma_wait3A_95 = arith.constant 0 : i32
      %dma_wait3A_96 = tpu.memref_slice %arg13[%dma_wait3A_94, %dma_wait3A_95] : memref<80x16xf32, #tpu.memory_space<vmem>> -> memref<72x16xf32, #tpu.memory_space<vmem>>
      tpu.wait_dma2 semaphore(%run_scoped3A : memref<!tpu.dma_semaphore, #tpu.memory_space<semaphore_mem>>) src(%dma_wait3A_96 : memref<72x16xf32, #tpu.memory_space<vmem>>) dst(%dma_wait3A_93 : memref<72x16xf32, #tpu.memory_space<hbm>>)
      tpu.yield
    }) : () -> ()
    %scan3A_67 = arith.constant 0 : i32
    %scan3A_68 = arith.constant 0.0883883461 : f32
    %scan3A_69 = arith.constant 0 : i32
    %scan3A_70 = arith.constant 125 : i32
    %scan3A_71 = arith.addi %scan3A_69, %scan3A_70 : i32
    %scan3A_72 = arith.constant 1 : i32
    scf.for %scan3A_75 = %scan3A_69 to %scan3A_71 step %scan3A_72  : i32 {
      %mul3A_76 = arith.constant 32 : i32
      %mul3A_77 = arith.muli %scan3A_75, %mul3A_76 : i32
      %add3A_78 = arith.addi %mul3A_77, %add3A : i32
      %lt3A = arith.constant 4000 : i32
      %lt3A_79 = arith.cmpi slt, %add3A_78, %lt3A : i32
      %convert_element_type3A = arith.extui %lt3A_79 : i1 to i32
      %cond3A = arith.constant 0 : i32
      %cond3A_80 = arith.cmpi ne, %convert_element_type3A, %cond3A : i32
      scf.if %cond3A_80 {
        %mul3A_81 = arith.constant 80 : i32
        %mul3A_82 = arith.muli %add3A_78, %mul3A_81 : i32
        "tpu.region"() ({
          %run_scoped3A = tpu.sem_alloc : memref<!tpu.dma_semaphore, #tpu.memory_space<semaphore_mem>>
          %dma_start3A_111 = tpu.memref_slice %arg6[%mul3A_82] : memref<320000xi32, #tpu.memory_space<hbm>> -> memref<80xi32, #tpu.memory_space<hbm>>
          %dma_start3A_112 = tpu.memref_slice %arg6[%mul3A_82] : memref<320000xi32, #tpu.memory_space<hbm>> -> memref<80xi32, #tpu.memory_space<hbm>>
          tpu.enqueue_dma source(%dma_start3A_112 : memref<80xi32, #tpu.memory_space<hbm>>) target(%arg10 : memref<80xi32, #tpu.memory_space<vmem>>) target_semaphore(%run_scoped3A : memref<!tpu.dma_semaphore, #tpu.memory_space<semaphore_mem>>)
          %dma_wait3A_113 = tpu.memref_slice %arg6[%mul3A_82] : memref<320000xi32, #tpu.memory_space<hbm>> -> memref<80xi32, #tpu.memory_space<hbm>>
          %dma_wait3A_114 = tpu.memref_slice %arg6[%mul3A_82] : memref<320000xi32, #tpu.memory_space<hbm>> -> memref<80xi32, #tpu.memory_space<hbm>>
          tpu.wait_dma2 semaphore(%run_scoped3A : memref<!tpu.dma_semaphore, #tpu.memory_space<semaphore_mem>>) src(%dma_wait3A_114 : memref<80xi32, #tpu.memory_space<hbm>>) dst(%arg10 : memref<80xi32, #tpu.memory_space<vmem>>)
          tpu.yield
        }) : () -> ()
        "tpu.region"() ({
          %run_scoped3A = tpu.sem_alloc : memref<!tpu.dma_semaphore, #tpu.memory_space<semaphore_mem>>
          %dma_start3A_111 = tpu.memref_slice %arg5[%mul3A_82] : memref<320000xi32, #tpu.memory_space<hbm>> -> memref<80xi32, #tpu.memory_space<hbm>>
          %dma_start3A_112 = tpu.memref_slice %arg5[%mul3A_82] : memref<320000xi32, #tpu.memory_space<hbm>> -> memref<80xi32, #tpu.memory_space<hbm>>
          tpu.enqueue_dma source(%dma_start3A_112 : memref<80xi32, #tpu.memory_space<hbm>>) target(%arg9 : memref<80xi32, #tpu.memory_space<vmem>>) target_semaphore(%run_scoped3A : memref<!tpu.dma_semaphore, #tpu.memory_space<semaphore_mem>>)
          %dma_wait3A_113 = tpu.memref_slice %arg5[%mul3A_82] : memref<320000xi32, #tpu.memory_space<hbm>> -> memref<80xi32, #tpu.memory_space<hbm>>
          %dma_wait3A_114 = tpu.memref_slice %arg5[%mul3A_82] : memref<320000xi32, #tpu.memory_space<hbm>> -> memref<80xi32, #tpu.memory_space<hbm>>
          tpu.wait_dma2 semaphore(%run_scoped3A : memref<!tpu.dma_semaphore, #tpu.memory_space<semaphore_mem>>) src(%dma_wait3A_114 : memref<80xi32, #tpu.memory_space<hbm>>) dst(%arg9 : memref<80xi32, #tpu.memory_space<vmem>>)
          tpu.yield
        }) : () -> ()
        %dma_start3A = arith.constant 0 : i32
        %dma_start3A_83 = arith.constant 0 : i32
        %dma_start3A_84 = tpu.memref_slice %arg2[%dma_start3A, %dma_start3A_83] : memref<10000x128xf32, #tpu.memory_space<hbm>> -> memref<10000x128xf32, #tpu.memory_space<hbm>>
        tpu.enqueue_indirect_dma source(%dma_start3A_84 : memref<10000x128xf32, #tpu.memory_space<hbm>>) target(%arg11 : memref<80x128xf32, #tpu.memory_space<vmem>>) offsets(%arg10 : memref<80xi32, #tpu.memory_space<vmem>>) semaphore(%arg16 : memref<!tpu.dma_semaphore, #tpu.memory_space<semaphore_mem>>)
        %dma_start3A_85 = arith.constant 0 : i32
        %dma_start3A_86 = arith.constant 0 : i32
        %dma_start3A_87 = tpu.memref_slice %arg3[%dma_start3A_85, %dma_start3A_86] : memref<10000x128xf32, #tpu.memory_space<hbm>> -> memref<10000x128xf32, #tpu.memory_space<hbm>>
        tpu.enqueue_indirect_dma source(%dma_start3A_87 : memref<10000x128xf32, #tpu.memory_space<hbm>>) target(%arg12 : memref<80x128xf32, #tpu.memory_space<vmem>>) offsets(%arg9 : memref<80xi32, #tpu.memory_space<vmem>>) semaphore(%arg17 : memref<!tpu.dma_semaphore, #tpu.memory_space<semaphore_mem>>)
        %dma_wait3A = arith.constant 0 : i32
        %dma_wait3A_88 = arith.constant 0 : i32
        %dma_wait3A_89 = tpu.memref_slice %arg2[%dma_wait3A, %dma_wait3A_88] : memref<10000x128xf32, #tpu.memory_space<hbm>> -> memref<10000x128xf32, #tpu.memory_space<hbm>>
        tpu.wait_indirect_dma semaphore(%arg16 : memref<!tpu.dma_semaphore, #tpu.memory_space<semaphore_mem>>) src(%dma_wait3A_89 : memref<10000x128xf32, #tpu.memory_space<hbm>>) dst(%arg11 : memref<80x128xf32, #tpu.memory_space<vmem>>)
        %dma_wait3A_90 = arith.constant 0 : i32
        %dma_wait3A_91 = arith.constant 0 : i32
        %dma_wait3A_92 = tpu.memref_slice %arg3[%dma_wait3A_90, %dma_wait3A_91] : memref<10000x128xf32, #tpu.memory_space<hbm>> -> memref<10000x128xf32, #tpu.memory_space<hbm>>
        tpu.wait_indirect_dma semaphore(%arg17 : memref<!tpu.dma_semaphore, #tpu.memory_space<semaphore_mem>>) src(%dma_wait3A_92 : memref<10000x128xf32, #tpu.memory_space<hbm>>) dst(%arg12 : memref<80x128xf32, #tpu.memory_space<vmem>>)
        %scan3A_93 = arith.constant 0 : i32
        %scan3A_94 = arith.constant 0 : i32
        %scan3A_95 = arith.constant 80 : i32
        %scan3A_96 = arith.addi %scan3A_94, %scan3A_95 : i32
        %scan3A_97 = arith.constant 1 : i32
        scf.for %scan3A_111 = %scan3A_94 to %scan3A_96 step %scan3A_97  : i32 {
          %get3A = arith.index_cast %scan3A_111 : i32 to index
          %get3A_112 = arith.constant 0 : index
          %get3A_113 = tpu.vector_load %arg11[%get3A, %get3A_112] {strides = array<i32>} : memref<80x128xf32, #tpu.memory_space<vmem>>, vector<16xf32>,
          %get3A_114 = arith.index_cast %scan3A_111 : i32 to index
          %get3A_115 = arith.constant 0 : index
          %get3A_116 = tpu.vector_load %arg12[%get3A_114, %get3A_115] {strides = array<i32>} : memref<80x128xf32, #tpu.memory_space<vmem>>, vector<16xf32>,
          %mul3A_117 = arith.mulf %get3A_113, %get3A_116 : vector<16xf32>
          %get3A_118 = arith.index_cast %scan3A_111 : i32 to index
          %get3A_119 = arith.constant 16 : index
          %get3A_120 = tpu.vector_load %arg11[%get3A_118, %get3A_119] {strides = array<i32>} : memref<80x128xf32, #tpu.memory_space<vmem>>, vector<16xf32>,
          %get3A_121 = arith.index_cast %scan3A_111 : i32 to index
          %get3A_122 = arith.constant 16 : index
          %get3A_123 = tpu.vector_load %arg12[%get3A_121, %get3A_122] {strides = array<i32>} : memref<80x128xf32, #tpu.memory_space<vmem>>, vector<16xf32>,
          %mul3A_124 = arith.mulf %get3A_120, %get3A_123 : vector<16xf32>
          %add3A_125 = arith.addf %mul3A_117, %mul3A_124 : vector<16xf32>
          %get3A_126 = arith.index_cast %scan3A_111 : i32 to index
          %get3A_127 = arith.constant 32 : index
          %get3A_128 = tpu.vector_load %arg11[%get3A_126, %get3A_127] {strides = array<i32>} : memref<80x128xf32, #tpu.memory_space<vmem>>, vector<16xf32>,
          %get3A_129 = arith.index_cast %scan3A_111 : i32 to index
          %get3A_130 = arith.constant 32 : index
          %get3A_131 = tpu.vector_load %arg12[%get3A_129, %get3A_130] {strides = array<i32>} : memref<80x128xf32, #tpu.memory_space<vmem>>, vector<16xf32>,
          %mul3A_132 = arith.mulf %get3A_128, %get3A_131 : vector<16xf32>
          %add3A_133 = arith.addf %add3A_125, %mul3A_132 : vector<16xf32>
          %get3A_134 = arith.index_cast %scan3A_111 : i32 to index
          %get3A_135 = arith.constant 48 : index
          %get3A_136 = tpu.vector_load %arg11[%get3A_134, %get3A_135] {strides = array<i32>} : memref<80x128xf32, #tpu.memory_space<vmem>>, vector<16xf32>,
          %get3A_137 = arith.index_cast %scan3A_111 : i32 to index
          %get3A_138 = arith.constant 48 : index
          %get3A_139 = tpu.vector_load %arg12[%get3A_137, %get3A_138] {strides = array<i32>} : memref<80x128xf32, #tpu.memory_space<vmem>>, vector<16xf32>,
          %mul3A_140 = arith.mulf %get3A_136, %get3A_139 : vector<16xf32>
          %add3A_141 = arith.addf %add3A_133, %mul3A_140 : vector<16xf32>
          %get3A_142 = arith.index_cast %scan3A_111 : i32 to index
          %get3A_143 = arith.constant 64 : index
          %get3A_144 = tpu.vector_load %arg11[%get3A_142, %get3A_143] {strides = array<i32>} : memref<80x128xf32, #tpu.memory_space<vmem>>, vector<16xf32>,
          %get3A_145 = arith.index_cast %scan3A_111 : i32 to index
          %get3A_146 = arith.constant 64 : index
          %get3A_147 = tpu.vector_load %arg12[%get3A_145, %get3A_146] {strides = array<i32>} : memref<80x128xf32, #tpu.memory_space<vmem>>, vector<16xf32>,
          %mul3A_148 = arith.mulf %get3A_144, %get3A_147 : vector<16xf32>
          %add3A_149 = arith.addf %add3A_141, %mul3A_148 : vector<16xf32>
          %get3A_150 = arith.index_cast %scan3A_111 : i32 to index
          %get3A_151 = arith.constant 80 : index
          %get3A_152 = tpu.vector_load %arg11[%get3A_150, %get3A_151] {strides = array<i32>} : memref<80x128xf32, #tpu.memory_space<vmem>>, vector<16xf32>,
          %get3A_153 = arith.index_cast %scan3A_111 : i32 to index
          %get3A_154 = arith.constant 80 : index
          %get3A_155 = tpu.vector_load %arg12[%get3A_153, %get3A_154] {strides = array<i32>} : memref<80x128xf32, #tpu.memory_space<vmem>>, vector<16xf32>,
          %mul3A_156 = arith.mulf %get3A_152, %get3A_155 : vector<16xf32>
          %add3A_157 = arith.addf %add3A_149, %mul3A_156 : vector<16xf32>
          %get3A_158 = arith.index_cast %scan3A_111 : i32 to index
          %get3A_159 = arith.constant 96 : index
          %get3A_160 = tpu.vector_load %arg11[%get3A_158, %get3A_159] {strides = array<i32>} : memref<80x128xf32, #tpu.memory_space<vmem>>, vector<16xf32>,
          %get3A_161 = arith.index_cast %scan3A_111 : i32 to index
          %get3A_162 = arith.constant 96 : index
          %get3A_163 = tpu.vector_load %arg12[%get3A_161, %get3A_162] {strides = array<i32>} : memref<80x128xf32, #tpu.memory_space<vmem>>, vector<16xf32>,
          %mul3A_164 = arith.mulf %get3A_160, %get3A_163 : vector<16xf32>
          %add3A_165 = arith.addf %add3A_157, %mul3A_164 : vector<16xf32>
          %get3A_166 = arith.index_cast %scan3A_111 : i32 to index
          %get3A_167 = arith.constant 112 : index
          %get3A_168 = tpu.vector_load %arg11[%get3A_166, %get3A_167] {strides = array<i32>} : memref<80x128xf32, #tpu.memory_space<vmem>>, vector<16xf32>,
          %get3A_169 = arith.index_cast %scan3A_111 : i32 to index
          %get3A_170 = arith.constant 112 : index
          %get3A_171 = tpu.vector_load %arg12[%get3A_169, %get3A_170] {strides = array<i32>} : memref<80x128xf32, #tpu.memory_space<vmem>>, vector<16xf32>,
          %mul3A_172 = arith.mulf %get3A_168, %get3A_171 : vector<16xf32>
          %add3A_173 = arith.addf %add3A_165, %mul3A_172 : vector<16xf32>
          %reduce_sum3A = arith.constant true
          %reduce_sum3A_174 = vector.broadcast %reduce_sum3A : i1 to vector<16xi1>
          %reduce_sum3A_175 = tpu.scan <sum>, %add3A_173 masked %reduce_sum3A_174 : vector<16xf32>, vector<16xi1> -> vector<16xf32>
          %reduce_sum3A_176 = vector.extract %reduce_sum3A_175[15] : f32 from vector<16xf32>
          %mul3A_177 = arith.mulf %reduce_sum3A_176, %scan3A_68 : f32
          %broadcast_in_dim3A_178 = vector.broadcast %mul3A_177 : f32 to vector<16xf32>
          %exp3A = math.exp %broadcast_in_dim3A_178 : vector<16xf32>
          %swap3A = arith.index_cast %scan3A_111 : i32 to index
          %swap3A_179 = arith.constant 0 : index
          %swap3A_180 = tpu.vector_load %arg13[%swap3A, %swap3A_179] {strides = array<i32>} : memref<80x16xf32, #tpu.memory_space<vmem>>, vector<16xf32>,
          tpu.vector_store %arg13[%swap3A, %swap3A_179], %exp3A {strides = array<i32>} : memref<80x16xf32, #tpu.memory_space<vmem>>, vector<16xf32>,
        }
        %scan3A_98 = arith.constant 80 : i32
        %dma_start3A_99 = arith.constant 0 : i32
        %dma_start3A_100 = arith.constant 0 : i32
        %dma_start3A_101 = tpu.memref_slice %arg4[%dma_start3A_99, %dma_start3A_100] : memref<10000x128xf32, #tpu.memory_space<hbm>> -> memref<10000x128xf32, #tpu.memory_space<hbm>>
        tpu.enqueue_indirect_dma source(%dma_start3A_101 : memref<10000x128xf32, #tpu.memory_space<hbm>>) target(%arg11 : memref<80x128xf32, #tpu.memory_space<vmem>>) offsets(%arg9 : memref<80xi32, #tpu.memory_space<vmem>>) semaphore(%arg16 : memref<!tpu.dma_semaphore, #tpu.memory_space<semaphore_mem>>)
        %dma_wait3A_102 = arith.constant 0 : i32
        %dma_wait3A_103 = arith.constant 0 : i32
        %dma_wait3A_104 = tpu.memref_slice %arg4[%dma_wait3A_102, %dma_wait3A_103] : memref<10000x128xf32, #tpu.memory_space<hbm>> -> memref<10000x128xf32, #tpu.memory_space<hbm>>
        tpu.wait_indirect_dma semaphore(%arg16 : memref<!tpu.dma_semaphore, #tpu.memory_space<semaphore_mem>>) src(%dma_wait3A_104 : memref<10000x128xf32, #tpu.memory_space<hbm>>) dst(%arg11 : memref<80x128xf32, #tpu.memory_space<vmem>>)
        %scan3A_105 = arith.constant 0 : i32
        %scan3A_106 = arith.constant 0 : i32
        %scan3A_107 = arith.constant 80 : i32
        %scan3A_108 = arith.addi %scan3A_106, %scan3A_107 : i32
        %scan3A_109 = arith.constant 1 : i32
        scf.for %scan3A_111 = %scan3A_106 to %scan3A_108 step %scan3A_109  : i32 {
          %get3A = arith.index_cast %scan3A_111 : i32 to index
          %get3A_112 = arith.constant 0 : index
          %get3A_113 = tpu.vector_load %arg13[%get3A, %get3A_112] {strides = array<i32>} : memref<80x16xf32, #tpu.memory_space<vmem>>, vector<16xf32>,
          %get3A_114 = arith.index_cast %scan3A_111 : i32 to index
          %get3A_115 = arith.constant 0 : index
          %get3A_116 = tpu.vector_load %arg11[%get3A_114, %get3A_115] {strides = array<i32>} : memref<80x128xf32, #tpu.memory_space<vmem>>, vector<16xf32>,
          %mul3A_117 = arith.mulf %get3A_116, %get3A_113 : vector<16xf32>
          %swap3A = arith.index_cast %scan3A_111 : i32 to index
          %swap3A_118 = arith.constant 0 : index
          %swap3A_119 = tpu.vector_load %arg11[%swap3A, %swap3A_118] {strides = array<i32>} : memref<80x128xf32, #tpu.memory_space<vmem>>, vector<16xf32>,
          tpu.vector_store %arg11[%swap3A, %swap3A_118], %mul3A_117 {strides = array<i32>} : memref<80x128xf32, #tpu.memory_space<vmem>>, vector<16xf32>,
          %get3A_120 = arith.index_cast %scan3A_111 : i32 to index
          %get3A_121 = arith.constant 16 : index
          %get3A_122 = tpu.vector_load %arg11[%get3A_120, %get3A_121] {strides = array<i32>} : memref<80x128xf32, #tpu.memory_space<vmem>>, vector<16xf32>,
          %mul3A_123 = arith.mulf %get3A_122, %get3A_113 : vector<16xf32>
          %swap3A_124 = arith.index_cast %scan3A_111 : i32 to index
          %swap3A_125 = arith.constant 16 : index
          %swap3A_126 = tpu.vector_load %arg11[%swap3A_124, %swap3A_125] {strides = array<i32>} : memref<80x128xf32, #tpu.memory_space<vmem>>, vector<16xf32>,
          tpu.vector_store %arg11[%swap3A_124, %swap3A_125], %mul3A_123 {strides = array<i32>} : memref<80x128xf32, #tpu.memory_space<vmem>>, vector<16xf32>,
          %get3A_127 = arith.index_cast %scan3A_111 : i32 to index
          %get3A_128 = arith.constant 32 : index
          %get3A_129 = tpu.vector_load %arg11[%get3A_127, %get3A_128] {strides = array<i32>} : memref<80x128xf32, #tpu.memory_space<vmem>>, vector<16xf32>,
          %mul3A_130 = arith.mulf %get3A_129, %get3A_113 : vector<16xf32>
          %swap3A_131 = arith.index_cast %scan3A_111 : i32 to index
          %swap3A_132 = arith.constant 32 : index
          %swap3A_133 = tpu.vector_load %arg11[%swap3A_131, %swap3A_132] {strides = array<i32>} : memref<80x128xf32, #tpu.memory_space<vmem>>, vector<16xf32>,
          tpu.vector_store %arg11[%swap3A_131, %swap3A_132], %mul3A_130 {strides = array<i32>} : memref<80x128xf32, #tpu.memory_space<vmem>>, vector<16xf32>,
          %get3A_134 = arith.index_cast %scan3A_111 : i32 to index
          %get3A_135 = arith.constant 48 : index
          %get3A_136 = tpu.vector_load %arg11[%get3A_134, %get3A_135] {strides = array<i32>} : memref<80x128xf32, #tpu.memory_space<vmem>>, vector<16xf32>,
          %mul3A_137 = arith.mulf %get3A_136, %get3A_113 : vector<16xf32>
          %swap3A_138 = arith.index_cast %scan3A_111 : i32 to index
          %swap3A_139 = arith.constant 48 : index
          %swap3A_140 = tpu.vector_load %arg11[%swap3A_138, %swap3A_139] {strides = array<i32>} : memref<80x128xf32, #tpu.memory_space<vmem>>, vector<16xf32>,
          tpu.vector_store %arg11[%swap3A_138, %swap3A_139], %mul3A_137 {strides = array<i32>} : memref<80x128xf32, #tpu.memory_space<vmem>>, vector<16xf32>,
          %get3A_141 = arith.index_cast %scan3A_111 : i32 to index
          %get3A_142 = arith.constant 64 : index
          %get3A_143 = tpu.vector_load %arg11[%get3A_141, %get3A_142] {strides = array<i32>} : memref<80x128xf32, #tpu.memory_space<vmem>>, vector<16xf32>,
          %mul3A_144 = arith.mulf %get3A_143, %get3A_113 : vector<16xf32>
          %swap3A_145 = arith.index_cast %scan3A_111 : i32 to index
          %swap3A_146 = arith.constant 64 : index
          %swap3A_147 = tpu.vector_load %arg11[%swap3A_145, %swap3A_146] {strides = array<i32>} : memref<80x128xf32, #tpu.memory_space<vmem>>, vector<16xf32>,
          tpu.vector_store %arg11[%swap3A_145, %swap3A_146], %mul3A_144 {strides = array<i32>} : memref<80x128xf32, #tpu.memory_space<vmem>>, vector<16xf32>,
          %get3A_148 = arith.index_cast %scan3A_111 : i32 to index
          %get3A_149 = arith.constant 80 : index
          %get3A_150 = tpu.vector_load %arg11[%get3A_148, %get3A_149] {strides = array<i32>} : memref<80x128xf32, #tpu.memory_space<vmem>>, vector<16xf32>,
          %mul3A_151 = arith.mulf %get3A_150, %get3A_113 : vector<16xf32>
          %swap3A_152 = arith.index_cast %scan3A_111 : i32 to index
          %swap3A_153 = arith.constant 80 : index
          %swap3A_154 = tpu.vector_load %arg11[%swap3A_152, %swap3A_153] {strides = array<i32>} : memref<80x128xf32, #tpu.memory_space<vmem>>, vector<16xf32>,
          tpu.vector_store %arg11[%swap3A_152, %swap3A_153], %mul3A_151 {strides = array<i32>} : memref<80x128xf32, #tpu.memory_space<vmem>>, vector<16xf32>,
          %get3A_155 = arith.index_cast %scan3A_111 : i32 to index
          %get3A_156 = arith.constant 96 : index
          %get3A_157 = tpu.vector_load %arg11[%get3A_155, %get3A_156] {strides = array<i32>} : memref<80x128xf32, #tpu.memory_space<vmem>>, vector<16xf32>,
          %mul3A_158 = arith.mulf %get3A_157, %get3A_113 : vector<16xf32>
          %swap3A_159 = arith.index_cast %scan3A_111 : i32 to index
          %swap3A_160 = arith.constant 96 : index
          %swap3A_161 = tpu.vector_load %arg11[%swap3A_159, %swap3A_160] {strides = array<i32>} : memref<80x128xf32, #tpu.memory_space<vmem>>, vector<16xf32>,
          tpu.vector_store %arg11[%swap3A_159, %swap3A_160], %mul3A_158 {strides = array<i32>} : memref<80x128xf32, #tpu.memory_space<vmem>>, vector<16xf32>,
          %get3A_162 = arith.index_cast %scan3A_111 : i32 to index
          %get3A_163 = arith.constant 112 : index
          %get3A_164 = tpu.vector_load %arg11[%get3A_162, %get3A_163] {strides = array<i32>} : memref<80x128xf32, #tpu.memory_space<vmem>>, vector<16xf32>,
          %mul3A_165 = arith.mulf %get3A_164, %get3A_113 : vector<16xf32>
          %swap3A_166 = arith.index_cast %scan3A_111 : i32 to index
          %swap3A_167 = arith.constant 112 : index
          %swap3A_168 = tpu.vector_load %arg11[%swap3A_166, %swap3A_167] {strides = array<i32>} : memref<80x128xf32, #tpu.memory_space<vmem>>, vector<16xf32>,
          tpu.vector_store %arg11[%swap3A_166, %swap3A_167], %mul3A_165 {strides = array<i32>} : memref<80x128xf32, #tpu.memory_space<vmem>>, vector<16xf32>,
        }
        %scan3A_110 = arith.constant 80 : i32
        "tpu.region"() ({
          %run_scoped3A = tpu.sem_alloc : memref<!tpu.dma_semaphore, #tpu.memory_space<semaphore_mem>>
          %dma_start3A_111 = arith.constant 0 : i32
          %dma_start3A_112 = arith.constant 0 : i32
          %dma_start3A_113 = tpu.memref_slice %arg14[%dma_start3A_111, %dma_start3A_112] : memref<10112x128xf32, #tpu.memory_space<vmem_shared>> -> memref<10112x128xf32, #tpu.memory_space<vmem_shared>>
          tpu.enqueue_indirect_dma source(%arg11 : memref<80x128xf32, #tpu.memory_space<vmem>>) target(%dma_start3A_113 : memref<10112x128xf32, #tpu.memory_space<vmem_shared>>) offsets(%arg10 : memref<80xi32, #tpu.memory_space<vmem>>) semaphore(%run_scoped3A : memref<!tpu.dma_semaphore, #tpu.memory_space<semaphore_mem>>) {add = true}
          %dma_wait3A_114 = arith.constant 0 : i32
          %dma_wait3A_115 = arith.constant 0 : i32
          %dma_wait3A_116 = tpu.memref_slice %arg14[%dma_wait3A_114, %dma_wait3A_115] : memref<10112x128xf32, #tpu.memory_space<vmem_shared>> -> memref<10112x128xf32, #tpu.memory_space<vmem_shared>>
          tpu.wait_indirect_dma semaphore(%run_scoped3A : memref<!tpu.dma_semaphore, #tpu.memory_space<semaphore_mem>>) src(%arg11 : memref<80x128xf32, #tpu.memory_space<vmem>>) dst(%dma_wait3A_116 : memref<10112x128xf32, #tpu.memory_space<vmem_shared>>)
          tpu.yield
        }) : () -> ()
        "tpu.region"() ({
          %run_scoped3A = tpu.sem_alloc : memref<!tpu.dma_semaphore, #tpu.memory_space<semaphore_mem>>
          %dma_start3A_111 = arith.constant 0 : i32
          %dma_start3A_112 = arith.constant 0 : i32
          %dma_start3A_113 = tpu.memref_slice %arg15[%dma_start3A_111, %dma_start3A_112] : memref<10112x16xf32, #tpu.memory_space<vmem_shared>> -> memref<10112x16xf32, #tpu.memory_space<vmem_shared>>
          tpu.enqueue_indirect_dma source(%arg13 : memref<80x16xf32, #tpu.memory_space<vmem>>) target(%dma_start3A_113 : memref<10112x16xf32, #tpu.memory_space<vmem_shared>>) offsets(%arg10 : memref<80xi32, #tpu.memory_space<vmem>>) semaphore(%run_scoped3A : memref<!tpu.dma_semaphore, #tpu.memory_space<semaphore_mem>>) {add = true}
          %dma_wait3A_114 = arith.constant 0 : i32
          %dma_wait3A_115 = arith.constant 0 : i32
          %dma_wait3A_116 = tpu.memref_slice %arg15[%dma_wait3A_114, %dma_wait3A_115] : memref<10112x16xf32, #tpu.memory_space<vmem_shared>> -> memref<10112x16xf32, #tpu.memory_space<vmem_shared>>
          tpu.wait_indirect_dma semaphore(%run_scoped3A : memref<!tpu.dma_semaphore, #tpu.memory_space<semaphore_mem>>) src(%arg13 : memref<80x16xf32, #tpu.memory_space<vmem>>) dst(%dma_wait3A_116 : memref<10112x16xf32, #tpu.memory_space<vmem_shared>>)
          tpu.yield
        }) : () -> ()
      } else {
      }
    }
    %scan3A_73 = arith.constant 125 : i32
    %barrier3A_74 = arith.constant 0 : index
    tpu.barrier barrier_id(%barrier3A_74)
    "tpu.region"() ({
      %run_scoped3A = tpu.sem_alloc : memref<!tpu.dma_semaphore, #tpu.memory_space<semaphore_mem>>
      %dma_start3A = arith.constant 0 : i32
      %dma_start3A_75 = tpu.memref_slice %arg7[%arg0, %mul3A_8, %dma_start3A] : memref<2x10112x128xf32, #tpu.memory_space<hbm>> -> memref<1x632x128xf32, #tpu.memory_space<hbm>>
      %dma_start3A_76 = tpu.memref_squeeze %dma_start3A_75 : memref<1x632x128xf32, #tpu.memory_space<hbm>> -> memref<632x128xf32, #tpu.memory_space<hbm>>
      %dma_start3A_77 = arith.constant 0 : i32
      %dma_start3A_78 = tpu.memref_slice %arg14[%mul3A_8, %dma_start3A_77] : memref<10112x128xf32, #tpu.memory_space<vmem_shared>> -> memref<632x128xf32, #tpu.memory_space<vmem_shared>>
      tpu.enqueue_dma source(%dma_start3A_78 : memref<632x128xf32, #tpu.memory_space<vmem_shared>>) target(%dma_start3A_76 : memref<632x128xf32, #tpu.memory_space<hbm>>) target_semaphore(%run_scoped3A : memref<!tpu.dma_semaphore, #tpu.memory_space<semaphore_mem>>)
      %dma_wait3A = arith.constant 0 : i32
      %dma_wait3A_79 = tpu.memref_slice %arg7[%arg0, %mul3A_8, %dma_wait3A] : memref<2x10112x128xf32, #tpu.memory_space<hbm>> -> memref<1x632x128xf32, #tpu.memory_space<hbm>>
      %dma_wait3A_80 = tpu.memref_squeeze %dma_wait3A_79 : memref<1x632x128xf32, #tpu.memory_space<hbm>> -> memref<632x128xf32, #tpu.memory_space<hbm>>
      %dma_wait3A_81 = arith.constant 0 : i32
      %dma_wait3A_82 = tpu.memref_slice %arg14[%mul3A_8, %dma_wait3A_81] : memref<10112x128xf32, #tpu.memory_space<vmem_shared>> -> memref<632x128xf32, #tpu.memory_space<vmem_shared>>
      tpu.wait_dma2 semaphore(%run_scoped3A : memref<!tpu.dma_semaphore, #tpu.memory_space<semaphore_mem>>) src(%dma_wait3A_82 : memref<632x128xf32, #tpu.memory_space<vmem_shared>>) dst(%dma_wait3A_80 : memref<632x128xf32, #tpu.memory_space<hbm>>)
      tpu.yield
    }) : () -> ()
    "tpu.region"() ({
      %run_scoped3A = tpu.sem_alloc : memref<!tpu.dma_semaphore, #tpu.memory_space<semaphore_mem>>
      %dma_start3A = arith.constant 0 : i32
      %dma_start3A_75 = tpu.memref_slice %arg8[%arg0, %mul3A_8, %dma_start3A] : memref<2x10112x16xf32, #tpu.memory_space<hbm>> -> memref<1x632x16xf32, #tpu.memory_space<hbm>>
      %dma_start3A_76 = tpu.memref_squeeze %dma_start3A_75 : memref<1x632x16xf32, #tpu.memory_space<hbm>> -> memref<632x16xf32, #tpu.memory_space<hbm>>
      %dma_start3A_77 = arith.constant 0 : i32
      %dma_start3A_78 = tpu.memref_slice %arg15[%mul3A_8, %dma_start3A_77] : memref<10112x16xf32, #tpu.memory_space<vmem_shared>> -> memref<632x16xf32, #tpu.memory_space<vmem_shared>>
      tpu.enqueue_dma source(%dma_start3A_78 : memref<632x16xf32, #tpu.memory_space<vmem_shared>>) target(%dma_start3A_76 : memref<632x16xf32, #tpu.memory_space<hbm>>) target_semaphore(%run_scoped3A : memref<!tpu.dma_semaphore, #tpu.memory_space<semaphore_mem>>)
      %dma_wait3A = arith.constant 0 : i32
      %dma_wait3A_79 = tpu.memref_slice %arg8[%arg0, %mul3A_8, %dma_wait3A] : memref<2x10112x16xf32, #tpu.memory_space<hbm>> -> memref<1x632x16xf32, #tpu.memory_space<hbm>>
      %dma_wait3A_80 = tpu.memref_squeeze %dma_wait3A_79 : memref<1x632x16xf32, #tpu.memory_space<hbm>> -> memref<632x16xf32, #tpu.memory_space<hbm>>
      %dma_wait3A_81 = arith.constant 0 : i32
      %dma_wait3A_82 = tpu.memref_slice %arg15[%mul3A_8, %dma_wait3A_81] : memref<10112x16xf32, #tpu.memory_space<vmem_shared>> -> memref<632x16xf32, #tpu.memory_space<vmem_shared>>
      tpu.wait_dma2 semaphore(%run_scoped3A : memref<!tpu.dma_semaphore, #tpu.memory_space<semaphore_mem>>) src(%dma_wait3A_82 : memref<632x16xf32, #tpu.memory_space<vmem_shared>>) dst(%dma_wait3A_80 : memref<632x16xf32, #tpu.memory_space<hbm>>)
      tpu.yield
    }) : () -> ()
    return
  }
}

#map = affine_map<(d0, d1) -> (0, 0)>
#map1 = affine_map<(d0, d1) -> (0)>
#map2 = affine_map<(d0, d1) -> (0, 0, 0)>
module attributes {stable_mosaic.version = 14 : i64} {
  func.func @_edge_body(%arg0: i32, %arg1: i32, %arg2: memref<10000x128xf32, #tpu.memory_space<hbm>>, %arg3: memref<10000x128xf32, #tpu.memory_space<hbm>>, %arg4: memref<10000x128xf32, #tpu.memory_space<hbm>>, %arg5: memref<320000xi32, #tpu.memory_space<hbm>>, %arg6: memref<320000xi32, #tpu.memory_space<hbm>>, %arg7: memref<2x10112x128xf32, #tpu.memory_space<hbm>>, %arg8: memref<2x10112x16xf32, #tpu.memory_space<hbm>>, %arg9: memref<80xi32, #tpu.memory_space<vmem>>, %arg10: memref<80xi32, #tpu.memory_space<vmem>>, %arg11: memref<80x128xf32, #tpu.memory_space<vmem>>, %arg12: memref<80x128xf32, #tpu.memory_space<vmem>>, %arg13: memref<80x16xf32, #tpu.memory_space<vmem>>, %arg14: memref<10112x128xf32, #tpu.memory_space<vmem_shared>>, %arg15: memref<10112x16xf32, #tpu.memory_space<vmem_shared>>, %arg16: memref<!tpu.dma_semaphore, #tpu.memory_space<semaphore_mem>>, %arg17: memref<!tpu.dma_semaphore, #tpu.memory_space<semaphore_mem>>) attributes {dimension_semantics = [#tpu.dimension_semantics<core_parallel>, #tpu.dimension_semantics<subcore_parallel>], iteration_bounds = array<i64: 2, 16>, scalar_prefetch = 0 : i64, scratch_operands = 9 : i64, tpu.core_type = #tpu.core_type<sc_vector_subcore>, window_params = [{transform_indices = #map}, {transform_indices = #map}, {transform_indices = #map}, {transform_indices = #map1}, {transform_indices = #map1}, {transform_indices = #map2}, {transform_indices = #map2}]} {
    %mul3A = arith.constant 2 : i32
    %mul3A_0 = arith.muli %arg1, %mul3A : i32
    %add3A = arith.addi %mul3A_0, %arg0 : i32
    %broadcast_in_dim3A = arith.constant 0.000000e+00 : f32
    %broadcast_in_dim3A_1 = vector.broadcast %broadcast_in_dim3A : f32 to vector<16xf32>
    %scan3A = arith.constant 0 : i32
    %scan3A_2 = arith.constant 0 : i32
    %scan3A_3 = arith.constant 80 : i32
    %scan3A_4 = arith.addi %scan3A_2, %scan3A_3 : i32
    %scan3A_5 = arith.constant 1 : i32
    scf.for %scan3A_75 = %scan3A_2 to %scan3A_4 step %scan3A_5  : i32 {
      %swap3A = arith.index_cast %scan3A_75 : i32 to index
      %swap3A_76 = arith.constant 0 : index
      %swap3A_77 = tpu.vector_load %arg13[%swap3A, %swap3A_76] {strides = array<i32>} : memref<80x16xf32, #tpu.memory_space<vmem>>, vector<16xf32>,
      tpu.vector_store %arg13[%swap3A, %swap3A_76], %broadcast_in_dim3A_1 {strides = array<i32>} : memref<80x16xf32, #tpu.memory_space<vmem>>, vector<16xf32>,
      %swap3A_78 = arith.index_cast %scan3A_75 : i32 to index
      %swap3A_79 = arith.constant 0 : index
      %swap3A_80 = tpu.vector_load %arg11[%swap3A_78, %swap3A_79] {strides = array<i32>} : memref<80x128xf32, #tpu.memory_space<vmem>>, vector<16xf32>,
      tpu.vector_store %arg11[%swap3A_78, %swap3A_79], %broadcast_in_dim3A_1 {strides = array<i32>} : memref<80x128xf32, #tpu.memory_space<vmem>>, vector<16xf32>,
      %swap3A_81 = arith.index_cast %scan3A_75 : i32 to index
      %swap3A_82 = arith.constant 16 : index
      %swap3A_83 = tpu.vector_load %arg11[%swap3A_81, %swap3A_82] {strides = array<i32>} : memref<80x128xf32, #tpu.memory_space<vmem>>, vector<16xf32>,
      tpu.vector_store %arg11[%swap3A_81, %swap3A_82], %broadcast_in_dim3A_1 {strides = array<i32>} : memref<80x128xf32, #tpu.memory_space<vmem>>, vector<16xf32>,
      %swap3A_84 = arith.index_cast %scan3A_75 : i32 to index
      %swap3A_85 = arith.constant 32 : index
      %swap3A_86 = tpu.vector_load %arg11[%swap3A_84, %swap3A_85] {strides = array<i32>} : memref<80x128xf32, #tpu.memory_space<vmem>>, vector<16xf32>,
      tpu.vector_store %arg11[%swap3A_84, %swap3A_85], %broadcast_in_dim3A_1 {strides = array<i32>} : memref<80x128xf32, #tpu.memory_space<vmem>>, vector<16xf32>,
      %swap3A_87 = arith.index_cast %scan3A_75 : i32 to index
      %swap3A_88 = arith.constant 48 : index
      %swap3A_89 = tpu.vector_load %arg11[%swap3A_87, %swap3A_88] {strides = array<i32>} : memref<80x128xf32, #tpu.memory_space<vmem>>, vector<16xf32>,
      tpu.vector_store %arg11[%swap3A_87, %swap3A_88], %broadcast_in_dim3A_1 {strides = array<i32>} : memref<80x128xf32, #tpu.memory_space<vmem>>, vector<16xf32>,
      %swap3A_90 = arith.index_cast %scan3A_75 : i32 to index
      %swap3A_91 = arith.constant 64 : index
      %swap3A_92 = tpu.vector_load %arg11[%swap3A_90, %swap3A_91] {strides = array<i32>} : memref<80x128xf32, #tpu.memory_space<vmem>>, vector<16xf32>,
      tpu.vector_store %arg11[%swap3A_90, %swap3A_91], %broadcast_in_dim3A_1 {strides = array<i32>} : memref<80x128xf32, #tpu.memory_space<vmem>>, vector<16xf32>,
      %swap3A_93 = arith.index_cast %scan3A_75 : i32 to index
      %swap3A_94 = arith.constant 80 : index
      %swap3A_95 = tpu.vector_load %arg11[%swap3A_93, %swap3A_94] {strides = array<i32>} : memref<80x128xf32, #tpu.memory_space<vmem>>, vector<16xf32>,
      tpu.vector_store %arg11[%swap3A_93, %swap3A_94], %broadcast_in_dim3A_1 {strides = array<i32>} : memref<80x128xf32, #tpu.memory_space<vmem>>, vector<16xf32>,
      %swap3A_96 = arith.index_cast %scan3A_75 : i32 to index
      %swap3A_97 = arith.constant 96 : index
      %swap3A_98 = tpu.vector_load %arg11[%swap3A_96, %swap3A_97] {strides = array<i32>} : memref<80x128xf32, #tpu.memory_space<vmem>>, vector<16xf32>,
      tpu.vector_store %arg11[%swap3A_96, %swap3A_97], %broadcast_in_dim3A_1 {strides = array<i32>} : memref<80x128xf32, #tpu.memory_space<vmem>>, vector<16xf32>,
      %swap3A_99 = arith.index_cast %scan3A_75 : i32 to index
      %swap3A_100 = arith.constant 112 : index
      %swap3A_101 = tpu.vector_load %arg11[%swap3A_99, %swap3A_100] {strides = array<i32>} : memref<80x128xf32, #tpu.memory_space<vmem>>, vector<16xf32>,
      tpu.vector_store %arg11[%swap3A_99, %swap3A_100], %broadcast_in_dim3A_1 {strides = array<i32>} : memref<80x128xf32, #tpu.memory_space<vmem>>, vector<16xf32>,
    }
    %scan3A_6 = arith.constant 80 : i32
    %mul3A_7 = arith.constant 632 : i32
    %mul3A_8 = arith.muli %arg1, %mul3A_7 : i32
    %add3A_9 = arith.constant 0 : i32
    %add3A_10 = arith.addi %mul3A_8, %add3A_9 : i32
    "tpu.region"() ({
      %run_scoped3A = tpu.sem_alloc : memref<!tpu.dma_semaphore, #tpu.memory_space<semaphore_mem>>
      %dma_start3A = arith.constant 0 : i32
      %dma_start3A_75 = tpu.memref_slice %arg14[%add3A_10, %dma_start3A] : memref<10112x128xf32, #tpu.memory_space<vmem_shared>> -> memref<80x128xf32, #tpu.memory_space<vmem_shared>>
      %dma_start3A_76 = arith.constant 0 : i32
      %dma_start3A_77 = tpu.memref_slice %arg14[%add3A_10, %dma_start3A_76] : memref<10112x128xf32, #tpu.memory_space<vmem_shared>> -> memref<80x128xf32, #tpu.memory_space<vmem_shared>>
      tpu.enqueue_dma source(%arg11 : memref<80x128xf32, #tpu.memory_space<vmem>>) target(%dma_start3A_77 : memref<80x128xf32, #tpu.memory_space<vmem_shared>>) target_semaphore(%run_scoped3A : memref<!tpu.dma_semaphore, #tpu.memory_space<semaphore_mem>>)
      %dma_wait3A = arith.constant 0 : i32
      %dma_wait3A_78 = tpu.memref_slice %arg14[%add3A_10, %dma_wait3A] : memref<10112x128xf32, #tpu.memory_space<vmem_shared>> -> memref<80x128xf32, #tpu.memory_space<vmem_shared>>
      %dma_wait3A_79 = arith.constant 0 : i32
      %dma_wait3A_80 = tpu.memref_slice %arg14[%add3A_10, %dma_wait3A_79] : memref<10112x128xf32, #tpu.memory_space<vmem_shared>> -> memref<80x128xf32, #tpu.memory_space<vmem_shared>>
      tpu.wait_dma2 semaphore(%run_scoped3A : memref<!tpu.dma_semaphore, #tpu.memory_space<semaphore_mem>>) src(%arg11 : memref<80x128xf32, #tpu.memory_space<vmem>>) dst(%dma_wait3A_80 : memref<80x128xf32, #tpu.memory_space<vmem_shared>>)
      tpu.yield
    }) : () -> ()
    %add3A_11 = arith.constant 0 : i32
    %add3A_12 = arith.addi %mul3A_8, %add3A_11 : i32
    "tpu.region"() ({
      %run_scoped3A = tpu.sem_alloc : memref<!tpu.dma_semaphore, #tpu.memory_space<semaphore_mem>>
      %dma_start3A = arith.constant 0 : i32
      %dma_start3A_75 = tpu.memref_slice %arg15[%add3A_12, %dma_start3A] : memref<10112x16xf32, #tpu.memory_space<vmem_shared>> -> memref<80x16xf32, #tpu.memory_space<vmem_shared>>
      %dma_start3A_76 = arith.constant 0 : i32
      %dma_start3A_77 = tpu.memref_slice %arg15[%add3A_12, %dma_start3A_76] : memref<10112x16xf32, #tpu.memory_space<vmem_shared>> -> memref<80x16xf32, #tpu.memory_space<vmem_shared>>
      tpu.enqueue_dma source(%arg13 : memref<80x16xf32, #tpu.memory_space<vmem>>) target(%dma_start3A_77 : memref<80x16xf32, #tpu.memory_space<vmem_shared>>) target_semaphore(%run_scoped3A : memref<!tpu.dma_semaphore, #tpu.memory_space<semaphore_mem>>)
      %dma_wait3A = arith.constant 0 : i32
      %dma_wait3A_78 = tpu.memref_slice %arg15[%add3A_12, %dma_wait3A] : memref<10112x16xf32, #tpu.memory_space<vmem_shared>> -> memref<80x16xf32, #tpu.memory_space<vmem_shared>>
      %dma_wait3A_79 = arith.constant 0 : i32
      %dma_wait3A_80 = tpu.memref_slice %arg15[%add3A_12, %dma_wait3A_79] : memref<10112x16xf32, #tpu.memory_space<vmem_shared>> -> memref<80x16xf32, #tpu.memory_space<vmem_shared>>
      tpu.wait_dma2 semaphore(%run_scoped3A : memref<!tpu.dma_semaphore, #tpu.memory_space<semaphore_mem>>) src(%arg13 : memref<80x16xf32, #tpu.memory_space<vmem>>) dst(%dma_wait3A_80 : memref<80x16xf32, #tpu.memory_space<vmem_shared>>)
      tpu.yield
    }) : () -> ()
    %add3A_13 = arith.constant 80 : i32
    %add3A_14 = arith.addi %mul3A_8, %add3A_13 : i32
    "tpu.region"() ({
      %run_scoped3A = tpu.sem_alloc : memref<!tpu.dma_semaphore, #tpu.memory_space<semaphore_mem>>
      %dma_start3A = arith.constant 0 : i32
      %dma_start3A_75 = tpu.memref_slice %arg14[%add3A_14, %dma_start3A] : memref<10112x128xf32, #tpu.memory_space<vmem_shared>> -> memref<80x128xf32, #tpu.memory_space<vmem_shared>>
      %dma_start3A_76 = arith.constant 0 : i32
      %dma_start3A_77 = tpu.memref_slice %arg14[%add3A_14, %dma_start3A_76] : memref<10112x128xf32, #tpu.memory_space<vmem_shared>> -> memref<80x128xf32, #tpu.memory_space<vmem_shared>>
      tpu.enqueue_dma source(%arg11 : memref<80x128xf32, #tpu.memory_space<vmem>>) target(%dma_start3A_77 : memref<80x128xf32, #tpu.memory_space<vmem_shared>>) target_semaphore(%run_scoped3A : memref<!tpu.dma_semaphore, #tpu.memory_space<semaphore_mem>>)
      %dma_wait3A = arith.constant 0 : i32
      %dma_wait3A_78 = tpu.memref_slice %arg14[%add3A_14, %dma_wait3A] : memref<10112x128xf32, #tpu.memory_space<vmem_shared>> -> memref<80x128xf32, #tpu.memory_space<vmem_shared>>
      %dma_wait3A_79 = arith.constant 0 : i32
      %dma_wait3A_80 = tpu.memref_slice %arg14[%add3A_14, %dma_wait3A_79] : memref<10112x128xf32, #tpu.memory_space<vmem_shared>> -> memref<80x128xf32, #tpu.memory_space<vmem_shared>>
      tpu.wait_dma2 semaphore(%run_scoped3A : memref<!tpu.dma_semaphore, #tpu.memory_space<semaphore_mem>>) src(%arg11 : memref<80x128xf32, #tpu.memory_space<vmem>>) dst(%dma_wait3A_80 : memref<80x128xf32, #tpu.memory_space<vmem_shared>>)
      tpu.yield
    }) : () -> ()
    %add3A_15 = arith.constant 80 : i32
    %add3A_16 = arith.addi %mul3A_8, %add3A_15 : i32
    "tpu.region"() ({
      %run_scoped3A = tpu.sem_alloc : memref<!tpu.dma_semaphore, #tpu.memory_space<semaphore_mem>>
      %dma_start3A = arith.constant 0 : i32
      %dma_start3A_75 = tpu.memref_slice %arg15[%add3A_16, %dma_start3A] : memref<10112x16xf32, #tpu.memory_space<vmem_shared>> -> memref<80x16xf32, #tpu.memory_space<vmem_shared>>
      %dma_start3A_76 = arith.constant 0 : i32
      %dma_start3A_77 = tpu.memref_slice %arg15[%add3A_16, %dma_start3A_76] : memref<10112x16xf32, #tpu.memory_space<vmem_shared>> -> memref<80x16xf32, #tpu.memory_space<vmem_shared>>
      tpu.enqueue_dma source(%arg13 : memref<80x16xf32, #tpu.memory_space<vmem>>) target(%dma_start3A_77 : memref<80x16xf32, #tpu.memory_space<vmem_shared>>) target_semaphore(%run_scoped3A : memref<!tpu.dma_semaphore, #tpu.memory_space<semaphore_mem>>)
      %dma_wait3A = arith.constant 0 : i32
      %dma_wait3A_78 = tpu.memref_slice %arg15[%add3A_16, %dma_wait3A] : memref<10112x16xf32, #tpu.memory_space<vmem_shared>> -> memref<80x16xf32, #tpu.memory_space<vmem_shared>>
      %dma_wait3A_79 = arith.constant 0 : i32
      %dma_wait3A_80 = tpu.memref_slice %arg15[%add3A_16, %dma_wait3A_79] : memref<10112x16xf32, #tpu.memory_space<vmem_shared>> -> memref<80x16xf32, #tpu.memory_space<vmem_shared>>
      tpu.wait_dma2 semaphore(%run_scoped3A : memref<!tpu.dma_semaphore, #tpu.memory_space<semaphore_mem>>) src(%arg13 : memref<80x16xf32, #tpu.memory_space<vmem>>) dst(%dma_wait3A_80 : memref<80x16xf32, #tpu.memory_space<vmem_shared>>)
      tpu.yield
    }) : () -> ()
    %add3A_17 = arith.constant 160 : i32
    %add3A_18 = arith.addi %mul3A_8, %add3A_17 : i32
    "tpu.region"() ({
      %run_scoped3A = tpu.sem_alloc : memref<!tpu.dma_semaphore, #tpu.memory_space<semaphore_mem>>
      %dma_start3A = arith.constant 0 : i32
      %dma_start3A_75 = tpu.memref_slice %arg14[%add3A_18, %dma_start3A] : memref<10112x128xf32, #tpu.memory_space<vmem_shared>> -> memref<80x128xf32, #tpu.memory_space<vmem_shared>>
      %dma_start3A_76 = arith.constant 0 : i32
      %dma_start3A_77 = tpu.memref_slice %arg14[%add3A_18, %dma_start3A_76] : memref<10112x128xf32, #tpu.memory_space<vmem_shared>> -> memref<80x128xf32, #tpu.memory_space<vmem_shared>>
      tpu.enqueue_dma source(%arg11 : memref<80x128xf32, #tpu.memory_space<vmem>>) target(%dma_start3A_77 : memref<80x128xf32, #tpu.memory_space<vmem_shared>>) target_semaphore(%run_scoped3A : memref<!tpu.dma_semaphore, #tpu.memory_space<semaphore_mem>>)
      %dma_wait3A = arith.constant 0 : i32
      %dma_wait3A_78 = tpu.memref_slice %arg14[%add3A_18, %dma_wait3A] : memref<10112x128xf32, #tpu.memory_space<vmem_shared>> -> memref<80x128xf32, #tpu.memory_space<vmem_shared>>
      %dma_wait3A_79 = arith.constant 0 : i32
      %dma_wait3A_80 = tpu.memref_slice %arg14[%add3A_18, %dma_wait3A_79] : memref<10112x128xf32, #tpu.memory_space<vmem_shared>> -> memref<80x128xf32, #tpu.memory_space<vmem_shared>>
      tpu.wait_dma2 semaphore(%run_scoped3A : memref<!tpu.dma_semaphore, #tpu.memory_space<semaphore_mem>>) src(%arg11 : memref<80x128xf32, #tpu.memory_space<vmem>>) dst(%dma_wait3A_80 : memref<80x128xf32, #tpu.memory_space<vmem_shared>>)
      tpu.yield
    }) : () -> ()
    %add3A_19 = arith.constant 160 : i32
    %add3A_20 = arith.addi %mul3A_8, %add3A_19 : i32
    "tpu.region"() ({
      %run_scoped3A = tpu.sem_alloc : memref<!tpu.dma_semaphore, #tpu.memory_space<semaphore_mem>>
      %dma_start3A = arith.constant 0 : i32
      %dma_start3A_75 = tpu.memref_slice %arg15[%add3A_20, %dma_start3A] : memref<10112x16xf32, #tpu.memory_space<vmem_shared>> -> memref<80x16xf32, #tpu.memory_space<vmem_shared>>
      %dma_start3A_76 = arith.constant 0 : i32
      %dma_start3A_77 = tpu.memref_slice %arg15[%add3A_20, %dma_start3A_76] : memref<10112x16xf32, #tpu.memory_space<vmem_shared>> -> memref<80x16xf32, #tpu.memory_space<vmem_shared>>
      tpu.enqueue_dma source(%arg13 : memref<80x16xf32, #tpu.memory_space<vmem>>) target(%dma_start3A_77 : memref<80x16xf32, #tpu.memory_space<vmem_shared>>) target_semaphore(%run_scoped3A : memref<!tpu.dma_semaphore, #tpu.memory_space<semaphore_mem>>)
      %dma_wait3A = arith.constant 0 : i32
      %dma_wait3A_78 = tpu.memref_slice %arg15[%add3A_20, %dma_wait3A] : memref<10112x16xf32, #tpu.memory_space<vmem_shared>> -> memref<80x16xf32, #tpu.memory_space<vmem_shared>>
      %dma_wait3A_79 = arith.constant 0 : i32
      %dma_wait3A_80 = tpu.memref_slice %arg15[%add3A_20, %dma_wait3A_79] : memref<10112x16xf32, #tpu.memory_space<vmem_shared>> -> memref<80x16xf32, #tpu.memory_space<vmem_shared>>
      tpu.wait_dma2 semaphore(%run_scoped3A : memref<!tpu.dma_semaphore, #tpu.memory_space<semaphore_mem>>) src(%arg13 : memref<80x16xf32, #tpu.memory_space<vmem>>) dst(%dma_wait3A_80 : memref<80x16xf32, #tpu.memory_space<vmem_shared>>)
      tpu.yield
    }) : () -> ()
    %add3A_21 = arith.constant 240 : i32
    %add3A_22 = arith.addi %mul3A_8, %add3A_21 : i32
    "tpu.region"() ({
      %run_scoped3A = tpu.sem_alloc : memref<!tpu.dma_semaphore, #tpu.memory_space<semaphore_mem>>
      %dma_start3A = arith.constant 0 : i32
      %dma_start3A_75 = tpu.memref_slice %arg14[%add3A_22, %dma_start3A] : memref<10112x128xf32, #tpu.memory_space<vmem_shared>> -> memref<80x128xf32, #tpu.memory_space<vmem_shared>>
      %dma_start3A_76 = arith.constant 0 : i32
      %dma_start3A_77 = tpu.memref_slice %arg14[%add3A_22, %dma_start3A_76] : memref<10112x128xf32, #tpu.memory_space<vmem_shared>> -> memref<80x128xf32, #tpu.memory_space<vmem_shared>>
      tpu.enqueue_dma source(%arg11 : memref<80x128xf32, #tpu.memory_space<vmem>>) target(%dma_start3A_77 : memref<80x128xf32, #tpu.memory_space<vmem_shared>>) target_semaphore(%run_scoped3A : memref<!tpu.dma_semaphore, #tpu.memory_space<semaphore_mem>>)
      %dma_wait3A = arith.constant 0 : i32
      %dma_wait3A_78 = tpu.memref_slice %arg14[%add3A_22, %dma_wait3A] : memref<10112x128xf32, #tpu.memory_space<vmem_shared>> -> memref<80x128xf32, #tpu.memory_space<vmem_shared>>
      %dma_wait3A_79 = arith.constant 0 : i32
      %dma_wait3A_80 = tpu.memref_slice %arg14[%add3A_22, %dma_wait3A_79] : memref<10112x128xf32, #tpu.memory_space<vmem_shared>> -> memref<80x128xf32, #tpu.memory_space<vmem_shared>>
      tpu.wait_dma2 semaphore(%run_scoped3A : memref<!tpu.dma_semaphore, #tpu.memory_space<semaphore_mem>>) src(%arg11 : memref<80x128xf32, #tpu.memory_space<vmem>>) dst(%dma_wait3A_80 : memref<80x128xf32, #tpu.memory_space<vmem_shared>>)
      tpu.yield
    }) : () -> ()
    %add3A_23 = arith.constant 240 : i32
    %add3A_24 = arith.addi %mul3A_8, %add3A_23 : i32
    "tpu.region"() ({
      %run_scoped3A = tpu.sem_alloc : memref<!tpu.dma_semaphore, #tpu.memory_space<semaphore_mem>>
      %dma_start3A = arith.constant 0 : i32
      %dma_start3A_75 = tpu.memref_slice %arg15[%add3A_24, %dma_start3A] : memref<10112x16xf32, #tpu.memory_space<vmem_shared>> -> memref<80x16xf32, #tpu.memory_space<vmem_shared>>
      %dma_start3A_76 = arith.constant 0 : i32
      %dma_start3A_77 = tpu.memref_slice %arg15[%add3A_24, %dma_start3A_76] : memref<10112x16xf32, #tpu.memory_space<vmem_shared>> -> memref<80x16xf32, #tpu.memory_space<vmem_shared>>
      tpu.enqueue_dma source(%arg13 : memref<80x16xf32, #tpu.memory_space<vmem>>) target(%dma_start3A_77 : memref<80x16xf32, #tpu.memory_space<vmem_shared>>) target_semaphore(%run_scoped3A : memref<!tpu.dma_semaphore, #tpu.memory_space<semaphore_mem>>)
      %dma_wait3A = arith.constant 0 : i32
      %dma_wait3A_78 = tpu.memref_slice %arg15[%add3A_24, %dma_wait3A] : memref<10112x16xf32, #tpu.memory_space<vmem_shared>> -> memref<80x16xf32, #tpu.memory_space<vmem_shared>>
      %dma_wait3A_79 = arith.constant 0 : i32
      %dma_wait3A_80 = tpu.memref_slice %arg15[%add3A_24, %dma_wait3A_79] : memref<10112x16xf32, #tpu.memory_space<vmem_shared>> -> memref<80x16xf32, #tpu.memory_space<vmem_shared>>
      tpu.wait_dma2 semaphore(%run_scoped3A : memref<!tpu.dma_semaphore, #tpu.memory_space<semaphore_mem>>) src(%arg13 : memref<80x16xf32, #tpu.memory_space<vmem>>) dst(%dma_wait3A_80 : memref<80x16xf32, #tpu.memory_space<vmem_shared>>)
      tpu.yield
    }) : () -> ()
    %add3A_25 = arith.constant 320 : i32
    %add3A_26 = arith.addi %mul3A_8, %add3A_25 : i32
    "tpu.region"() ({
      %run_scoped3A = tpu.sem_alloc : memref<!tpu.dma_semaphore, #tpu.memory_space<semaphore_mem>>
      %dma_start3A = arith.constant 0 : i32
      %dma_start3A_75 = tpu.memref_slice %arg14[%add3A_26, %dma_start3A] : memref<10112x128xf32, #tpu.memory_space<vmem_shared>> -> memref<80x128xf32, #tpu.memory_space<vmem_shared>>
      %dma_start3A_76 = arith.constant 0 : i32
      %dma_start3A_77 = tpu.memref_slice %arg14[%add3A_26, %dma_start3A_76] : memref<10112x128xf32, #tpu.memory_space<vmem_shared>> -> memref<80x128xf32, #tpu.memory_space<vmem_shared>>
      tpu.enqueue_dma source(%arg11 : memref<80x128xf32, #tpu.memory_space<vmem>>) target(%dma_start3A_77 : memref<80x128xf32, #tpu.memory_space<vmem_shared>>) target_semaphore(%run_scoped3A : memref<!tpu.dma_semaphore, #tpu.memory_space<semaphore_mem>>)
      %dma_wait3A = arith.constant 0 : i32
      %dma_wait3A_78 = tpu.memref_slice %arg14[%add3A_26, %dma_wait3A] : memref<10112x128xf32, #tpu.memory_space<vmem_shared>> -> memref<80x128xf32, #tpu.memory_space<vmem_shared>>
      %dma_wait3A_79 = arith.constant 0 : i32
      %dma_wait3A_80 = tpu.memref_slice %arg14[%add3A_26, %dma_wait3A_79] : memref<10112x128xf32, #tpu.memory_space<vmem_shared>> -> memref<80x128xf32, #tpu.memory_space<vmem_shared>>
      tpu.wait_dma2 semaphore(%run_scoped3A : memref<!tpu.dma_semaphore, #tpu.memory_space<semaphore_mem>>) src(%arg11 : memref<80x128xf32, #tpu.memory_space<vmem>>) dst(%dma_wait3A_80 : memref<80x128xf32, #tpu.memory_space<vmem_shared>>)
      tpu.yield
    }) : () -> ()
    %add3A_27 = arith.constant 320 : i32
    %add3A_28 = arith.addi %mul3A_8, %add3A_27 : i32
    "tpu.region"() ({
      %run_scoped3A = tpu.sem_alloc : memref<!tpu.dma_semaphore, #tpu.memory_space<semaphore_mem>>
      %dma_start3A = arith.constant 0 : i32
      %dma_start3A_75 = tpu.memref_slice %arg15[%add3A_28, %dma_start3A] : memref<10112x16xf32, #tpu.memory_space<vmem_shared>> -> memref<80x16xf32, #tpu.memory_space<vmem_shared>>
      %dma_start3A_76 = arith.constant 0 : i32
      %dma_start3A_77 = tpu.memref_slice %arg15[%add3A_28, %dma_start3A_76] : memref<10112x16xf32, #tpu.memory_space<vmem_shared>> -> memref<80x16xf32, #tpu.memory_space<vmem_shared>>
      tpu.enqueue_dma source(%arg13 : memref<80x16xf32, #tpu.memory_space<vmem>>) target(%dma_start3A_77 : memref<80x16xf32, #tpu.memory_space<vmem_shared>>) target_semaphore(%run_scoped3A : memref<!tpu.dma_semaphore, #tpu.memory_space<semaphore_mem>>)
      %dma_wait3A = arith.constant 0 : i32
      %dma_wait3A_78 = tpu.memref_slice %arg15[%add3A_28, %dma_wait3A] : memref<10112x16xf32, #tpu.memory_space<vmem_shared>> -> memref<80x16xf32, #tpu.memory_space<vmem_shared>>
      %dma_wait3A_79 = arith.constant 0 : i32
      %dma_wait3A_80 = tpu.memref_slice %arg15[%add3A_28, %dma_wait3A_79] : memref<10112x16xf32, #tpu.memory_space<vmem_shared>> -> memref<80x16xf32, #tpu.memory_space<vmem_shared>>
      tpu.wait_dma2 semaphore(%run_scoped3A : memref<!tpu.dma_semaphore, #tpu.memory_space<semaphore_mem>>) src(%arg13 : memref<80x16xf32, #tpu.memory_space<vmem>>) dst(%dma_wait3A_80 : memref<80x16xf32, #tpu.memory_space<vmem_shared>>)
      tpu.yield
    }) : () -> ()
    %add3A_29 = arith.constant 400 : i32
    %add3A_30 = arith.addi %mul3A_8, %add3A_29 : i32
    "tpu.region"() ({
      %run_scoped3A = tpu.sem_alloc : memref<!tpu.dma_semaphore, #tpu.memory_space<semaphore_mem>>
      %dma_start3A = arith.constant 0 : i32
      %dma_start3A_75 = tpu.memref_slice %arg14[%add3A_30, %dma_start3A] : memref<10112x128xf32, #tpu.memory_space<vmem_shared>> -> memref<80x128xf32, #tpu.memory_space<vmem_shared>>
      %dma_start3A_76 = arith.constant 0 : i32
      %dma_start3A_77 = tpu.memref_slice %arg14[%add3A_30, %dma_start3A_76] : memref<10112x128xf32, #tpu.memory_space<vmem_shared>> -> memref<80x128xf32, #tpu.memory_space<vmem_shared>>
      tpu.enqueue_dma source(%arg11 : memref<80x128xf32, #tpu.memory_space<vmem>>) target(%dma_start3A_77 : memref<80x128xf32, #tpu.memory_space<vmem_shared>>) target_semaphore(%run_scoped3A : memref<!tpu.dma_semaphore, #tpu.memory_space<semaphore_mem>>)
      %dma_wait3A = arith.constant 0 : i32
      %dma_wait3A_78 = tpu.memref_slice %arg14[%add3A_30, %dma_wait3A] : memref<10112x128xf32, #tpu.memory_space<vmem_shared>> -> memref<80x128xf32, #tpu.memory_space<vmem_shared>>
      %dma_wait3A_79 = arith.constant 0 : i32
      %dma_wait3A_80 = tpu.memref_slice %arg14[%add3A_30, %dma_wait3A_79] : memref<10112x128xf32, #tpu.memory_space<vmem_shared>> -> memref<80x128xf32, #tpu.memory_space<vmem_shared>>
      tpu.wait_dma2 semaphore(%run_scoped3A : memref<!tpu.dma_semaphore, #tpu.memory_space<semaphore_mem>>) src(%arg11 : memref<80x128xf32, #tpu.memory_space<vmem>>) dst(%dma_wait3A_80 : memref<80x128xf32, #tpu.memory_space<vmem_shared>>)
      tpu.yield
    }) : () -> ()
    %add3A_31 = arith.constant 400 : i32
    %add3A_32 = arith.addi %mul3A_8, %add3A_31 : i32
    "tpu.region"() ({
      %run_scoped3A = tpu.sem_alloc : memref<!tpu.dma_semaphore, #tpu.memory_space<semaphore_mem>>
      %dma_start3A = arith.constant 0 : i32
      %dma_start3A_75 = tpu.memref_slice %arg15[%add3A_32, %dma_start3A] : memref<10112x16xf32, #tpu.memory_space<vmem_shared>> -> memref<80x16xf32, #tpu.memory_space<vmem_shared>>
      %dma_start3A_76 = arith.constant 0 : i32
      %dma_start3A_77 = tpu.memref_slice %arg15[%add3A_32, %dma_start3A_76] : memref<10112x16xf32, #tpu.memory_space<vmem_shared>> -> memref<80x16xf32, #tpu.memory_space<vmem_shared>>
      tpu.enqueue_dma source(%arg13 : memref<80x16xf32, #tpu.memory_space<vmem>>) target(%dma_start3A_77 : memref<80x16xf32, #tpu.memory_space<vmem_shared>>) target_semaphore(%run_scoped3A : memref<!tpu.dma_semaphore, #tpu.memory_space<semaphore_mem>>)
      %dma_wait3A = arith.constant 0 : i32
      %dma_wait3A_78 = tpu.memref_slice %arg15[%add3A_32, %dma_wait3A] : memref<10112x16xf32, #tpu.memory_space<vmem_shared>> -> memref<80x16xf32, #tpu.memory_space<vmem_shared>>
      %dma_wait3A_79 = arith.constant 0 : i32
      %dma_wait3A_80 = tpu.memref_slice %arg15[%add3A_32, %dma_wait3A_79] : memref<10112x16xf32, #tpu.memory_space<vmem_shared>> -> memref<80x16xf32, #tpu.memory_space<vmem_shared>>
      tpu.wait_dma2 semaphore(%run_scoped3A : memref<!tpu.dma_semaphore, #tpu.memory_space<semaphore_mem>>) src(%arg13 : memref<80x16xf32, #tpu.memory_space<vmem>>) dst(%dma_wait3A_80 : memref<80x16xf32, #tpu.memory_space<vmem_shared>>)
      tpu.yield
    }) : () -> ()
    %add3A_33 = arith.constant 480 : i32
    %add3A_34 = arith.addi %mul3A_8, %add3A_33 : i32
    "tpu.region"() ({
      %run_scoped3A = tpu.sem_alloc : memref<!tpu.dma_semaphore, #tpu.memory_space<semaphore_mem>>
      %dma_start3A = arith.constant 0 : i32
      %dma_start3A_75 = tpu.memref_slice %arg14[%add3A_34, %dma_start3A] : memref<10112x128xf32, #tpu.memory_space<vmem_shared>> -> memref<80x128xf32, #tpu.memory_space<vmem_shared>>
      %dma_start3A_76 = arith.constant 0 : i32
      %dma_start3A_77 = tpu.memref_slice %arg14[%add3A_34, %dma_start3A_76] : memref<10112x128xf32, #tpu.memory_space<vmem_shared>> -> memref<80x128xf32, #tpu.memory_space<vmem_shared>>
      tpu.enqueue_dma source(%arg11 : memref<80x128xf32, #tpu.memory_space<vmem>>) target(%dma_start3A_77 : memref<80x128xf32, #tpu.memory_space<vmem_shared>>) target_semaphore(%run_scoped3A : memref<!tpu.dma_semaphore, #tpu.memory_space<semaphore_mem>>)
      %dma_wait3A = arith.constant 0 : i32
      %dma_wait3A_78 = tpu.memref_slice %arg14[%add3A_34, %dma_wait3A] : memref<10112x128xf32, #tpu.memory_space<vmem_shared>> -> memref<80x128xf32, #tpu.memory_space<vmem_shared>>
      %dma_wait3A_79 = arith.constant 0 : i32
      %dma_wait3A_80 = tpu.memref_slice %arg14[%add3A_34, %dma_wait3A_79] : memref<10112x128xf32, #tpu.memory_space<vmem_shared>> -> memref<80x128xf32, #tpu.memory_space<vmem_shared>>
      tpu.wait_dma2 semaphore(%run_scoped3A : memref<!tpu.dma_semaphore, #tpu.memory_space<semaphore_mem>>) src(%arg11 : memref<80x128xf32, #tpu.memory_space<vmem>>) dst(%dma_wait3A_80 : memref<80x128xf32, #tpu.memory_space<vmem_shared>>)
      tpu.yield
    }) : () -> ()
    %add3A_35 = arith.constant 480 : i32
    %add3A_36 = arith.addi %mul3A_8, %add3A_35 : i32
    "tpu.region"() ({
      %run_scoped3A = tpu.sem_alloc : memref<!tpu.dma_semaphore, #tpu.memory_space<semaphore_mem>>
      %dma_start3A = arith.constant 0 : i32
      %dma_start3A_75 = tpu.memref_slice %arg15[%add3A_36, %dma_start3A] : memref<10112x16xf32, #tpu.memory_space<vmem_shared>> -> memref<80x16xf32, #tpu.memory_space<vmem_shared>>
      %dma_start3A_76 = arith.constant 0 : i32
      %dma_start3A_77 = tpu.memref_slice %arg15[%add3A_36, %dma_start3A_76] : memref<10112x16xf32, #tpu.memory_space<vmem_shared>> -> memref<80x16xf32, #tpu.memory_space<vmem_shared>>
      tpu.enqueue_dma source(%arg13 : memref<80x16xf32, #tpu.memory_space<vmem>>) target(%dma_start3A_77 : memref<80x16xf32, #tpu.memory_space<vmem_shared>>) target_semaphore(%run_scoped3A : memref<!tpu.dma_semaphore, #tpu.memory_space<semaphore_mem>>)
      %dma_wait3A = arith.constant 0 : i32
      %dma_wait3A_78 = tpu.memref_slice %arg15[%add3A_36, %dma_wait3A] : memref<10112x16xf32, #tpu.memory_space<vmem_shared>> -> memref<80x16xf32, #tpu.memory_space<vmem_shared>>
      %dma_wait3A_79 = arith.constant 0 : i32
      %dma_wait3A_80 = tpu.memref_slice %arg15[%add3A_36, %dma_wait3A_79] : memref<10112x16xf32, #tpu.memory_space<vmem_shared>> -> memref<80x16xf32, #tpu.memory_space<vmem_shared>>
      tpu.wait_dma2 semaphore(%run_scoped3A : memref<!tpu.dma_semaphore, #tpu.memory_space<semaphore_mem>>) src(%arg13 : memref<80x16xf32, #tpu.memory_space<vmem>>) dst(%dma_wait3A_80 : memref<80x16xf32, #tpu.memory_space<vmem_shared>>)
      tpu.yield
    }) : () -> ()
    %add3A_37 = arith.constant 560 : i32
    %add3A_38 = arith.addi %mul3A_8, %add3A_37 : i32
    "tpu.region"() ({
      %run_scoped3A = tpu.sem_alloc : memref<!tpu.dma_semaphore, #tpu.memory_space<semaphore_mem>>
      %dma_start3A = arith.constant 0 : i32
      %dma_start3A_75 = arith.constant 0 : i32
      %dma_start3A_76 = tpu.memref_slice %arg11[%dma_start3A, %dma_start3A_75] : memref<80x128xf32, #tpu.memory_space<vmem>> -> memref<72x128xf32, #tpu.memory_space<vmem>>
      %dma_start3A_77 = arith.constant 0 : i32
      %dma_start3A_78 = tpu.memref_slice %arg14[%add3A_38, %dma_start3A_77] : memref<10112x128xf32, #tpu.memory_space<vmem_shared>> -> memref<72x128xf32, #tpu.memory_space<vmem_shared>>
      %dma_start3A_79 = arith.constant 0 : i32
      %dma_start3A_80 = tpu.memref_slice %arg14[%add3A_38, %dma_start3A_79] : memref<10112x128xf32, #tpu.memory_space<vmem_shared>> -> memref<72x128xf32, #tpu.memory_space<vmem_shared>>
      %dma_start3A_81 = arith.constant 0 : i32
      %dma_start3A_82 = arith.constant 0 : i32
      %dma_start3A_83 = tpu.memref_slice %arg11[%dma_start3A_81, %dma_start3A_82] : memref<80x128xf32, #tpu.memory_space<vmem>> -> memref<72x128xf32, #tpu.memory_space<vmem>>
      tpu.enqueue_dma source(%dma_start3A_83 : memref<72x128xf32, #tpu.memory_space<vmem>>) target(%dma_start3A_80 : memref<72x128xf32, #tpu.memory_space<vmem_shared>>) target_semaphore(%run_scoped3A : memref<!tpu.dma_semaphore, #tpu.memory_space<semaphore_mem>>)
      %dma_wait3A = arith.constant 0 : i32
      %dma_wait3A_84 = arith.constant 0 : i32
      %dma_wait3A_85 = tpu.memref_slice %arg11[%dma_wait3A, %dma_wait3A_84] : memref<80x128xf32, #tpu.memory_space<vmem>> -> memref<72x128xf32, #tpu.memory_space<vmem>>
      %dma_wait3A_86 = arith.constant 0 : i32
      %dma_wait3A_87 = tpu.memref_slice %arg14[%add3A_38, %dma_wait3A_86] : memref<10112x128xf32, #tpu.memory_space<vmem_shared>> -> memref<72x128xf32, #tpu.memory_space<vmem_shared>>
      %dma_wait3A_88 = arith.constant 0 : i32
      %dma_wait3A_89 = tpu.memref_slice %arg14[%add3A_38, %dma_wait3A_88] : memref<10112x128xf32, #tpu.memory_space<vmem_shared>> -> memref<72x128xf32, #tpu.memory_space<vmem_shared>>
      %dma_wait3A_90 = arith.constant 0 : i32
      %dma_wait3A_91 = arith.constant 0 : i32
      %dma_wait3A_92 = tpu.memref_slice %arg11[%dma_wait3A_90, %dma_wait3A_91] : memref<80x128xf32, #tpu.memory_space<vmem>> -> memref<72x128xf32, #tpu.memory_space<vmem>>
      tpu.wait_dma2 semaphore(%run_scoped3A : memref<!tpu.dma_semaphore, #tpu.memory_space<semaphore_mem>>) src(%dma_wait3A_92 : memref<72x128xf32, #tpu.memory_space<vmem>>) dst(%dma_wait3A_89 : memref<72x128xf32, #tpu.memory_space<vmem_shared>>)
      tpu.yield
    }) : () -> ()
    "tpu.region"() ({
      %run_scoped3A = tpu.sem_alloc : memref<!tpu.dma_semaphore, #tpu.memory_space<semaphore_mem>>
      %dma_start3A = arith.constant 0 : i32
      %dma_start3A_75 = arith.constant 0 : i32
      %dma_start3A_76 = tpu.memref_slice %arg13[%dma_start3A, %dma_start3A_75] : memref<80x16xf32, #tpu.memory_space<vmem>> -> memref<72x16xf32, #tpu.memory_space<vmem>>
      %dma_start3A_77 = arith.constant 0 : i32
      %dma_start3A_78 = tpu.memref_slice %arg15[%add3A_38, %dma_start3A_77] : memref<10112x16xf32, #tpu.memory_space<vmem_shared>> -> memref<72x16xf32, #tpu.memory_space<vmem_shared>>
      %dma_start3A_79 = arith.constant 0 : i32
      %dma_start3A_80 = tpu.memref_slice %arg15[%add3A_38, %dma_start3A_79] : memref<10112x16xf32, #tpu.memory_space<vmem_shared>> -> memref<72x16xf32, #tpu.memory_space<vmem_shared>>
      %dma_start3A_81 = arith.constant 0 : i32
      %dma_start3A_82 = arith.constant 0 : i32
      %dma_start3A_83 = tpu.memref_slice %arg13[%dma_start3A_81, %dma_start3A_82] : memref<80x16xf32, #tpu.memory_space<vmem>> -> memref<72x16xf32, #tpu.memory_space<vmem>>
      tpu.enqueue_dma source(%dma_start3A_83 : memref<72x16xf32, #tpu.memory_space<vmem>>) target(%dma_start3A_80 : memref<72x16xf32, #tpu.memory_space<vmem_shared>>) target_semaphore(%run_scoped3A : memref<!tpu.dma_semaphore, #tpu.memory_space<semaphore_mem>>)
      %dma_wait3A = arith.constant 0 : i32
      %dma_wait3A_84 = arith.constant 0 : i32
      %dma_wait3A_85 = tpu.memref_slice %arg13[%dma_wait3A, %dma_wait3A_84] : memref<80x16xf32, #tpu.memory_space<vmem>> -> memref<72x16xf32, #tpu.memory_space<vmem>>
      %dma_wait3A_86 = arith.constant 0 : i32
      %dma_wait3A_87 = tpu.memref_slice %arg15[%add3A_38, %dma_wait3A_86] : memref<10112x16xf32, #tpu.memory_space<vmem_shared>> -> memref<72x16xf32, #tpu.memory_space<vmem_shared>>
      %dma_wait3A_88 = arith.constant 0 : i32
      %dma_wait3A_89 = tpu.memref_slice %arg15[%add3A_38, %dma_wait3A_88] : memref<10112x16xf32, #tpu.memory_space<vmem_shared>> -> memref<72x16xf32, #tpu.memory_space<vmem_shared>>
      %dma_wait3A_90 = arith.constant 0 : i32
      %dma_wait3A_91 = arith.constant 0 : i32
      %dma_wait3A_92 = tpu.memref_slice %arg13[%dma_wait3A_90, %dma_wait3A_91] : memref<80x16xf32, #tpu.memory_space<vmem>> -> memref<72x16xf32, #tpu.memory_space<vmem>>
      tpu.wait_dma2 semaphore(%run_scoped3A : memref<!tpu.dma_semaphore, #tpu.memory_space<semaphore_mem>>) src(%dma_wait3A_92 : memref<72x16xf32, #tpu.memory_space<vmem>>) dst(%dma_wait3A_89 : memref<72x16xf32, #tpu.memory_space<vmem_shared>>)
      tpu.yield
    }) : () -> ()
    %barrier3A = arith.constant 0 : index
    tpu.barrier barrier_id(%barrier3A)
    %add3A_39 = arith.constant 0 : i32
    %add3A_40 = arith.addi %mul3A_8, %add3A_39 : i32
    "tpu.region"() ({
      %run_scoped3A = tpu.sem_alloc : memref<!tpu.dma_semaphore, #tpu.memory_space<semaphore_mem>>
      %dma_start3A = arith.constant 0 : i32
      %dma_start3A_75 = tpu.memref_slice %arg7[%arg0, %add3A_40, %dma_start3A] : memref<2x10112x128xf32, #tpu.memory_space<hbm>> -> memref<1x80x128xf32, #tpu.memory_space<hbm>>
      %dma_start3A_76 = tpu.memref_squeeze %dma_start3A_75 : memref<1x80x128xf32, #tpu.memory_space<hbm>> -> memref<80x128xf32, #tpu.memory_space<hbm>>
      %dma_start3A_77 = arith.constant 0 : i32
      %dma_start3A_78 = tpu.memref_slice %arg7[%arg0, %add3A_40, %dma_start3A_77] : memref<2x10112x128xf32, #tpu.memory_space<hbm>> -> memref<1x80x128xf32, #tpu.memory_space<hbm>>
      %dma_start3A_79 = tpu.memref_squeeze %dma_start3A_78 : memref<1x80x128xf32, #tpu.memory_space<hbm>> -> memref<80x128xf32, #tpu.memory_space<hbm>>
      tpu.enqueue_dma source(%arg11 : memref<80x128xf32, #tpu.memory_space<vmem>>) target(%dma_start3A_79 : memref<80x128xf32, #tpu.memory_space<hbm>>) target_semaphore(%run_scoped3A : memref<!tpu.dma_semaphore, #tpu.memory_space<semaphore_mem>>)
      %dma_wait3A = arith.constant 0 : i32
      %dma_wait3A_80 = tpu.memref_slice %arg7[%arg0, %add3A_40, %dma_wait3A] : memref<2x10112x128xf32, #tpu.memory_space<hbm>> -> memref<1x80x128xf32, #tpu.memory_space<hbm>>
      %dma_wait3A_81 = tpu.memref_squeeze %dma_wait3A_80 : memref<1x80x128xf32, #tpu.memory_space<hbm>> -> memref<80x128xf32, #tpu.memory_space<hbm>>
      %dma_wait3A_82 = arith.constant 0 : i32
      %dma_wait3A_83 = tpu.memref_slice %arg7[%arg0, %add3A_40, %dma_wait3A_82] : memref<2x10112x128xf32, #tpu.memory_space<hbm>> -> memref<1x80x128xf32, #tpu.memory_space<hbm>>
      %dma_wait3A_84 = tpu.memref_squeeze %dma_wait3A_83 : memref<1x80x128xf32, #tpu.memory_space<hbm>> -> memref<80x128xf32, #tpu.memory_space<hbm>>
      tpu.wait_dma2 semaphore(%run_scoped3A : memref<!tpu.dma_semaphore, #tpu.memory_space<semaphore_mem>>) src(%arg11 : memref<80x128xf32, #tpu.memory_space<vmem>>) dst(%dma_wait3A_84 : memref<80x128xf32, #tpu.memory_space<hbm>>)
      tpu.yield
    }) : () -> ()
    %add3A_41 = arith.constant 0 : i32
    %add3A_42 = arith.addi %mul3A_8, %add3A_41 : i32
    "tpu.region"() ({
      %run_scoped3A = tpu.sem_alloc : memref<!tpu.dma_semaphore, #tpu.memory_space<semaphore_mem>>
      %dma_start3A = arith.constant 0 : i32
      %dma_start3A_75 = tpu.memref_slice %arg8[%arg0, %add3A_42, %dma_start3A] : memref<2x10112x16xf32, #tpu.memory_space<hbm>> -> memref<1x80x16xf32, #tpu.memory_space<hbm>>
      %dma_start3A_76 = tpu.memref_squeeze %dma_start3A_75 : memref<1x80x16xf32, #tpu.memory_space<hbm>> -> memref<80x16xf32, #tpu.memory_space<hbm>>
      %dma_start3A_77 = arith.constant 0 : i32
      %dma_start3A_78 = tpu.memref_slice %arg8[%arg0, %add3A_42, %dma_start3A_77] : memref<2x10112x16xf32, #tpu.memory_space<hbm>> -> memref<1x80x16xf32, #tpu.memory_space<hbm>>
      %dma_start3A_79 = tpu.memref_squeeze %dma_start3A_78 : memref<1x80x16xf32, #tpu.memory_space<hbm>> -> memref<80x16xf32, #tpu.memory_space<hbm>>
      tpu.enqueue_dma source(%arg13 : memref<80x16xf32, #tpu.memory_space<vmem>>) target(%dma_start3A_79 : memref<80x16xf32, #tpu.memory_space<hbm>>) target_semaphore(%run_scoped3A : memref<!tpu.dma_semaphore, #tpu.memory_space<semaphore_mem>>)
      %dma_wait3A = arith.constant 0 : i32
      %dma_wait3A_80 = tpu.memref_slice %arg8[%arg0, %add3A_42, %dma_wait3A] : memref<2x10112x16xf32, #tpu.memory_space<hbm>> -> memref<1x80x16xf32, #tpu.memory_space<hbm>>
      %dma_wait3A_81 = tpu.memref_squeeze %dma_wait3A_80 : memref<1x80x16xf32, #tpu.memory_space<hbm>> -> memref<80x16xf32, #tpu.memory_space<hbm>>
      %dma_wait3A_82 = arith.constant 0 : i32
      %dma_wait3A_83 = tpu.memref_slice %arg8[%arg0, %add3A_42, %dma_wait3A_82] : memref<2x10112x16xf32, #tpu.memory_space<hbm>> -> memref<1x80x16xf32, #tpu.memory_space<hbm>>
      %dma_wait3A_84 = tpu.memref_squeeze %dma_wait3A_83 : memref<1x80x16xf32, #tpu.memory_space<hbm>> -> memref<80x16xf32, #tpu.memory_space<hbm>>
      tpu.wait_dma2 semaphore(%run_scoped3A : memref<!tpu.dma_semaphore, #tpu.memory_space<semaphore_mem>>) src(%arg13 : memref<80x16xf32, #tpu.memory_space<vmem>>) dst(%dma_wait3A_84 : memref<80x16xf32, #tpu.memory_space<hbm>>)
      tpu.yield
    }) : () -> ()
    %add3A_43 = arith.constant 80 : i32
    %add3A_44 = arith.addi %mul3A_8, %add3A_43 : i32
    "tpu.region"() ({
      %run_scoped3A = tpu.sem_alloc : memref<!tpu.dma_semaphore, #tpu.memory_space<semaphore_mem>>
      %dma_start3A = arith.constant 0 : i32
      %dma_start3A_75 = tpu.memref_slice %arg7[%arg0, %add3A_44, %dma_start3A] : memref<2x10112x128xf32, #tpu.memory_space<hbm>> -> memref<1x80x128xf32, #tpu.memory_space<hbm>>
      %dma_start3A_76 = tpu.memref_squeeze %dma_start3A_75 : memref<1x80x128xf32, #tpu.memory_space<hbm>> -> memref<80x128xf32, #tpu.memory_space<hbm>>
      %dma_start3A_77 = arith.constant 0 : i32
      %dma_start3A_78 = tpu.memref_slice %arg7[%arg0, %add3A_44, %dma_start3A_77] : memref<2x10112x128xf32, #tpu.memory_space<hbm>> -> memref<1x80x128xf32, #tpu.memory_space<hbm>>
      %dma_start3A_79 = tpu.memref_squeeze %dma_start3A_78 : memref<1x80x128xf32, #tpu.memory_space<hbm>> -> memref<80x128xf32, #tpu.memory_space<hbm>>
      tpu.enqueue_dma source(%arg11 : memref<80x128xf32, #tpu.memory_space<vmem>>) target(%dma_start3A_79 : memref<80x128xf32, #tpu.memory_space<hbm>>) target_semaphore(%run_scoped3A : memref<!tpu.dma_semaphore, #tpu.memory_space<semaphore_mem>>)
      %dma_wait3A = arith.constant 0 : i32
      %dma_wait3A_80 = tpu.memref_slice %arg7[%arg0, %add3A_44, %dma_wait3A] : memref<2x10112x128xf32, #tpu.memory_space<hbm>> -> memref<1x80x128xf32, #tpu.memory_space<hbm>>
      %dma_wait3A_81 = tpu.memref_squeeze %dma_wait3A_80 : memref<1x80x128xf32, #tpu.memory_space<hbm>> -> memref<80x128xf32, #tpu.memory_space<hbm>>
      %dma_wait3A_82 = arith.constant 0 : i32
      %dma_wait3A_83 = tpu.memref_slice %arg7[%arg0, %add3A_44, %dma_wait3A_82] : memref<2x10112x128xf32, #tpu.memory_space<hbm>> -> memref<1x80x128xf32, #tpu.memory_space<hbm>>
      %dma_wait3A_84 = tpu.memref_squeeze %dma_wait3A_83 : memref<1x80x128xf32, #tpu.memory_space<hbm>> -> memref<80x128xf32, #tpu.memory_space<hbm>>
      tpu.wait_dma2 semaphore(%run_scoped3A : memref<!tpu.dma_semaphore, #tpu.memory_space<semaphore_mem>>) src(%arg11 : memref<80x128xf32, #tpu.memory_space<vmem>>) dst(%dma_wait3A_84 : memref<80x128xf32, #tpu.memory_space<hbm>>)
      tpu.yield
    }) : () -> ()
    %add3A_45 = arith.constant 80 : i32
    %add3A_46 = arith.addi %mul3A_8, %add3A_45 : i32
    "tpu.region"() ({
      %run_scoped3A = tpu.sem_alloc : memref<!tpu.dma_semaphore, #tpu.memory_space<semaphore_mem>>
      %dma_start3A = arith.constant 0 : i32
      %dma_start3A_75 = tpu.memref_slice %arg8[%arg0, %add3A_46, %dma_start3A] : memref<2x10112x16xf32, #tpu.memory_space<hbm>> -> memref<1x80x16xf32, #tpu.memory_space<hbm>>
      %dma_start3A_76 = tpu.memref_squeeze %dma_start3A_75 : memref<1x80x16xf32, #tpu.memory_space<hbm>> -> memref<80x16xf32, #tpu.memory_space<hbm>>
      %dma_start3A_77 = arith.constant 0 : i32
      %dma_start3A_78 = tpu.memref_slice %arg8[%arg0, %add3A_46, %dma_start3A_77] : memref<2x10112x16xf32, #tpu.memory_space<hbm>> -> memref<1x80x16xf32, #tpu.memory_space<hbm>>
      %dma_start3A_79 = tpu.memref_squeeze %dma_start3A_78 : memref<1x80x16xf32, #tpu.memory_space<hbm>> -> memref<80x16xf32, #tpu.memory_space<hbm>>
      tpu.enqueue_dma source(%arg13 : memref<80x16xf32, #tpu.memory_space<vmem>>) target(%dma_start3A_79 : memref<80x16xf32, #tpu.memory_space<hbm>>) target_semaphore(%run_scoped3A : memref<!tpu.dma_semaphore, #tpu.memory_space<semaphore_mem>>)
      %dma_wait3A = arith.constant 0 : i32
      %dma_wait3A_80 = tpu.memref_slice %arg8[%arg0, %add3A_46, %dma_wait3A] : memref<2x10112x16xf32, #tpu.memory_space<hbm>> -> memref<1x80x16xf32, #tpu.memory_space<hbm>>
      %dma_wait3A_81 = tpu.memref_squeeze %dma_wait3A_80 : memref<1x80x16xf32, #tpu.memory_space<hbm>> -> memref<80x16xf32, #tpu.memory_space<hbm>>
      %dma_wait3A_82 = arith.constant 0 : i32
      %dma_wait3A_83 = tpu.memref_slice %arg8[%arg0, %add3A_46, %dma_wait3A_82] : memref<2x10112x16xf32, #tpu.memory_space<hbm>> -> memref<1x80x16xf32, #tpu.memory_space<hbm>>
      %dma_wait3A_84 = tpu.memref_squeeze %dma_wait3A_83 : memref<1x80x16xf32, #tpu.memory_space<hbm>> -> memref<80x16xf32, #tpu.memory_space<hbm>>
      tpu.wait_dma2 semaphore(%run_scoped3A : memref<!tpu.dma_semaphore, #tpu.memory_space<semaphore_mem>>) src(%arg13 : memref<80x16xf32, #tpu.memory_space<vmem>>) dst(%dma_wait3A_84 : memref<80x16xf32, #tpu.memory_space<hbm>>)
      tpu.yield
    }) : () -> ()
    %add3A_47 = arith.constant 160 : i32
    %add3A_48 = arith.addi %mul3A_8, %add3A_47 : i32
    "tpu.region"() ({
      %run_scoped3A = tpu.sem_alloc : memref<!tpu.dma_semaphore, #tpu.memory_space<semaphore_mem>>
      %dma_start3A = arith.constant 0 : i32
      %dma_start3A_75 = tpu.memref_slice %arg7[%arg0, %add3A_48, %dma_start3A] : memref<2x10112x128xf32, #tpu.memory_space<hbm>> -> memref<1x80x128xf32, #tpu.memory_space<hbm>>
      %dma_start3A_76 = tpu.memref_squeeze %dma_start3A_75 : memref<1x80x128xf32, #tpu.memory_space<hbm>> -> memref<80x128xf32, #tpu.memory_space<hbm>>
      %dma_start3A_77 = arith.constant 0 : i32
      %dma_start3A_78 = tpu.memref_slice %arg7[%arg0, %add3A_48, %dma_start3A_77] : memref<2x10112x128xf32, #tpu.memory_space<hbm>> -> memref<1x80x128xf32, #tpu.memory_space<hbm>>
      %dma_start3A_79 = tpu.memref_squeeze %dma_start3A_78 : memref<1x80x128xf32, #tpu.memory_space<hbm>> -> memref<80x128xf32, #tpu.memory_space<hbm>>
      tpu.enqueue_dma source(%arg11 : memref<80x128xf32, #tpu.memory_space<vmem>>) target(%dma_start3A_79 : memref<80x128xf32, #tpu.memory_space<hbm>>) target_semaphore(%run_scoped3A : memref<!tpu.dma_semaphore, #tpu.memory_space<semaphore_mem>>)
      %dma_wait3A = arith.constant 0 : i32
      %dma_wait3A_80 = tpu.memref_slice %arg7[%arg0, %add3A_48, %dma_wait3A] : memref<2x10112x128xf32, #tpu.memory_space<hbm>> -> memref<1x80x128xf32, #tpu.memory_space<hbm>>
      %dma_wait3A_81 = tpu.memref_squeeze %dma_wait3A_80 : memref<1x80x128xf32, #tpu.memory_space<hbm>> -> memref<80x128xf32, #tpu.memory_space<hbm>>
      %dma_wait3A_82 = arith.constant 0 : i32
      %dma_wait3A_83 = tpu.memref_slice %arg7[%arg0, %add3A_48, %dma_wait3A_82] : memref<2x10112x128xf32, #tpu.memory_space<hbm>> -> memref<1x80x128xf32, #tpu.memory_space<hbm>>
      %dma_wait3A_84 = tpu.memref_squeeze %dma_wait3A_83 : memref<1x80x128xf32, #tpu.memory_space<hbm>> -> memref<80x128xf32, #tpu.memory_space<hbm>>
      tpu.wait_dma2 semaphore(%run_scoped3A : memref<!tpu.dma_semaphore, #tpu.memory_space<semaphore_mem>>) src(%arg11 : memref<80x128xf32, #tpu.memory_space<vmem>>) dst(%dma_wait3A_84 : memref<80x128xf32, #tpu.memory_space<hbm>>)
      tpu.yield
    }) : () -> ()
    %add3A_49 = arith.constant 160 : i32
    %add3A_50 = arith.addi %mul3A_8, %add3A_49 : i32
    "tpu.region"() ({
      %run_scoped3A = tpu.sem_alloc : memref<!tpu.dma_semaphore, #tpu.memory_space<semaphore_mem>>
      %dma_start3A = arith.constant 0 : i32
      %dma_start3A_75 = tpu.memref_slice %arg8[%arg0, %add3A_50, %dma_start3A] : memref<2x10112x16xf32, #tpu.memory_space<hbm>> -> memref<1x80x16xf32, #tpu.memory_space<hbm>>
      %dma_start3A_76 = tpu.memref_squeeze %dma_start3A_75 : memref<1x80x16xf32, #tpu.memory_space<hbm>> -> memref<80x16xf32, #tpu.memory_space<hbm>>
      %dma_start3A_77 = arith.constant 0 : i32
      %dma_start3A_78 = tpu.memref_slice %arg8[%arg0, %add3A_50, %dma_start3A_77] : memref<2x10112x16xf32, #tpu.memory_space<hbm>> -> memref<1x80x16xf32, #tpu.memory_space<hbm>>
      %dma_start3A_79 = tpu.memref_squeeze %dma_start3A_78 : memref<1x80x16xf32, #tpu.memory_space<hbm>> -> memref<80x16xf32, #tpu.memory_space<hbm>>
      tpu.enqueue_dma source(%arg13 : memref<80x16xf32, #tpu.memory_space<vmem>>) target(%dma_start3A_79 : memref<80x16xf32, #tpu.memory_space<hbm>>) target_semaphore(%run_scoped3A : memref<!tpu.dma_semaphore, #tpu.memory_space<semaphore_mem>>)
      %dma_wait3A = arith.constant 0 : i32
      %dma_wait3A_80 = tpu.memref_slice %arg8[%arg0, %add3A_50, %dma_wait3A] : memref<2x10112x16xf32, #tpu.memory_space<hbm>> -> memref<1x80x16xf32, #tpu.memory_space<hbm>>
      %dma_wait3A_81 = tpu.memref_squeeze %dma_wait3A_80 : memref<1x80x16xf32, #tpu.memory_space<hbm>> -> memref<80x16xf32, #tpu.memory_space<hbm>>
      %dma_wait3A_82 = arith.constant 0 : i32
      %dma_wait3A_83 = tpu.memref_slice %arg8[%arg0, %add3A_50, %dma_wait3A_82] : memref<2x10112x16xf32, #tpu.memory_space<hbm>> -> memref<1x80x16xf32, #tpu.memory_space<hbm>>
      %dma_wait3A_84 = tpu.memref_squeeze %dma_wait3A_83 : memref<1x80x16xf32, #tpu.memory_space<hbm>> -> memref<80x16xf32, #tpu.memory_space<hbm>>
      tpu.wait_dma2 semaphore(%run_scoped3A : memref<!tpu.dma_semaphore, #tpu.memory_space<semaphore_mem>>) src(%arg13 : memref<80x16xf32, #tpu.memory_space<vmem>>) dst(%dma_wait3A_84 : memref<80x16xf32, #tpu.memory_space<hbm>>)
      tpu.yield
    }) : () -> ()
    %add3A_51 = arith.constant 240 : i32
    %add3A_52 = arith.addi %mul3A_8, %add3A_51 : i32
    "tpu.region"() ({
      %run_scoped3A = tpu.sem_alloc : memref<!tpu.dma_semaphore, #tpu.memory_space<semaphore_mem>>
      %dma_start3A = arith.constant 0 : i32
      %dma_start3A_75 = tpu.memref_slice %arg7[%arg0, %add3A_52, %dma_start3A] : memref<2x10112x128xf32, #tpu.memory_space<hbm>> -> memref<1x80x128xf32, #tpu.memory_space<hbm>>
      %dma_start3A_76 = tpu.memref_squeeze %dma_start3A_75 : memref<1x80x128xf32, #tpu.memory_space<hbm>> -> memref<80x128xf32, #tpu.memory_space<hbm>>
      %dma_start3A_77 = arith.constant 0 : i32
      %dma_start3A_78 = tpu.memref_slice %arg7[%arg0, %add3A_52, %dma_start3A_77] : memref<2x10112x128xf32, #tpu.memory_space<hbm>> -> memref<1x80x128xf32, #tpu.memory_space<hbm>>
      %dma_start3A_79 = tpu.memref_squeeze %dma_start3A_78 : memref<1x80x128xf32, #tpu.memory_space<hbm>> -> memref<80x128xf32, #tpu.memory_space<hbm>>
      tpu.enqueue_dma source(%arg11 : memref<80x128xf32, #tpu.memory_space<vmem>>) target(%dma_start3A_79 : memref<80x128xf32, #tpu.memory_space<hbm>>) target_semaphore(%run_scoped3A : memref<!tpu.dma_semaphore, #tpu.memory_space<semaphore_mem>>)
      %dma_wait3A = arith.constant 0 : i32
      %dma_wait3A_80 = tpu.memref_slice %arg7[%arg0, %add3A_52, %dma_wait3A] : memref<2x10112x128xf32, #tpu.memory_space<hbm>> -> memref<1x80x128xf32, #tpu.memory_space<hbm>>
      %dma_wait3A_81 = tpu.memref_squeeze %dma_wait3A_80 : memref<1x80x128xf32, #tpu.memory_space<hbm>> -> memref<80x128xf32, #tpu.memory_space<hbm>>
      %dma_wait3A_82 = arith.constant 0 : i32
      %dma_wait3A_83 = tpu.memref_slice %arg7[%arg0, %add3A_52, %dma_wait3A_82] : memref<2x10112x128xf32, #tpu.memory_space<hbm>> -> memref<1x80x128xf32, #tpu.memory_space<hbm>>
      %dma_wait3A_84 = tpu.memref_squeeze %dma_wait3A_83 : memref<1x80x128xf32, #tpu.memory_space<hbm>> -> memref<80x128xf32, #tpu.memory_space<hbm>>
      tpu.wait_dma2 semaphore(%run_scoped3A : memref<!tpu.dma_semaphore, #tpu.memory_space<semaphore_mem>>) src(%arg11 : memref<80x128xf32, #tpu.memory_space<vmem>>) dst(%dma_wait3A_84 : memref<80x128xf32, #tpu.memory_space<hbm>>)
      tpu.yield
    }) : () -> ()
    %add3A_53 = arith.constant 240 : i32
    %add3A_54 = arith.addi %mul3A_8, %add3A_53 : i32
    "tpu.region"() ({
      %run_scoped3A = tpu.sem_alloc : memref<!tpu.dma_semaphore, #tpu.memory_space<semaphore_mem>>
      %dma_start3A = arith.constant 0 : i32
      %dma_start3A_75 = tpu.memref_slice %arg8[%arg0, %add3A_54, %dma_start3A] : memref<2x10112x16xf32, #tpu.memory_space<hbm>> -> memref<1x80x16xf32, #tpu.memory_space<hbm>>
      %dma_start3A_76 = tpu.memref_squeeze %dma_start3A_75 : memref<1x80x16xf32, #tpu.memory_space<hbm>> -> memref<80x16xf32, #tpu.memory_space<hbm>>
      %dma_start3A_77 = arith.constant 0 : i32
      %dma_start3A_78 = tpu.memref_slice %arg8[%arg0, %add3A_54, %dma_start3A_77] : memref<2x10112x16xf32, #tpu.memory_space<hbm>> -> memref<1x80x16xf32, #tpu.memory_space<hbm>>
      %dma_start3A_79 = tpu.memref_squeeze %dma_start3A_78 : memref<1x80x16xf32, #tpu.memory_space<hbm>> -> memref<80x16xf32, #tpu.memory_space<hbm>>
      tpu.enqueue_dma source(%arg13 : memref<80x16xf32, #tpu.memory_space<vmem>>) target(%dma_start3A_79 : memref<80x16xf32, #tpu.memory_space<hbm>>) target_semaphore(%run_scoped3A : memref<!tpu.dma_semaphore, #tpu.memory_space<semaphore_mem>>)
      %dma_wait3A = arith.constant 0 : i32
      %dma_wait3A_80 = tpu.memref_slice %arg8[%arg0, %add3A_54, %dma_wait3A] : memref<2x10112x16xf32, #tpu.memory_space<hbm>> -> memref<1x80x16xf32, #tpu.memory_space<hbm>>
      %dma_wait3A_81 = tpu.memref_squeeze %dma_wait3A_80 : memref<1x80x16xf32, #tpu.memory_space<hbm>> -> memref<80x16xf32, #tpu.memory_space<hbm>>
      %dma_wait3A_82 = arith.constant 0 : i32
      %dma_wait3A_83 = tpu.memref_slice %arg8[%arg0, %add3A_54, %dma_wait3A_82] : memref<2x10112x16xf32, #tpu.memory_space<hbm>> -> memref<1x80x16xf32, #tpu.memory_space<hbm>>
      %dma_wait3A_84 = tpu.memref_squeeze %dma_wait3A_83 : memref<1x80x16xf32, #tpu.memory_space<hbm>> -> memref<80x16xf32, #tpu.memory_space<hbm>>
      tpu.wait_dma2 semaphore(%run_scoped3A : memref<!tpu.dma_semaphore, #tpu.memory_space<semaphore_mem>>) src(%arg13 : memref<80x16xf32, #tpu.memory_space<vmem>>) dst(%dma_wait3A_84 : memref<80x16xf32, #tpu.memory_space<hbm>>)
      tpu.yield
    }) : () -> ()
    %add3A_55 = arith.constant 320 : i32
    %add3A_56 = arith.addi %mul3A_8, %add3A_55 : i32
    "tpu.region"() ({
      %run_scoped3A = tpu.sem_alloc : memref<!tpu.dma_semaphore, #tpu.memory_space<semaphore_mem>>
      %dma_start3A = arith.constant 0 : i32
      %dma_start3A_75 = tpu.memref_slice %arg7[%arg0, %add3A_56, %dma_start3A] : memref<2x10112x128xf32, #tpu.memory_space<hbm>> -> memref<1x80x128xf32, #tpu.memory_space<hbm>>
      %dma_start3A_76 = tpu.memref_squeeze %dma_start3A_75 : memref<1x80x128xf32, #tpu.memory_space<hbm>> -> memref<80x128xf32, #tpu.memory_space<hbm>>
      %dma_start3A_77 = arith.constant 0 : i32
      %dma_start3A_78 = tpu.memref_slice %arg7[%arg0, %add3A_56, %dma_start3A_77] : memref<2x10112x128xf32, #tpu.memory_space<hbm>> -> memref<1x80x128xf32, #tpu.memory_space<hbm>>
      %dma_start3A_79 = tpu.memref_squeeze %dma_start3A_78 : memref<1x80x128xf32, #tpu.memory_space<hbm>> -> memref<80x128xf32, #tpu.memory_space<hbm>>
      tpu.enqueue_dma source(%arg11 : memref<80x128xf32, #tpu.memory_space<vmem>>) target(%dma_start3A_79 : memref<80x128xf32, #tpu.memory_space<hbm>>) target_semaphore(%run_scoped3A : memref<!tpu.dma_semaphore, #tpu.memory_space<semaphore_mem>>)
      %dma_wait3A = arith.constant 0 : i32
      %dma_wait3A_80 = tpu.memref_slice %arg7[%arg0, %add3A_56, %dma_wait3A] : memref<2x10112x128xf32, #tpu.memory_space<hbm>> -> memref<1x80x128xf32, #tpu.memory_space<hbm>>
      %dma_wait3A_81 = tpu.memref_squeeze %dma_wait3A_80 : memref<1x80x128xf32, #tpu.memory_space<hbm>> -> memref<80x128xf32, #tpu.memory_space<hbm>>
      %dma_wait3A_82 = arith.constant 0 : i32
      %dma_wait3A_83 = tpu.memref_slice %arg7[%arg0, %add3A_56, %dma_wait3A_82] : memref<2x10112x128xf32, #tpu.memory_space<hbm>> -> memref<1x80x128xf32, #tpu.memory_space<hbm>>
      %dma_wait3A_84 = tpu.memref_squeeze %dma_wait3A_83 : memref<1x80x128xf32, #tpu.memory_space<hbm>> -> memref<80x128xf32, #tpu.memory_space<hbm>>
      tpu.wait_dma2 semaphore(%run_scoped3A : memref<!tpu.dma_semaphore, #tpu.memory_space<semaphore_mem>>) src(%arg11 : memref<80x128xf32, #tpu.memory_space<vmem>>) dst(%dma_wait3A_84 : memref<80x128xf32, #tpu.memory_space<hbm>>)
      tpu.yield
    }) : () -> ()
    %add3A_57 = arith.constant 320 : i32
    %add3A_58 = arith.addi %mul3A_8, %add3A_57 : i32
    "tpu.region"() ({
      %run_scoped3A = tpu.sem_alloc : memref<!tpu.dma_semaphore, #tpu.memory_space<semaphore_mem>>
      %dma_start3A = arith.constant 0 : i32
      %dma_start3A_75 = tpu.memref_slice %arg8[%arg0, %add3A_58, %dma_start3A] : memref<2x10112x16xf32, #tpu.memory_space<hbm>> -> memref<1x80x16xf32, #tpu.memory_space<hbm>>
      %dma_start3A_76 = tpu.memref_squeeze %dma_start3A_75 : memref<1x80x16xf32, #tpu.memory_space<hbm>> -> memref<80x16xf32, #tpu.memory_space<hbm>>
      %dma_start3A_77 = arith.constant 0 : i32
      %dma_start3A_78 = tpu.memref_slice %arg8[%arg0, %add3A_58, %dma_start3A_77] : memref<2x10112x16xf32, #tpu.memory_space<hbm>> -> memref<1x80x16xf32, #tpu.memory_space<hbm>>
      %dma_start3A_79 = tpu.memref_squeeze %dma_start3A_78 : memref<1x80x16xf32, #tpu.memory_space<hbm>> -> memref<80x16xf32, #tpu.memory_space<hbm>>
      tpu.enqueue_dma source(%arg13 : memref<80x16xf32, #tpu.memory_space<vmem>>) target(%dma_start3A_79 : memref<80x16xf32, #tpu.memory_space<hbm>>) target_semaphore(%run_scoped3A : memref<!tpu.dma_semaphore, #tpu.memory_space<semaphore_mem>>)
      %dma_wait3A = arith.constant 0 : i32
      %dma_wait3A_80 = tpu.memref_slice %arg8[%arg0, %add3A_58, %dma_wait3A] : memref<2x10112x16xf32, #tpu.memory_space<hbm>> -> memref<1x80x16xf32, #tpu.memory_space<hbm>>
      %dma_wait3A_81 = tpu.memref_squeeze %dma_wait3A_80 : memref<1x80x16xf32, #tpu.memory_space<hbm>> -> memref<80x16xf32, #tpu.memory_space<hbm>>
      %dma_wait3A_82 = arith.constant 0 : i32
      %dma_wait3A_83 = tpu.memref_slice %arg8[%arg0, %add3A_58, %dma_wait3A_82] : memref<2x10112x16xf32, #tpu.memory_space<hbm>> -> memref<1x80x16xf32, #tpu.memory_space<hbm>>
      %dma_wait3A_84 = tpu.memref_squeeze %dma_wait3A_83 : memref<1x80x16xf32, #tpu.memory_space<hbm>> -> memref<80x16xf32, #tpu.memory_space<hbm>>
      tpu.wait_dma2 semaphore(%run_scoped3A : memref<!tpu.dma_semaphore, #tpu.memory_space<semaphore_mem>>) src(%arg13 : memref<80x16xf32, #tpu.memory_space<vmem>>) dst(%dma_wait3A_84 : memref<80x16xf32, #tpu.memory_space<hbm>>)
      tpu.yield
    }) : () -> ()
    %add3A_59 = arith.constant 400 : i32
    %add3A_60 = arith.addi %mul3A_8, %add3A_59 : i32
    "tpu.region"() ({
      %run_scoped3A = tpu.sem_alloc : memref<!tpu.dma_semaphore, #tpu.memory_space<semaphore_mem>>
      %dma_start3A = arith.constant 0 : i32
      %dma_start3A_75 = tpu.memref_slice %arg7[%arg0, %add3A_60, %dma_start3A] : memref<2x10112x128xf32, #tpu.memory_space<hbm>> -> memref<1x80x128xf32, #tpu.memory_space<hbm>>
      %dma_start3A_76 = tpu.memref_squeeze %dma_start3A_75 : memref<1x80x128xf32, #tpu.memory_space<hbm>> -> memref<80x128xf32, #tpu.memory_space<hbm>>
      %dma_start3A_77 = arith.constant 0 : i32
      %dma_start3A_78 = tpu.memref_slice %arg7[%arg0, %add3A_60, %dma_start3A_77] : memref<2x10112x128xf32, #tpu.memory_space<hbm>> -> memref<1x80x128xf32, #tpu.memory_space<hbm>>
      %dma_start3A_79 = tpu.memref_squeeze %dma_start3A_78 : memref<1x80x128xf32, #tpu.memory_space<hbm>> -> memref<80x128xf32, #tpu.memory_space<hbm>>
      tpu.enqueue_dma source(%arg11 : memref<80x128xf32, #tpu.memory_space<vmem>>) target(%dma_start3A_79 : memref<80x128xf32, #tpu.memory_space<hbm>>) target_semaphore(%run_scoped3A : memref<!tpu.dma_semaphore, #tpu.memory_space<semaphore_mem>>)
      %dma_wait3A = arith.constant 0 : i32
      %dma_wait3A_80 = tpu.memref_slice %arg7[%arg0, %add3A_60, %dma_wait3A] : memref<2x10112x128xf32, #tpu.memory_space<hbm>> -> memref<1x80x128xf32, #tpu.memory_space<hbm>>
      %dma_wait3A_81 = tpu.memref_squeeze %dma_wait3A_80 : memref<1x80x128xf32, #tpu.memory_space<hbm>> -> memref<80x128xf32, #tpu.memory_space<hbm>>
      %dma_wait3A_82 = arith.constant 0 : i32
      %dma_wait3A_83 = tpu.memref_slice %arg7[%arg0, %add3A_60, %dma_wait3A_82] : memref<2x10112x128xf32, #tpu.memory_space<hbm>> -> memref<1x80x128xf32, #tpu.memory_space<hbm>>
      %dma_wait3A_84 = tpu.memref_squeeze %dma_wait3A_83 : memref<1x80x128xf32, #tpu.memory_space<hbm>> -> memref<80x128xf32, #tpu.memory_space<hbm>>
      tpu.wait_dma2 semaphore(%run_scoped3A : memref<!tpu.dma_semaphore, #tpu.memory_space<semaphore_mem>>) src(%arg11 : memref<80x128xf32, #tpu.memory_space<vmem>>) dst(%dma_wait3A_84 : memref<80x128xf32, #tpu.memory_space<hbm>>)
      tpu.yield
    }) : () -> ()
    %add3A_61 = arith.constant 400 : i32
    %add3A_62 = arith.addi %mul3A_8, %add3A_61 : i32
    "tpu.region"() ({
      %run_scoped3A = tpu.sem_alloc : memref<!tpu.dma_semaphore, #tpu.memory_space<semaphore_mem>>
      %dma_start3A = arith.constant 0 : i32
      %dma_start3A_75 = tpu.memref_slice %arg8[%arg0, %add3A_62, %dma_start3A] : memref<2x10112x16xf32, #tpu.memory_space<hbm>> -> memref<1x80x16xf32, #tpu.memory_space<hbm>>
      %dma_start3A_76 = tpu.memref_squeeze %dma_start3A_75 : memref<1x80x16xf32, #tpu.memory_space<hbm>> -> memref<80x16xf32, #tpu.memory_space<hbm>>
      %dma_start3A_77 = arith.constant 0 : i32
      %dma_start3A_78 = tpu.memref_slice %arg8[%arg0, %add3A_62, %dma_start3A_77] : memref<2x10112x16xf32, #tpu.memory_space<hbm>> -> memref<1x80x16xf32, #tpu.memory_space<hbm>>
      %dma_start3A_79 = tpu.memref_squeeze %dma_start3A_78 : memref<1x80x16xf32, #tpu.memory_space<hbm>> -> memref<80x16xf32, #tpu.memory_space<hbm>>
      tpu.enqueue_dma source(%arg13 : memref<80x16xf32, #tpu.memory_space<vmem>>) target(%dma_start3A_79 : memref<80x16xf32, #tpu.memory_space<hbm>>) target_semaphore(%run_scoped3A : memref<!tpu.dma_semaphore, #tpu.memory_space<semaphore_mem>>)
      %dma_wait3A = arith.constant 0 : i32
      %dma_wait3A_80 = tpu.memref_slice %arg8[%arg0, %add3A_62, %dma_wait3A] : memref<2x10112x16xf32, #tpu.memory_space<hbm>> -> memref<1x80x16xf32, #tpu.memory_space<hbm>>
      %dma_wait3A_81 = tpu.memref_squeeze %dma_wait3A_80 : memref<1x80x16xf32, #tpu.memory_space<hbm>> -> memref<80x16xf32, #tpu.memory_space<hbm>>
      %dma_wait3A_82 = arith.constant 0 : i32
      %dma_wait3A_83 = tpu.memref_slice %arg8[%arg0, %add3A_62, %dma_wait3A_82] : memref<2x10112x16xf32, #tpu.memory_space<hbm>> -> memref<1x80x16xf32, #tpu.memory_space<hbm>>
      %dma_wait3A_84 = tpu.memref_squeeze %dma_wait3A_83 : memref<1x80x16xf32, #tpu.memory_space<hbm>> -> memref<80x16xf32, #tpu.memory_space<hbm>>
      tpu.wait_dma2 semaphore(%run_scoped3A : memref<!tpu.dma_semaphore, #tpu.memory_space<semaphore_mem>>) src(%arg13 : memref<80x16xf32, #tpu.memory_space<vmem>>) dst(%dma_wait3A_84 : memref<80x16xf32, #tpu.memory_space<hbm>>)
      tpu.yield
    }) : () -> ()
    %add3A_63 = arith.constant 480 : i32
    %add3A_64 = arith.addi %mul3A_8, %add3A_63 : i32
    "tpu.region"() ({
      %run_scoped3A = tpu.sem_alloc : memref<!tpu.dma_semaphore, #tpu.memory_space<semaphore_mem>>
      %dma_start3A = arith.constant 0 : i32
      %dma_start3A_75 = tpu.memref_slice %arg7[%arg0, %add3A_64, %dma_start3A] : memref<2x10112x128xf32, #tpu.memory_space<hbm>> -> memref<1x80x128xf32, #tpu.memory_space<hbm>>
      %dma_start3A_76 = tpu.memref_squeeze %dma_start3A_75 : memref<1x80x128xf32, #tpu.memory_space<hbm>> -> memref<80x128xf32, #tpu.memory_space<hbm>>
      %dma_start3A_77 = arith.constant 0 : i32
      %dma_start3A_78 = tpu.memref_slice %arg7[%arg0, %add3A_64, %dma_start3A_77] : memref<2x10112x128xf32, #tpu.memory_space<hbm>> -> memref<1x80x128xf32, #tpu.memory_space<hbm>>
      %dma_start3A_79 = tpu.memref_squeeze %dma_start3A_78 : memref<1x80x128xf32, #tpu.memory_space<hbm>> -> memref<80x128xf32, #tpu.memory_space<hbm>>
      tpu.enqueue_dma source(%arg11 : memref<80x128xf32, #tpu.memory_space<vmem>>) target(%dma_start3A_79 : memref<80x128xf32, #tpu.memory_space<hbm>>) target_semaphore(%run_scoped3A : memref<!tpu.dma_semaphore, #tpu.memory_space<semaphore_mem>>)
      %dma_wait3A = arith.constant 0 : i32
      %dma_wait3A_80 = tpu.memref_slice %arg7[%arg0, %add3A_64, %dma_wait3A] : memref<2x10112x128xf32, #tpu.memory_space<hbm>> -> memref<1x80x128xf32, #tpu.memory_space<hbm>>
      %dma_wait3A_81 = tpu.memref_squeeze %dma_wait3A_80 : memref<1x80x128xf32, #tpu.memory_space<hbm>> -> memref<80x128xf32, #tpu.memory_space<hbm>>
      %dma_wait3A_82 = arith.constant 0 : i32
      %dma_wait3A_83 = tpu.memref_slice %arg7[%arg0, %add3A_64, %dma_wait3A_82] : memref<2x10112x128xf32, #tpu.memory_space<hbm>> -> memref<1x80x128xf32, #tpu.memory_space<hbm>>
      %dma_wait3A_84 = tpu.memref_squeeze %dma_wait3A_83 : memref<1x80x128xf32, #tpu.memory_space<hbm>> -> memref<80x128xf32, #tpu.memory_space<hbm>>
      tpu.wait_dma2 semaphore(%run_scoped3A : memref<!tpu.dma_semaphore, #tpu.memory_space<semaphore_mem>>) src(%arg11 : memref<80x128xf32, #tpu.memory_space<vmem>>) dst(%dma_wait3A_84 : memref<80x128xf32, #tpu.memory_space<hbm>>)
      tpu.yield
    }) : () -> ()
    %add3A_65 = arith.constant 480 : i32
    %add3A_66 = arith.addi %mul3A_8, %add3A_65 : i32
    "tpu.region"() ({
      %run_scoped3A = tpu.sem_alloc : memref<!tpu.dma_semaphore, #tpu.memory_space<semaphore_mem>>
      %dma_start3A = arith.constant 0 : i32
      %dma_start3A_75 = tpu.memref_slice %arg8[%arg0, %add3A_66, %dma_start3A] : memref<2x10112x16xf32, #tpu.memory_space<hbm>> -> memref<1x80x16xf32, #tpu.memory_space<hbm>>
      %dma_start3A_76 = tpu.memref_squeeze %dma_start3A_75 : memref<1x80x16xf32, #tpu.memory_space<hbm>> -> memref<80x16xf32, #tpu.memory_space<hbm>>
      %dma_start3A_77 = arith.constant 0 : i32
      %dma_start3A_78 = tpu.memref_slice %arg8[%arg0, %add3A_66, %dma_start3A_77] : memref<2x10112x16xf32, #tpu.memory_space<hbm>> -> memref<1x80x16xf32, #tpu.memory_space<hbm>>
      %dma_start3A_79 = tpu.memref_squeeze %dma_start3A_78 : memref<1x80x16xf32, #tpu.memory_space<hbm>> -> memref<80x16xf32, #tpu.memory_space<hbm>>
      tpu.enqueue_dma source(%arg13 : memref<80x16xf32, #tpu.memory_space<vmem>>) target(%dma_start3A_79 : memref<80x16xf32, #tpu.memory_space<hbm>>) target_semaphore(%run_scoped3A : memref<!tpu.dma_semaphore, #tpu.memory_space<semaphore_mem>>)
      %dma_wait3A = arith.constant 0 : i32
      %dma_wait3A_80 = tpu.memref_slice %arg8[%arg0, %add3A_66, %dma_wait3A] : memref<2x10112x16xf32, #tpu.memory_space<hbm>> -> memref<1x80x16xf32, #tpu.memory_space<hbm>>
      %dma_wait3A_81 = tpu.memref_squeeze %dma_wait3A_80 : memref<1x80x16xf32, #tpu.memory_space<hbm>> -> memref<80x16xf32, #tpu.memory_space<hbm>>
      %dma_wait3A_82 = arith.constant 0 : i32
      %dma_wait3A_83 = tpu.memref_slice %arg8[%arg0, %add3A_66, %dma_wait3A_82] : memref<2x10112x16xf32, #tpu.memory_space<hbm>> -> memref<1x80x16xf32, #tpu.memory_space<hbm>>
      %dma_wait3A_84 = tpu.memref_squeeze %dma_wait3A_83 : memref<1x80x16xf32, #tpu.memory_space<hbm>> -> memref<80x16xf32, #tpu.memory_space<hbm>>
      tpu.wait_dma2 semaphore(%run_scoped3A : memref<!tpu.dma_semaphore, #tpu.memory_space<semaphore_mem>>) src(%arg13 : memref<80x16xf32, #tpu.memory_space<vmem>>) dst(%dma_wait3A_84 : memref<80x16xf32, #tpu.memory_space<hbm>>)
      tpu.yield
    }) : () -> ()
    "tpu.region"() ({
      %run_scoped3A = tpu.sem_alloc : memref<!tpu.dma_semaphore, #tpu.memory_space<semaphore_mem>>
      %dma_start3A = arith.constant 0 : i32
      %dma_start3A_75 = arith.constant 0 : i32
      %dma_start3A_76 = tpu.memref_slice %arg11[%dma_start3A, %dma_start3A_75] : memref<80x128xf32, #tpu.memory_space<vmem>> -> memref<72x128xf32, #tpu.memory_space<vmem>>
      %dma_start3A_77 = arith.constant 0 : i32
      %dma_start3A_78 = tpu.memref_slice %arg7[%arg0, %add3A_38, %dma_start3A_77] : memref<2x10112x128xf32, #tpu.memory_space<hbm>> -> memref<1x72x128xf32, #tpu.memory_space<hbm>>
      %dma_start3A_79 = tpu.memref_squeeze %dma_start3A_78 : memref<1x72x128xf32, #tpu.memory_space<hbm>> -> memref<72x128xf32, #tpu.memory_space<hbm>>
      %dma_start3A_80 = arith.constant 0 : i32
      %dma_start3A_81 = tpu.memref_slice %arg7[%arg0, %add3A_38, %dma_start3A_80] : memref<2x10112x128xf32, #tpu.memory_space<hbm>> -> memref<1x72x128xf32, #tpu.memory_space<hbm>>
      %dma_start3A_82 = tpu.memref_squeeze %dma_start3A_81 : memref<1x72x128xf32, #tpu.memory_space<hbm>> -> memref<72x128xf32, #tpu.memory_space<hbm>>
      %dma_start3A_83 = arith.constant 0 : i32
      %dma_start3A_84 = arith.constant 0 : i32
      %dma_start3A_85 = tpu.memref_slice %arg11[%dma_start3A_83, %dma_start3A_84] : memref<80x128xf32, #tpu.memory_space<vmem>> -> memref<72x128xf32, #tpu.memory_space<vmem>>
      tpu.enqueue_dma source(%dma_start3A_85 : memref<72x128xf32, #tpu.memory_space<vmem>>) target(%dma_start3A_82 : memref<72x128xf32, #tpu.memory_space<hbm>>) target_semaphore(%run_scoped3A : memref<!tpu.dma_semaphore, #tpu.memory_space<semaphore_mem>>)
      %dma_wait3A = arith.constant 0 : i32
      %dma_wait3A_86 = arith.constant 0 : i32
      %dma_wait3A_87 = tpu.memref_slice %arg11[%dma_wait3A, %dma_wait3A_86] : memref<80x128xf32, #tpu.memory_space<vmem>> -> memref<72x128xf32, #tpu.memory_space<vmem>>
      %dma_wait3A_88 = arith.constant 0 : i32
      %dma_wait3A_89 = tpu.memref_slice %arg7[%arg0, %add3A_38, %dma_wait3A_88] : memref<2x10112x128xf32, #tpu.memory_space<hbm>> -> memref<1x72x128xf32, #tpu.memory_space<hbm>>
      %dma_wait3A_90 = tpu.memref_squeeze %dma_wait3A_89 : memref<1x72x128xf32, #tpu.memory_space<hbm>> -> memref<72x128xf32, #tpu.memory_space<hbm>>
      %dma_wait3A_91 = arith.constant 0 : i32
      %dma_wait3A_92 = tpu.memref_slice %arg7[%arg0, %add3A_38, %dma_wait3A_91] : memref<2x10112x128xf32, #tpu.memory_space<hbm>> -> memref<1x72x128xf32, #tpu.memory_space<hbm>>
      %dma_wait3A_93 = tpu.memref_squeeze %dma_wait3A_92 : memref<1x72x128xf32, #tpu.memory_space<hbm>> -> memref<72x128xf32, #tpu.memory_space<hbm>>
      %dma_wait3A_94 = arith.constant 0 : i32
      %dma_wait3A_95 = arith.constant 0 : i32
      %dma_wait3A_96 = tpu.memref_slice %arg11[%dma_wait3A_94, %dma_wait3A_95] : memref<80x128xf32, #tpu.memory_space<vmem>> -> memref<72x128xf32, #tpu.memory_space<vmem>>
      tpu.wait_dma2 semaphore(%run_scoped3A : memref<!tpu.dma_semaphore, #tpu.memory_space<semaphore_mem>>) src(%dma_wait3A_96 : memref<72x128xf32, #tpu.memory_space<vmem>>) dst(%dma_wait3A_93 : memref<72x128xf32, #tpu.memory_space<hbm>>)
      tpu.yield
    }) : () -> ()
    "tpu.region"() ({
      %run_scoped3A = tpu.sem_alloc : memref<!tpu.dma_semaphore, #tpu.memory_space<semaphore_mem>>
      %dma_start3A = arith.constant 0 : i32
      %dma_start3A_75 = arith.constant 0 : i32
      %dma_start3A_76 = tpu.memref_slice %arg13[%dma_start3A, %dma_start3A_75] : memref<80x16xf32, #tpu.memory_space<vmem>> -> memref<72x16xf32, #tpu.memory_space<vmem>>
      %dma_start3A_77 = arith.constant 0 : i32
      %dma_start3A_78 = tpu.memref_slice %arg8[%arg0, %add3A_38, %dma_start3A_77] : memref<2x10112x16xf32, #tpu.memory_space<hbm>> -> memref<1x72x16xf32, #tpu.memory_space<hbm>>
      %dma_start3A_79 = tpu.memref_squeeze %dma_start3A_78 : memref<1x72x16xf32, #tpu.memory_space<hbm>> -> memref<72x16xf32, #tpu.memory_space<hbm>>
      %dma_start3A_80 = arith.constant 0 : i32
      %dma_start3A_81 = tpu.memref_slice %arg8[%arg0, %add3A_38, %dma_start3A_80] : memref<2x10112x16xf32, #tpu.memory_space<hbm>> -> memref<1x72x16xf32, #tpu.memory_space<hbm>>
      %dma_start3A_82 = tpu.memref_squeeze %dma_start3A_81 : memref<1x72x16xf32, #tpu.memory_space<hbm>> -> memref<72x16xf32, #tpu.memory_space<hbm>>
      %dma_start3A_83 = arith.constant 0 : i32
      %dma_start3A_84 = arith.constant 0 : i32
      %dma_start3A_85 = tpu.memref_slice %arg13[%dma_start3A_83, %dma_start3A_84] : memref<80x16xf32, #tpu.memory_space<vmem>> -> memref<72x16xf32, #tpu.memory_space<vmem>>
      tpu.enqueue_dma source(%dma_start3A_85 : memref<72x16xf32, #tpu.memory_space<vmem>>) target(%dma_start3A_82 : memref<72x16xf32, #tpu.memory_space<hbm>>) target_semaphore(%run_scoped3A : memref<!tpu.dma_semaphore, #tpu.memory_space<semaphore_mem>>)
      %dma_wait3A = arith.constant 0 : i32
      %dma_wait3A_86 = arith.constant 0 : i32
      %dma_wait3A_87 = tpu.memref_slice %arg13[%dma_wait3A, %dma_wait3A_86] : memref<80x16xf32, #tpu.memory_space<vmem>> -> memref<72x16xf32, #tpu.memory_space<vmem>>
      %dma_wait3A_88 = arith.constant 0 : i32
      %dma_wait3A_89 = tpu.memref_slice %arg8[%arg0, %add3A_38, %dma_wait3A_88] : memref<2x10112x16xf32, #tpu.memory_space<hbm>> -> memref<1x72x16xf32, #tpu.memory_space<hbm>>
      %dma_wait3A_90 = tpu.memref_squeeze %dma_wait3A_89 : memref<1x72x16xf32, #tpu.memory_space<hbm>> -> memref<72x16xf32, #tpu.memory_space<hbm>>
      %dma_wait3A_91 = arith.constant 0 : i32
      %dma_wait3A_92 = tpu.memref_slice %arg8[%arg0, %add3A_38, %dma_wait3A_91] : memref<2x10112x16xf32, #tpu.memory_space<hbm>> -> memref<1x72x16xf32, #tpu.memory_space<hbm>>
      %dma_wait3A_93 = tpu.memref_squeeze %dma_wait3A_92 : memref<1x72x16xf32, #tpu.memory_space<hbm>> -> memref<72x16xf32, #tpu.memory_space<hbm>>
      %dma_wait3A_94 = arith.constant 0 : i32
      %dma_wait3A_95 = arith.constant 0 : i32
      %dma_wait3A_96 = tpu.memref_slice %arg13[%dma_wait3A_94, %dma_wait3A_95] : memref<80x16xf32, #tpu.memory_space<vmem>> -> memref<72x16xf32, #tpu.memory_space<vmem>>
      tpu.wait_dma2 semaphore(%run_scoped3A : memref<!tpu.dma_semaphore, #tpu.memory_space<semaphore_mem>>) src(%dma_wait3A_96 : memref<72x16xf32, #tpu.memory_space<vmem>>) dst(%dma_wait3A_93 : memref<72x16xf32, #tpu.memory_space<hbm>>)
      tpu.yield
    }) : () -> ()
    %scan3A_67 = arith.constant 0 : i32
    %scan3A_68 = arith.constant 0.0883883461 : f32
    %scan3A_69 = arith.constant 0 : i32
    %scan3A_70 = arith.constant 125 : i32
    %scan3A_71 = arith.addi %scan3A_69, %scan3A_70 : i32
    %scan3A_72 = arith.constant 1 : i32
    scf.for %scan3A_75 = %scan3A_69 to %scan3A_71 step %scan3A_72  : i32 {
      %mul3A_76 = arith.constant 32 : i32
      %mul3A_77 = arith.muli %scan3A_75, %mul3A_76 : i32
      %add3A_78 = arith.addi %mul3A_77, %add3A : i32
      %lt3A = arith.constant 4000 : i32
      %lt3A_79 = arith.cmpi slt, %add3A_78, %lt3A : i32
      %convert_element_type3A = arith.extui %lt3A_79 : i1 to i32
      %cond3A = arith.constant 0 : i32
      %cond3A_80 = arith.cmpi ne, %convert_element_type3A, %cond3A : i32
      scf.if %cond3A_80 {
        %mul3A_81 = arith.constant 80 : i32
        %mul3A_82 = arith.muli %add3A_78, %mul3A_81 : i32
        "tpu.region"() ({
          %run_scoped3A = tpu.sem_alloc : memref<!tpu.dma_semaphore, #tpu.memory_space<semaphore_mem>>
          %dma_start3A_111 = tpu.memref_slice %arg6[%mul3A_82] : memref<320000xi32, #tpu.memory_space<hbm>> -> memref<80xi32, #tpu.memory_space<hbm>>
          %dma_start3A_112 = tpu.memref_slice %arg6[%mul3A_82] : memref<320000xi32, #tpu.memory_space<hbm>> -> memref<80xi32, #tpu.memory_space<hbm>>
          tpu.enqueue_dma source(%dma_start3A_112 : memref<80xi32, #tpu.memory_space<hbm>>) target(%arg10 : memref<80xi32, #tpu.memory_space<vmem>>) target_semaphore(%run_scoped3A : memref<!tpu.dma_semaphore, #tpu.memory_space<semaphore_mem>>)
          %dma_wait3A_113 = tpu.memref_slice %arg6[%mul3A_82] : memref<320000xi32, #tpu.memory_space<hbm>> -> memref<80xi32, #tpu.memory_space<hbm>>
          %dma_wait3A_114 = tpu.memref_slice %arg6[%mul3A_82] : memref<320000xi32, #tpu.memory_space<hbm>> -> memref<80xi32, #tpu.memory_space<hbm>>
          tpu.wait_dma2 semaphore(%run_scoped3A : memref<!tpu.dma_semaphore, #tpu.memory_space<semaphore_mem>>) src(%dma_wait3A_114 : memref<80xi32, #tpu.memory_space<hbm>>) dst(%arg10 : memref<80xi32, #tpu.memory_space<vmem>>)
          tpu.yield
        }) : () -> ()
        "tpu.region"() ({
          %run_scoped3A = tpu.sem_alloc : memref<!tpu.dma_semaphore, #tpu.memory_space<semaphore_mem>>
          %dma_start3A_111 = tpu.memref_slice %arg5[%mul3A_82] : memref<320000xi32, #tpu.memory_space<hbm>> -> memref<80xi32, #tpu.memory_space<hbm>>
          %dma_start3A_112 = tpu.memref_slice %arg5[%mul3A_82] : memref<320000xi32, #tpu.memory_space<hbm>> -> memref<80xi32, #tpu.memory_space<hbm>>
          tpu.enqueue_dma source(%dma_start3A_112 : memref<80xi32, #tpu.memory_space<hbm>>) target(%arg9 : memref<80xi32, #tpu.memory_space<vmem>>) target_semaphore(%run_scoped3A : memref<!tpu.dma_semaphore, #tpu.memory_space<semaphore_mem>>)
          %dma_wait3A_113 = tpu.memref_slice %arg5[%mul3A_82] : memref<320000xi32, #tpu.memory_space<hbm>> -> memref<80xi32, #tpu.memory_space<hbm>>
          %dma_wait3A_114 = tpu.memref_slice %arg5[%mul3A_82] : memref<320000xi32, #tpu.memory_space<hbm>> -> memref<80xi32, #tpu.memory_space<hbm>>
          tpu.wait_dma2 semaphore(%run_scoped3A : memref<!tpu.dma_semaphore, #tpu.memory_space<semaphore_mem>>) src(%dma_wait3A_114 : memref<80xi32, #tpu.memory_space<hbm>>) dst(%arg9 : memref<80xi32, #tpu.memory_space<vmem>>)
          tpu.yield
        }) : () -> ()
        %dma_start3A = arith.constant 0 : i32
        %dma_start3A_83 = arith.constant 0 : i32
        %dma_start3A_84 = tpu.memref_slice %arg2[%dma_start3A, %dma_start3A_83] : memref<10000x128xf32, #tpu.memory_space<hbm>> -> memref<10000x128xf32, #tpu.memory_space<hbm>>
        tpu.enqueue_indirect_dma source(%dma_start3A_84 : memref<10000x128xf32, #tpu.memory_space<hbm>>) target(%arg11 : memref<80x128xf32, #tpu.memory_space<vmem>>) offsets(%arg10 : memref<80xi32, #tpu.memory_space<vmem>>) semaphore(%arg16 : memref<!tpu.dma_semaphore, #tpu.memory_space<semaphore_mem>>)
        %dma_start3A_85 = arith.constant 0 : i32
        %dma_start3A_86 = arith.constant 0 : i32
        %dma_start3A_87 = tpu.memref_slice %arg3[%dma_start3A_85, %dma_start3A_86] : memref<10000x128xf32, #tpu.memory_space<hbm>> -> memref<10000x128xf32, #tpu.memory_space<hbm>>
        tpu.enqueue_indirect_dma source(%dma_start3A_87 : memref<10000x128xf32, #tpu.memory_space<hbm>>) target(%arg12 : memref<80x128xf32, #tpu.memory_space<vmem>>) offsets(%arg9 : memref<80xi32, #tpu.memory_space<vmem>>) semaphore(%arg17 : memref<!tpu.dma_semaphore, #tpu.memory_space<semaphore_mem>>)
        %dma_wait3A = arith.constant 0 : i32
        %dma_wait3A_88 = arith.constant 0 : i32
        %dma_wait3A_89 = tpu.memref_slice %arg2[%dma_wait3A, %dma_wait3A_88] : memref<10000x128xf32, #tpu.memory_space<hbm>> -> memref<10000x128xf32, #tpu.memory_space<hbm>>
        tpu.wait_indirect_dma semaphore(%arg16 : memref<!tpu.dma_semaphore, #tpu.memory_space<semaphore_mem>>) src(%dma_wait3A_89 : memref<10000x128xf32, #tpu.memory_space<hbm>>) dst(%arg11 : memref<80x128xf32, #tpu.memory_space<vmem>>)
        %dma_wait3A_90 = arith.constant 0 : i32
        %dma_wait3A_91 = arith.constant 0 : i32
        %dma_wait3A_92 = tpu.memref_slice %arg3[%dma_wait3A_90, %dma_wait3A_91] : memref<10000x128xf32, #tpu.memory_space<hbm>> -> memref<10000x128xf32, #tpu.memory_space<hbm>>
        tpu.wait_indirect_dma semaphore(%arg17 : memref<!tpu.dma_semaphore, #tpu.memory_space<semaphore_mem>>) src(%dma_wait3A_92 : memref<10000x128xf32, #tpu.memory_space<hbm>>) dst(%arg12 : memref<80x128xf32, #tpu.memory_space<vmem>>)
        %scan3A_93 = arith.constant 0 : i32
        %scan3A_94 = arith.constant 0 : i32
        %scan3A_95 = arith.constant 80 : i32
        %scan3A_96 = arith.addi %scan3A_94, %scan3A_95 : i32
        %scan3A_97 = arith.constant 1 : i32
        scf.for %scan3A_111 = %scan3A_94 to %scan3A_96 step %scan3A_97  : i32 {
          %get3A = arith.index_cast %scan3A_111 : i32 to index
          %get3A_112 = arith.constant 0 : index
          %get3A_113 = tpu.vector_load %arg11[%get3A, %get3A_112] {strides = array<i32>} : memref<80x128xf32, #tpu.memory_space<vmem>>, vector<16xf32>,
          %get3A_114 = arith.index_cast %scan3A_111 : i32 to index
          %get3A_115 = arith.constant 0 : index
          %get3A_116 = tpu.vector_load %arg12[%get3A_114, %get3A_115] {strides = array<i32>} : memref<80x128xf32, #tpu.memory_space<vmem>>, vector<16xf32>,
          %mul3A_117 = arith.mulf %get3A_113, %get3A_116 : vector<16xf32>
          %get3A_118 = arith.index_cast %scan3A_111 : i32 to index
          %get3A_119 = arith.constant 16 : index
          %get3A_120 = tpu.vector_load %arg11[%get3A_118, %get3A_119] {strides = array<i32>} : memref<80x128xf32, #tpu.memory_space<vmem>>, vector<16xf32>,
          %get3A_121 = arith.index_cast %scan3A_111 : i32 to index
          %get3A_122 = arith.constant 16 : index
          %get3A_123 = tpu.vector_load %arg12[%get3A_121, %get3A_122] {strides = array<i32>} : memref<80x128xf32, #tpu.memory_space<vmem>>, vector<16xf32>,
          %mul3A_124 = arith.mulf %get3A_120, %get3A_123 : vector<16xf32>
          %add3A_125 = arith.addf %mul3A_117, %mul3A_124 : vector<16xf32>
          %get3A_126 = arith.index_cast %scan3A_111 : i32 to index
          %get3A_127 = arith.constant 32 : index
          %get3A_128 = tpu.vector_load %arg11[%get3A_126, %get3A_127] {strides = array<i32>} : memref<80x128xf32, #tpu.memory_space<vmem>>, vector<16xf32>,
          %get3A_129 = arith.index_cast %scan3A_111 : i32 to index
          %get3A_130 = arith.constant 32 : index
          %get3A_131 = tpu.vector_load %arg12[%get3A_129, %get3A_130] {strides = array<i32>} : memref<80x128xf32, #tpu.memory_space<vmem>>, vector<16xf32>,
          %mul3A_132 = arith.mulf %get3A_128, %get3A_131 : vector<16xf32>
          %add3A_133 = arith.addf %add3A_125, %mul3A_132 : vector<16xf32>
          %get3A_134 = arith.index_cast %scan3A_111 : i32 to index
          %get3A_135 = arith.constant 48 : index
          %get3A_136 = tpu.vector_load %arg11[%get3A_134, %get3A_135] {strides = array<i32>} : memref<80x128xf32, #tpu.memory_space<vmem>>, vector<16xf32>,
          %get3A_137 = arith.index_cast %scan3A_111 : i32 to index
          %get3A_138 = arith.constant 48 : index
          %get3A_139 = tpu.vector_load %arg12[%get3A_137, %get3A_138] {strides = array<i32>} : memref<80x128xf32, #tpu.memory_space<vmem>>, vector<16xf32>,
          %mul3A_140 = arith.mulf %get3A_136, %get3A_139 : vector<16xf32>
          %add3A_141 = arith.addf %add3A_133, %mul3A_140 : vector<16xf32>
          %get3A_142 = arith.index_cast %scan3A_111 : i32 to index
          %get3A_143 = arith.constant 64 : index
          %get3A_144 = tpu.vector_load %arg11[%get3A_142, %get3A_143] {strides = array<i32>} : memref<80x128xf32, #tpu.memory_space<vmem>>, vector<16xf32>,
          %get3A_145 = arith.index_cast %scan3A_111 : i32 to index
          %get3A_146 = arith.constant 64 : index
          %get3A_147 = tpu.vector_load %arg12[%get3A_145, %get3A_146] {strides = array<i32>} : memref<80x128xf32, #tpu.memory_space<vmem>>, vector<16xf32>,
          %mul3A_148 = arith.mulf %get3A_144, %get3A_147 : vector<16xf32>
          %add3A_149 = arith.addf %add3A_141, %mul3A_148 : vector<16xf32>
          %get3A_150 = arith.index_cast %scan3A_111 : i32 to index
          %get3A_151 = arith.constant 80 : index
          %get3A_152 = tpu.vector_load %arg11[%get3A_150, %get3A_151] {strides = array<i32>} : memref<80x128xf32, #tpu.memory_space<vmem>>, vector<16xf32>,
          %get3A_153 = arith.index_cast %scan3A_111 : i32 to index
          %get3A_154 = arith.constant 80 : index
          %get3A_155 = tpu.vector_load %arg12[%get3A_153, %get3A_154] {strides = array<i32>} : memref<80x128xf32, #tpu.memory_space<vmem>>, vector<16xf32>,
          %mul3A_156 = arith.mulf %get3A_152, %get3A_155 : vector<16xf32>
          %add3A_157 = arith.addf %add3A_149, %mul3A_156 : vector<16xf32>
          %get3A_158 = arith.index_cast %scan3A_111 : i32 to index
          %get3A_159 = arith.constant 96 : index
          %get3A_160 = tpu.vector_load %arg11[%get3A_158, %get3A_159] {strides = array<i32>} : memref<80x128xf32, #tpu.memory_space<vmem>>, vector<16xf32>,
          %get3A_161 = arith.index_cast %scan3A_111 : i32 to index
          %get3A_162 = arith.constant 96 : index
          %get3A_163 = tpu.vector_load %arg12[%get3A_161, %get3A_162] {strides = array<i32>} : memref<80x128xf32, #tpu.memory_space<vmem>>, vector<16xf32>,
          %mul3A_164 = arith.mulf %get3A_160, %get3A_163 : vector<16xf32>
          %add3A_165 = arith.addf %add3A_157, %mul3A_164 : vector<16xf32>
          %get3A_166 = arith.index_cast %scan3A_111 : i32 to index
          %get3A_167 = arith.constant 112 : index
          %get3A_168 = tpu.vector_load %arg11[%get3A_166, %get3A_167] {strides = array<i32>} : memref<80x128xf32, #tpu.memory_space<vmem>>, vector<16xf32>,
          %get3A_169 = arith.index_cast %scan3A_111 : i32 to index
          %get3A_170 = arith.constant 112 : index
          %get3A_171 = tpu.vector_load %arg12[%get3A_169, %get3A_170] {strides = array<i32>} : memref<80x128xf32, #tpu.memory_space<vmem>>, vector<16xf32>,
          %mul3A_172 = arith.mulf %get3A_168, %get3A_171 : vector<16xf32>
          %add3A_173 = arith.addf %add3A_165, %mul3A_172 : vector<16xf32>
          %reduce_sum3A = arith.constant true
          %reduce_sum3A_174 = vector.broadcast %reduce_sum3A : i1 to vector<16xi1>
          %reduce_sum3A_175 = tpu.scan <sum>, %add3A_173 masked %reduce_sum3A_174 : vector<16xf32>, vector<16xi1> -> vector<16xf32>
          %reduce_sum3A_176 = vector.extract %reduce_sum3A_175[15] : f32 from vector<16xf32>
          %mul3A_177 = arith.mulf %reduce_sum3A_176, %scan3A_68 : f32
          %broadcast_in_dim3A_178 = vector.broadcast %mul3A_177 : f32 to vector<16xf32>
          %exp3A = math.exp %broadcast_in_dim3A_178 : vector<16xf32>
          %swap3A = arith.index_cast %scan3A_111 : i32 to index
          %swap3A_179 = arith.constant 0 : index
          %swap3A_180 = tpu.vector_load %arg13[%swap3A, %swap3A_179] {strides = array<i32>} : memref<80x16xf32, #tpu.memory_space<vmem>>, vector<16xf32>,
          tpu.vector_store %arg13[%swap3A, %swap3A_179], %exp3A {strides = array<i32>} : memref<80x16xf32, #tpu.memory_space<vmem>>, vector<16xf32>,
        }
        %scan3A_98 = arith.constant 80 : i32
        %dma_start3A_99 = arith.constant 0 : i32
        %dma_start3A_100 = arith.constant 0 : i32
        %dma_start3A_101 = tpu.memref_slice %arg4[%dma_start3A_99, %dma_start3A_100] : memref<10000x128xf32, #tpu.memory_space<hbm>> -> memref<10000x128xf32, #tpu.memory_space<hbm>>
        tpu.enqueue_indirect_dma source(%dma_start3A_101 : memref<10000x128xf32, #tpu.memory_space<hbm>>) target(%arg11 : memref<80x128xf32, #tpu.memory_space<vmem>>) offsets(%arg9 : memref<80xi32, #tpu.memory_space<vmem>>) semaphore(%arg16 : memref<!tpu.dma_semaphore, #tpu.memory_space<semaphore_mem>>)
        %dma_wait3A_102 = arith.constant 0 : i32
        %dma_wait3A_103 = arith.constant 0 : i32
        %dma_wait3A_104 = tpu.memref_slice %arg4[%dma_wait3A_102, %dma_wait3A_103] : memref<10000x128xf32, #tpu.memory_space<hbm>> -> memref<10000x128xf32, #tpu.memory_space<hbm>>
        tpu.wait_indirect_dma semaphore(%arg16 : memref<!tpu.dma_semaphore, #tpu.memory_space<semaphore_mem>>) src(%dma_wait3A_104 : memref<10000x128xf32, #tpu.memory_space<hbm>>) dst(%arg11 : memref<80x128xf32, #tpu.memory_space<vmem>>)
        %scan3A_105 = arith.constant 0 : i32
        %scan3A_106 = arith.constant 0 : i32
        %scan3A_107 = arith.constant 80 : i32
        %scan3A_108 = arith.addi %scan3A_106, %scan3A_107 : i32
        %scan3A_109 = arith.constant 1 : i32
        scf.for %scan3A_111 = %scan3A_106 to %scan3A_108 step %scan3A_109  : i32 {
          %get3A = arith.index_cast %scan3A_111 : i32 to index
          %get3A_112 = arith.constant 0 : index
          %get3A_113 = tpu.vector_load %arg13[%get3A, %get3A_112] {strides = array<i32>} : memref<80x16xf32, #tpu.memory_space<vmem>>, vector<16xf32>,
          %get3A_114 = arith.index_cast %scan3A_111 : i32 to index
          %get3A_115 = arith.constant 0 : index
          %get3A_116 = tpu.vector_load %arg11[%get3A_114, %get3A_115] {strides = array<i32>} : memref<80x128xf32, #tpu.memory_space<vmem>>, vector<16xf32>,
          %mul3A_117 = arith.mulf %get3A_116, %get3A_113 : vector<16xf32>
          %swap3A = arith.index_cast %scan3A_111 : i32 to index
          %swap3A_118 = arith.constant 0 : index
          %swap3A_119 = tpu.vector_load %arg11[%swap3A, %swap3A_118] {strides = array<i32>} : memref<80x128xf32, #tpu.memory_space<vmem>>, vector<16xf32>,
          tpu.vector_store %arg11[%swap3A, %swap3A_118], %mul3A_117 {strides = array<i32>} : memref<80x128xf32, #tpu.memory_space<vmem>>, vector<16xf32>,
          %get3A_120 = arith.index_cast %scan3A_111 : i32 to index
          %get3A_121 = arith.constant 16 : index
          %get3A_122 = tpu.vector_load %arg11[%get3A_120, %get3A_121] {strides = array<i32>} : memref<80x128xf32, #tpu.memory_space<vmem>>, vector<16xf32>,
          %mul3A_123 = arith.mulf %get3A_122, %get3A_113 : vector<16xf32>
          %swap3A_124 = arith.index_cast %scan3A_111 : i32 to index
          %swap3A_125 = arith.constant 16 : index
          %swap3A_126 = tpu.vector_load %arg11[%swap3A_124, %swap3A_125] {strides = array<i32>} : memref<80x128xf32, #tpu.memory_space<vmem>>, vector<16xf32>,
          tpu.vector_store %arg11[%swap3A_124, %swap3A_125], %mul3A_123 {strides = array<i32>} : memref<80x128xf32, #tpu.memory_space<vmem>>, vector<16xf32>,
          %get3A_127 = arith.index_cast %scan3A_111 : i32 to index
          %get3A_128 = arith.constant 32 : index
          %get3A_129 = tpu.vector_load %arg11[%get3A_127, %get3A_128] {strides = array<i32>} : memref<80x128xf32, #tpu.memory_space<vmem>>, vector<16xf32>,
          %mul3A_130 = arith.mulf %get3A_129, %get3A_113 : vector<16xf32>
          %swap3A_131 = arith.index_cast %scan3A_111 : i32 to index
          %swap3A_132 = arith.constant 32 : index
          %swap3A_133 = tpu.vector_load %arg11[%swap3A_131, %swap3A_132] {strides = array<i32>} : memref<80x128xf32, #tpu.memory_space<vmem>>, vector<16xf32>,
          tpu.vector_store %arg11[%swap3A_131, %swap3A_132], %mul3A_130 {strides = array<i32>} : memref<80x128xf32, #tpu.memory_space<vmem>>, vector<16xf32>,
          %get3A_134 = arith.index_cast %scan3A_111 : i32 to index
          %get3A_135 = arith.constant 48 : index
          %get3A_136 = tpu.vector_load %arg11[%get3A_134, %get3A_135] {strides = array<i32>} : memref<80x128xf32, #tpu.memory_space<vmem>>, vector<16xf32>,
          %mul3A_137 = arith.mulf %get3A_136, %get3A_113 : vector<16xf32>
          %swap3A_138 = arith.index_cast %scan3A_111 : i32 to index
          %swap3A_139 = arith.constant 48 : index
          %swap3A_140 = tpu.vector_load %arg11[%swap3A_138, %swap3A_139] {strides = array<i32>} : memref<80x128xf32, #tpu.memory_space<vmem>>, vector<16xf32>,
          tpu.vector_store %arg11[%swap3A_138, %swap3A_139], %mul3A_137 {strides = array<i32>} : memref<80x128xf32, #tpu.memory_space<vmem>>, vector<16xf32>,
          %get3A_141 = arith.index_cast %scan3A_111 : i32 to index
          %get3A_142 = arith.constant 64 : index
          %get3A_143 = tpu.vector_load %arg11[%get3A_141, %get3A_142] {strides = array<i32>} : memref<80x128xf32, #tpu.memory_space<vmem>>, vector<16xf32>,
          %mul3A_144 = arith.mulf %get3A_143, %get3A_113 : vector<16xf32>
          %swap3A_145 = arith.index_cast %scan3A_111 : i32 to index
          %swap3A_146 = arith.constant 64 : index
          %swap3A_147 = tpu.vector_load %arg11[%swap3A_145, %swap3A_146] {strides = array<i32>} : memref<80x128xf32, #tpu.memory_space<vmem>>, vector<16xf32>,
          tpu.vector_store %arg11[%swap3A_145, %swap3A_146], %mul3A_144 {strides = array<i32>} : memref<80x128xf32, #tpu.memory_space<vmem>>, vector<16xf32>,
          %get3A_148 = arith.index_cast %scan3A_111 : i32 to index
          %get3A_149 = arith.constant 80 : index
          %get3A_150 = tpu.vector_load %arg11[%get3A_148, %get3A_149] {strides = array<i32>} : memref<80x128xf32, #tpu.memory_space<vmem>>, vector<16xf32>,
          %mul3A_151 = arith.mulf %get3A_150, %get3A_113 : vector<16xf32>
          %swap3A_152 = arith.index_cast %scan3A_111 : i32 to index
          %swap3A_153 = arith.constant 80 : index
          %swap3A_154 = tpu.vector_load %arg11[%swap3A_152, %swap3A_153] {strides = array<i32>} : memref<80x128xf32, #tpu.memory_space<vmem>>, vector<16xf32>,
          tpu.vector_store %arg11[%swap3A_152, %swap3A_153], %mul3A_151 {strides = array<i32>} : memref<80x128xf32, #tpu.memory_space<vmem>>, vector<16xf32>,
          %get3A_155 = arith.index_cast %scan3A_111 : i32 to index
          %get3A_156 = arith.constant 96 : index
          %get3A_157 = tpu.vector_load %arg11[%get3A_155, %get3A_156] {strides = array<i32>} : memref<80x128xf32, #tpu.memory_space<vmem>>, vector<16xf32>,
          %mul3A_158 = arith.mulf %get3A_157, %get3A_113 : vector<16xf32>
          %swap3A_159 = arith.index_cast %scan3A_111 : i32 to index
          %swap3A_160 = arith.constant 96 : index
          %swap3A_161 = tpu.vector_load %arg11[%swap3A_159, %swap3A_160] {strides = array<i32>} : memref<80x128xf32, #tpu.memory_space<vmem>>, vector<16xf32>,
          tpu.vector_store %arg11[%swap3A_159, %swap3A_160], %mul3A_158 {strides = array<i32>} : memref<80x128xf32, #tpu.memory_space<vmem>>, vector<16xf32>,
          %get3A_162 = arith.index_cast %scan3A_111 : i32 to index
          %get3A_163 = arith.constant 112 : index
          %get3A_164 = tpu.vector_load %arg11[%get3A_162, %get3A_163] {strides = array<i32>} : memref<80x128xf32, #tpu.memory_space<vmem>>, vector<16xf32>,
          %mul3A_165 = arith.mulf %get3A_164, %get3A_113 : vector<16xf32>
          %swap3A_166 = arith.index_cast %scan3A_111 : i32 to index
          %swap3A_167 = arith.constant 112 : index
          %swap3A_168 = tpu.vector_load %arg11[%swap3A_166, %swap3A_167] {strides = array<i32>} : memref<80x128xf32, #tpu.memory_space<vmem>>, vector<16xf32>,
          tpu.vector_store %arg11[%swap3A_166, %swap3A_167], %mul3A_165 {strides = array<i32>} : memref<80x128xf32, #tpu.memory_space<vmem>>, vector<16xf32>,
        }
        %scan3A_110 = arith.constant 80 : i32
        "tpu.region"() ({
          %run_scoped3A = tpu.sem_alloc : memref<!tpu.dma_semaphore, #tpu.memory_space<semaphore_mem>>
          %dma_start3A_111 = arith.constant 0 : i32
          %dma_start3A_112 = arith.constant 0 : i32
          %dma_start3A_113 = tpu.memref_slice %arg14[%dma_start3A_111, %dma_start3A_112] : memref<10112x128xf32, #tpu.memory_space<vmem_shared>> -> memref<10112x128xf32, #tpu.memory_space<vmem_shared>>
          tpu.enqueue_indirect_dma source(%arg11 : memref<80x128xf32, #tpu.memory_space<vmem>>) target(%dma_start3A_113 : memref<10112x128xf32, #tpu.memory_space<vmem_shared>>) offsets(%arg10 : memref<80xi32, #tpu.memory_space<vmem>>) semaphore(%run_scoped3A : memref<!tpu.dma_semaphore, #tpu.memory_space<semaphore_mem>>) {add = true}
          %dma_wait3A_114 = arith.constant 0 : i32
          %dma_wait3A_115 = arith.constant 0 : i32
          %dma_wait3A_116 = tpu.memref_slice %arg14[%dma_wait3A_114, %dma_wait3A_115] : memref<10112x128xf32, #tpu.memory_space<vmem_shared>> -> memref<10112x128xf32, #tpu.memory_space<vmem_shared>>
          tpu.wait_indirect_dma semaphore(%run_scoped3A : memref<!tpu.dma_semaphore, #tpu.memory_space<semaphore_mem>>) src(%arg11 : memref<80x128xf32, #tpu.memory_space<vmem>>) dst(%dma_wait3A_116 : memref<10112x128xf32, #tpu.memory_space<vmem_shared>>)
          tpu.yield
        }) : () -> ()
        "tpu.region"() ({
          %run_scoped3A = tpu.sem_alloc : memref<!tpu.dma_semaphore, #tpu.memory_space<semaphore_mem>>
          %dma_start3A_111 = arith.constant 0 : i32
          %dma_start3A_112 = arith.constant 0 : i32
          %dma_start3A_113 = tpu.memref_slice %arg15[%dma_start3A_111, %dma_start3A_112] : memref<10112x16xf32, #tpu.memory_space<vmem_shared>> -> memref<10112x16xf32, #tpu.memory_space<vmem_shared>>
          tpu.enqueue_indirect_dma source(%arg13 : memref<80x16xf32, #tpu.memory_space<vmem>>) target(%dma_start3A_113 : memref<10112x16xf32, #tpu.memory_space<vmem_shared>>) offsets(%arg10 : memref<80xi32, #tpu.memory_space<vmem>>) semaphore(%run_scoped3A : memref<!tpu.dma_semaphore, #tpu.memory_space<semaphore_mem>>) {add = true}
          %dma_wait3A_114 = arith.constant 0 : i32
          %dma_wait3A_115 = arith.constant 0 : i32
          %dma_wait3A_116 = tpu.memref_slice %arg15[%dma_wait3A_114, %dma_wait3A_115] : memref<10112x16xf32, #tpu.memory_space<vmem_shared>> -> memref<10112x16xf32, #tpu.memory_space<vmem_shared>>
          tpu.wait_indirect_dma semaphore(%run_scoped3A : memref<!tpu.dma_semaphore, #tpu.memory_space<semaphore_mem>>) src(%arg13 : memref<80x16xf32, #tpu.memory_space<vmem>>) dst(%dma_wait3A_116 : memref<10112x16xf32, #tpu.memory_space<vmem_shared>>)
          tpu.yield
        }) : () -> ()
      } else {
      }
    }
    %scan3A_73 = arith.constant 125 : i32
    %barrier3A_74 = arith.constant 0 : index
    tpu.barrier barrier_id(%barrier3A_74)
    "tpu.region"() ({
      %run_scoped3A = tpu.sem_alloc : memref<!tpu.dma_semaphore, #tpu.memory_space<semaphore_mem>>
      %dma_start3A = arith.constant 0 : i32
      %dma_start3A_75 = tpu.memref_slice %arg7[%arg0, %mul3A_8, %dma_start3A] : memref<2x10112x128xf32, #tpu.memory_space<hbm>> -> memref<1x632x128xf32, #tpu.memory_space<hbm>>
      %dma_start3A_76 = tpu.memref_squeeze %dma_start3A_75 : memref<1x632x128xf32, #tpu.memory_space<hbm>> -> memref<632x128xf32, #tpu.memory_space<hbm>>
      %dma_start3A_77 = arith.constant 0 : i32
      %dma_start3A_78 = tpu.memref_slice %arg14[%mul3A_8, %dma_start3A_77] : memref<10112x128xf32, #tpu.memory_space<vmem_shared>> -> memref<632x128xf32, #tpu.memory_space<vmem_shared>>
      tpu.enqueue_dma source(%dma_start3A_78 : memref<632x128xf32, #tpu.memory_space<vmem_shared>>) target(%dma_start3A_76 : memref<632x128xf32, #tpu.memory_space<hbm>>) target_semaphore(%run_scoped3A : memref<!tpu.dma_semaphore, #tpu.memory_space<semaphore_mem>>)
      %dma_wait3A = arith.constant 0 : i32
      %dma_wait3A_79 = tpu.memref_slice %arg7[%arg0, %mul3A_8, %dma_wait3A] : memref<2x10112x128xf32, #tpu.memory_space<hbm>> -> memref<1x632x128xf32, #tpu.memory_space<hbm>>
      %dma_wait3A_80 = tpu.memref_squeeze %dma_wait3A_79 : memref<1x632x128xf32, #tpu.memory_space<hbm>> -> memref<632x128xf32, #tpu.memory_space<hbm>>
      %dma_wait3A_81 = arith.constant 0 : i32
      %dma_wait3A_82 = tpu.memref_slice %arg14[%mul3A_8, %dma_wait3A_81] : memref<10112x128xf32, #tpu.memory_space<vmem_shared>> -> memref<632x128xf32, #tpu.memory_space<vmem_shared>>
      tpu.wait_dma2 semaphore(%run_scoped3A : memref<!tpu.dma_semaphore, #tpu.memory_space<semaphore_mem>>) src(%dma_wait3A_82 : memref<632x128xf32, #tpu.memory_space<vmem_shared>>) dst(%dma_wait3A_80 : memref<632x128xf32, #tpu.memory_space<hbm>>)
      tpu.yield
    }) : () -> ()
    "tpu.region"() ({
      %run_scoped3A = tpu.sem_alloc : memref<!tpu.dma_semaphore, #tpu.memory_space<semaphore_mem>>
      %dma_start3A = arith.constant 0 : i32
      %dma_start3A_75 = tpu.memref_slice %arg8[%arg0, %mul3A_8, %dma_start3A] : memref<2x10112x16xf32, #tpu.memory_space<hbm>> -> memref<1x632x16xf32, #tpu.memory_space<hbm>>
      %dma_start3A_76 = tpu.memref_squeeze %dma_start3A_75 : memref<1x632x16xf32, #tpu.memory_space<hbm>> -> memref<632x16xf32, #tpu.memory_space<hbm>>
      %dma_start3A_77 = arith.constant 0 : i32
      %dma_start3A_78 = tpu.memref_slice %arg15[%mul3A_8, %dma_start3A_77] : memref<10112x16xf32, #tpu.memory_space<vmem_shared>> -> memref<632x16xf32, #tpu.memory_space<vmem_shared>>
      tpu.enqueue_dma source(%dma_start3A_78 : memref<632x16xf32, #tpu.memory_space<vmem_shared>>) target(%dma_start3A_76 : memref<632x16xf32, #tpu.memory_space<hbm>>) target_semaphore(%run_scoped3A : memref<!tpu.dma_semaphore, #tpu.memory_space<semaphore_mem>>)
      %dma_wait3A = arith.constant 0 : i32
      %dma_wait3A_79 = tpu.memref_slice %arg8[%arg0, %mul3A_8, %dma_wait3A] : memref<2x10112x16xf32, #tpu.memory_space<hbm>> -> memref<1x632x16xf32, #tpu.memory_space<hbm>>
      %dma_wait3A_80 = tpu.memref_squeeze %dma_wait3A_79 : memref<1x632x16xf32, #tpu.memory_space<hbm>> -> memref<632x16xf32, #tpu.memory_space<hbm>>
      %dma_wait3A_81 = arith.constant 0 : i32
      %dma_wait3A_82 = tpu.memref_slice %arg15[%mul3A_8, %dma_wait3A_81] : memref<10112x16xf32, #tpu.memory_space<vmem_shared>> -> memref<632x16xf32, #tpu.memory_space<vmem_shared>>
      tpu.wait_dma2 semaphore(%run_scoped3A : memref<!tpu.dma_semaphore, #tpu.memory_space<semaphore_mem>>) src(%dma_wait3A_82 : memref<632x16xf32, #tpu.memory_space<vmem_shared>>) dst(%dma_wait3A_80 : memref<632x16xf32, #tpu.memory_space<hbm>>)
      tpu.yield
    }) : () -> ()
    return
  }
}

module attributes {stable_mosaic.version = 14 : i64} {
  func.func @_proj3_body(%arg0: memref<10000x128xf32, #tpu.memory_space<vmem>>, %arg1: memref<128x128xf32, #tpu.memory_space<vmem>>, %arg2: memref<1x128xf32, #tpu.memory_space<vmem>>, %arg3: memref<128x128xf32, #tpu.memory_space<vmem>>, %arg4: memref<1x128xf32, #tpu.memory_space<vmem>>, %arg5: memref<128x128xf32, #tpu.memory_space<vmem>>, %arg6: memref<1x128xf32, #tpu.memory_space<vmem>>, %arg7: memref<10000x128xf32, #tpu.memory_space<vmem>>, %arg8: memref<10000x128xf32, #tpu.memory_space<vmem>>, %arg9: memref<10000x128xf32, #tpu.memory_space<vmem>>) attributes {dimension_semantics = [], scalar_prefetch = 0 : i64, scratch_operands = 0 : i64, tpu.core_type = #tpu.core_type<tc>} {
    %get3A = arith.constant 0 : index
    %get3A_0 = arith.constant 0 : index
    %get3A_1 = vector.load %arg0[%get3A, %get3A_0] : memref<10000x128xf32, #tpu.memory_space<vmem>>, vector<10000x128xf32>
    %get3A_2 = arith.constant 0 : index
    %get3A_3 = arith.constant 0 : index
    %get3A_4 = vector.load %arg1[%get3A_2, %get3A_3] : memref<128x128xf32, #tpu.memory_space<vmem>>, vector<128x128xf32>
    %dot_general3A = arith.constant dense<0.000000e+00> : vector<10000x128xf32>
    %dot_general3A_5 = tpu.matmul %get3A_1, %get3A_4, %dot_general3A {dimension_numbers = #tpu.dot_dimension_numbers<[1], [1], [0], [0], [0, 0, 1, 0], [], []>, transpose_lhs_hint = false} : vector<10000x128xf32>, vector<128x128xf32>, vector<10000x128xf32> -> vector<10000x128xf32>
    %get3A_6 = arith.constant 0 : index
    %get3A_7 = arith.constant 0 : index
    %get3A_8 = vector.load %arg2[%get3A_6, %get3A_7] : memref<1x128xf32, #tpu.memory_space<vmem>>, vector<1x128xf32>
    %add3A = vector.broadcast %get3A_8 : vector<1x128xf32> to vector<10000x128xf32>
    %add3A_9 = arith.addf %dot_general3A_5, %add3A : vector<10000x128xf32>
    %swap3A = arith.constant 0 : index
    %swap3A_10 = arith.constant 0 : index
    %swap3A_11 = vector.load %arg7[%swap3A, %swap3A_10] : memref<10000x128xf32, #tpu.memory_space<vmem>>, vector<10000x128xf32>
    tpu.vector_store %arg7[%swap3A, %swap3A_10], %add3A_9 {strides = array<i32>} : memref<10000x128xf32, #tpu.memory_space<vmem>>, vector<10000x128xf32>,
    %get3A_12 = arith.constant 0 : index
    %get3A_13 = arith.constant 0 : index
    %get3A_14 = vector.load %arg3[%get3A_12, %get3A_13] : memref<128x128xf32, #tpu.memory_space<vmem>>, vector<128x128xf32>
    %dot_general3A_15 = arith.constant dense<0.000000e+00> : vector<10000x128xf32>
    %dot_general3A_16 = tpu.matmul %get3A_1, %get3A_14, %dot_general3A_15 {dimension_numbers = #tpu.dot_dimension_numbers<[1], [1], [0], [0], [0, 0, 1, 0], [], []>, transpose_lhs_hint = false} : vector<10000x128xf32>, vector<128x128xf32>, vector<10000x128xf32> -> vector<10000x128xf32>
    %get3A_17 = arith.constant 0 : index
    %get3A_18 = arith.constant 0 : index
    %get3A_19 = vector.load %arg4[%get3A_17, %get3A_18] : memref<1x128xf32, #tpu.memory_space<vmem>>, vector<1x128xf32>
    %add3A_20 = vector.broadcast %get3A_19 : vector<1x128xf32> to vector<10000x128xf32>
    %add3A_21 = arith.addf %dot_general3A_16, %add3A_20 : vector<10000x128xf32>
    %swap3A_22 = arith.constant 0 : index
    %swap3A_23 = arith.constant 0 : index
    %swap3A_24 = vector.load %arg8[%swap3A_22, %swap3A_23] : memref<10000x128xf32, #tpu.memory_space<vmem>>, vector<10000x128xf32>
    tpu.vector_store %arg8[%swap3A_22, %swap3A_23], %add3A_21 {strides = array<i32>} : memref<10000x128xf32, #tpu.memory_space<vmem>>, vector<10000x128xf32>,
    %get3A_25 = arith.constant 0 : index
    %get3A_26 = arith.constant 0 : index
    %get3A_27 = vector.load %arg5[%get3A_25, %get3A_26] : memref<128x128xf32, #tpu.memory_space<vmem>>, vector<128x128xf32>
    %dot_general3A_28 = arith.constant dense<0.000000e+00> : vector<10000x128xf32>
    %dot_general3A_29 = tpu.matmul %get3A_1, %get3A_27, %dot_general3A_28 {dimension_numbers = #tpu.dot_dimension_numbers<[1], [1], [0], [0], [0, 0, 1, 0], [], []>, transpose_lhs_hint = false} : vector<10000x128xf32>, vector<128x128xf32>, vector<10000x128xf32> -> vector<10000x128xf32>
    %get3A_30 = arith.constant 0 : index
    %get3A_31 = arith.constant 0 : index
    %get3A_32 = vector.load %arg6[%get3A_30, %get3A_31] : memref<1x128xf32, #tpu.memory_space<vmem>>, vector<1x128xf32>
    %add3A_33 = vector.broadcast %get3A_32 : vector<1x128xf32> to vector<10000x128xf32>
    %add3A_34 = arith.addf %dot_general3A_29, %add3A_33 : vector<10000x128xf32>
    %swap3A_35 = arith.constant 0 : index
    %swap3A_36 = arith.constant 0 : index
    %swap3A_37 = vector.load %arg9[%swap3A_35, %swap3A_36] : memref<10000x128xf32, #tpu.memory_space<vmem>>, vector<10000x128xf32>
    tpu.vector_store %arg9[%swap3A_35, %swap3A_36], %add3A_34 {strides = array<i32>} : memref<10000x128xf32, #tpu.memory_space<vmem>>, vector<10000x128xf32>,
    return
  }
}

module attributes {stable_mosaic.version = 14 : i64} {
  func.func @_mid_body(%arg0: memref<2x10112x128xf32, #tpu.memory_space<vmem>>, %arg1: memref<2x10112x16xf32, #tpu.memory_space<vmem>>, %arg2: memref<10000x128xf32, #tpu.memory_space<vmem>>, %arg3: memref<128x128xf32, #tpu.memory_space<vmem>>, %arg4: memref<1x128xf32, #tpu.memory_space<vmem>>, %arg5: memref<1x128xf32, #tpu.memory_space<vmem>>, %arg6: memref<1x128xf32, #tpu.memory_space<vmem>>, %arg7: memref<128x128xf32, #tpu.memory_space<vmem>>, %arg8: memref<1x128xf32, #tpu.memory_space<vmem>>, %arg9: memref<128x128xf32, #tpu.memory_space<vmem>>, %arg10: memref<1x128xf32, #tpu.memory_space<vmem>>, %arg11: memref<128x128xf32, #tpu.memory_space<vmem>>, %arg12: memref<1x128xf32, #tpu.memory_space<vmem>>, %arg13: memref<10000x128xf32, #tpu.memory_space<vmem>>, %arg14: memref<10000x128xf32, #tpu.memory_space<vmem>>, %arg15: memref<10000x128xf32, #tpu.memory_space<vmem>>, %arg16: memref<10000x128xf32, #tpu.memory_space<vmem>>) attributes {dimension_semantics = [], scalar_prefetch = 0 : i64, scratch_operands = 0 : i64, tpu.core_type = #tpu.core_type<tc>} {
    %get3A = arith.constant 0 : index
    %get3A_0 = arith.constant 0 : index
    %get3A_1 = vector.load %arg2[%get3A, %get3A_0] : memref<10000x128xf32, #tpu.memory_space<vmem>>, vector<10000x128xf32>
    %get3A_2 = arith.constant 0 : index
    %get3A_3 = arith.constant 0 : index
    %get3A_4 = vector.load %arg3[%get3A_2, %get3A_3] : memref<128x128xf32, #tpu.memory_space<vmem>>, vector<128x128xf32>
    %dot_general3A = arith.constant dense<0.000000e+00> : vector<10000x128xf32>
    %dot_general3A_5 = tpu.matmul %get3A_1, %get3A_4, %dot_general3A {dimension_numbers = #tpu.dot_dimension_numbers<[1], [1], [0], [0], [0, 0, 1, 0], [], []>, transpose_lhs_hint = false} : vector<10000x128xf32>, vector<128x128xf32>, vector<10000x128xf32> -> vector<10000x128xf32>
    %get3A_6 = arith.constant 0 : index
    %get3A_7 = arith.constant 0 : index
    %get3A_8 = vector.load %arg4[%get3A_6, %get3A_7] : memref<1x128xf32, #tpu.memory_space<vmem>>, vector<1x128xf32>
    %add3A = vector.broadcast %get3A_8 : vector<1x128xf32> to vector<10000x128xf32>
    %add3A_9 = arith.addf %dot_general3A_5, %add3A : vector<10000x128xf32>
    %get3A_10 = arith.constant 0 : index
    %get3A_11 = arith.constant 0 : index
    %get3A_12 = arith.constant 0 : index
    %get3A_13 = vector.load %arg0[%get3A_10, %get3A_11, %get3A_12] : memref<2x10112x128xf32, #tpu.memory_space<vmem>>, vector<1x10000x128xf32>
    %get3A_14 = vector.shape_cast %get3A_13 : vector<1x10000x128xf32> to vector<10000x128xf32>
    %get3A_15 = arith.constant 1 : index
    %get3A_16 = arith.constant 0 : index
    %get3A_17 = arith.constant 0 : index
    %get3A_18 = vector.load %arg0[%get3A_15, %get3A_16, %get3A_17] : memref<2x10112x128xf32, #tpu.memory_space<vmem>>, vector<1x10000x128xf32>
    %get3A_19 = vector.shape_cast %get3A_18 : vector<1x10000x128xf32> to vector<10000x128xf32>
    %add3A_20 = arith.addf %get3A_14, %get3A_19 : vector<10000x128xf32>
    %get3A_21 = arith.constant 0 : index
    %get3A_22 = arith.constant 0 : index
    %get3A_23 = arith.constant 0 : index
    %get3A_24 = vector.load %arg1[%get3A_21, %get3A_22, %get3A_23] : memref<2x10112x16xf32, #tpu.memory_space<vmem>>, vector<1x10000x1xf32>
    %get3A_25 = vector.shape_cast %get3A_24 : vector<1x10000x1xf32> to vector<10000x1xf32>
    %get3A_26 = arith.constant 1 : index
    %get3A_27 = arith.constant 0 : index
    %get3A_28 = arith.constant 0 : index
    %get3A_29 = vector.load %arg1[%get3A_26, %get3A_27, %get3A_28] : memref<2x10112x16xf32, #tpu.memory_space<vmem>>, vector<1x10000x1xf32>
    %get3A_30 = vector.shape_cast %get3A_29 : vector<1x10000x1xf32> to vector<10000x1xf32>
    %add3A_31 = arith.addf %get3A_25, %get3A_30 : vector<10000x1xf32>
    %add3A_32 = arith.constant 1.000000e-16 : f32
    %add3A_33 = vector.broadcast %add3A_32 : f32 to vector<10000x1xf32>
    %add3A_34 = arith.addf %add3A_31, %add3A_33 : vector<10000x1xf32>
    %div3A = vector.broadcast %add3A_34 : vector<10000x1xf32> to vector<10000x128xf32>
    %div3A_35 = arith.divf %add3A_20, %div3A : vector<10000x128xf32>
    %add3A_36 = arith.addf %div3A_35, %add3A_9 : vector<10000x128xf32>
    %get3A_37 = arith.constant 0 : index
    %get3A_38 = arith.constant 0 : index
    %get3A_39 = vector.load %arg5[%get3A_37, %get3A_38] : memref<1x128xf32, #tpu.memory_space<vmem>>, vector<1x128xf32>
    %get3A_40 = arith.constant 0 : index
    %get3A_41 = arith.constant 0 : index
    %get3A_42 = vector.load %arg6[%get3A_40, %get3A_41] : memref<1x128xf32, #tpu.memory_space<vmem>>, vector<1x128xf32>
    %max3A = arith.constant 0.000000e+00 : f32
    %max3A_43 = vector.broadcast %max3A : f32 to vector<10000x128xf32>
    %max3A_44 = arith.maximumf %add3A_36, %max3A_43 : vector<10000x128xf32>
    %reduce_sum3A = arith.constant dense<0.000000e+00> : vector<128xf32>
    %reduce_sum3A_45 = vector.multi_reduction <add>, %max3A_44, %reduce_sum3A [0] : vector<10000x128xf32> to vector<128xf32>
    %broadcast_in_dim3A = vector.shape_cast %reduce_sum3A_45 : vector<128xf32> to vector<1x128xf32>
    %div3A_46 = arith.constant 1.000000e+04 : f32
    %div3A_47 = vector.broadcast %div3A_46 : f32 to vector<1x128xf32>
    %div3A_48 = arith.divf %broadcast_in_dim3A, %div3A_47 : vector<1x128xf32>
    %sub3A = vector.broadcast %div3A_48 : vector<1x128xf32> to vector<10000x128xf32>
    %sub3A_49 = arith.subf %max3A_44, %sub3A : vector<10000x128xf32>
    %integer_pow3A = arith.mulf %sub3A_49, %sub3A_49 : vector<10000x128xf32>
    %reduce_sum3A_50 = arith.constant dense<0.000000e+00> : vector<128xf32>
    %reduce_sum3A_51 = vector.multi_reduction <add>, %integer_pow3A, %reduce_sum3A_50 [0] : vector<10000x128xf32> to vector<128xf32>
    %broadcast_in_dim3A_52 = vector.shape_cast %reduce_sum3A_51 : vector<128xf32> to vector<1x128xf32>
    %div3A_53 = arith.constant 1.000000e+04 : f32
    %div3A_54 = vector.broadcast %div3A_53 : f32 to vector<1x128xf32>
    %div3A_55 = arith.divf %broadcast_in_dim3A_52, %div3A_54 : vector<1x128xf32>
    %sub3A_56 = vector.broadcast %div3A_48 : vector<1x128xf32> to vector<10000x128xf32>
    %sub3A_57 = arith.subf %max3A_44, %sub3A_56 : vector<10000x128xf32>
    %add3A_58 = arith.constant 9.99999974E-6 : f32
    %add3A_59 = vector.broadcast %add3A_58 : f32 to vector<1x128xf32>
    %add3A_60 = arith.addf %div3A_55, %add3A_59 : vector<1x128xf32>
    %rsqrt3A = math.rsqrt %add3A_60 : vector<1x128xf32>
    %mul3A = vector.broadcast %rsqrt3A : vector<1x128xf32> to vector<10000x128xf32>
    %mul3A_61 = arith.mulf %sub3A_57, %mul3A : vector<10000x128xf32>
    %mul3A_62 = vector.broadcast %get3A_39 : vector<1x128xf32> to vector<10000x128xf32>
    %mul3A_63 = arith.mulf %mul3A_61, %mul3A_62 : vector<10000x128xf32>
    %add3A_64 = vector.broadcast %get3A_42 : vector<1x128xf32> to vector<10000x128xf32>
    %add3A_65 = arith.addf %mul3A_63, %add3A_64 : vector<10000x128xf32>
    %swap3A = arith.constant 0 : index
    %swap3A_66 = arith.constant 0 : index
    %swap3A_67 = vector.load %arg13[%swap3A, %swap3A_66] : memref<10000x128xf32, #tpu.memory_space<vmem>>, vector<10000x128xf32>
    tpu.vector_store %arg13[%swap3A, %swap3A_66], %add3A_65 {strides = array<i32>} : memref<10000x128xf32, #tpu.memory_space<vmem>>, vector<10000x128xf32>,
    %get3A_68 = arith.constant 0 : index
    %get3A_69 = arith.constant 0 : index
    %get3A_70 = vector.load %arg7[%get3A_68, %get3A_69] : memref<128x128xf32, #tpu.memory_space<vmem>>, vector<128x128xf32>
    %dot_general3A_71 = arith.constant dense<0.000000e+00> : vector<10000x128xf32>
    %dot_general3A_72 = tpu.matmul %add3A_65, %get3A_70, %dot_general3A_71 {dimension_numbers = #tpu.dot_dimension_numbers<[1], [1], [0], [0], [0, 0, 1, 0], [], []>, transpose_lhs_hint = false} : vector<10000x128xf32>, vector<128x128xf32>, vector<10000x128xf32> -> vector<10000x128xf32>
    %get3A_73 = arith.constant 0 : index
    %get3A_74 = arith.constant 0 : index
    %get3A_75 = vector.load %arg8[%get3A_73, %get3A_74] : memref<1x128xf32, #tpu.memory_space<vmem>>, vector<1x128xf32>
    %add3A_76 = vector.broadcast %get3A_75 : vector<1x128xf32> to vector<10000x128xf32>
    %add3A_77 = arith.addf %dot_general3A_72, %add3A_76 : vector<10000x128xf32>
    %swap3A_78 = arith.constant 0 : index
    %swap3A_79 = arith.constant 0 : index
    %swap3A_80 = vector.load %arg14[%swap3A_78, %swap3A_79] : memref<10000x128xf32, #tpu.memory_space<vmem>>, vector<10000x128xf32>
    tpu.vector_store %arg14[%swap3A_78, %swap3A_79], %add3A_77 {strides = array<i32>} : memref<10000x128xf32, #tpu.memory_space<vmem>>, vector<10000x128xf32>,
    %get3A_81 = arith.constant 0 : index
    %get3A_82 = arith.constant 0 : index
    %get3A_83 = vector.load %arg9[%get3A_81, %get3A_82] : memref<128x128xf32, #tpu.memory_space<vmem>>, vector<128x128xf32>
    %dot_general3A_84 = arith.constant dense<0.000000e+00> : vector<10000x128xf32>
    %dot_general3A_85 = tpu.matmul %add3A_65, %get3A_83, %dot_general3A_84 {dimension_numbers = #tpu.dot_dimension_numbers<[1], [1], [0], [0], [0, 0, 1, 0], [], []>, transpose_lhs_hint = false} : vector<10000x128xf32>, vector<128x128xf32>, vector<10000x128xf32> -> vector<10000x128xf32>
    %get3A_86 = arith.constant 0 : index
    %get3A_87 = arith.constant 0 : index
    %get3A_88 = vector.load %arg10[%get3A_86, %get3A_87] : memref<1x128xf32, #tpu.memory_space<vmem>>, vector<1x128xf32>
    %add3A_89 = vector.broadcast %get3A_88 : vector<1x128xf32> to vector<10000x128xf32>
    %add3A_90 = arith.addf %dot_general3A_85, %add3A_89 : vector<10000x128xf32>
    %swap3A_91 = arith.constant 0 : index
    %swap3A_92 = arith.constant 0 : index
    %swap3A_93 = vector.load %arg15[%swap3A_91, %swap3A_92] : memref<10000x128xf32, #tpu.memory_space<vmem>>, vector<10000x128xf32>
    tpu.vector_store %arg15[%swap3A_91, %swap3A_92], %add3A_90 {strides = array<i32>} : memref<10000x128xf32, #tpu.memory_space<vmem>>, vector<10000x128xf32>,
    %get3A_94 = arith.constant 0 : index
    %get3A_95 = arith.constant 0 : index
    %get3A_96 = vector.load %arg11[%get3A_94, %get3A_95] : memref<128x128xf32, #tpu.memory_space<vmem>>, vector<128x128xf32>
    %dot_general3A_97 = arith.constant dense<0.000000e+00> : vector<10000x128xf32>
    %dot_general3A_98 = tpu.matmul %add3A_65, %get3A_96, %dot_general3A_97 {dimension_numbers = #tpu.dot_dimension_numbers<[1], [1], [0], [0], [0, 0, 1, 0], [], []>, transpose_lhs_hint = false} : vector<10000x128xf32>, vector<128x128xf32>, vector<10000x128xf32> -> vector<10000x128xf32>
    %get3A_99 = arith.constant 0 : index
    %get3A_100 = arith.constant 0 : index
    %get3A_101 = vector.load %arg12[%get3A_99, %get3A_100] : memref<1x128xf32, #tpu.memory_space<vmem>>, vector<1x128xf32>
    %add3A_102 = vector.broadcast %get3A_101 : vector<1x128xf32> to vector<10000x128xf32>
    %add3A_103 = arith.addf %dot_general3A_98, %add3A_102 : vector<10000x128xf32>
    %swap3A_104 = arith.constant 0 : index
    %swap3A_105 = arith.constant 0 : index
    %swap3A_106 = vector.load %arg16[%swap3A_104, %swap3A_105] : memref<10000x128xf32, #tpu.memory_space<vmem>>, vector<10000x128xf32>
    tpu.vector_store %arg16[%swap3A_104, %swap3A_105], %add3A_103 {strides = array<i32>} : memref<10000x128xf32, #tpu.memory_space<vmem>>, vector<10000x128xf32>,
    return
  }
}

module attributes {stable_mosaic.version = 14 : i64} {
  func.func @_fin_body(%arg0: memref<2x10112x128xf32, #tpu.memory_space<vmem>>, %arg1: memref<2x10112x16xf32, #tpu.memory_space<vmem>>, %arg2: memref<10000x128xf32, #tpu.memory_space<vmem>>, %arg3: memref<128x128xf32, #tpu.memory_space<vmem>>, %arg4: memref<1x128xf32, #tpu.memory_space<vmem>>, %arg5: memref<1x128xf32, #tpu.memory_space<vmem>>, %arg6: memref<1x128xf32, #tpu.memory_space<vmem>>, %arg7: memref<10000x1xi32, #tpu.memory_space<vmem>>, %arg8: memref<1x128xf32, #tpu.memory_space<vmem>>, %arg9: memref<1x1xf32, #tpu.memory_space<vmem>>, %arg10: memref<64x1xf32, #tpu.memory_space<vmem>>, %arg11: memref<10000x128xf32, #tpu.memory_space<vmem>>, %arg12: memref<64x128xf32, #tpu.memory_space<vmem>>) attributes {dimension_semantics = [], scalar_prefetch = 0 : i64, scratch_operands = 2 : i64, tpu.core_type = #tpu.core_type<tc>} {
    %get3A = arith.constant 0 : index
    %get3A_0 = arith.constant 0 : index
    %get3A_1 = vector.load %arg2[%get3A, %get3A_0] : memref<10000x128xf32, #tpu.memory_space<vmem>>, vector<10000x128xf32>
    %get3A_2 = arith.constant 0 : index
    %get3A_3 = arith.constant 0 : index
    %get3A_4 = vector.load %arg3[%get3A_2, %get3A_3] : memref<128x128xf32, #tpu.memory_space<vmem>>, vector<128x128xf32>
    %dot_general3A = arith.constant dense<0.000000e+00> : vector<10000x128xf32>
    %dot_general3A_5 = tpu.matmul %get3A_1, %get3A_4, %dot_general3A {dimension_numbers = #tpu.dot_dimension_numbers<[1], [1], [0], [0], [0, 0, 1, 0], [], []>, transpose_lhs_hint = false} : vector<10000x128xf32>, vector<128x128xf32>, vector<10000x128xf32> -> vector<10000x128xf32>
    %get3A_6 = arith.constant 0 : index
    %get3A_7 = arith.constant 0 : index
    %get3A_8 = vector.load %arg4[%get3A_6, %get3A_7] : memref<1x128xf32, #tpu.memory_space<vmem>>, vector<1x128xf32>
    %add3A = vector.broadcast %get3A_8 : vector<1x128xf32> to vector<10000x128xf32>
    %add3A_9 = arith.addf %dot_general3A_5, %add3A : vector<10000x128xf32>
    %get3A_10 = arith.constant 0 : index
    %get3A_11 = arith.constant 0 : index
    %get3A_12 = arith.constant 0 : index
    %get3A_13 = vector.load %arg0[%get3A_10, %get3A_11, %get3A_12] : memref<2x10112x128xf32, #tpu.memory_space<vmem>>, vector<1x10000x128xf32>
    %get3A_14 = vector.shape_cast %get3A_13 : vector<1x10000x128xf32> to vector<10000x128xf32>
    %get3A_15 = arith.constant 1 : index
    %get3A_16 = arith.constant 0 : index
    %get3A_17 = arith.constant 0 : index
    %get3A_18 = vector.load %arg0[%get3A_15, %get3A_16, %get3A_17] : memref<2x10112x128xf32, #tpu.memory_space<vmem>>, vector<1x10000x128xf32>
    %get3A_19 = vector.shape_cast %get3A_18 : vector<1x10000x128xf32> to vector<10000x128xf32>
    %add3A_20 = arith.addf %get3A_14, %get3A_19 : vector<10000x128xf32>
    %get3A_21 = arith.constant 0 : index
    %get3A_22 = arith.constant 0 : index
    %get3A_23 = arith.constant 0 : index
    %get3A_24 = vector.load %arg1[%get3A_21, %get3A_22, %get3A_23] : memref<2x10112x16xf32, #tpu.memory_space<vmem>>, vector<1x10000x1xf32>
    %get3A_25 = vector.shape_cast %get3A_24 : vector<1x10000x1xf32> to vector<10000x1xf32>
    %get3A_26 = arith.constant 1 : index
    %get3A_27 = arith.constant 0 : index
    %get3A_28 = arith.constant 0 : index
    %get3A_29 = vector.load %arg1[%get3A_26, %get3A_27, %get3A_28] : memref<2x10112x16xf32, #tpu.memory_space<vmem>>, vector<1x10000x1xf32>
    %get3A_30 = vector.shape_cast %get3A_29 : vector<1x10000x1xf32> to vector<10000x1xf32>
    %add3A_31 = arith.addf %get3A_25, %get3A_30 : vector<10000x1xf32>
    %add3A_32 = arith.constant 1.000000e-16 : f32
    %add3A_33 = vector.broadcast %add3A_32 : f32 to vector<10000x1xf32>
    %add3A_34 = arith.addf %add3A_31, %add3A_33 : vector<10000x1xf32>
    %div3A = vector.broadcast %add3A_34 : vector<10000x1xf32> to vector<10000x128xf32>
    %div3A_35 = arith.divf %add3A_20, %div3A : vector<10000x128xf32>
    %add3A_36 = arith.addf %div3A_35, %add3A_9 : vector<10000x128xf32>
    %get3A_37 = arith.constant 0 : index
    %get3A_38 = arith.constant 0 : index
    %get3A_39 = vector.load %arg5[%get3A_37, %get3A_38] : memref<1x128xf32, #tpu.memory_space<vmem>>, vector<1x128xf32>
    %get3A_40 = arith.constant 0 : index
    %get3A_41 = arith.constant 0 : index
    %get3A_42 = vector.load %arg6[%get3A_40, %get3A_41] : memref<1x128xf32, #tpu.memory_space<vmem>>, vector<1x128xf32>
    %max3A = arith.constant 0.000000e+00 : f32
    %max3A_43 = vector.broadcast %max3A : f32 to vector<10000x128xf32>
    %max3A_44 = arith.maximumf %add3A_36, %max3A_43 : vector<10000x128xf32>
    %reduce_sum3A = arith.constant dense<0.000000e+00> : vector<128xf32>
    %reduce_sum3A_45 = vector.multi_reduction <add>, %max3A_44, %reduce_sum3A [0] : vector<10000x128xf32> to vector<128xf32>
    %broadcast_in_dim3A = vector.shape_cast %reduce_sum3A_45 : vector<128xf32> to vector<1x128xf32>
    %div3A_46 = arith.constant 1.000000e+04 : f32
    %div3A_47 = vector.broadcast %div3A_46 : f32 to vector<1x128xf32>
    %div3A_48 = arith.divf %broadcast_in_dim3A, %div3A_47 : vector<1x128xf32>
    %sub3A = vector.broadcast %div3A_48 : vector<1x128xf32> to vector<10000x128xf32>
    %sub3A_49 = arith.subf %max3A_44, %sub3A : vector<10000x128xf32>
    %integer_pow3A = arith.mulf %sub3A_49, %sub3A_49 : vector<10000x128xf32>
    %reduce_sum3A_50 = arith.constant dense<0.000000e+00> : vector<128xf32>
    %reduce_sum3A_51 = vector.multi_reduction <add>, %integer_pow3A, %reduce_sum3A_50 [0] : vector<10000x128xf32> to vector<128xf32>
    %broadcast_in_dim3A_52 = vector.shape_cast %reduce_sum3A_51 : vector<128xf32> to vector<1x128xf32>
    %div3A_53 = arith.constant 1.000000e+04 : f32
    %div3A_54 = vector.broadcast %div3A_53 : f32 to vector<1x128xf32>
    %div3A_55 = arith.divf %broadcast_in_dim3A_52, %div3A_54 : vector<1x128xf32>
    %sub3A_56 = vector.broadcast %div3A_48 : vector<1x128xf32> to vector<10000x128xf32>
    %sub3A_57 = arith.subf %max3A_44, %sub3A_56 : vector<10000x128xf32>
    %add3A_58 = arith.constant 9.99999974E-6 : f32
    %add3A_59 = vector.broadcast %add3A_58 : f32 to vector<1x128xf32>
    %add3A_60 = arith.addf %div3A_55, %add3A_59 : vector<1x128xf32>
    %rsqrt3A = math.rsqrt %add3A_60 : vector<1x128xf32>
    %mul3A = vector.broadcast %rsqrt3A : vector<1x128xf32> to vector<10000x128xf32>
    %mul3A_61 = arith.mulf %sub3A_57, %mul3A : vector<10000x128xf32>
    %mul3A_62 = vector.broadcast %get3A_39 : vector<1x128xf32> to vector<10000x128xf32>
    %mul3A_63 = arith.mulf %mul3A_61, %mul3A_62 : vector<10000x128xf32>
    %add3A_64 = vector.broadcast %get3A_42 : vector<1x128xf32> to vector<10000x128xf32>
    %add3A_65 = arith.addf %mul3A_63, %add3A_64 : vector<10000x128xf32>
    %swap3A = arith.constant 0 : index
    %swap3A_66 = arith.constant 0 : index
    %swap3A_67 = vector.load %arg11[%swap3A, %swap3A_66] : memref<10000x128xf32, #tpu.memory_space<vmem>>, vector<10000x128xf32>
    tpu.vector_store %arg11[%swap3A, %swap3A_66], %add3A_65 {strides = array<i32>} : memref<10000x128xf32, #tpu.memory_space<vmem>>, vector<10000x128xf32>,
    %scan3A = arith.constant 0 : i32
    %scan3A_68 = arith.constant 64 : i32
    %scan3A_69 = arith.addi %scan3A, %scan3A_68 : i32
    %scan3A_70 = arith.constant 1 : i32
    scf.for %scan3A_94 = %scan3A to %scan3A_69 step %scan3A_70  : i32 {
      %get3A_95 = arith.constant 0 : index
      %get3A_96 = arith.constant 0 : index
      %get3A_97 = vector.load %arg7[%get3A_95, %get3A_96] : memref<10000x1xi32, #tpu.memory_space<vmem>>, vector<10000x1xi32>
      %eq3A = vector.broadcast %scan3A_94 : i32 to vector<10000x1xi32>
      %eq3A_98 = arith.cmpi eq, %get3A_97, %eq3A : vector<10000x1xi32>
      %get3A_99 = arith.constant 0 : index
      %get3A_100 = arith.constant 0 : index
      %get3A_101 = vector.load %arg11[%get3A_99, %get3A_100] : memref<10000x128xf32, #tpu.memory_space<vmem>>, vector<10000x128xf32>
      %jit3A_102 = arith.constant 0xFF800000 : f32
      %broadcast_in_dim3A_103 = vector.shape_cast %eq3A_98 : vector<10000x1xi1> to vector<10000x1xi1>
      %broadcast_in_dim3A_104 = vector.broadcast %broadcast_in_dim3A_103 : vector<10000x1xi1> to vector<10000x128xi1>
      %broadcast_in_dim3A_105 = vector.broadcast %jit3A_102 : f32 to vector<10000x128xf32>
      %select_n3A_106 = arith.select %broadcast_in_dim3A_104, %get3A_101, %broadcast_in_dim3A_105 : vector<10000x128xi1>, vector<10000x128xf32>
      %reduce_max3A = arith.constant dense<0xFF800000> : vector<128xf32>
      %reduce_max3A_107 = vector.multi_reduction <maximumf>, %select_n3A_106, %reduce_max3A [0] : vector<10000x128xf32> to vector<128xf32>
      %broadcast_in_dim3A_108 = vector.shape_cast %reduce_max3A_107 : vector<128xf32> to vector<1x128xf32>
      %swap3A_109 = arith.index_cast %scan3A_94 : i32 to index
      %swap3A_110 = arith.constant 0 : index
      %swap3A_111 = vector.load %arg12[%swap3A_109, %swap3A_110] : memref<64x128xf32, #tpu.memory_space<vmem>>, vector<1x128xf32>
      tpu.vector_store %arg12[%swap3A_109, %swap3A_110], %broadcast_in_dim3A_108 {strides = array<i32>} : memref<64x128xf32, #tpu.memory_space<vmem>>, vector<1x128xf32>,
    }
    %scan3A_71 = arith.constant 64 : i32
    %get3A_72 = arith.constant 0 : index
    %get3A_73 = arith.constant 0 : index
    %get3A_74 = vector.load %arg12[%get3A_72, %get3A_73] : memref<64x128xf32, #tpu.memory_space<vmem>>, vector<64x128xf32>
    %is_finite3A = tpu.weird %get3A_74 : vector<64x128xf32> -> vector<64x128xi1>
    %is_finite3A_75 = arith.constant dense<true> : vector<64x128xi1>
    %is_finite3A_76 = arith.xori %is_finite3A, %is_finite3A_75 : vector<64x128xi1>
    %jit3A = arith.constant 0.000000e+00 : f32
    %broadcast_in_dim3A_77 = vector.broadcast %jit3A : f32 to vector<64x128xf32>
    %select_n3A = arith.select %is_finite3A_76, %get3A_74, %broadcast_in_dim3A_77 : vector<64x128xi1>, vector<64x128xf32>
    %get3A_78 = arith.constant 0 : index
    %get3A_79 = arith.constant 0 : index
    %get3A_80 = vector.load %arg8[%get3A_78, %get3A_79] : memref<1x128xf32, #tpu.memory_space<vmem>>, vector<1x128xf32>
    %mul3A_81 = vector.broadcast %get3A_80 : vector<1x128xf32> to vector<64x128xf32>
    %mul3A_82 = arith.mulf %select_n3A, %mul3A_81 : vector<64x128xf32>
    %reduce_sum3A_83 = arith.constant dense<0.000000e+00> : vector<64xf32>
    %reduce_sum3A_84 = vector.multi_reduction <add>, %mul3A_82, %reduce_sum3A_83 [1] : vector<64x128xf32> to vector<64xf32>
    %broadcast_in_dim3A_85 = vector.shape_cast %reduce_sum3A_84 : vector<64xf32> to vector<64x1xf32>
    %get3A_86 = arith.constant 0 : index
    %get3A_87 = arith.constant 0 : index
    %get3A_88 = vector.load %arg9[%get3A_86, %get3A_87] : memref<1x1xf32, #tpu.memory_space<vmem>>, vector<1x1xf32>
    %add3A_89 = vector.broadcast %get3A_88 : vector<1x1xf32> to vector<64x1xf32>
    %add3A_90 = arith.addf %broadcast_in_dim3A_85, %add3A_89 : vector<64x1xf32>
    %swap3A_91 = arith.constant 0 : index
    %swap3A_92 = arith.constant 0 : index
    %swap3A_93 = vector.load %arg10[%swap3A_91, %swap3A_92] : memref<64x1xf32, #tpu.memory_space<vmem>>, vector<64x1xf32>
    tpu.vector_store %arg10[%swap3A_91, %swap3A_92], %add3A_90 {strides = array<i32>} : memref<64x1xf32, #tpu.memory_space<vmem>>, vector<64x1xf32>,
    return
  }
}

</mosaic_0001>

<sc_bundles>
// kernel: kernel.10.cloned.1.call-start
scs
__scs_entry_jumppad:
0x0: {  	(pc) =	sbr.rel $0x88, $3  }
0x1: {  	(tag) =	ssettag $0x0;
	lr =	simm.s32 $0x1  }
0x2: {  	[smem:$0x3F88] =	sst lr;
	_ =	strace $0xD0000000  }
0x3: {  	_ = 	snop  }
0x4: {  	_ = 	snop  }
0x5: {  	_ = 	snop  }
0x6: {  	_ = 	snop  }
0x7: {  	_ = 	snop  }
__scs_overlays_trampoline_lowered:
0x8: {  	[smem:$0x3F97] =	sst s0  }
0x9: {  	[smem:$0x3F98] =	sst s1  }
0xa: {  	[smem:$0x3F99] =	sst s2  }
0xb: {  	[smem:$0x3F9A] =	sst s3  }
0xc: {  	[smem:$0x3F9B] =	sst s4  }
0xd: {  	[smem:$0x3F9C] =	sst s5  }
0xe: {  	[smem:$0x3F9D] =	sst s6  }
0xf: {  	[smem:$0x3F9E] =	sst s7  }
0x10: {  	[smem:$0x3F9F] =	sst s8  }
0x11: {  	[smem:$0x3FA0] =	sst s9;
	s0 =	simm.s32 @!p0 $0x0  }
0x12: {  	s1 =	sld [smem:$0x3F86];
	s0 =	simm.s32 @p0 $0x1  }
0x13: {  	[smem:$0x3FA1] =	sst s0;
	s0 =	simm.s32 @!p1 $0x0  }
0x14: {  	s2 =	sld [smem:$0x3F85];
	s0 =	simm.s32 @p1 $0x1  }
0x15: {  	[smem:$0x3FA2] =	sst s0;
	s0 =	simm.s32 @!p2 $0x0  }
0x16: {  	s3 =	sld [smem:$0x3FDB];
	s0 =	simm.s32 @p2 $0x1  }
0x17: {  	s4 =	simm.s32 $0x1BF5;
	[smem:$0x3FA4] =	sst s0  }
0x18: {  	s0 =	sld [smem:$0x3F87];
	_ =	swait.ge [sflag:s4], $0x0  }
0x19: {  	s7 =	sld [smem:$0x3F88]  }
0x1a: {  	s8 =	sadd.s32 $0xFFFFE003, lr  }
0x1b: {  	s9 =	sadd.s32 $0xFFFFFEF7, lr;
	s5 =	simm.s32 $0xFFFFFFFF;
	p2 =	slt.u32 s8, $0xFFFFF086  }
0x1c: {  	p1 =	slt.u32 s9, $0xF7A;
	s5 =	simm.s32 @!p2 $0x0  }
0x1d: {  	s5 =	simm.s32 @p1 $0x1;
	p0 =	seq.s32 s7, s2  }
0x1e: {  	s7 =	smul.u32 @!p0 $0xF7A, s2;
	p2 =	seq.s32 @!p0 s5, $0x0  }
0x1f: {  	s9 =	smul.u32 $0xF7A, s1;
	s8 =	simm.s32 @!p0 $0x1BF5;
	p2 =	por !p2, p0  }
0x20: {  	[sflag:s8] =	ssyncset.s32 @!p0 $0xFFFFF086;
	s6 =	sadd.s32 @!p0 s3, s7;
	s7 =	simm.s32 @!p0 $0x108  }
0x21: {  	s3 =	sadd.s32 s3, s9;
	s6 =	sadd.s32 @!p0 $0x88, s6;
	s7 =	simm.s32 @p2 $0x1082  }
0x22: {  	[simem:s7], [sflag:s8] =	dma.local @!p0 [hbm:s6], $0xF7A  }
0x23: {  	s9 =	sor.u32 $0xD0000000, s2;
	s6 =	simm.s32 $0x108;
	_ =	swait.ge @!p0 [sflag:s8], $0x0  }
0x24: {  	s3 =	sadd.s32 $0x88, s3;
	s6 =	simm.s32 @!p1 $0x1082;
	[sflag:s4] =	ssyncset.s32 $0xFFFFF086  }
0x25: {  	[simem:s6], [sflag:s4] =	dma.local [hbm:s3], $0xF7A  }
0x26: {  	[smem:$0x3F88] =	sst s1;
	(tag) =	ssettag s2;
	_ =	strace s9  }
0x27: {  	s1 =	sld [smem:$0x3F98]  }
0x28: {  	s2 =	sld [smem:$0x3F99]  }
0x29: {  	s4 =	sld [smem:$0x3F9B]  }
0x2a: {  	p0 =	seq.s32 s5, $0x0;
	s5 =	sld [smem:$0x3F9C]  }
0x2b: {  	s6 =	sld [smem:$0x3F9D]  }
0x2c: {  	s7 =	sld [smem:$0x3F9E]  }
0x2d: {  	s3 =	simm.s32 $0x108;
	s8 =	sld [smem:$0x3F9F]  }
0x2e: {  	s3 =	simm.s32 @!p0 $0x1082;
	s9 =	sld [smem:$0x3FA0]  }
0x2f: {  	lr =	sadd.s32 s0, s3;
	s0 =	sld [smem:$0x3F97]  }
0x30: {  	s3 =	sld [smem:$0x3F9A]  }
0x31: {  	[smem:$0x3FA3] =	sst s10  }
0x32: {  	s10 =	sld [smem:$0x3FA1];
	_ =	sdelay $0x3  }
0x33: {  	p0 =	seq.s32 s10, $0x1;
	s10 =	sld [smem:$0x3FA3];
	_ =	sdelay $0x3  }
0x34: {  	[smem:$0x3FA3] =	sst s10  }
0x35: {  	s10 =	sld [smem:$0x3FA2];
	_ =	sdelay $0x3  }
0x36: {  	p1 =	seq.s32 s10, $0x1;
	s10 =	sld [smem:$0x3FA3];
	_ =	sdelay $0x3  }
0x37: {  	[smem:$0x3FA3] =	sst s10  }
0x38: {  	s10 =	sld [smem:$0x3FA4]  }
0x39: {  	_ = 	snop;
	(pc) =	sbr.ind lr, $3  }
0x3a: {  	_ = 	snop  }
0x3b: {  	_ = 	snop  }
0x3c: {  	p2 =	seq.s32 s10, $0x1;
	s10 =	sld [smem:$0x3FA3]  }
0x3d: {  	_ =	shalt  }
0x3e: {  	_ =	shalt  }
0x3f: {  	_ =	shalt  }
0x40: {  	_ =	shalt  }
0x41: {  	_ =	shalt  }
0x42: {  	_ =	shalt  }
0x43: {  	_ =	shalt  }
0x44: {  	_ =	shalt  }
0x45: {  	_ =	shalt  }
0x46: {  	_ =	shalt  }
0x47: {  	_ =	shalt  }
0x48: {  	_ =	shalt  }
0x49: {  	_ =	shalt  }
0x4a: {  	_ =	shalt  }
0x4b: {  	_ =	shalt  }
0x4c: {  	_ =	shalt  }
0x4d: {  	_ =	shalt  }
0x4e: {  	_ =	shalt  }
0x4f: {  	_ =	shalt  }
0x50: {  	_ =	shalt  }
0x51: {  	_ =	shalt  }
0x52: {  	_ =	shalt  }
0x53: {  	_ =	shalt  }
0x54: {  	_ =	shalt  }
0x55: {  	_ =	shalt  }
0x56: {  	_ =	shalt  }
0x57: {  	_ =	shalt  }
0x58: {  	_ =	shalt  }
0x59: {  	_ =	shalt  }
0x5a: {  	_ =	shalt  }
0x5b: {  	_ =	shalt  }
0x5c: {  	_ =	shalt  }
0x5d: {  	_ =	shalt  }
0x5e: {  	_ =	shalt  }
0x5f: {  	_ =	shalt  }
0x60: {  	_ =	shalt  }
0x61: {  	_ =	shalt  }
0x62: {  	_ =	shalt  }
0x63: {  	_ =	shalt  }
0x64: {  	_ =	shalt  }
0x65: {  	_ =	shalt  }
0x66: {  	_ =	shalt  }
0x67: {  	_ =	shalt  }
0x68: {  	_ =	shalt  }
0x69: {  	_ =	shalt  }
0x6a: {  	_ =	shalt  }
0x6b: {  	_ =	shalt  }
0x6c: {  	_ =	shalt  }
0x6d: {  	_ =	shalt  }
0x6e: {  	_ =	shalt  }
0x6f: {  	_ =	shalt  }
0x70: {  	_ =	shalt  }
0x71: {  	_ =	shalt  }
0x72: {  	_ =	shalt  }
0x73: {  	_ =	shalt  }
0x74: {  	_ =	shalt  }
0x75: {  	_ =	shalt  }
0x76: {  	_ =	shalt  }
0x77: {  	_ =	shalt  }
0x78: {  	_ =	shalt  }
0x79: {  	_ =	shalt  }
0x7a: {  	_ =	shalt  }
0x7b: {  	_ =	shalt  }
0x7c: {  	_ =	shalt  }
0x7d: {  	_ =	shalt  }
0x7e: {  	_ =	shalt  }
0x7f: {  	_ =	shalt  }
0x80: {  	_ =	shalt  }
0x81: {  	_ =	shalt  }
0x82: {  	_ =	shalt  }
0x83: {  	_ =	shalt  }
0x84: {  	_ =	shalt  }
0x85: {  	_ =	shalt  }
0x86: {  	_ =	shalt  }
0x87: {  	_ =	shalt  }
.Lfunc_end0:
.L_simem_size_0:
called_computation.1_lowered:
.L_overlay_start_0:
0x88: {  	s2 =	sld [smem:$0x3FD9]  }
0x89: {  	s3 =	sld [smem:$0x3FFE];
	_ =	sdelay $0x1  }
0x8a: {  	s1 =	srdreg.scid  }
0x8b: {  	s0 =	sand.u32 $0x1, s1  }
0x8c: {  	s16 =	sshll.u32 s0, $0xA;
	s2 =	sadd.s32 s3, s2  }
0x8d: {  	s2 =	sadd.s32 s2, s16  }
0x8e: {  	[smem:$0x3FAF] =	sst s2  }
0x8f: {  	_ = 	snop  }
0x90: {  	(tm) =	ssettm $0x1  }
0x91: {  	s17 =	sld [smem:$0x3FFB];
	_ =	sdelay $0x3  }
0x92: {  	_ =	strace s17  }
0x93: {  	s2 =	sld [smem:$0x3FFC];
	_ =	sdelay $0x3  }
0x94: {  	_ =	strace s2  }
0x95: {  	s2 =	sld [smem:$0x3FFD];
	_ =	sdelay $0x3  }
0x96: {  	_ =	strace s2  }
0x97: {  	_ =	strace $0x8FFFFFFF  }
0x98: {  	s18 =	sld [smem:$0x3FDB];
	_ =	sdelay $0x1  }
0x99: {  	s19 =	simm.s32 $_scs_section_size  }
0x9a: {  	s4 =	simm.s32 $_size__tile_overlayer_lowered;
	s5 =	simm.s32 $_tile_overlayer_lowered  }
0x9b: {  	s22 =	simm.s32 $0x1BFF;
	s21 =	sshll.u32 s5, $0x1;
	s2 =	sadd.s32 s19, s18  }
0x9c: {  	s6 =	simm.s32 $0x0;
	s20 =	sshll.u32 s4, $0x1;
	s4 =	sadd.s32 s21, s2  }
0x9d: {  	[timem:s6], [sflag:s22] =	dma.local [hbm:s4], s20  }
0x9e: {  	_ =	swait.ge [sflag:s22], s20  }
0x9f: {  	s3 =	ssub.s32 $0x0, s20;
	[sflag:s22] =	ssyncset.done $0x0  }
0xa0: {  	[sflag:s22] =	ssyncadd.s32 s3;
	_ =	sdelay $0x1  }
0xa1: {  	s23 =	simm.s32 $0x1B8B  }
0xa2: {  	_ =	swait.ge [sflag:s23], $0x1  }
0xa3: {  	[sflag:s23] =	ssyncset.done $0x0  }
0xa4: {  	s25 =	simm.s32 $0x1B8E;
	s24 =	sld [smem:$0x3FFE];
	[sflag:s23] =	ssyncadd.s32 $0xFFFFFFFF  }
0xa5: {  	s26 =	simm.s32 $execute0_lowered;
	[smem:$0x3FD2] =	sst s25  }
0xa6: {  	s4 =	sshll.u32 s26, $0x1;
	_ =	strace $0x80000049;
	[dreg:$0x1] =	wrdreg $0xFFFFFFFF  }
0xa7: {  	s28 =	simm.s32 $_size_execute0_lowered;
	s2 =	sadd.s32 s2, s4;
	[dreg:$0x0] =	wrdreg $0x0  }
0xa8: {  	s4 =	sshll.u32 s28, $0x1;
	[dreg:$0x2] =	wrdreg s2  }
0xa9: {  	[dreg:$0x3] =	wrdreg s4  }
0xaa: {  	[dreg:$0x4] =	wrdreg $0xC0  }
0xab: {  	_ =	task [dreg:s6], $0x5FFFF  }
0xac: {  	[dreg:$0x1] =	wrdreg $0xFFFFFFFF  }
0xad: {  	[dreg:$0x0] =	wrdreg $0x60  }
0xae: {  	[dreg:$0x2] =	wrdreg s24  }
0xaf: {  	[dreg:$0x3] =	wrdreg $0x55A00  }
0xb0: {  	[dreg:$0x4] =	wrdreg $0x191A00  }
0xb1: {  	[dreg:$0x5] =	wrdreg $0x9  }
0xb2: {  	_ =	task.clear_ibuf [dreg:s6], $0x6FFFF;
	_ =	strace $0x90000049  }
0xb3: {  	s29 =	simm.s32 $0x9;
	_ =	strace $0x8000004B  }
0xb4: {  	_ =	swait.ge [sflag:s29], $0x1  }
0xb5: {  	[sflag:s29] =	ssyncadd.s32 $0xFFFFFFFF  }
0xb6: {  	_ =	strace $0x9000004B  }
0xb7: {  	_ =	sfence  }
0xb8: {  	s30 =	sld [smem:$0x0];
	_ =	sdelay $0x2  }
0xb9: {  	s31 =	sshll.u32 s1, $0xD;
	s1 =	sshrl.u32 s1, $0x2  }
0xba: {  	s3 =	sand.u32 $0x4000, s31;
	s1 =	sadd.s32 s1, s30  }
0xbb: {  	s0 =	sor.u32 s3, s0;
	s1 =	sshll.u32 s1, $0x11  }
0xbc: {  	s0 =	sor.u32 s1, s0  }
0xbd: {  	s0 =	sadd.s32 $0x8F2B, s0  }
0xbe: {  	[sflag:s0] =	ssyncadd.remote.s32 $0x1  }
0xbf: {  	_ =	sfence.sel $0xFFFF  }
0xc0: {  	[dreg:$0x0] =	wrdreg $0xFFFFFFFF;
	(pc) =	sbr.abs _section_cstart, $3  }
0xc1: {  	[dreg:$0x1] =	wrdreg $0xFFFFFFFF  }
0xc2: {  	_ =	task.clear_ibuf [dreg:s6], $0x2FFFF;
	_ =	strace $0x9FFFFFFF  }
0xc3: {  	(tm) =	ssettm $0x7FFFFFFF  }
tec
execute0_lowered:
.L_overlay_start_1:
0x0: {  	(tag) =	ssettag $0x1  }
0x1: {  	s0 =	srdreg.scid  }
0x2: {  	s4 =	stileid.u32;
	s3 =	rddreg [dreg:$0x0]  }
0x3: {  	s24 =	stileid.u32;
	s1 =	sand.u32 $0x1, s0;
	s10 =	smul.u32 $0x278, s4  }
0x4: {  	s11 =	sadd.s32 $0x97800, s3;
	s4 =	smul.u32 $0x13C00, s4;
	s0 =	ssub.s32 $0x2, s1  }
0x5: {  	s18 =	smul.u32 $0x13C000, s1;
	s2 =	sshrl.u32 s0, $0x1;
	s14 =	sadd.s32 $0x50, s10  }
0x6: {  	s15 =	sadd.s32 $0xA0, s10;
	s16 =	sadd.s32 $0xF0, s10;
	s17 =	sadd.s32 $0x140, s10  }
0x7: {  	s19 =	sadd.s32 $0x190, s10;
	s20 =	sadd.s32 $0x1E0, s10;
	s21 =	sadd.s32 $0x230, s10  }
0x8: {  	s0 =	ssub.s32 s0, s2;
	s7 =	sshll.u32 s14, $0x7;
	s5 =	sshll.u32 s15, $0x7  }
0x9: {  	s6 =	sshll.u32 s16, $0x7;
	s8 =	sshll.u32 s17, $0x7;
	s12 =	sshll.u32 s19, $0x7  }
0xa: {  	s9 =	sshll.u32 s20, $0x7;
	s23 =	sadd.s32 s4, s18;
	s13 =	sshll.u32 s21, $0x7  }
0xb: {  	s14 =	sshll.u32 s14, $0x4;
	s15 =	sshll.u32 s15, $0x4;
	s16 =	sshll.u32 s16, $0x4  }
0xc: {  	s30 =	sshll.u32 s17, $0x4;
	s31 =	sshll.u32 s19, $0x4;
	s20 =	sshll.u32 s20, $0x4  }
0xd: {  	s2 =	sshrl.u32 s23, $0x3;
	s25 =	sadd.s32 s18, s7;
	s26 =	sadd.s32 s18, s5  }
0xe: {  	s22 =	sadd.s32 s18, s6;
	s23 =	sadd.s32 s18, s8;
	s10 =	sshrl.u32 s25, $0x3  }
0xf: {  	s22 =	sshrl.u32 s22, $0x3;
	s23 =	sshrl.u32 s23, $0x3;
	s10 =	sadd.s32 s11, s10  }
0x10: {  	s25 =	sadd.s32 s18, s12;
	s22 =	sadd.s32 s11, s22;
	[dreg:$0x4] =	wrdreg s10  }
0x11: {  	s10 =	sshrl.u32 s26, $0x3;
	[dreg:$0x6] =	wrdreg s22;
	s26 =	sadd.s32 s18, s9  }
0x12: {  	s18 =	sadd.s32 s18, s13;
	s10 =	sadd.s32 s11, s10;
	s22 =	sshrl.u32 s26, $0x3  }
0x13: {  	[dreg:$0x5] =	wrdreg s10;
	s10 =	sadd.s32 s11, s23;
	s22 =	sadd.s32 s11, s22  }
0x14: {  	s23 =	sshrl.u32 s18, $0x3;
	s18 =	smul.u32 $0x2780, s24;
	[dreg:$0x7] =	wrdreg s10  }
0x15: {  	s10 =	sshrl.u32 s25, $0x3;
	[dreg:$0x9] =	wrdreg s22;
	s22 =	smul.u32 $0x27800, s1  }
0x16: {  	s21 =	sshll.u32 s21, $0x4;
	s2 =	sadd.s32 s11, s2;
	s10 =	sadd.s32 s11, s10  }
0x17: {  	[dreg:$0x8] =	wrdreg s10;
	s10 =	sadd.s32 s11, s23;
	s24 =	sadd.s32 s18, s22  }
0x18: {  	s25 =	sadd.s32 s22, s14;
	s23 =	sadd.s32 $0x8DA00, s3;
	s26 =	sadd.s32 s22, s15  }
0x19: {  	[dreg:$0xa] =	wrdreg s10;
	s10 =	simm.s32 $0x0;
	s11 =	sshrl.u32 s24, $0x3  }
0x1a: {  	s17 =	sshrl.u32 s25, $0x3;
	s19 =	sshrl.u32 s26, $0x3;
	s24 =	sadd.s32 s22, s16  }
0x1b: {  	s25 =	sadd.s32 s22, s30;
	[smem:$0x7FF] =	sst s10;
	s17 =	sadd.s32 s23, s17  }
0x1c: {  	s26 =	sadd.s32 s22, s31;
	s11 =	sadd.s32 s23, s11;
	[dreg:$0xb] =	wrdreg s17  }
0x1d: {  	s17 =	sadd.s32 s23, s19;
	s19 =	sshrl.u32 s25, $0x3;
	s25 =	sadd.s32 s22, s20  }
0x1e: {  	s22 =	sadd.s32 s22, s21;
	[dreg:$0xc] =	wrdreg s17;
	s19 =	sadd.s32 s23, s19  }
0x1f: {  	s17 =	sshrl.u32 s24, $0x3;
	s24 =	sshrl.u32 s26, $0x3;
	[dreg:$0xe] =	wrdreg s19  }
0x20: {  	s22 =	sshrl.u32 s22, $0x3;
	s17 =	sadd.s32 s23, s17;
	s19 =	rddreg [dreg:$0x2]  }
0x21: {  	s26 =	sshrl.u32 s25, $0x3;
	s22 =	sadd.s32 s23, s22;
	[dreg:$0xd] =	wrdreg s17  }
0x22: {  	s25 =	sadd.s32 $0xE600, s3;
	s17 =	sadd.s32 s23, s24;
	[dreg:$0x11] =	wrdreg s22  }
0x23: {  	s24 =	sadd.s32 s23, s26;
	s22 =	sadd.s32 $0x18400, s3;
	[dreg:$0xf] =	wrdreg s17  }
0x24: {  	s23 =	sadd.s32 $0x3F600, s3;
	s26 =	sadd.s32 $0x4800, s3;
	s17 =	rddreg [dreg:$0x1]  }
0x25: {  	s29 =	sadd.s32 s18, s19;
	s18 =	sadd.s32 s14, s19;
	[dreg:$0x10] =	wrdreg s24  }
0x26: {  	s14 =	sadd.s32 s30, s19;
	_ =	strace $0x8000004A;
	[dreg:$0x13] =	wrdreg s18  }
0x27: {  	s20 =	sadd.s32 s20, s19;
	s30 =	simm.s32 $0x50A0;
	[dreg:$0x19] =	wrdreg s14  }
0x28: {  	s24 =	sadd.s32 $0x66800, s3;
	s7 =	sadd.s32 s7, s17;
	[dreg:$0x1d] =	wrdreg s20  }
0x29: {  	s28 =	sadd.s32 s4, s17;
	s4 =	sadd.s32 s5, s17;
	[dreg:$0x12] =	wrdreg s7  }
0x2a: {  	s3 =	simm.s32 $0x1;
	s5 =	sadd.s32 s15, s19;
	[dreg:$0x14] =	wrdreg s4  }
0x2b: {  	s6 =	sadd.s32 s6, s17;
	s8 =	sadd.s32 s8, s17;
	[dreg:$0x15] =	wrdreg s5  }
0x2c: {  	s15 =	sadd.s32 s12, s17;
	s18 =	sadd.s32 s9, s17;
	[dreg:$0x16] =	wrdreg s6  }
0x2d: {  	s13 =	sadd.s32 s13, s17;
	s14 =	sadd.s32 s21, s19;
	[dreg:$0x18] =	wrdreg s8  }
0x2e: {  	s21 =	stileid.u32;
	s20 =	simm.s32 $0xA0;
	[dreg:$0x1a] =	wrdreg s15  }
0x2f: {  	s7 =	sadd.s32 s16, s19;
	s16 =	sadd.s32 s31, s19;
	[dreg:$0x1c] =	wrdreg s18  }
0x30: {  	s15 =	smax.u32 s0, $0x1;
	s31 =	simm.s32 $0x50;
	s18 =	simm.s32 $0x4  }
0x31: {  	s0 =	simm.s32 $0x28A0;
	s4 =	simm.s32 $0x2;
	[dreg:$0x17] =	wrdreg s7  }
0x32: {  	v0 =	vimm.f32 $0.0e+00;
	[dreg:$0x1b] =	wrdreg s16;
	s16 =	sshll.u32 s21, $0x1;
	s21 =	simm.s32 $0x3  }
.LBB2_1:
0x33: {  	s6 =	simm.s32 $0x0  }
0x34: {  	s5 =	simm.s32 $0xE0;
	[tilespmem:s6+$0x50A0] =	vst v0;
	s6 =	simm.s32 $0x40  }
.LBB2_2:
0x35: {  	p0 =	sne.s32 s6, $0x13C0;
	[tilespmem:s5+$0xFFFFFFC0] =	vst v0  }
0x36: {  	[tilespmem:s5+$0xFFFFFFD0] =	vst v0  }
0x37: {  	[tilespmem:s5+$0xFFFFFFE0] =	vst v0  }
0x38: {  	[tilespmem:s5+$0xFFFFFFF0] =	vst v0  }
.Ltmp0:
0x39: {  	[tilespmem:s5+$0x0] =	vst v0;
	(pc) =	sbr.rel @p0 .LBB2_2-.Ltmp0, $4  }
0x3a: {  	[tilespmem:s5+$0x10] =	vst v0  }
0x3b: {  	[tilespmem:s5+$0x20] =	vst v0  }
0x3c: {  	s7 =	sshra.s32 s6, $0x2;
	[tilespmem:s5+$0x30] =	vst v0  }
0x3d: {  	s6 =	sadd.s32 $0x40, s6;
	s5 =	sadd.s32 $0x80, s5;
	[tilespmem:s7+$0x50A0] =	vst v0  }
0x3e: {  	[tilespmem:s5+$0xFFFFFFC0] =	vst v0  }
0x3f: {  	[tilespmem:s5+$0xFFFFFFD0] =	vst v0  }
0x40: {  	[tilespmem:s5+$0xFFFFFFE0] =	vst v0  }
0x41: {  	[tilespmem:s5+$0xFFFFFFF0] =	vst v0  }
0x42: {  	[tilespmem:s5+$0x0] =	vst v0  }
0x43: {  	[tilespmem:s5+$0x10] =	vst v0  }
0x44: {  	[tilespmem:s5+$0x20] =	vst v0  }
0x45: {  	[tilespmem:s5+$0x30] =	vst v0  }
0x46: {  	[spmem:s28] =	stream.linear.scatter [tilespmem:s20], [sflag:$0x3], $0x2800, $0x38;
	[tilespmem:$0x1B920] =	vst v63  }
0x47: {  	_ =	swait.ge [sflag:s21], $0x2800  }
0x48: {  	[sflag:s21] =	ssyncset.done $0x0  }
0x49: {  	[sflag:s21] =	ssyncadd.s32 $0xFFFFD800  }
0x4a: {  	[spmem:s29] =	stream.linear.scatter [tilespmem:s30], [sflag:$0x3], $0x500, $0x38;
	[tilespmem:$0x1B920] =	vst v63  }
0x4b: {  	_ =	swait.ge [sflag:s21], $0x500  }
0x4c: {  	[sflag:s21] =	ssyncset.done $0x0  }
0x4d: {  	s8 =	rddreg [dreg:$0x12];
	[sflag:s21] =	ssyncadd.s32 $0xFFFFFB00  }
0x4e: {  	[spmem:s8] =	stream.linear.scatter [tilespmem:s20], [sflag:$0x3], $0x2800, $0x38;
	[tilespmem:$0x1B920] =	vst v63  }
0x4f: {  	_ =	swait.ge [sflag:s21], $0x2800  }
0x50: {  	[sflag:s21] =	ssyncset.done $0x0  }
0x51: {  	s9 =	rddreg [dreg:$0x13];
	[sflag:s21] =	ssyncadd.s32 $0xFFFFD800  }
0x52: {  	[spmem:s9] =	stream.linear.scatter [tilespmem:s30], [sflag:$0x3], $0x500, $0x38;
	[tilespmem:$0x1B920] =	vst v63  }
0x53: {  	_ =	swait.ge [sflag:s21], $0x500  }
0x54: {  	[sflag:s21] =	ssyncset.done $0x0  }
0x55: {  	s12 =	rddreg [dreg:$0x14];
	[sflag:s21] =	ssyncadd.s32 $0xFFFFFB00  }
0x56: {  	[spmem:s12] =	stream.linear.scatter [tilespmem:s20], [sflag:$0x3], $0x2800, $0x38;
	[tilespmem:$0x1B920] =	vst v63  }
0x57: {  	_ =	swait.ge [sflag:s21], $0x2800  }
0x58: {  	[sflag:s21] =	ssyncset.done $0x0  }
0x59: {  	s6 =	rddreg [dreg:$0x15];
	[sflag:s21] =	ssyncadd.s32 $0xFFFFD800  }
0x5a: {  	[spmem:s6] =	stream.linear.scatter [tilespmem:s30], [sflag:$0x3], $0x500, $0x38;
	[tilespmem:$0x1B920] =	vst v63  }
0x5b: {  	_ =	swait.ge [sflag:s21], $0x500  }
0x5c: {  	[sflag:s21] =	ssyncset.done $0x0  }
0x5d: {  	s7 =	rddreg [dreg:$0x16];
	[sflag:s21] =	ssyncadd.s32 $0xFFFFFB00  }
0x5e: {  	[spmem:s7] =	stream.linear.scatter [tilespmem:s20], [sflag:$0x3], $0x2800, $0x38;
	[tilespmem:$0x1B920] =	vst v63  }
0x5f: {  	_ =	swait.ge [sflag:s21], $0x2800  }
0x60: {  	[sflag:s21] =	ssyncset.done $0x0  }
0x61: {  	s8 =	rddreg [dreg:$0x17];
	[sflag:s21] =	ssyncadd.s32 $0xFFFFD800  }
0x62: {  	[spmem:s8] =	stream.linear.scatter [tilespmem:s30], [sflag:$0x3], $0x500, $0x38;
	[tilespmem:$0x1B920] =	vst v63  }
0x63: {  	_ =	swait.ge [sflag:s21], $0x500  }
0x64: {  	[sflag:s21] =	ssyncset.done $0x0  }
0x65: {  	s9 =	rddreg [dreg:$0x18];
	[sflag:s21] =	ssyncadd.s32 $0xFFFFFB00  }
0x66: {  	[spmem:s9] =	stream.linear.scatter [tilespmem:s20], [sflag:$0x3], $0x2800, $0x38;
	[tilespmem:$0x1B920] =	vst v63  }
0x67: {  	_ =	swait.ge [sflag:s21], $0x2800  }
0x68: {  	[sflag:s21] =	ssyncset.done $0x0  }
0x69: {  	s12 =	rddreg [dreg:$0x19];
	[sflag:s21] =	ssyncadd.s32 $0xFFFFD800  }
0x6a: {  	[spmem:s12] =	stream.linear.scatter [tilespmem:s30], [sflag:$0x3], $0x500, $0x38;
	[tilespmem:$0x1B920] =	vst v63  }
0x6b: {  	_ =	swait.ge [sflag:s21], $0x500  }
0x6c: {  	[sflag:s21] =	ssyncset.done $0x0  }
0x6d: {  	s6 =	rddreg [dreg:$0x1a];
	[sflag:s21] =	ssyncadd.s32 $0xFFFFFB00  }
0x6e: {  	[spmem:s6] =	stream.linear.scatter [tilespmem:s20], [sflag:$0x3], $0x2800, $0x38;
	[tilespmem:$0x1B920] =	vst v63  }
0x6f: {  	_ =	swait.ge [sflag:s21], $0x2800  }
0x70: {  	[sflag:s21] =	ssyncset.done $0x0  }
0x71: {  	s7 =	rddreg [dreg:$0x1b];
	[sflag:s21] =	ssyncadd.s32 $0xFFFFD800  }
0x72: {  	[spmem:s7] =	stream.linear.scatter [tilespmem:s30], [sflag:$0x3], $0x500, $0x38;
	[tilespmem:$0x1B920] =	vst v63  }
0x73: {  	_ =	swait.ge [sflag:s21], $0x500  }
0x74: {  	[sflag:s21] =	ssyncset.done $0x0  }
0x75: {  	s8 =	rddreg [dreg:$0x1c];
	[sflag:s21] =	ssyncadd.s32 $0xFFFFFB00  }
0x76: {  	[spmem:s8] =	stream.linear.scatter [tilespmem:s20], [sflag:$0x3], $0x2800, $0x38;
	[tilespmem:$0x1B920] =	vst v63  }
0x77: {  	_ =	swait.ge [sflag:s21], $0x2800  }
0x78: {  	[sflag:s21] =	ssyncset.done $0x0  }
0x79: {  	s9 =	rddreg [dreg:$0x1d];
	[sflag:s21] =	ssyncadd.s32 $0xFFFFD800  }
0x7a: {  	[spmem:s9] =	stream.linear.scatter [tilespmem:s30], [sflag:$0x3], $0x500, $0x38;
	[tilespmem:$0x1B920] =	vst v63  }
0x7b: {  	_ =	swait.ge [sflag:s21], $0x500  }
0x7c: {  	[sflag:s21] =	ssyncset.done $0x0  }
0x7d: {  	[sflag:s21] =	ssyncadd.s32 $0xFFFFFB00  }
0x7e: {  	[spmem:s13] =	stream.linear.scatter [tilespmem:s20], [sflag:$0x3], $0x2400, $0x38;
	[tilespmem:$0x1B920] =	vst v63  }
0x7f: {  	_ =	swait.ge [sflag:s21], $0x2400  }
0x80: {  	[sflag:s21] =	ssyncset.done $0x0  }
0x81: {  	[sflag:s21] =	ssyncadd.s32 $0xFFFFDC00  }
0x82: {  	[spmem:s14] =	stream.linear.scatter [tilespmem:s30], [sflag:$0x3], $0x480, $0x38;
	[tilespmem:$0x1B920] =	vst v63  }
0x83: {  	_ =	swait.ge [sflag:s21], $0x480  }
0x84: {  	[sflag:s21] =	ssyncset.done $0x0  }
0x85: {  	[sflag:s21] =	ssyncadd.s32 $0xFFFFFB80  }
0x86: {  	s5 =	simm.s32 $0x0;
	[bflag:$0x0] =	sbarrier.arrive $0xFFFF  }
0x87: {  	[hbm4b:s2+s5] =	stream.linear.scatter [tilespmem:s20], [sflag:$0x3], $0x2800, $0x38;
	[tilespmem:$0x1B920] =	vst v63  }
0x88: {  	_ =	swait.ge [sflag:s21], $0x2800  }
0x89: {  	[sflag:s21] =	ssyncset.done $0x0  }
0x8a: {  	[sflag:s21] =	ssyncadd.s32 $0xFFFFD800  }
0x8b: {  	[hbm4b:s11+s5] =	stream.linear.scatter [tilespmem:s30], [sflag:$0x3], $0x500, $0x38;
	[tilespmem:$0x1B920] =	vst v63  }
0x8c: {  	_ =	swait.ge [sflag:s21], $0x500  }
0x8d: {  	[sflag:s21] =	ssyncset.done $0x0  }
0x8e: {  	s6 =	rddreg [dreg:$0x4];
	[sflag:s21] =	ssyncadd.s32 $0xFFFFFB00  }
0x8f: {  	[hbm4b:s6+s5] =	stream.linear.scatter [tilespmem:s20], [sflag:$0x3], $0x2800, $0x38;
	[tilespmem:$0x1B920] =	vst v63  }
0x90: {  	_ =	swait.ge [sflag:s21], $0x2800  }
0x91: {  	[sflag:s21] =	ssyncset.done $0x0  }
0x92: {  	s12 =	rddreg [dreg:$0xb];
	[sflag:s21] =	ssyncadd.s32 $0xFFFFD800  }
0x93: {  	[hbm4b:s12+s5] =	stream.linear.scatter [tilespmem:s30], [sflag:$0x3], $0x500, $0x38;
	[tilespmem:$0x1B920] =	vst v63  }
0x94: {  	_ =	swait.ge [sflag:s21], $0x500  }
0x95: {  	[sflag:s21] =	ssyncset.done $0x0  }
0x96: {  	s7 =	rddreg [dreg:$0x5];
	[sflag:s21] =	ssyncadd.s32 $0xFFFFFB00  }
0x97: {  	[hbm4b:s7+s5] =	stream.linear.scatter [tilespmem:s20], [sflag:$0x3], $0x2800, $0x38;
	[tilespmem:$0x1B920] =	vst v63  }
0x98: {  	_ =	swait.ge [sflag:s21], $0x2800  }
0x99: {  	[sflag:s21] =	ssyncset.done $0x0  }
0x9a: {  	s8 =	rddreg [dreg:$0xc];
	[sflag:s21] =	ssyncadd.s32 $0xFFFFD800  }
0x9b: {  	[hbm4b:s8+s5] =	stream.linear.scatter [tilespmem:s30], [sflag:$0x3], $0x500, $0x38;
	[tilespmem:$0x1B920] =	vst v63  }
0x9c: {  	_ =	swait.ge [sflag:s21], $0x500  }
0x9d: {  	[sflag:s21] =	ssyncset.done $0x0  }
0x9e: {  	s9 =	rddreg [dreg:$0x6];
	[sflag:s21] =	ssyncadd.s32 $0xFFFFFB00  }
0x9f: {  	[hbm4b:s9+s5] =	stream.linear.scatter [tilespmem:s20], [sflag:$0x3], $0x2800, $0x38;
	[tilespmem:$0x1B920] =	vst v63  }
0xa0: {  	_ =	swait.ge [sflag:s21], $0x2800  }
0xa1: {  	[sflag:s21] =	ssyncset.done $0x0  }
0xa2: {  	s12 =	rddreg [dreg:$0xd];
	[sflag:s21] =	ssyncadd.s32 $0xFFFFD800  }
0xa3: {  	[hbm4b:s12+s5] =	stream.linear.scatter [tilespmem:s30], [sflag:$0x3], $0x500, $0x38;
	[tilespmem:$0x1B920] =	vst v63  }
0xa4: {  	_ =	swait.ge [sflag:s21], $0x500  }
0xa5: {  	[sflag:s21] =	ssyncset.done $0x0  }
0xa6: {  	s7 =	rddreg [dreg:$0x7];
	[sflag:s21] =	ssyncadd.s32 $0xFFFFFB00  }
0xa7: {  	[hbm4b:s7+s5] =	stream.linear.scatter [tilespmem:s20], [sflag:$0x3], $0x2800, $0x38;
	[tilespmem:$0x1B920] =	vst v63  }
0xa8: {  	_ =	swait.ge [sflag:s21], $0x2800  }
0xa9: {  	[sflag:s21] =	ssyncset.done $0x0  }
0xaa: {  	s8 =	rddreg [dreg:$0xe];
	[sflag:s21] =	ssyncadd.s32 $0xFFFFD800  }
0xab: {  	[hbm4b:s8+s5] =	stream.linear.scatter [tilespmem:s30], [sflag:$0x3], $0x500, $0x38;
	[tilespmem:$0x1B920] =	vst v63  }
0xac: {  	_ =	swait.ge [sflag:s21], $0x500  }
0xad: {  	[sflag:s21] =	ssyncset.done $0x0  }
0xae: {  	s9 =	rddreg [dreg:$0x8];
	[sflag:s21] =	ssyncadd.s32 $0xFFFFFB00  }
0xaf: {  	[hbm4b:s9+s5] =	stream.linear.scatter [tilespmem:s20], [sflag:$0x3], $0x2800, $0x38;
	[tilespmem:$0x1B920] =	vst v63  }
0xb0: {  	_ =	swait.ge [sflag:s21], $0x2800  }
0xb1: {  	[sflag:s21] =	ssyncset.done $0x0  }
0xb2: {  	s12 =	rddreg [dreg:$0xf];
	[sflag:s21] =	ssyncadd.s32 $0xFFFFD800  }
0xb3: {  	[hbm4b:s12+s5] =	stream.linear.scatter [tilespmem:s30], [sflag:$0x3], $0x500, $0x38;
	[tilespmem:$0x1B920] =	vst v63  }
0xb4: {  	_ =	swait.ge [sflag:s21], $0x500  }
0xb5: {  	[sflag:s21] =	ssyncset.done $0x0  }
0xb6: {  	s7 =	rddreg [dreg:$0x9];
	[sflag:s21] =	ssyncadd.s32 $0xFFFFFB00  }
0xb7: {  	[hbm4b:s7+s5] =	stream.linear.scatter [tilespmem:s20], [sflag:$0x3], $0x2800, $0x38;
	[tilespmem:$0x1B920] =	vst v63  }
0xb8: {  	_ =	swait.ge [sflag:s21], $0x2800  }
0xb9: {  	[sflag:s21] =	ssyncset.done $0x0  }
0xba: {  	s8 =	rddreg [dreg:$0x10];
	[sflag:s21] =	ssyncadd.s32 $0xFFFFD800  }
0xbb: {  	[hbm4b:s8+s5] =	stream.linear.scatter [tilespmem:s30], [sflag:$0x3], $0x500, $0x38;
	[tilespmem:$0x1B920] =	vst v63  }
0xbc: {  	_ =	swait.ge [sflag:s21], $0x500  }
0xbd: {  	[sflag:s21] =	ssyncset.done $0x0  }
0xbe: {  	s9 =	rddreg [dreg:$0xa];
	[sflag:s21] =	ssyncadd.s32 $0xFFFFFB00  }
0xbf: {  	[hbm4b:s9+s5] =	stream.linear.scatter [tilespmem:s20], [sflag:$0x3], $0x2400, $0x38;
	[tilespmem:$0x1B920] =	vst v63  }
0xc0: {  	_ =	swait.ge [sflag:s21], $0x2400  }
0xc1: {  	[sflag:s21] =	ssyncset.done $0x0  }
0xc2: {  	s12 =	rddreg [dreg:$0x11];
	[sflag:s21] =	ssyncadd.s32 $0xFFFFDC00  }
0xc3: {  	[hbm4b:s12+s5] =	stream.linear.scatter [tilespmem:s30], [sflag:$0x3], $0x480, $0x38;
	[tilespmem:$0x1B920] =	vst v63  }
0xc4: {  	_ =	swait.ge [sflag:s21], $0x480  }
0xc5: {  	[sflag:s21] =	ssyncset.done $0x0  }
0xc6: {  	s6 =	simm.s32 $0x0;
	[sflag:s21] =	ssyncadd.s32 $0xFFFFFB80  }
.LBB2_4:
0xc7: {  	s7 =	sshll.u32 s6, $0x5  }
0xc8: {  	s7 =	sor.u32 s7, s16  }
0xc9: {  	s7 =	sor.u32 s1, s7  }
0xca: {  	s7 =	smul.u32 $0xA, s7;
	_ =	sdelay $0x1  }
0xcb: {  	s8 =	sadd.s32 s26, s7  }
0xcc: {  	[tilespmem:s31], [sflag:$0x4] =	stream.linear.gather [hbm4b:s8+s5], $0x50, $0x38;
	[tilespmem:$0x1B920] =	vst v63  }
0xcd: {  	_ =	swait.ge [sflag:s18], $0x50  }
0xce: {  	[sflag:s18] =	ssyncset.done $0x0  }
0xcf: {  	s7 =	sadd.s32 s25, s7;
	[sflag:s18] =	ssyncadd.s32 $0xFFFFFFB0  }
0xd0: {  	[tilespmem:s5], [sflag:$0x4] =	stream.linear.gather [hbm4b:s7+s5], $0x50, $0x38;
	[tilespmem:$0x1B920] =	vst v63  }
0xd1: {  	_ =	swait.ge [sflag:s18], $0x50  }
0xd2: {  	[sflag:s18] =	ssyncset.done $0x0  }
0xd3: {  	[sflag:s18] =	ssyncadd.s32 $0xFFFFFFB0  }
0xd4: {  	[tilespmem:s20], [sflag:$0x1] =	stream.indirect.gather [hbm4b:s22+s31], $0x80, s31, s31, $0xb8;
	[tilespmem:$0x1B920] =	vst v63  }
0xd5: {  	_ = 	snop  }
0xd6: {  	[tilespmem:s0], [sflag:$0x2] =	stream.indirect.gather [hbm4b:s23+s31], $0x80, s5, s31, $0xb8;
	[tilespmem:$0x1B920] =	vst v63  }
0xd7: {  	_ =	swait.ge [sflag:s3], $0x2800  }
0xd8: {  	[sflag:s3] =	ssyncset.done $0x0  }
0xd9: {  	[sflag:s3] =	ssyncadd.s32 $0xFFFFD800  }
0xda: {  	_ =	swait.ge [sflag:s4], $0x2800  }
0xdb: {  	[sflag:s4] =	ssyncset.done $0x0  }
0xdc: {  	s9 =	simm.s32 $0x0;
	[sflag:s4] =	ssyncadd.s32 $0xFFFFD800  }
0xdd: {  	v1 =	vld [tilespmem:s9+$0x28A0]  }
0xde: {  	v2 =	vld [tilespmem:s9+$0xA0]  }
0xdf: {  	v3 =	vld [tilespmem:s9+$0xB0]  }
0xe0: {  	v4 =	vld [tilespmem:s9+$0x28B0]  }
0xe1: {  	v5 =	vld [tilespmem:s9+$0xC0]  }
0xe2: {  	v6 =	vld [tilespmem:s9+$0x28C0]  }
0xe3: {  	v7 =	vld [tilespmem:s9+$0xD0]  }
0xe4: {  	v8 =	vld [tilespmem:s9+$0x28D0]  }
0xe5: {  	v1 =	vmul.f32 v1, v2;
	v2 =	vmul.f32 v4, v3;
	v3 =	vld [tilespmem:s9+$0xE0]  }
0xe6: {  	v4 =	vld [tilespmem:s9+$0x28E0]  }
0xe7: {  	v61 =	vld [tilespmem:s9+$0x28F0];
	v1 =	vadd.f32 v2, v1;
	v2 =	vmul.f32 v6, v5  }
0xe8: {  	v5 =	vld [tilespmem:s9+$0xF0]  }
0xe9: {  	v62 =	vld [tilespmem:s9+$0x100];
	v1 =	vadd.f32 v2, v1;
	v2 =	vmul.f32 v8, v7  }
0xea: {  	v63 =	vld [tilespmem:s9+$0x2900]  }
0xeb: {  	v1 =	vadd.f32 v2, v1;
	v2 =	vmul.f32 v4, v3;
	v3 =	vld [tilespmem:s9+$0x110]  }
0xec: {  	v4 =	vld [tilespmem:s9+$0x2910]  }
0xed: {  	v1 =	vadd.f32 v2, v1;
	v2 =	vmul.f32 v61, v5;
	_ =	sdelay $0x1  }
0xee: {  	v1 =	vadd.f32 v2, v1;
	v2 =	vmul.f32 v63, v62;
	_ =	sdelay $0x1  }
0xef: {  	v1 =	vadd.f32 v2, v1;
	v2 =	vmul.f32 v4, v3;
	_ =	sdelay $0x1  }
0xf0: {  	v1 =	vadd.f32 v2, v1;
	_ =	sdelay $0x1  }
0xf1: {  	(xrf2) =	vadd.scan.msk.f32 $0xffff, v1;
	_ =	sdelay $0x9  }
0xf2: {  	v1, _, _ =	vpop (xrf2)  }
0xf3: {  	(v2sf) =	vpush v1, $0xF;
	_ =	sdelay $0xe  }
0xf4: {  	s12 =	spop (v2sf)  }
0xf5: {  	s7 =	smul.f32 $8.838834610e-02, s12;
	_ =	sdelay $0x1  }
0xf6: {  	v1 =	vmov s7  }
0xf7: {  	v1 =	vmul.f32 $1.442695020e+00, v1;
	_ =	sdelay $0x1  }
0xf8: {  	v1 =	vbroadcast v1, $0x0;
	_ =	sdelay $0x1  }
0xf9: {  	(erf) = vpow2.f32 v1;
	_ =	sdelay $0x8  }
0xfa: {  	s7 =	simm.s32 $0x50A0;
	v1 =	vpop (erf)  }
0xfb: {  	s9 =	simm.s32 $0x80;
	[tilespmem:s7+$0x0] =	vst v1  }
0xfc: {  	v1 =	vld [tilespmem:s9+$0x28A0]  }
0xfd: {  	v2 =	vld [tilespmem:s9+$0xA0]  }
0xfe: {  	s8 =	simm.s32 $0x400;
	v3 =	vld [tilespmem:s9+$0xB0]  }
.LBB2_5:
0xff: {  	p0 =	sne.s32 s8, $0x9E00;
	v4 =	vld [tilespmem:s9+$0x28B0]  }
0x100: {  	v5 =	vld [tilespmem:s9+$0xC0]  }
0x101: {  	v6 =	vld [tilespmem:s9+$0x28C0]  }
0x102: {  	v7 =	vld [tilespmem:s9+$0xD0]  }
0x103: {  	v8 =	vld [tilespmem:s9+$0x28D0]  }
0x104: {  	v1 =	vmul.f32 v1, v2;
	v2 =	vmul.f32 v4, v3;
	v3 =	vld [tilespmem:s9+$0xE0]  }
0x105: {  	v4 =	vld [tilespmem:s9+$0x28E0]  }
0x106: {  	v1 =	vadd.f32 v2, v1;
	v2 =	vmul.f32 v6, v5;
	v5 =	vld [tilespmem:s9+$0xF0]  }
0x107: {  	v6 =	vld [tilespmem:s9+$0x28F0]  }
0x108: {  	v1 =	vadd.f32 v2, v1;
	v2 =	vmul.f32 v8, v7;
	v7 =	vld [tilespmem:s9+$0x100]  }
0x109: {  	v8 =	vld [tilespmem:s9+$0x2900]  }
0x10a: {  	v1 =	vadd.f32 v2, v1;
	v2 =	vmul.f32 v4, v3;
	v3 =	vld [tilespmem:s9+$0x110]  }
0x10b: {  	v4 =	vld [tilespmem:s9+$0x2910]  }
0x10c: {  	v1 =	vadd.f32 v2, v1;
	v2 =	vmul.f32 v6, v5;
	_ =	sdelay $0x1  }
0x10d: {  	v1 =	vadd.f32 v2, v1;
	v2 =	vmul.f32 v8, v7;
	_ =	sdelay $0x1  }
0x10e: {  	v1 =	vadd.f32 v2, v1;
	v2 =	vmul.f32 v4, v3;
	_ =	sdelay $0x1  }
0x10f: {  	v1 =	vadd.f32 v2, v1;
	_ =	sdelay $0x1  }
0x110: {  	(xrf2) =	vadd.scan.msk.f32 $0xffff, v1;
	_ =	sdelay $0x9  }
0x111: {  	v1, _, _ =	vpop (xrf2)  }
0x112: {  	(v2sf) =	vpush v1, $0xF;
	_ =	sdelay $0xe  }
0x113: {  	s9 =	spop (v2sf)  }
0x114: {  	s9 =	smul.f32 $8.838834610e-02, s9;
	_ =	sdelay $0x1  }
0x115: {  	v1 =	vmov s9  }
0x116: {  	v1 =	vmul.f32 $1.442695020e+00, v1;
	_ =	sdelay $0x1  }
0x117: {  	v1 =	vbroadcast v1, $0x0;
	_ =	sdelay $0x1  }
0x118: {  	(erf) = vpow2.f32 v1;
	_ =	sdelay $0x8  }
.Ltmp1:
0x119: {  	s7 =	sadd.s32 $0x10, s7;
	v1 =	vpop (erf);
	(pc) =	sbr.rel @p0 .LBB2_5-.Ltmp1, $4  }
0x11a: {  	s9 =	sshra.s32 s8, $0x2;
	[tilespmem:s7+$0x0] =	vst v1  }
0x11b: {  	v1 =	vld [tilespmem:s9+$0x28A0]  }
0x11c: {  	v2 =	vld [tilespmem:s9+$0xA0]  }
0x11d: {  	s8 =	sadd.s32 $0x200, s8;
	v3 =	vld [tilespmem:s9+$0xB0]  }
0x11e: {  	v4 =	vld [tilespmem:s9+$0x28B0]  }
0x11f: {  	v5 =	vld [tilespmem:s9+$0xC0]  }
0x120: {  	v6 =	vld [tilespmem:s9+$0x28C0]  }
0x121: {  	v7 =	vld [tilespmem:s9+$0xD0]  }
0x122: {  	v8 =	vld [tilespmem:s9+$0x28D0]  }
0x123: {  	v1 =	vmul.f32 v1, v2;
	v2 =	vmul.f32 v4, v3;
	v3 =	vld [tilespmem:s9+$0xE0]  }
0x124: {  	v4 =	vld [tilespmem:s9+$0x28E0]  }
0x125: {  	v1 =	vadd.f32 v2, v1;
	v2 =	vmul.f32 v6, v5;
	v5 =	vld [tilespmem:s9+$0xF0]  }
0x126: {  	v6 =	vld [tilespmem:s9+$0x28F0]  }
0x127: {  	v1 =	vadd.f32 v2, v1;
	v2 =	vmul.f32 v8, v7;
	v7 =	vld [tilespmem:s9+$0x100]  }
0x128: {  	v8 =	vld [tilespmem:s9+$0x2900]  }
0x129: {  	v1 =	vadd.f32 v2, v1;
	v2 =	vmul.f32 v4, v3;
	v3 =	vld [tilespmem:s9+$0x110]  }
0x12a: {  	v4 =	vld [tilespmem:s9+$0x2910]  }
0x12b: {  	v1 =	vadd.f32 v2, v1;
	v2 =	vmul.f32 v6, v5;
	_ =	sdelay $0x1  }
0x12c: {  	v1 =	vadd.f32 v2, v1;
	v2 =	vmul.f32 v8, v7;
	_ =	sdelay $0x1  }
0x12d: {  	v1 =	vadd.f32 v2, v1;
	v2 =	vmul.f32 v4, v3;
	_ =	sdelay $0x1  }
0x12e: {  	v1 =	vadd.f32 v2, v1;
	_ =	sdelay $0x1  }
0x12f: {  	(xrf2) =	vadd.scan.msk.f32 $0xffff, v1;
	_ =	sdelay $0x9  }
0x130: {  	v1, _, _ =	vpop (xrf2)  }
0x131: {  	(v2sf) =	vpush v1, $0xF;
	_ =	sdelay $0xe  }
0x132: {  	s8 =	spop (v2sf)  }
0x133: {  	s8 =	smul.f32 $8.838834610e-02, s8;
	_ =	sdelay $0x1  }
0x134: {  	v1 =	vmov s8  }
0x135: {  	v1 =	vmul.f32 $1.442695020e+00, v1;
	_ =	sdelay $0x1  }
0x136: {  	v1 =	vbroadcast v1, $0x0;
	_ =	sdelay $0x1  }
0x137: {  	(erf) = vpow2.f32 v1;
	_ =	sdelay $0x8  }
0x138: {  	s7 =	sadd.s32 $0x10, s7;
	v1 =	vpop (erf)  }
0x139: {  	s9 =	simm.s32 $0x0;
	[tilespmem:s7+$0x0] =	vst v1  }
0x13a: {  	[tilespmem:s20], [sflag:$0x1] =	stream.indirect.gather [hbm4b:s24+s31], $0x80, s9, s31, $0xb8;
	[tilespmem:$0x1B920] =	vst v63  }
0x13b: {  	_ =	swait.ge [sflag:s3], $0x2800  }
0x13c: {  	[sflag:s3] =	ssyncset.done $0x0  }
0x13d: {  	s7 =	simm.s32 $0xE0;
	[sflag:s3] =	ssyncadd.s32 $0xFFFFD800  }
0x13e: {  	v5 =	vld [tilespmem:s7+$0x30]  }
0x13f: {  	v8 =	vld [tilespmem:s7+$0x10]  }
0x140: {  	s12 =	simm.s32 $0x0;
	v6 =	vld [tilespmem:s7+$0xFFFFFFC0]  }
0x141: {  	v2 =	vld [tilespmem:s12+$0x50A0]  }
0x142: {  	v10 =	vld [tilespmem:s7+$0xFFFFFFE0]  }
0x143: {  	v1 =	vld [tilespmem:s7+$0xFFFFFFF0]  }
0x144: {  	v3 =	vld [tilespmem:s7+$0x20]  }
0x145: {  	v4 =	vld [tilespmem:s7+$0xFFFFFFD0]  }
0x146: {  	v9 =	vmul.f32 v5, v2;
	v5 =	vld [tilespmem:s7+$0x0]  }
0x147: {  	v7 =	vmul.f32 v6, v2  }
0x148: {  	s8 =	simm.s32 $0x40;
	s9 =	simm.s32 $0xE0;
	v6 =	vmul.f32 v10, v2;
	v8 =	vmul.f32 v8, v2  }
.LBB2_7:
0x149: {  	p0 =	sne.s32 s8, $0x13C0  }
0x14a: {  	v4 =	vmul.f32 v4, v2;
	v3 =	vmul.f32 v3, v2;
	[tilespmem:s7+$0x30] =	vst v9;
	s9 =	sadd.s32 $0x80, s9;
	s12 =	smov.u32 s8;
	s8 =	sadd.s32 $0x40, s8  }
0x14b: {  	[tilespmem:s7+$0xFFFFFFC0] =	vst v7;
	v7 =	vmul.f32 v1, v2;
	v2 =	vmul.f32 v5, v2  }
0x14c: {  	[tilespmem:s7+$0x10] =	vst v8  }
0x14d: {  	v1 =	vld [tilespmem:s9+$0xFFFFFFF0];
	[tilespmem:s7+$0xFFFFFFE0] =	vst v6  }
0x14e: {  	v6 =	vld [tilespmem:s9+$0x30];
	[tilespmem:s7+$0xFFFFFFF0] =	vst v7  }
0x14f: {  	v8 =	vld [tilespmem:s9+$0x10];
	[tilespmem:s7+$0x0] =	vst v2  }
0x150: {  	v7 =	vld [tilespmem:s9+$0xFFFFFFC0];
	[tilespmem:s7+$0x20] =	vst v3  }
0x151: {  	s12 =	sshra.s32 s12, $0x2;
	v10 =	vld [tilespmem:s9+$0xFFFFFFE0];
	[tilespmem:s7+$0xFFFFFFD0] =	vst v4;
	s7 =	smov.u32 s9  }
0x152: {  	v2 =	vld [tilespmem:s12+$0x50A0]  }
0x153: {  	v3 =	vld [tilespmem:s9+$0x20]  }
.Ltmp2:
0x154: {  	v4 =	vld [tilespmem:s9+$0xFFFFFFD0];
	(pc) =	sbr.rel @p0 .LBB2_7-.Ltmp2, $3  }
0x155: {  	v5 =	vld [tilespmem:s9+$0x0];
	_ =	sdelay $0x1  }
0x156: {  	v7 =	vmul.f32 v7, v2;
	v9 =	vmul.f32 v6, v2  }
0x157: {  	v6 =	vmul.f32 v10, v2;
	v8 =	vmul.f32 v8, v2  }
0x158: {  	[tilespmem:s7+$0x30] =	vst v9  }
0x159: {  	[tilespmem:s7+$0xFFFFFFC0] =	vst v7  }
0x15a: {  	v1 =	vmul.f32 v1, v2;
	[tilespmem:s7+$0x10] =	vst v8  }
0x15b: {  	v3 =	vmul.f32 v3, v2;
	[tilespmem:s7+$0xFFFFFFE0] =	vst v6  }
0x15c: {  	v5 =	vmul.f32 v5, v2;
	[tilespmem:s7+$0xFFFFFFF0] =	vst v1  }
0x15d: {  	v1 =	vmul.f32 v4, v2;
	[tilespmem:s7+$0x20] =	vst v3  }
0x15e: {  	[tilespmem:s7+$0x0] =	vst v5  }
0x15f: {  	[tilespmem:s7+$0xFFFFFFD0] =	vst v1  }
0x160: {  	[spmem:s17] =	stream.indirect.scatter.add.f32 [tilespmem:s20], [sflag:$0x4], $0x80, s31, s31, $0xb8;
	[tilespmem:$0x1B920] =	vst v63  }
0x161: {  	s6 =	sadd.s32 $0x1, s6;
	_ =	swait.ge [sflag:s18], $0x2800  }
0x162: {  	p0 =	sne.s32 s6, $0x7D;
	[sflag:s18] =	ssyncset.done $0x0  }
.Ltmp3:
0x163: {  	[sflag:s18] =	ssyncadd.s32 $0xFFFFD800;
	(pc) =	sbr.rel @p0 .LBB2_4-.Ltmp3, $4  }
0x164: {  	[spmem:s19] =	stream.indirect.scatter.add.f32 [tilespmem:s30], [sflag:$0x3], $0x10, s31, s31, $0xb8;
	[tilespmem:$0x1B920] =	vst v63  }
0x165: {  	_ =	swait.ge [sflag:s21], $0x500  }
0x166: {  	[sflag:s21] =	ssyncset.done $0x0  }
0x167: {  	[sflag:s21] =	ssyncadd.s32 $0xFFFFFB00  }
0x168: {  	s5 =	stileid.u32  }
0x169: {  	s5 =	sshll.u32 s5, $0x6  }
0x16a: {  	[bflag:$0x0] =	sbarrier.arrive $0xFFFF;
	s6 =	sshrl.u32 s28, $0x3;
	s5 =	sor.u32 $0x1C03, s5  }
0x16b: {  	[hbm:s2], [sflag:s5] =	dma.local [spmem:s6], $0x2780  }
0x16c: {  	s10 =	sadd.s32 $0x1, s10;
	_ =	swait.ge [sflag:s21], $0x2780  }
0x16d: {  	p0 =	sne.s32 s10, s15;
	[sflag:s21] =	ssyncset.done $0x0  }
.Ltmp4:
0x16e: {  	s12 =	sshrl.u32 s29, $0x3;
	[sflag:s21] =	ssyncadd.s32 $0xFFFFD880;
	(pc) =	sbr.rel @p0 .LBB2_1-.Ltmp4, $4  }
0x16f: {  	[hbm:s11], [sflag:s5] =	dma.local [spmem:s12], $0x4F0  }
0x170: {  	_ =	swait.ge [sflag:s21], $0x4F0  }
0x171: {  	[sflag:s21] =	ssyncset.done $0x0  }
0x172: {  	[sflag:s21] =	ssyncadd.s32 $0xFFFFFB10  }
0x173: {  	_ =	sfence.sel $0x180000  }
0x174: {  	[bflag:$0x0] =	sbarrier.arrive $0xFFFF  }
0x175: {  	_ =	strace $0x9000004A  }
0x176: {  	s0 =	stileid.u32;
	[bflag:$0x2] =	sbarrier.arrive $0xFFFF  }
0x177: {  	p0 =	sne.s32 s0, $0x0;
	s0 =	rddreg [dreg:$0x3]  }
0x178: {  	s0 =	sadd.s32 @!p0 $0x100000, s0  }
0x179: {  	[sflag:s0] =	ssyncadd.tile.s32 @!p0 $0x1;
	_ =	shalt  }
.Lfunc_end2:
_tile_overlayer_lowered:
.L_overlay_start_2:
0x17a: {  	(tag) =	ssettag $0x2  }
0x17b: {  	s0 =	rddreg [dreg:$0x0];
	s2 =	stileid.u32  }
0x17c: {  	s1 =	rddreg [dreg:$0x1];
	p0 =	sne.s32 s2, $0x0  }
0x17d: {  	s3 =	rddreg [dreg:$0x2];
	[bflag:$0x3] =	sbarrier.arrive $0xFFFF;
	s2 =	simm.s32 @!p0 $0x1C03  }
0x17e: {  	[timem:s3], [sflag:s2] =	dma.local @!p0 [hbm:s0], s1  }
0x17f: {  	s0 =	simm.s32 @!p0 $0x3  }
0x180: {  	_ =	swait.ge @!p0 [sflag:s0], s1  }
0x181: {  	s1 =	ssub.s32 @!p0 $0x0, s1;
	[sflag:s0] =	ssyncset.done @!p0 $0x0  }
0x182: {  	[sflag:s0] =	ssyncadd.s32 @!p0 s1  }
0x183: {  	[bflag:$0x3] =	sbarrier.arrive $0xFFFF  }
0x184: {  	_ =	shalt  }

// kernel: kernel.7.cloned.1.call-start
scs
__scs_entry_jumppad:
0x0: {  	(pc) =	sbr.rel $0x88, $3  }
0x1: {  	(tag) =	ssettag $0x0;
	lr =	simm.s32 $0x1  }
0x2: {  	[smem:$0x3F88] =	sst lr;
	_ =	strace $0xD0000000  }
0x3: {  	_ = 	snop  }
0x4: {  	_ = 	snop  }
0x5: {  	_ = 	snop  }
0x6: {  	_ = 	snop  }
0x7: {  	_ = 	snop  }
__scs_overlays_trampoline_lowered:
0x8: {  	[smem:$0x3F97] =	sst s0  }
0x9: {  	[smem:$0x3F98] =	sst s1  }
0xa: {  	[smem:$0x3F99] =	sst s2  }
0xb: {  	[smem:$0x3F9A] =	sst s3  }
0xc: {  	[smem:$0x3F9B] =	sst s4  }
0xd: {  	[smem:$0x3F9C] =	sst s5  }
0xe: {  	[smem:$0x3F9D] =	sst s6  }
0xf: {  	[smem:$0x3F9E] =	sst s7  }
0x10: {  	[smem:$0x3F9F] =	sst s8  }
0x11: {  	[smem:$0x3FA0] =	sst s9;
	s0 =	simm.s32 @!p0 $0x0  }
0x12: {  	s1 =	sld [smem:$0x3F86];
	s0 =	simm.s32 @p0 $0x1  }
0x13: {  	[smem:$0x3FA1] =	sst s0;
	s0 =	simm.s32 @!p1 $0x0  }
0x14: {  	s2 =	sld [smem:$0x3F85];
	s0 =	simm.s32 @p1 $0x1  }
0x15: {  	[smem:$0x3FA2] =	sst s0;
	s0 =	simm.s32 @!p2 $0x0  }
0x16: {  	s3 =	sld [smem:$0x3FDB];
	s0 =	simm.s32 @p2 $0x1  }
0x17: {  	s4 =	simm.s32 $0x1BF5;
	[smem:$0x3FA4] =	sst s0  }
0x18: {  	s0 =	sld [smem:$0x3F87];
	_ =	swait.ge [sflag:s4], $0x0  }
0x19: {  	s7 =	sld [smem:$0x3F88]  }
0x1a: {  	s8 =	sadd.s32 $0xFFFFE003, lr  }
0x1b: {  	s9 =	sadd.s32 $0xFFFFFEF7, lr;
	s5 =	simm.s32 $0xFFFFFFFF;
	p2 =	slt.u32 s8, $0xFFFFF086  }
0x1c: {  	p1 =	slt.u32 s9, $0xF7A;
	s5 =	simm.s32 @!p2 $0x0  }
0x1d: {  	s5 =	simm.s32 @p1 $0x1;
	p0 =	seq.s32 s7, s2  }
0x1e: {  	s7 =	smul.u32 @!p0 $0xF7A, s2;
	p2 =	seq.s32 @!p0 s5, $0x0  }
0x1f: {  	s9 =	smul.u32 $0xF7A, s1;
	s8 =	simm.s32 @!p0 $0x1BF5;
	p2 =	por !p2, p0  }
0x20: {  	[sflag:s8] =	ssyncset.s32 @!p0 $0xFFFFF086;
	s6 =	sadd.s32 @!p0 s3, s7;
	s7 =	simm.s32 @!p0 $0x108  }
0x21: {  	s3 =	sadd.s32 s3, s9;
	s6 =	sadd.s32 @!p0 $0x88, s6;
	s7 =	simm.s32 @p2 $0x1082  }
0x22: {  	[simem:s7], [sflag:s8] =	dma.local @!p0 [hbm:s6], $0xF7A  }
0x23: {  	s9 =	sor.u32 $0xD0000000, s2;
	s6 =	simm.s32 $0x108;
	_ =	swait.ge @!p0 [sflag:s8], $0x0  }
0x24: {  	s3 =	sadd.s32 $0x88, s3;
	s6 =	simm.s32 @!p1 $0x1082;
	[sflag:s4] =	ssyncset.s32 $0xFFFFF086  }
0x25: {  	[simem:s6], [sflag:s4] =	dma.local [hbm:s3], $0xF7A  }
0x26: {  	[smem:$0x3F88] =	sst s1;
	(tag) =	ssettag s2;
	_ =	strace s9  }
0x27: {  	s1 =	sld [smem:$0x3F98]  }
0x28: {  	s2 =	sld [smem:$0x3F99]  }
0x29: {  	s4 =	sld [smem:$0x3F9B]  }
0x2a: {  	p0 =	seq.s32 s5, $0x0;
	s5 =	sld [smem:$0x3F9C]  }
0x2b: {  	s6 =	sld [smem:$0x3F9D]  }
0x2c: {  	s7 =	sld [smem:$0x3F9E]  }
0x2d: {  	s3 =	simm.s32 $0x108;
	s8 =	sld [smem:$0x3F9F]  }
0x2e: {  	s3 =	simm.s32 @!p0 $0x1082;
	s9 =	sld [smem:$0x3FA0]  }
0x2f: {  	lr =	sadd.s32 s0, s3;
	s0 =	sld [smem:$0x3F97]  }
0x30: {  	s3 =	sld [smem:$0x3F9A]  }
0x31: {  	[smem:$0x3FA3] =	sst s10  }
0x32: {  	s10 =	sld [smem:$0x3FA1];
	_ =	sdelay $0x3  }
0x33: {  	p0 =	seq.s32 s10, $0x1;
	s10 =	sld [smem:$0x3FA3];
	_ =	sdelay $0x3  }
0x34: {  	[smem:$0x3FA3] =	sst s10  }
0x35: {  	s10 =	sld [smem:$0x3FA2];
	_ =	sdelay $0x3  }
0x36: {  	p1 =	seq.s32 s10, $0x1;
	s10 =	sld [smem:$0x3FA3];
	_ =	sdelay $0x3  }
0x37: {  	[smem:$0x3FA3] =	sst s10  }
0x38: {  	s10 =	sld [smem:$0x3FA4]  }
0x39: {  	_ = 	snop;
	(pc) =	sbr.ind lr, $3  }
0x3a: {  	_ = 	snop  }
0x3b: {  	_ = 	snop  }
0x3c: {  	p2 =	seq.s32 s10, $0x1;
	s10 =	sld [smem:$0x3FA3]  }
0x3d: {  	_ =	shalt  }
0x3e: {  	_ =	shalt  }
0x3f: {  	_ =	shalt  }
0x40: {  	_ =	shalt  }
0x41: {  	_ =	shalt  }
0x42: {  	_ =	shalt  }
0x43: {  	_ =	shalt  }
0x44: {  	_ =	shalt  }
0x45: {  	_ =	shalt  }
0x46: {  	_ =	shalt  }
0x47: {  	_ =	shalt  }
0x48: {  	_ =	shalt  }
0x49: {  	_ =	shalt  }
0x4a: {  	_ =	shalt  }
0x4b: {  	_ =	shalt  }
0x4c: {  	_ =	shalt  }
0x4d: {  	_ =	shalt  }
0x4e: {  	_ =	shalt  }
0x4f: {  	_ =	shalt  }
0x50: {  	_ =	shalt  }
0x51: {  	_ =	shalt  }
0x52: {  	_ =	shalt  }
0x53: {  	_ =	shalt  }
0x54: {  	_ =	shalt  }
0x55: {  	_ =	shalt  }
0x56: {  	_ =	shalt  }
0x57: {  	_ =	shalt  }
0x58: {  	_ =	shalt  }
0x59: {  	_ =	shalt  }
0x5a: {  	_ =	shalt  }
0x5b: {  	_ =	shalt  }
0x5c: {  	_ =	shalt  }
0x5d: {  	_ =	shalt  }
0x5e: {  	_ =	shalt  }
0x5f: {  	_ =	shalt  }
0x60: {  	_ =	shalt  }
0x61: {  	_ =	shalt  }
0x62: {  	_ =	shalt  }
0x63: {  	_ =	shalt  }
0x64: {  	_ =	shalt  }
0x65: {  	_ =	shalt  }
0x66: {  	_ =	shalt  }
0x67: {  	_ =	shalt  }
0x68: {  	_ =	shalt  }
0x69: {  	_ =	shalt  }
0x6a: {  	_ =	shalt  }
0x6b: {  	_ =	shalt  }
0x6c: {  	_ =	shalt  }
0x6d: {  	_ =	shalt  }
0x6e: {  	_ =	shalt  }
0x6f: {  	_ =	shalt  }
0x70: {  	_ =	shalt  }
0x71: {  	_ =	shalt  }
0x72: {  	_ =	shalt  }
0x73: {  	_ =	shalt  }
0x74: {  	_ =	shalt  }
0x75: {  	_ =	shalt  }
0x76: {  	_ =	shalt  }
0x77: {  	_ =	shalt  }
0x78: {  	_ =	shalt  }
0x79: {  	_ =	shalt  }
0x7a: {  	_ =	shalt  }
0x7b: {  	_ =	shalt  }
0x7c: {  	_ =	shalt  }
0x7d: {  	_ =	shalt  }
0x7e: {  	_ =	shalt  }
0x7f: {  	_ =	shalt  }
0x80: {  	_ =	shalt  }
0x81: {  	_ =	shalt  }
0x82: {  	_ =	shalt  }
0x83: {  	_ =	shalt  }
0x84: {  	_ =	shalt  }
0x85: {  	_ =	shalt  }
0x86: {  	_ =	shalt  }
0x87: {  	_ =	shalt  }
.Lfunc_end0:
.L_simem_size_0:
called_computation_lowered:
.L_overlay_start_0:
0x88: {  	s2 =	sld [smem:$0x3FD9]  }
0x89: {  	s3 =	sld [smem:$0x3FFE];
	_ =	sdelay $0x1  }
0x8a: {  	s1 =	srdreg.scid  }
0x8b: {  	s0 =	sand.u32 $0x1, s1  }
0x8c: {  	s16 =	sshll.u32 s0, $0xA;
	s2 =	sadd.s32 s3, s2  }
0x8d: {  	s2 =	sadd.s32 s2, s16  }
0x8e: {  	[smem:$0x3FAF] =	sst s2  }
0x8f: {  	_ = 	snop  }
0x90: {  	(tm) =	ssettm $0x1  }
0x91: {  	s17 =	sld [smem:$0x3FFB];
	_ =	sdelay $0x3  }
0x92: {  	_ =	strace s17  }
0x93: {  	s2 =	sld [smem:$0x3FFC];
	_ =	sdelay $0x3  }
0x94: {  	_ =	strace s2  }
0x95: {  	s2 =	sld [smem:$0x3FFD];
	_ =	sdelay $0x3  }
0x96: {  	_ =	strace s2  }
0x97: {  	_ =	strace $0x8FFFFFFF  }
0x98: {  	s18 =	sld [smem:$0x3FDB];
	_ =	sdelay $0x1  }
0x99: {  	s19 =	simm.s32 $_scs_section_size  }
0x9a: {  	s4 =	simm.s32 $_size__tile_overlayer_lowered;
	s5 =	simm.s32 $_tile_overlayer_lowered  }
0x9b: {  	s22 =	simm.s32 $0x1BFF;
	s21 =	sshll.u32 s5, $0x1;
	s2 =	sadd.s32 s19, s18  }
0x9c: {  	s6 =	simm.s32 $0x0;
	s20 =	sshll.u32 s4, $0x1;
	s4 =	sadd.s32 s21, s2  }
0x9d: {  	[timem:s6], [sflag:s22] =	dma.local [hbm:s4], s20  }
0x9e: {  	_ =	swait.ge [sflag:s22], s20  }
0x9f: {  	s3 =	ssub.s32 $0x0, s20;
	[sflag:s22] =	ssyncset.done $0x0  }
0xa0: {  	[sflag:s22] =	ssyncadd.s32 s3;
	_ =	sdelay $0x1  }
0xa1: {  	s23 =	simm.s32 $0x1B8B  }
0xa2: {  	_ =	swait.ge [sflag:s23], $0x1  }
0xa3: {  	[sflag:s23] =	ssyncset.done $0x0  }
0xa4: {  	s25 =	simm.s32 $0x1B8E;
	s24 =	sld [smem:$0x3FFE];
	[sflag:s23] =	ssyncadd.s32 $0xFFFFFFFF  }
0xa5: {  	s26 =	simm.s32 $execute0_lowered;
	[smem:$0x3FD2] =	sst s25  }
0xa6: {  	s4 =	sshll.u32 s26, $0x1;
	_ =	strace $0x80000046;
	[dreg:$0x1] =	wrdreg $0xFFFFFFFF  }
0xa7: {  	s28 =	simm.s32 $_size_execute0_lowered;
	s2 =	sadd.s32 s2, s4;
	[dreg:$0x0] =	wrdreg $0x0  }
0xa8: {  	s4 =	sshll.u32 s28, $0x1;
	[dreg:$0x2] =	wrdreg s2  }
0xa9: {  	[dreg:$0x3] =	wrdreg s4  }
0xaa: {  	[dreg:$0x4] =	wrdreg $0xC0  }
0xab: {  	_ =	task [dreg:s6], $0x5FFFF  }
0xac: {  	[dreg:$0x1] =	wrdreg $0xFFFFFFFF  }
0xad: {  	[dreg:$0x0] =	wrdreg $0x60  }
0xae: {  	[dreg:$0x2] =	wrdreg s24  }
0xaf: {  	[dreg:$0x3] =	wrdreg $0x55A00  }
0xb0: {  	[dreg:$0x4] =	wrdreg $0x191A00  }
0xb1: {  	[dreg:$0x5] =	wrdreg $0x9  }
0xb2: {  	_ =	task.clear_ibuf [dreg:s6], $0x6FFFF;
	_ =	strace $0x90000046  }
0xb3: {  	s29 =	simm.s32 $0x9;
	_ =	strace $0x80000048  }
0xb4: {  	_ =	swait.ge [sflag:s29], $0x1  }
0xb5: {  	[sflag:s29] =	ssyncadd.s32 $0xFFFFFFFF  }
0xb6: {  	_ =	strace $0x90000048  }
0xb7: {  	_ =	sfence  }
0xb8: {  	s30 =	sld [smem:$0x0];
	_ =	sdelay $0x2  }
0xb9: {  	s31 =	sshll.u32 s1, $0xD;
	s1 =	sshrl.u32 s1, $0x2  }
0xba: {  	s3 =	sand.u32 $0x4000, s31;
	s1 =	sadd.s32 s1, s30  }
0xbb: {  	s0 =	sor.u32 s3, s0;
	s1 =	sshll.u32 s1, $0x11  }
0xbc: {  	s0 =	sor.u32 s1, s0  }
0xbd: {  	s0 =	sadd.s32 $0x8F2B, s0  }
0xbe: {  	[sflag:s0] =	ssyncadd.remote.s32 $0x1  }
0xbf: {  	_ =	sfence.sel $0xFFFF  }
0xc0: {  	[dreg:$0x0] =	wrdreg $0xFFFFFFFF;
	(pc) =	sbr.abs _section_cstart, $3  }
0xc1: {  	[dreg:$0x1] =	wrdreg $0xFFFFFFFF  }
0xc2: {  	_ =	task.clear_ibuf [dreg:s6], $0x2FFFF;
	_ =	strace $0x9FFFFFFF  }
0xc3: {  	(tm) =	ssettm $0x7FFFFFFF  }
tec
execute0_lowered:
.L_overlay_start_1:
0x0: {  	(tag) =	ssettag $0x1  }
0x1: {  	s0 =	srdreg.scid  }
0x2: {  	s4 =	stileid.u32;
	s3 =	rddreg [dreg:$0x0]  }
0x3: {  	s24 =	stileid.u32;
	s1 =	sand.u32 $0x1, s0;
	s10 =	smul.u32 $0x278, s4  }
0x4: {  	s11 =	sadd.s32 $0x97800, s3;
	s4 =	smul.u32 $0x13C00, s4;
	s0 =	ssub.s32 $0x2, s1  }
0x5: {  	s18 =	smul.u32 $0x13C000, s1;
	s2 =	sshrl.u32 s0, $0x1;
	s14 =	sadd.s32 $0x50, s10  }
0x6: {  	s15 =	sadd.s32 $0xA0, s10;
	s16 =	sadd.s32 $0xF0, s10;
	s17 =	sadd.s32 $0x140, s10  }
0x7: {  	s19 =	sadd.s32 $0x190, s10;
	s20 =	sadd.s32 $0x1E0, s10;
	s21 =	sadd.s32 $0x230, s10  }
0x8: {  	s0 =	ssub.s32 s0, s2;
	s7 =	sshll.u32 s14, $0x7;
	s5 =	sshll.u32 s15, $0x7  }
0x9: {  	s6 =	sshll.u32 s16, $0x7;
	s8 =	sshll.u32 s17, $0x7;
	s12 =	sshll.u32 s19, $0x7  }
0xa: {  	s9 =	sshll.u32 s20, $0x7;
	s23 =	sadd.s32 s4, s18;
	s13 =	sshll.u32 s21, $0x7  }
0xb: {  	s14 =	sshll.u32 s14, $0x4;
	s15 =	sshll.u32 s15, $0x4;
	s16 =	sshll.u32 s16, $0x4  }
0xc: {  	s30 =	sshll.u32 s17, $0x4;
	s31 =	sshll.u32 s19, $0x4;
	s20 =	sshll.u32 s20, $0x4  }
0xd: {  	s2 =	sshrl.u32 s23, $0x3;
	s25 =	sadd.s32 s18, s7;
	s26 =	sadd.s32 s18, s5  }
0xe: {  	s22 =	sadd.s32 s18, s6;
	s23 =	sadd.s32 s18, s8;
	s10 =	sshrl.u32 s25, $0x3  }
0xf: {  	s22 =	sshrl.u32 s22, $0x3;
	s23 =	sshrl.u32 s23, $0x3;
	s10 =	sadd.s32 s11, s10  }
0x10: {  	s25 =	sadd.s32 s18, s12;
	s22 =	sadd.s32 s11, s22;
	[dreg:$0x4] =	wrdreg s10  }
0x11: {  	s10 =	sshrl.u32 s26, $0x3;
	[dreg:$0x6] =	wrdreg s22;
	s26 =	sadd.s32 s18, s9  }
0x12: {  	s18 =	sadd.s32 s18, s13;
	s10 =	sadd.s32 s11, s10;
	s22 =	sshrl.u32 s26, $0x3  }
0x13: {  	[dreg:$0x5] =	wrdreg s10;
	s10 =	sadd.s32 s11, s23;
	s22 =	sadd.s32 s11, s22  }
0x14: {  	s23 =	sshrl.u32 s18, $0x3;
	s18 =	smul.u32 $0x2780, s24;
	[dreg:$0x7] =	wrdreg s10  }
0x15: {  	s10 =	sshrl.u32 s25, $0x3;
	[dreg:$0x9] =	wrdreg s22;
	s22 =	smul.u32 $0x27800, s1  }
0x16: {  	s21 =	sshll.u32 s21, $0x4;
	s2 =	sadd.s32 s11, s2;
	s10 =	sadd.s32 s11, s10  }
0x17: {  	[dreg:$0x8] =	wrdreg s10;
	s10 =	sadd.s32 s11, s23;
	s24 =	sadd.s32 s18, s22  }
0x18: {  	s25 =	sadd.s32 s22, s14;
	s23 =	sadd.s32 $0x8DA00, s3;
	s26 =	sadd.s32 s22, s15  }
0x19: {  	[dreg:$0xa] =	wrdreg s10;
	s10 =	simm.s32 $0x0;
	s11 =	sshrl.u32 s24, $0x3  }
0x1a: {  	s17 =	sshrl.u32 s25, $0x3;
	s19 =	sshrl.u32 s26, $0x3;
	s24 =	sadd.s32 s22, s16  }
0x1b: {  	s25 =	sadd.s32 s22, s30;
	[smem:$0x7FF] =	sst s10;
	s17 =	sadd.s32 s23, s17  }
0x1c: {  	s26 =	sadd.s32 s22, s31;
	s11 =	sadd.s32 s23, s11;
	[dreg:$0xb] =	wrdreg s17  }
0x1d: {  	s17 =	sadd.s32 s23, s19;
	s19 =	sshrl.u32 s25, $0x3;
	s25 =	sadd.s32 s22, s20  }
0x1e: {  	s22 =	sadd.s32 s22, s21;
	[dreg:$0xc] =	wrdreg s17;
	s19 =	sadd.s32 s23, s19  }
0x1f: {  	s17 =	sshrl.u32 s24, $0x3;
	s24 =	sshrl.u32 s26, $0x3;
	[dreg:$0xe] =	wrdreg s19  }
0x20: {  	s22 =	sshrl.u32 s22, $0x3;
	s17 =	sadd.s32 s23, s17;
	s19 =	rddreg [dreg:$0x2]  }
0x21: {  	s26 =	sshrl.u32 s25, $0x3;
	s22 =	sadd.s32 s23, s22;
	[dreg:$0xd] =	wrdreg s17  }
0x22: {  	s25 =	sadd.s32 $0xE600, s3;
	s17 =	sadd.s32 s23, s24;
	[dreg:$0x11] =	wrdreg s22  }
0x23: {  	s24 =	sadd.s32 s23, s26;
	s22 =	sadd.s32 $0x18400, s3;
	[dreg:$0xf] =	wrdreg s17  }
0x24: {  	s23 =	sadd.s32 $0x3F600, s3;
	s26 =	sadd.s32 $0x4800, s3;
	s17 =	rddreg [dreg:$0x1]  }
0x25: {  	s29 =	sadd.s32 s18, s19;
	s18 =	sadd.s32 s14, s19;
	[dreg:$0x10] =	wrdreg s24  }
0x26: {  	s14 =	sadd.s32 s30, s19;
	_ =	strace $0x80000047;
	[dreg:$0x13] =	wrdreg s18  }
0x27: {  	s20 =	sadd.s32 s20, s19;
	s30 =	simm.s32 $0x50A0;
	[dreg:$0x19] =	wrdreg s14  }
0x28: {  	s24 =	sadd.s32 $0x66800, s3;
	s7 =	sadd.s32 s7, s17;
	[dreg:$0x1d] =	wrdreg s20  }
0x29: {  	s28 =	sadd.s32 s4, s17;
	s4 =	sadd.s32 s5, s17;
	[dreg:$0x12] =	wrdreg s7  }
0x2a: {  	s3 =	simm.s32 $0x1;
	s5 =	sadd.s32 s15, s19;
	[dreg:$0x14] =	wrdreg s4  }
0x2b: {  	s6 =	sadd.s32 s6, s17;
	s8 =	sadd.s32 s8, s17;
	[dreg:$0x15] =	wrdreg s5  }
0x2c: {  	s15 =	sadd.s32 s12, s17;
	s18 =	sadd.s32 s9, s17;
	[dreg:$0x16] =	wrdreg s6  }
0x2d: {  	s13 =	sadd.s32 s13, s17;
	s14 =	sadd.s32 s21, s19;
	[dreg:$0x18] =	wrdreg s8  }
0x2e: {  	s21 =	stileid.u32;
	s20 =	simm.s32 $0xA0;
	[dreg:$0x1a] =	wrdreg s15  }
0x2f: {  	s7 =	sadd.s32 s16, s19;
	s16 =	sadd.s32 s31, s19;
	[dreg:$0x1c] =	wrdreg s18  }
0x30: {  	s15 =	smax.u32 s0, $0x1;
	s31 =	simm.s32 $0x50;
	s18 =	simm.s32 $0x4  }
0x31: {  	s0 =	simm.s32 $0x28A0;
	s4 =	simm.s32 $0x2;
	[dreg:$0x17] =	wrdreg s7  }
0x32: {  	v0 =	vimm.f32 $0.0e+00;
	[dreg:$0x1b] =	wrdreg s16;
	s16 =	sshll.u32 s21, $0x1;
	s21 =	simm.s32 $0x3  }
.LBB2_1:
0x33: {  	s6 =	simm.s32 $0x0  }
0x34: {  	s5 =	simm.s32 $0xE0;
	[tilespmem:s6+$0x50A0] =	vst v0;
	s6 =	simm.s32 $0x40  }
.LBB2_2:
0x35: {  	p0 =	sne.s32 s6, $0x13C0;
	[tilespmem:s5+$0xFFFFFFC0] =	vst v0  }
0x36: {  	[tilespmem:s5+$0xFFFFFFD0] =	vst v0  }
0x37: {  	[tilespmem:s5+$0xFFFFFFE0] =	vst v0  }
0x38: {  	[tilespmem:s5+$0xFFFFFFF0] =	vst v0  }
.Ltmp0:
0x39: {  	[tilespmem:s5+$0x0] =	vst v0;
	(pc) =	sbr.rel @p0 .LBB2_2-.Ltmp0, $4  }
0x3a: {  	[tilespmem:s5+$0x10] =	vst v0  }
0x3b: {  	[tilespmem:s5+$0x20] =	vst v0  }
0x3c: {  	s7 =	sshra.s32 s6, $0x2;
	[tilespmem:s5+$0x30] =	vst v0  }
0x3d: {  	s6 =	sadd.s32 $0x40, s6;
	s5 =	sadd.s32 $0x80, s5;
	[tilespmem:s7+$0x50A0] =	vst v0  }
0x3e: {  	[tilespmem:s5+$0xFFFFFFC0] =	vst v0  }
0x3f: {  	[tilespmem:s5+$0xFFFFFFD0] =	vst v0  }
0x40: {  	[tilespmem:s5+$0xFFFFFFE0] =	vst v0  }
0x41: {  	[tilespmem:s5+$0xFFFFFFF0] =	vst v0  }
0x42: {  	[tilespmem:s5+$0x0] =	vst v0  }
0x43: {  	[tilespmem:s5+$0x10] =	vst v0  }
0x44: {  	[tilespmem:s5+$0x20] =	vst v0  }
0x45: {  	[tilespmem:s5+$0x30] =	vst v0  }
0x46: {  	[spmem:s28] =	stream.linear.scatter [tilespmem:s20], [sflag:$0x3], $0x2800, $0x38;
	[tilespmem:$0x1B920] =	vst v63  }
0x47: {  	_ =	swait.ge [sflag:s21], $0x2800  }
0x48: {  	[sflag:s21] =	ssyncset.done $0x0  }
0x49: {  	[sflag:s21] =	ssyncadd.s32 $0xFFFFD800  }
0x4a: {  	[spmem:s29] =	stream.linear.scatter [tilespmem:s30], [sflag:$0x3], $0x500, $0x38;
	[tilespmem:$0x1B920] =	vst v63  }
0x4b: {  	_ =	swait.ge [sflag:s21], $0x500  }
0x4c: {  	[sflag:s21] =	ssyncset.done $0x0  }
0x4d: {  	s8 =	rddreg [dreg:$0x12];
	[sflag:s21] =	ssyncadd.s32 $0xFFFFFB00  }
0x4e: {  	[spmem:s8] =	stream.linear.scatter [tilespmem:s20], [sflag:$0x3], $0x2800, $0x38;
	[tilespmem:$0x1B920] =	vst v63  }
0x4f: {  	_ =	swait.ge [sflag:s21], $0x2800  }
0x50: {  	[sflag:s21] =	ssyncset.done $0x0  }
0x51: {  	s9 =	rddreg [dreg:$0x13];
	[sflag:s21] =	ssyncadd.s32 $0xFFFFD800  }
0x52: {  	[spmem:s9] =	stream.linear.scatter [tilespmem:s30], [sflag:$0x3], $0x500, $0x38;
	[tilespmem:$0x1B920] =	vst v63  }
0x53: {  	_ =	swait.ge [sflag:s21], $0x500  }
0x54: {  	[sflag:s21] =	ssyncset.done $0x0  }
0x55: {  	s12 =	rddreg [dreg:$0x14];
	[sflag:s21] =	ssyncadd.s32 $0xFFFFFB00  }
0x56: {  	[spmem:s12] =	stream.linear.scatter [tilespmem:s20], [sflag:$0x3], $0x2800, $0x38;
	[tilespmem:$0x1B920] =	vst v63  }
0x57: {  	_ =	swait.ge [sflag:s21], $0x2800  }
0x58: {  	[sflag:s21] =	ssyncset.done $0x0  }
0x59: {  	s6 =	rddreg [dreg:$0x15];
	[sflag:s21] =	ssyncadd.s32 $0xFFFFD800  }
0x5a: {  	[spmem:s6] =	stream.linear.scatter [tilespmem:s30], [sflag:$0x3], $0x500, $0x38;
	[tilespmem:$0x1B920] =	vst v63  }
0x5b: {  	_ =	swait.ge [sflag:s21], $0x500  }
0x5c: {  	[sflag:s21] =	ssyncset.done $0x0  }
0x5d: {  	s7 =	rddreg [dreg:$0x16];
	[sflag:s21] =	ssyncadd.s32 $0xFFFFFB00  }
0x5e: {  	[spmem:s7] =	stream.linear.scatter [tilespmem:s20], [sflag:$0x3], $0x2800, $0x38;
	[tilespmem:$0x1B920] =	vst v63  }
0x5f: {  	_ =	swait.ge [sflag:s21], $0x2800  }
0x60: {  	[sflag:s21] =	ssyncset.done $0x0  }
0x61: {  	s8 =	rddreg [dreg:$0x17];
	[sflag:s21] =	ssyncadd.s32 $0xFFFFD800  }
0x62: {  	[spmem:s8] =	stream.linear.scatter [tilespmem:s30], [sflag:$0x3], $0x500, $0x38;
	[tilespmem:$0x1B920] =	vst v63  }
0x63: {  	_ =	swait.ge [sflag:s21], $0x500  }
0x64: {  	[sflag:s21] =	ssyncset.done $0x0  }
0x65: {  	s9 =	rddreg [dreg:$0x18];
	[sflag:s21] =	ssyncadd.s32 $0xFFFFFB00  }
0x66: {  	[spmem:s9] =	stream.linear.scatter [tilespmem:s20], [sflag:$0x3], $0x2800, $0x38;
	[tilespmem:$0x1B920] =	vst v63  }
0x67: {  	_ =	swait.ge [sflag:s21], $0x2800  }
0x68: {  	[sflag:s21] =	ssyncset.done $0x0  }
0x69: {  	s12 =	rddreg [dreg:$0x19];
	[sflag:s21] =	ssyncadd.s32 $0xFFFFD800  }
0x6a: {  	[spmem:s12] =	stream.linear.scatter [tilespmem:s30], [sflag:$0x3], $0x500, $0x38;
	[tilespmem:$0x1B920] =	vst v63  }
0x6b: {  	_ =	swait.ge [sflag:s21], $0x500  }
0x6c: {  	[sflag:s21] =	ssyncset.done $0x0  }
0x6d: {  	s6 =	rddreg [dreg:$0x1a];
	[sflag:s21] =	ssyncadd.s32 $0xFFFFFB00  }
0x6e: {  	[spmem:s6] =	stream.linear.scatter [tilespmem:s20], [sflag:$0x3], $0x2800, $0x38;
	[tilespmem:$0x1B920] =	vst v63  }
0x6f: {  	_ =	swait.ge [sflag:s21], $0x2800  }
0x70: {  	[sflag:s21] =	ssyncset.done $0x0  }
0x71: {  	s7 =	rddreg [dreg:$0x1b];
	[sflag:s21] =	ssyncadd.s32 $0xFFFFD800  }
0x72: {  	[spmem:s7] =	stream.linear.scatter [tilespmem:s30], [sflag:$0x3], $0x500, $0x38;
	[tilespmem:$0x1B920] =	vst v63  }
0x73: {  	_ =	swait.ge [sflag:s21], $0x500  }
0x74: {  	[sflag:s21] =	ssyncset.done $0x0  }
0x75: {  	s8 =	rddreg [dreg:$0x1c];
	[sflag:s21] =	ssyncadd.s32 $0xFFFFFB00  }
0x76: {  	[spmem:s8] =	stream.linear.scatter [tilespmem:s20], [sflag:$0x3], $0x2800, $0x38;
	[tilespmem:$0x1B920] =	vst v63  }
0x77: {  	_ =	swait.ge [sflag:s21], $0x2800  }
0x78: {  	[sflag:s21] =	ssyncset.done $0x0  }
0x79: {  	s9 =	rddreg [dreg:$0x1d];
	[sflag:s21] =	ssyncadd.s32 $0xFFFFD800  }
0x7a: {  	[spmem:s9] =	stream.linear.scatter [tilespmem:s30], [sflag:$0x3], $0x500, $0x38;
	[tilespmem:$0x1B920] =	vst v63  }
0x7b: {  	_ =	swait.ge [sflag:s21], $0x500  }
0x7c: {  	[sflag:s21] =	ssyncset.done $0x0  }
0x7d: {  	[sflag:s21] =	ssyncadd.s32 $0xFFFFFB00  }
0x7e: {  	[spmem:s13] =	stream.linear.scatter [tilespmem:s20], [sflag:$0x3], $0x2400, $0x38;
	[tilespmem:$0x1B920] =	vst v63  }
0x7f: {  	_ =	swait.ge [sflag:s21], $0x2400  }
0x80: {  	[sflag:s21] =	ssyncset.done $0x0  }
0x81: {  	[sflag:s21] =	ssyncadd.s32 $0xFFFFDC00  }
0x82: {  	[spmem:s14] =	stream.linear.scatter [tilespmem:s30], [sflag:$0x3], $0x480, $0x38;
	[tilespmem:$0x1B920] =	vst v63  }
0x83: {  	_ =	swait.ge [sflag:s21], $0x480  }
0x84: {  	[sflag:s21] =	ssyncset.done $0x0  }
0x85: {  	[sflag:s21] =	ssyncadd.s32 $0xFFFFFB80  }
0x86: {  	s5 =	simm.s32 $0x0;
	[bflag:$0x0] =	sbarrier.arrive $0xFFFF  }
0x87: {  	[hbm4b:s2+s5] =	stream.linear.scatter [tilespmem:s20], [sflag:$0x3], $0x2800, $0x38;
	[tilespmem:$0x1B920] =	vst v63  }
0x88: {  	_ =	swait.ge [sflag:s21], $0x2800  }
0x89: {  	[sflag:s21] =	ssyncset.done $0x0  }
0x8a: {  	[sflag:s21] =	ssyncadd.s32 $0xFFFFD800  }
0x8b: {  	[hbm4b:s11+s5] =	stream.linear.scatter [tilespmem:s30], [sflag:$0x3], $0x500, $0x38;
	[tilespmem:$0x1B920] =	vst v63  }
0x8c: {  	_ =	swait.ge [sflag:s21], $0x500  }
0x8d: {  	[sflag:s21] =	ssyncset.done $0x0  }
0x8e: {  	s6 =	rddreg [dreg:$0x4];
	[sflag:s21] =	ssyncadd.s32 $0xFFFFFB00  }
0x8f: {  	[hbm4b:s6+s5] =	stream.linear.scatter [tilespmem:s20], [sflag:$0x3], $0x2800, $0x38;
	[tilespmem:$0x1B920] =	vst v63  }
0x90: {  	_ =	swait.ge [sflag:s21], $0x2800  }
0x91: {  	[sflag:s21] =	ssyncset.done $0x0  }
0x92: {  	s12 =	rddreg [dreg:$0xb];
	[sflag:s21] =	ssyncadd.s32 $0xFFFFD800  }
0x93: {  	[hbm4b:s12+s5] =	stream.linear.scatter [tilespmem:s30], [sflag:$0x3], $0x500, $0x38;
	[tilespmem:$0x1B920] =	vst v63  }
0x94: {  	_ =	swait.ge [sflag:s21], $0x500  }
0x95: {  	[sflag:s21] =	ssyncset.done $0x0  }
0x96: {  	s7 =	rddreg [dreg:$0x5];
	[sflag:s21] =	ssyncadd.s32 $0xFFFFFB00  }
0x97: {  	[hbm4b:s7+s5] =	stream.linear.scatter [tilespmem:s20], [sflag:$0x3], $0x2800, $0x38;
	[tilespmem:$0x1B920] =	vst v63  }
0x98: {  	_ =	swait.ge [sflag:s21], $0x2800  }
0x99: {  	[sflag:s21] =	ssyncset.done $0x0  }
0x9a: {  	s8 =	rddreg [dreg:$0xc];
	[sflag:s21] =	ssyncadd.s32 $0xFFFFD800  }
0x9b: {  	[hbm4b:s8+s5] =	stream.linear.scatter [tilespmem:s30], [sflag:$0x3], $0x500, $0x38;
	[tilespmem:$0x1B920] =	vst v63  }
0x9c: {  	_ =	swait.ge [sflag:s21], $0x500  }
0x9d: {  	[sflag:s21] =	ssyncset.done $0x0  }
0x9e: {  	s9 =	rddreg [dreg:$0x6];
	[sflag:s21] =	ssyncadd.s32 $0xFFFFFB00  }
0x9f: {  	[hbm4b:s9+s5] =	stream.linear.scatter [tilespmem:s20], [sflag:$0x3], $0x2800, $0x38;
	[tilespmem:$0x1B920] =	vst v63  }
0xa0: {  	_ =	swait.ge [sflag:s21], $0x2800  }
0xa1: {  	[sflag:s21] =	ssyncset.done $0x0  }
0xa2: {  	s12 =	rddreg [dreg:$0xd];
	[sflag:s21] =	ssyncadd.s32 $0xFFFFD800  }
0xa3: {  	[hbm4b:s12+s5] =	stream.linear.scatter [tilespmem:s30], [sflag:$0x3], $0x500, $0x38;
	[tilespmem:$0x1B920] =	vst v63  }
0xa4: {  	_ =	swait.ge [sflag:s21], $0x500  }
0xa5: {  	[sflag:s21] =	ssyncset.done $0x0  }
0xa6: {  	s7 =	rddreg [dreg:$0x7];
	[sflag:s21] =	ssyncadd.s32 $0xFFFFFB00  }
0xa7: {  	[hbm4b:s7+s5] =	stream.linear.scatter [tilespmem:s20], [sflag:$0x3], $0x2800, $0x38;
	[tilespmem:$0x1B920] =	vst v63  }
0xa8: {  	_ =	swait.ge [sflag:s21], $0x2800  }
0xa9: {  	[sflag:s21] =	ssyncset.done $0x0  }
0xaa: {  	s8 =	rddreg [dreg:$0xe];
	[sflag:s21] =	ssyncadd.s32 $0xFFFFD800  }
0xab: {  	[hbm4b:s8+s5] =	stream.linear.scatter [tilespmem:s30], [sflag:$0x3], $0x500, $0x38;
	[tilespmem:$0x1B920] =	vst v63  }
0xac: {  	_ =	swait.ge [sflag:s21], $0x500  }
0xad: {  	[sflag:s21] =	ssyncset.done $0x0  }
0xae: {  	s9 =	rddreg [dreg:$0x8];
	[sflag:s21] =	ssyncadd.s32 $0xFFFFFB00  }
0xaf: {  	[hbm4b:s9+s5] =	stream.linear.scatter [tilespmem:s20], [sflag:$0x3], $0x2800, $0x38;
	[tilespmem:$0x1B920] =	vst v63  }
0xb0: {  	_ =	swait.ge [sflag:s21], $0x2800  }
0xb1: {  	[sflag:s21] =	ssyncset.done $0x0  }
0xb2: {  	s12 =	rddreg [dreg:$0xf];
	[sflag:s21] =	ssyncadd.s32 $0xFFFFD800  }
0xb3: {  	[hbm4b:s12+s5] =	stream.linear.scatter [tilespmem:s30], [sflag:$0x3], $0x500, $0x38;
	[tilespmem:$0x1B920] =	vst v63  }
0xb4: {  	_ =	swait.ge [sflag:s21], $0x500  }
0xb5: {  	[sflag:s21] =	ssyncset.done $0x0  }
0xb6: {  	s7 =	rddreg [dreg:$0x9];
	[sflag:s21] =	ssyncadd.s32 $0xFFFFFB00  }
0xb7: {  	[hbm4b:s7+s5] =	stream.linear.scatter [tilespmem:s20], [sflag:$0x3], $0x2800, $0x38;
	[tilespmem:$0x1B920] =	vst v63  }
0xb8: {  	_ =	swait.ge [sflag:s21], $0x2800  }
0xb9: {  	[sflag:s21] =	ssyncset.done $0x0  }
0xba: {  	s8 =	rddreg [dreg:$0x10];
	[sflag:s21] =	ssyncadd.s32 $0xFFFFD800  }
0xbb: {  	[hbm4b:s8+s5] =	stream.linear.scatter [tilespmem:s30], [sflag:$0x3], $0x500, $0x38;
	[tilespmem:$0x1B920] =	vst v63  }
0xbc: {  	_ =	swait.ge [sflag:s21], $0x500  }
0xbd: {  	[sflag:s21] =	ssyncset.done $0x0  }
0xbe: {  	s9 =	rddreg [dreg:$0xa];
	[sflag:s21] =	ssyncadd.s32 $0xFFFFFB00  }
0xbf: {  	[hbm4b:s9+s5] =	stream.linear.scatter [tilespmem:s20], [sflag:$0x3], $0x2400, $0x38;
	[tilespmem:$0x1B920] =	vst v63  }
0xc0: {  	_ =	swait.ge [sflag:s21], $0x2400  }
0xc1: {  	[sflag:s21] =	ssyncset.done $0x0  }
0xc2: {  	s12 =	rddreg [dreg:$0x11];
	[sflag:s21] =	ssyncadd.s32 $0xFFFFDC00  }
0xc3: {  	[hbm4b:s12+s5] =	stream.linear.scatter [tilespmem:s30], [sflag:$0x3], $0x480, $0x38;
	[tilespmem:$0x1B920] =	vst v63  }
0xc4: {  	_ =	swait.ge [sflag:s21], $0x480  }
0xc5: {  	[sflag:s21] =	ssyncset.done $0x0  }
0xc6: {  	s6 =	simm.s32 $0x0;
	[sflag:s21] =	ssyncadd.s32 $0xFFFFFB80  }
.LBB2_4:
0xc7: {  	s7 =	sshll.u32 s6, $0x5  }
0xc8: {  	s7 =	sor.u32 s7, s16  }
0xc9: {  	s7 =	sor.u32 s1, s7  }
0xca: {  	s7 =	smul.u32 $0xA, s7;
	_ =	sdelay $0x1  }
0xcb: {  	s8 =	sadd.s32 s26, s7  }
0xcc: {  	[tilespmem:s31], [sflag:$0x4] =	stream.linear.gather [hbm4b:s8+s5], $0x50, $0x38;
	[tilespmem:$0x1B920] =	vst v63  }
0xcd: {  	_ =	swait.ge [sflag:s18], $0x50  }
0xce: {  	[sflag:s18] =	ssyncset.done $0x0  }
0xcf: {  	s7 =	sadd.s32 s25, s7;
	[sflag:s18] =	ssyncadd.s32 $0xFFFFFFB0  }
0xd0: {  	[tilespmem:s5], [sflag:$0x4] =	stream.linear.gather [hbm4b:s7+s5], $0x50, $0x38;
	[tilespmem:$0x1B920] =	vst v63  }
0xd1: {  	_ =	swait.ge [sflag:s18], $0x50  }
0xd2: {  	[sflag:s18] =	ssyncset.done $0x0  }
0xd3: {  	[sflag:s18] =	ssyncadd.s32 $0xFFFFFFB0  }
0xd4: {  	[tilespmem:s20], [sflag:$0x1] =	stream.indirect.gather [hbm4b:s22+s31], $0x80, s31, s31, $0xb8;
	[tilespmem:$0x1B920] =	vst v63  }
0xd5: {  	_ = 	snop  }
0xd6: {  	[tilespmem:s0], [sflag:$0x2] =	stream.indirect.gather [hbm4b:s23+s31], $0x80, s5, s31, $0xb8;
	[tilespmem:$0x1B920] =	vst v63  }
0xd7: {  	_ =	swait.ge [sflag:s3], $0x2800  }
0xd8: {  	[sflag:s3] =	ssyncset.done $0x0  }
0xd9: {  	[sflag:s3] =	ssyncadd.s32 $0xFFFFD800  }
0xda: {  	_ =	swait.ge [sflag:s4], $0x2800  }
0xdb: {  	[sflag:s4] =	ssyncset.done $0x0  }
0xdc: {  	s9 =	simm.s32 $0x0;
	[sflag:s4] =	ssyncadd.s32 $0xFFFFD800  }
0xdd: {  	v1 =	vld [tilespmem:s9+$0x28A0]  }
0xde: {  	v2 =	vld [tilespmem:s9+$0xA0]  }
0xdf: {  	v3 =	vld [tilespmem:s9+$0xB0]  }
0xe0: {  	v4 =	vld [tilespmem:s9+$0x28B0]  }
0xe1: {  	v5 =	vld [tilespmem:s9+$0xC0]  }
0xe2: {  	v6 =	vld [tilespmem:s9+$0x28C0]  }
0xe3: {  	v7 =	vld [tilespmem:s9+$0xD0]  }
0xe4: {  	v8 =	vld [tilespmem:s9+$0x28D0]  }
0xe5: {  	v1 =	vmul.f32 v1, v2;
	v2 =	vmul.f32 v4, v3;
	v3 =	vld [tilespmem:s9+$0xE0]  }
0xe6: {  	v4 =	vld [tilespmem:s9+$0x28E0]  }
0xe7: {  	v61 =	vld [tilespmem:s9+$0x28F0];
	v1 =	vadd.f32 v2, v1;
	v2 =	vmul.f32 v6, v5  }
0xe8: {  	v5 =	vld [tilespmem:s9+$0xF0]  }
0xe9: {  	v62 =	vld [tilespmem:s9+$0x100];
	v1 =	vadd.f32 v2, v1;
	v2 =	vmul.f32 v8, v7  }
0xea: {  	v63 =	vld [tilespmem:s9+$0x2900]  }
0xeb: {  	v1 =	vadd.f32 v2, v1;
	v2 =	vmul.f32 v4, v3;
	v3 =	vld [tilespmem:s9+$0x110]  }
0xec: {  	v4 =	vld [tilespmem:s9+$0x2910]  }
0xed: {  	v1 =	vadd.f32 v2, v1;
	v2 =	vmul.f32 v61, v5;
	_ =	sdelay $0x1  }
0xee: {  	v1 =	vadd.f32 v2, v1;
	v2 =	vmul.f32 v63, v62;
	_ =	sdelay $0x1  }
0xef: {  	v1 =	vadd.f32 v2, v1;
	v2 =	vmul.f32 v4, v3;
	_ =	sdelay $0x1  }
0xf0: {  	v1 =	vadd.f32 v2, v1;
	_ =	sdelay $0x1  }
0xf1: {  	(xrf2) =	vadd.scan.msk.f32 $0xffff, v1;
	_ =	sdelay $0x9  }
0xf2: {  	v1, _, _ =	vpop (xrf2)  }
0xf3: {  	(v2sf) =	vpush v1, $0xF;
	_ =	sdelay $0xe  }
0xf4: {  	s12 =	spop (v2sf)  }
0xf5: {  	s7 =	smul.f32 $8.838834610e-02, s12;
	_ =	sdelay $0x1  }
0xf6: {  	v1 =	vmov s7  }
0xf7: {  	v1 =	vmul.f32 $1.442695020e+00, v1;
	_ =	sdelay $0x1  }
0xf8: {  	v1 =	vbroadcast v1, $0x0;
	_ =	sdelay $0x1  }
0xf9: {  	(erf) = vpow2.f32 v1;
	_ =	sdelay $0x8  }
0xfa: {  	s7 =	simm.s32 $0x50A0;
	v1 =	vpop (erf)  }
0xfb: {  	s9 =	simm.s32 $0x80;
	[tilespmem:s7+$0x0] =	vst v1  }
0xfc: {  	v1 =	vld [tilespmem:s9+$0x28A0]  }
0xfd: {  	v2 =	vld [tilespmem:s9+$0xA0]  }
0xfe: {  	s8 =	simm.s32 $0x400;
	v3 =	vld [tilespmem:s9+$0xB0]  }
.LBB2_5:
0xff: {  	p0 =	sne.s32 s8, $0x9E00;
	v4 =	vld [tilespmem:s9+$0x28B0]  }
0x100: {  	v5 =	vld [tilespmem:s9+$0xC0]  }
0x101: {  	v6 =	vld [tilespmem:s9+$0x28C0]  }
0x102: {  	v7 =	vld [tilespmem:s9+$0xD0]  }
0x103: {  	v8 =	vld [tilespmem:s9+$0x28D0]  }
0x104: {  	v1 =	vmul.f32 v1, v2;
	v2 =	vmul.f32 v4, v3;
	v3 =	vld [tilespmem:s9+$0xE0]  }
0x105: {  	v4 =	vld [tilespmem:s9+$0x28E0]  }
0x106: {  	v1 =	vadd.f32 v2, v1;
	v2 =	vmul.f32 v6, v5;
	v5 =	vld [tilespmem:s9+$0xF0]  }
0x107: {  	v6 =	vld [tilespmem:s9+$0x28F0]  }
0x108: {  	v1 =	vadd.f32 v2, v1;
	v2 =	vmul.f32 v8, v7;
	v7 =	vld [tilespmem:s9+$0x100]  }
0x109: {  	v8 =	vld [tilespmem:s9+$0x2900]  }
0x10a: {  	v1 =	vadd.f32 v2, v1;
	v2 =	vmul.f32 v4, v3;
	v3 =	vld [tilespmem:s9+$0x110]  }
0x10b: {  	v4 =	vld [tilespmem:s9+$0x2910]  }
0x10c: {  	v1 =	vadd.f32 v2, v1;
	v2 =	vmul.f32 v6, v5;
	_ =	sdelay $0x1  }
0x10d: {  	v1 =	vadd.f32 v2, v1;
	v2 =	vmul.f32 v8, v7;
	_ =	sdelay $0x1  }
0x10e: {  	v1 =	vadd.f32 v2, v1;
	v2 =	vmul.f32 v4, v3;
	_ =	sdelay $0x1  }
0x10f: {  	v1 =	vadd.f32 v2, v1;
	_ =	sdelay $0x1  }
0x110: {  	(xrf2) =	vadd.scan.msk.f32 $0xffff, v1;
	_ =	sdelay $0x9  }
0x111: {  	v1, _, _ =	vpop (xrf2)  }
0x112: {  	(v2sf) =	vpush v1, $0xF;
	_ =	sdelay $0xe  }
0x113: {  	s9 =	spop (v2sf)  }
0x114: {  	s9 =	smul.f32 $8.838834610e-02, s9;
	_ =	sdelay $0x1  }
0x115: {  	v1 =	vmov s9  }
0x116: {  	v1 =	vmul.f32 $1.442695020e+00, v1;
	_ =	sdelay $0x1  }
0x117: {  	v1 =	vbroadcast v1, $0x0;
	_ =	sdelay $0x1  }
0x118: {  	(erf) = vpow2.f32 v1;
	_ =	sdelay $0x8  }
.Ltmp1:
0x119: {  	s7 =	sadd.s32 $0x10, s7;
	v1 =	vpop (erf);
	(pc) =	sbr.rel @p0 .LBB2_5-.Ltmp1, $4  }
0x11a: {  	s9 =	sshra.s32 s8, $0x2;
	[tilespmem:s7+$0x0] =	vst v1  }
0x11b: {  	v1 =	vld [tilespmem:s9+$0x28A0]  }
0x11c: {  	v2 =	vld [tilespmem:s9+$0xA0]  }
0x11d: {  	s8 =	sadd.s32 $0x200, s8;
	v3 =	vld [tilespmem:s9+$0xB0]  }
0x11e: {  	v4 =	vld [tilespmem:s9+$0x28B0]  }
0x11f: {  	v5 =	vld [tilespmem:s9+$0xC0]  }
0x120: {  	v6 =	vld [tilespmem:s9+$0x28C0]  }
0x121: {  	v7 =	vld [tilespmem:s9+$0xD0]  }
0x122: {  	v8 =	vld [tilespmem:s9+$0x28D0]  }
0x123: {  	v1 =	vmul.f32 v1, v2;
	v2 =	vmul.f32 v4, v3;
	v3 =	vld [tilespmem:s9+$0xE0]  }
0x124: {  	v4 =	vld [tilespmem:s9+$0x28E0]  }
0x125: {  	v1 =	vadd.f32 v2, v1;
	v2 =	vmul.f32 v6, v5;
	v5 =	vld [tilespmem:s9+$0xF0]  }
0x126: {  	v6 =	vld [tilespmem:s9+$0x28F0]  }
0x127: {  	v1 =	vadd.f32 v2, v1;
	v2 =	vmul.f32 v8, v7;
	v7 =	vld [tilespmem:s9+$0x100]  }
0x128: {  	v8 =	vld [tilespmem:s9+$0x2900]  }
0x129: {  	v1 =	vadd.f32 v2, v1;
	v2 =	vmul.f32 v4, v3;
	v3 =	vld [tilespmem:s9+$0x110]  }
0x12a: {  	v4 =	vld [tilespmem:s9+$0x2910]  }
0x12b: {  	v1 =	vadd.f32 v2, v1;
	v2 =	vmul.f32 v6, v5;
	_ =	sdelay $0x1  }
0x12c: {  	v1 =	vadd.f32 v2, v1;
	v2 =	vmul.f32 v8, v7;
	_ =	sdelay $0x1  }
0x12d: {  	v1 =	vadd.f32 v2, v1;
	v2 =	vmul.f32 v4, v3;
	_ =	sdelay $0x1  }
0x12e: {  	v1 =	vadd.f32 v2, v1;
	_ =	sdelay $0x1  }
0x12f: {  	(xrf2) =	vadd.scan.msk.f32 $0xffff, v1;
	_ =	sdelay $0x9  }
0x130: {  	v1, _, _ =	vpop (xrf2)  }
0x131: {  	(v2sf) =	vpush v1, $0xF;
	_ =	sdelay $0xe  }
0x132: {  	s8 =	spop (v2sf)  }
0x133: {  	s8 =	smul.f32 $8.838834610e-02, s8;
	_ =	sdelay $0x1  }
0x134: {  	v1 =	vmov s8  }
0x135: {  	v1 =	vmul.f32 $1.442695020e+00, v1;
	_ =	sdelay $0x1  }
0x136: {  	v1 =	vbroadcast v1, $0x0;
	_ =	sdelay $0x1  }
0x137: {  	(erf) = vpow2.f32 v1;
	_ =	sdelay $0x8  }
0x138: {  	s7 =	sadd.s32 $0x10, s7;
	v1 =	vpop (erf)  }
0x139: {  	s9 =	simm.s32 $0x0;
	[tilespmem:s7+$0x0] =	vst v1  }
0x13a: {  	[tilespmem:s20], [sflag:$0x1] =	stream.indirect.gather [hbm4b:s24+s31], $0x80, s9, s31, $0xb8;
	[tilespmem:$0x1B920] =	vst v63  }
0x13b: {  	_ =	swait.ge [sflag:s3], $0x2800  }
0x13c: {  	[sflag:s3] =	ssyncset.done $0x0  }
0x13d: {  	s7 =	simm.s32 $0xE0;
	[sflag:s3] =	ssyncadd.s32 $0xFFFFD800  }
0x13e: {  	v5 =	vld [tilespmem:s7+$0x30]  }
0x13f: {  	v8 =	vld [tilespmem:s7+$0x10]  }
0x140: {  	s12 =	simm.s32 $0x0;
	v6 =	vld [tilespmem:s7+$0xFFFFFFC0]  }
0x141: {  	v2 =	vld [tilespmem:s12+$0x50A0]  }
0x142: {  	v10 =	vld [tilespmem:s7+$0xFFFFFFE0]  }
0x143: {  	v1 =	vld [tilespmem:s7+$0xFFFFFFF0]  }
0x144: {  	v3 =	vld [tilespmem:s7+$0x20]  }
0x145: {  	v4 =	vld [tilespmem:s7+$0xFFFFFFD0]  }
0x146: {  	v9 =	vmul.f32 v5, v2;
	v5 =	vld [tilespmem:s7+$0x0]  }
0x147: {  	v7 =	vmul.f32 v6, v2  }
0x148: {  	s8 =	simm.s32 $0x40;
	s9 =	simm.s32 $0xE0;
	v6 =	vmul.f32 v10, v2;
	v8 =	vmul.f32 v8, v2  }
.LBB2_7:
0x149: {  	p0 =	sne.s32 s8, $0x13C0  }
0x14a: {  	v4 =	vmul.f32 v4, v2;
	v3 =	vmul.f32 v3, v2;
	[tilespmem:s7+$0x30] =	vst v9;
	s9 =	sadd.s32 $0x80, s9;
	s12 =	smov.u32 s8;
	s8 =	sadd.s32 $0x40, s8  }
0x14b: {  	[tilespmem:s7+$0xFFFFFFC0] =	vst v7;
	v7 =	vmul.f32 v1, v2;
	v2 =	vmul.f32 v5, v2  }
0x14c: {  	[tilespmem:s7+$0x10] =	vst v8  }
0x14d: {  	v1 =	vld [tilespmem:s9+$0xFFFFFFF0];
	[tilespmem:s7+$0xFFFFFFE0] =	vst v6  }
0x14e: {  	v6 =	vld [tilespmem:s9+$0x30];
	[tilespmem:s7+$0xFFFFFFF0] =	vst v7  }
0x14f: {  	v8 =	vld [tilespmem:s9+$0x10];
	[tilespmem:s7+$0x0] =	vst v2  }
0x150: {  	v7 =	vld [tilespmem:s9+$0xFFFFFFC0];
	[tilespmem:s7+$0x20] =	vst v3  }
0x151: {  	s12 =	sshra.s32 s12, $0x2;
	v10 =	vld [tilespmem:s9+$0xFFFFFFE0];
	[tilespmem:s7+$0xFFFFFFD0] =	vst v4;
	s7 =	smov.u32 s9  }
0x152: {  	v2 =	vld [tilespmem:s12+$0x50A0]  }
0x153: {  	v3 =	vld [tilespmem:s9+$0x20]  }
.Ltmp2:
0x154: {  	v4 =	vld [tilespmem:s9+$0xFFFFFFD0];
	(pc) =	sbr.rel @p0 .LBB2_7-.Ltmp2, $3  }
0x155: {  	v5 =	vld [tilespmem:s9+$0x0];
	_ =	sdelay $0x1  }
0x156: {  	v7 =	vmul.f32 v7, v2;
	v9 =	vmul.f32 v6, v2  }
0x157: {  	v6 =	vmul.f32 v10, v2;
	v8 =	vmul.f32 v8, v2  }
0x158: {  	[tilespmem:s7+$0x30] =	vst v9  }
0x159: {  	[tilespmem:s7+$0xFFFFFFC0] =	vst v7  }
0x15a: {  	v1 =	vmul.f32 v1, v2;
	[tilespmem:s7+$0x10] =	vst v8  }
0x15b: {  	v3 =	vmul.f32 v3, v2;
	[tilespmem:s7+$0xFFFFFFE0] =	vst v6  }
0x15c: {  	v5 =	vmul.f32 v5, v2;
	[tilespmem:s7+$0xFFFFFFF0] =	vst v1  }
0x15d: {  	v1 =	vmul.f32 v4, v2;
	[tilespmem:s7+$0x20] =	vst v3  }
0x15e: {  	[tilespmem:s7+$0x0] =	vst v5  }
0x15f: {  	[tilespmem:s7+$0xFFFFFFD0] =	vst v1  }
0x160: {  	[spmem:s17] =	stream.indirect.scatter.add.f32 [tilespmem:s20], [sflag:$0x4], $0x80, s31, s31, $0xb8;
	[tilespmem:$0x1B920] =	vst v63  }
0x161: {  	s6 =	sadd.s32 $0x1, s6;
	_ =	swait.ge [sflag:s18], $0x2800  }
0x162: {  	p0 =	sne.s32 s6, $0x7D;
	[sflag:s18] =	ssyncset.done $0x0  }
.Ltmp3:
0x163: {  	[sflag:s18] =	ssyncadd.s32 $0xFFFFD800;
	(pc) =	sbr.rel @p0 .LBB2_4-.Ltmp3, $4  }
0x164: {  	[spmem:s19] =	stream.indirect.scatter.add.f32 [tilespmem:s30], [sflag:$0x3], $0x10, s31, s31, $0xb8;
	[tilespmem:$0x1B920] =	vst v63  }
0x165: {  	_ =	swait.ge [sflag:s21], $0x500  }
0x166: {  	[sflag:s21] =	ssyncset.done $0x0  }
0x167: {  	[sflag:s21] =	ssyncadd.s32 $0xFFFFFB00  }
0x168: {  	s5 =	stileid.u32  }
0x169: {  	s5 =	sshll.u32 s5, $0x6  }
0x16a: {  	[bflag:$0x0] =	sbarrier.arrive $0xFFFF;
	s6 =	sshrl.u32 s28, $0x3;
	s5 =	sor.u32 $0x1C03, s5  }
0x16b: {  	[hbm:s2], [sflag:s5] =	dma.local [spmem:s6], $0x2780  }
0x16c: {  	s10 =	sadd.s32 $0x1, s10;
	_ =	swait.ge [sflag:s21], $0x2780  }
0x16d: {  	p0 =	sne.s32 s10, s15;
	[sflag:s21] =	ssyncset.done $0x0  }
.Ltmp4:
0x16e: {  	s12 =	sshrl.u32 s29, $0x3;
	[sflag:s21] =	ssyncadd.s32 $0xFFFFD880;
	(pc) =	sbr.rel @p0 .LBB2_1-.Ltmp4, $4  }
0x16f: {  	[hbm:s11], [sflag:s5] =	dma.local [spmem:s12], $0x4F0  }
0x170: {  	_ =	swait.ge [sflag:s21], $0x4F0  }
0x171: {  	[sflag:s21] =	ssyncset.done $0x0  }
0x172: {  	[sflag:s21] =	ssyncadd.s32 $0xFFFFFB10  }
0x173: {  	_ =	sfence.sel $0x180000  }
0x174: {  	[bflag:$0x0] =	sbarrier.arrive $0xFFFF  }
0x175: {  	_ =	strace $0x90000047  }
0x176: {  	s0 =	stileid.u32;
	[bflag:$0x2] =	sbarrier.arrive $0xFFFF  }
0x177: {  	p0 =	sne.s32 s0, $0x0;
	s0 =	rddreg [dreg:$0x3]  }
0x178: {  	s0 =	sadd.s32 @!p0 $0x100000, s0  }
0x179: {  	[sflag:s0] =	ssyncadd.tile.s32 @!p0 $0x1;
	_ =	shalt  }
.Lfunc_end2:
_tile_overlayer_lowered:
.L_overlay_start_2:
0x17a: {  	(tag) =	ssettag $0x2  }
0x17b: {  	s0 =	rddreg [dreg:$0x0];
	s2 =	stileid.u32  }
0x17c: {  	s1 =	rddreg [dreg:$0x1];
	p0 =	sne.s32 s2, $0x0  }
0x17d: {  	s3 =	rddreg [dreg:$0x2];
	[bflag:$0x3] =	sbarrier.arrive $0xFFFF;
	s2 =	simm.s32 @!p0 $0x1C03  }
0x17e: {  	[timem:s3], [sflag:s2] =	dma.local @!p0 [hbm:s0], s1  }
0x17f: {  	s0 =	simm.s32 @!p0 $0x3  }
0x180: {  	_ =	swait.ge @!p0 [sflag:s0], s1  }
0x181: {  	s1 =	ssub.s32 @!p0 $0x0, s1;
	[sflag:s0] =	ssyncset.done @!p0 $0x0  }
0x182: {  	[sflag:s0] =	ssyncadd.s32 @!p0 s1  }
0x183: {  	[bflag:$0x3] =	sbarrier.arrive $0xFFFF  }
0x184: {  	_ =	shalt  }

</sc_bundles>
